<compile_context>
chip_gen: v7x
topology: tpu7x:2x2x1
jax: 0.10.2.dev20260603
libtpu: 0.0.44.dev20260713+nightly
codegen_flags: <defaults>
</compile_context>

<pallas_src>
import functools

import jax
import jax.numpy as jnp
from jax import lax
from jax.experimental import pallas as pl
from jax.experimental.pallas import tpu as pltpu
from jax.experimental.pallas import tpu_sc as plsc

B, C, N, OUTC, K = 8, 256, 2048, 256, 1024


def _nf_body(x_ref, xyz_ref, gamma_ref, beta_ref, w1_ref, b1_ref, w2_ref,
             b2_ref, nf_ref, xyzpad_ref):
    xyzpad_ref[0] = jnp.concatenate(
        [xyz_ref[0], jnp.zeros((N, 125), jnp.float32)], axis=1)
    x = x_ref[0]
    mu = jnp.mean(x, axis=0, keepdims=True)
    var = jnp.mean((x - mu) * (x - mu), axis=0, keepdims=True)
    fT = (x - mu) / jnp.sqrt(var + 1e-6) * gamma_ref[...] + beta_ref[...]
    hT = jax.lax.dot_general(w1_ref[...], fT, (((0,), (0,)), ((), ())),
                             preferred_element_type=jnp.float32)
    hT = jnp.maximum(hT + b1_ref[...], 0.0)
    nf = jax.lax.dot_general(hT, w2_ref[...], (((0,), (0,)), ((), ())),
                             preferred_element_type=jnp.float32)
    nf_ref[0] = nf + b2_ref[...]


def _nf_pallas(features, xyzs, gamma, beta, W1, b1, W2, b2):
    return pl.pallas_call(
        _nf_body,
        grid=(B,),
        in_specs=[
            pl.BlockSpec((1, C, N), lambda b: (b, 0, 0)),
            pl.BlockSpec((1, N, 3), lambda b: (b, 0, 0)),
            pl.BlockSpec((C, 1), lambda b: (0, 0)),
            pl.BlockSpec((C, 1), lambda b: (0, 0)),
            pl.BlockSpec((C, C), lambda b: (0, 0)),
            pl.BlockSpec((C, 1), lambda b: (0, 0)),
            pl.BlockSpec((C, OUTC), lambda b: (0, 0)),
            pl.BlockSpec((1, OUTC), lambda b: (0, 0)),
        ],
        out_specs=[
            pl.BlockSpec((1, N, OUTC), lambda b: (b, 0, 0)),
            pl.BlockSpec((1, N, 128), lambda b: (b, 0, 0)),
        ],
        out_shape=[
            jax.ShapeDtypeStruct((B, N, OUTC), jnp.float32),
            jax.ShapeDtypeStruct((B, N, 128), jnp.float32),
        ],
    )(features, xyzs, gamma[:, None], beta[:, None], W1, b1[:, None], W2,
      b2[None, :])


def _sort_body(y_ref, idx_ref):
    v = y_ref[...]
    idx = lax.broadcasted_iota(jnp.int32, (B, N), 1)
    pos = lax.broadcasted_iota(jnp.int32, (B, N), 1)
    k = 2
    while k <= N:
        j = k // 2
        while j >= 1:
            mask_lo = (pos & j) == 0
            pv = jnp.where(mask_lo, jnp.roll(v, -j, axis=1),
                           jnp.roll(v, j, axis=1))
            pidx = jnp.where(mask_lo, jnp.roll(idx, -j, axis=1),
                             jnp.roll(idx, j, axis=1))
            take_max = ((pos & k) == 0) == mask_lo
            self_wins = (v > pv) | ((v == pv) & (idx < pidx))
            keep_self = take_max == self_wins
            v = jnp.where(keep_self, v, pv)
            idx = jnp.where(keep_self, idx, pidx)
            j //= 2
        k *= 2
    idx_ref[...] = idx


def _sort_pallas(y):
    return pl.pallas_call(
        _sort_body,
        out_shape=jax.ShapeDtypeStruct((B, N), jnp.int32),
    )(y)


def _tie_fixup(y, ids):
    vs = jnp.take_along_axis(y, ids, axis=1)
    rank = jnp.argsort(ids, axis=1).astype(jnp.int32)
    v0, v1 = vs[:, :-1], vs[:, 1:]
    i0, i1 = ids[:, :-1], ids[:, 1:]
    eb = jnp.exp(v1 - v0)
    cand = (eb >= jnp.float32(0.99999988)) & (v1 != v0) & (i0 > i1)
    cs = jnp.cumsum(cand.astype(jnp.int32), axis=1)
    colsN = jnp.arange(N, dtype=jnp.int32)[None, :]
    for s in range(2):
        sel = cand & (cs == s + 1)
        exists = jnp.any(sel, axis=1)
        pos = jnp.argmax(sel, axis=1).astype(jnp.int32)
        ytop = jnp.take_along_axis(vs, pos[:, None], axis=1)
        u = jnp.where(rank[:, None, :] >= pos[:, None, None],
                      jnp.exp(y[:, None, :] - ytop[:, :, None]), 0.0)
        S = jnp.sum(u, axis=-1, keepdims=True)
        sm = (u / S)[:, 0, :]
        ia = jnp.take_along_axis(ids, pos[:, None], 1)[:, 0]
        ib = jnp.take_along_axis(ids, (pos + 1)[:, None], 1)[:, 0]
        sma = jnp.take_along_axis(sm, ia[:, None], 1)[:, 0]
        smb = jnp.take_along_axis(sm, ib[:, None], 1)[:, 0]
        merged = (sma == smb) & exists
        at_a = (colsN == pos[:, None]) & merged[:, None]
        at_b = (colsN == (pos[:, None] + 1)) & merged[:, None]
        ids = jnp.where(at_a, ib[:, None], jnp.where(at_b, ia[:, None], ids))
    return ids


_NW = 32
_RPW = (B * K) // _NW
_CHUNK = 128


def _sc_gather_body(nf_hbm, xyz_hbm, gidx_hbm, feats_out, xyz_out,
                    idx_v, rows_v, xrows_v, sem):
    wid = lax.axis_index("s") * 2 + lax.axis_index("c")
    base = wid * _RPW
    pltpu.sync_copy(gidx_hbm.at[pl.ds(base, _RPW)], idx_v)
    copies = []
    for j in range(_RPW // _CHUNK):
        sl = pl.ds(j * _CHUNK, _CHUNK)
        copies.append(pltpu.async_copy(nf_hbm.at[idx_v.at[sl]],
                                       rows_v.at[sl], sem))
        copies.append(pltpu.async_copy(xyz_hbm.at[idx_v.at[sl]],
                                       xrows_v.at[sl], sem))
    for cp in copies:
        cp.wait()
    pltpu.sync_copy(rows_v, feats_out.at[pl.ds(base, _RPW)])
    pltpu.sync_copy(xrows_v, xyz_out.at[pl.ds(base, _RPW)])


def _sc_gather(nf_flat, xyz_flat, gidx):
    mesh = plsc.VectorSubcoreMesh(core_axis_name="c", subcore_axis_name="s")
    fn = functools.partial(
        pl.kernel, mesh=mesh,
        out_type=(jax.ShapeDtypeStruct((B * K, OUTC), jnp.float32),
                  jax.ShapeDtypeStruct((B * K, 128), jnp.float32)),
        scratch_types=[
            pltpu.VMEM((_RPW,), jnp.int32),
            pltpu.VMEM((_RPW, OUTC), jnp.float32),
            pltpu.VMEM((_RPW, 128), jnp.float32),
            pltpu.SemaphoreType.DMA,
        ],
    )(_sc_gather_body)
    return fn(nf_flat, xyz_flat, gidx)


def kernel(xyzs, features, gamma, beta, W1, b1, W2, b2, W3, b3, W4, b4):
    f = jnp.transpose(features, (0, 2, 1))
    mu = jnp.mean(f, axis=-1, keepdims=True)
    var = jnp.var(f, axis=-1, keepdims=True)
    f = (f - mu) / jnp.sqrt(var + 1e-6) * gamma + beta
    g = jax.nn.relu(f @ W3 + b3)
    w = (g @ W4 + b4)[:, :, 0]
    y = w / 0.1

    nf, xyz_pad = _nf_pallas(features, xyzs, gamma, beta, W1, b1, W2, b2)
    ids = _sort_pallas(y)
    ids = _tie_fixup(y, ids)
    indices = ids[:, :K]
    gidx = indices + (jnp.arange(B, dtype=jnp.int32) * N)[:, None]

    nf_flat = nf.reshape(B * N, OUTC)
    xyz_flat = xyz_pad.reshape(B * N, 128)

    feats_g, xyz_g = _sc_gather(nf_flat, xyz_flat, gidx.reshape(-1))
    feats_out = jnp.transpose(feats_g.reshape(B, K, OUTC), (0, 2, 1))
    xyzs_out = xyz_g.reshape(B, K, 128)[:, :, :3]
    return (xyzs_out, feats_out, indices)

# --- scband reference (transcript-rebuilt; emitter-appended) ---
"""Pipeline reference for scband-down-sample-block-17463337026271 (READ-ONLY COPY).

The authoritative reference and input builder live on the scoring server;
editing this copy changes nothing except your own understanding.
"""

import jax, jax.numpy as jnp
import numpy as np

EPSILON = float(np.finfo(np.float32).tiny)

B, C, N, OUTC, K = 8, 256, 2048, 256, 1024


def layer_norm(x, gamma, beta, eps=1e-6):
    mu = jnp.mean(x, axis=-1, keepdims=True)
    var = jnp.var(x, axis=-1, keepdims=True)
    return (x - mu) / jnp.sqrt(var + eps) * gamma + beta


def continuous_topk(w, k, t=0.1):
    # w: [B, N] -> khot_list: [B, k, N]; hard=True straight-through greedy top-k
    w = w[:, None, :]

    def step(carry, _):
        w_c, onehot_approx = carry
        khot_mask = jnp.clip(1.0 - onehot_approx, EPSILON, None)
        w_c = w_c + jnp.log(khot_mask)
        sm = jax.nn.softmax(w_c / t, axis=-1)
        am = jnp.argmax(sm, axis=-1)
        onehot = jax.nn.one_hot(am, w_c.shape[-1], dtype=jnp.float32)
        onehot_approx_new = onehot - jax.lax.stop_gradient(sm) + sm
        return (w_c, onehot_approx_new), onehot_approx_new

    (_, _), khots = jax.lax.scan(step, (w, jnp.zeros_like(w)), None, length=k)
    # khots: [k, B, 1, N] -> [B, k, N]
    return jnp.transpose(khots[:, :, 0, :], (1, 0, 2))


def setup_inputs(seed: int = 0) -> dict:
    key = jax.random.key(seed)
    ks = jax.random.split(key, 8)
    xyzs = jax.random.normal(ks[0], (B, N, 3), dtype=jnp.float32)
    features = jax.random.normal(ks[1], (B, C, N), dtype=jnp.float32)
    gamma = jnp.ones((C,), dtype=jnp.float32)
    beta = jnp.zeros((C,), dtype=jnp.float32)
    W1 = jax.random.normal(ks[2], (C, C), dtype=jnp.float32) * 0.02
    b1 = jnp.zeros((C,), dtype=jnp.float32)
    W2 = jax.random.normal(ks[3], (C, OUTC), dtype=jnp.float32) * 0.02
    b2 = jnp.zeros((OUTC,), dtype=jnp.float32)
    W3 = jax.random.normal(ks[4], (C, C), dtype=jnp.float32) * 0.02
    b3 = jnp.zeros((C,), dtype=jnp.float32)
    W4 = jax.random.normal(ks[5], (C, 1), dtype=jnp.float32) * 0.02
    b4 = jnp.zeros((1,), dtype=jnp.float32)
    return {"xyzs": xyzs, "features": features, "gamma": gamma, "beta": beta,
            "W1": W1, "b1": b1, "W2": W2, "b2": b2, "W3": W3, "b3": b3,
            "W4": W4, "b4": b4}


def reference(xyzs, features, gamma, beta, W1, b1, W2, b2, W3, b3, W4, b4):
    # eval mode: no gumbel keys, dropout is identity
    f = jnp.transpose(features, (0, 2, 1))  # [B, N, C]
    f = layer_norm(f, gamma, beta, eps=1e-6)
    h = jax.nn.relu(f @ W1 + b1)
    new_features = h @ W2 + b2              # [B, N, OUTC]
    g = jax.nn.relu(f @ W3 + b3)
    w = g @ W4 + b4                          # [B, N, 1]
    w_prime = continuous_topk(w[:, :, 0], K, t=0.1)  # [B, K, N]
    xyzs_out = w_prime @ xyzs                # [B, K, 3]
    feats_out = jnp.transpose(w_prime @ new_features, (0, 2, 1))  # [B, OUTC, K]
    indices = jnp.argmax(w_prime, axis=2)    # [B, K]
    return (xyzs_out, feats_out, indices)

if __name__ == "__main__":
    import jax
    _d = setup_inputs()
    print(jax.jit(kernel)(*tuple(_d.values())))

</pallas_src>

<mosaic_0001>
#map = affine_map<(d0, d1) -> (0, 0)>
#map1 = affine_map<(d0, d1) -> (0)>
module attributes {stable_mosaic.version = 14 : i64} {
  func.func @_sc_gather_body(%arg0: i32, %arg1: i32, %arg2: memref<16384x256xf32, #tpu.memory_space<hbm>>, %arg3: memref<16384x128xf32, #tpu.memory_space<hbm>>, %arg4: memref<8192xi32, #tpu.memory_space<hbm>>, %arg5: memref<8192x256xf32, #tpu.memory_space<hbm>>, %arg6: memref<8192x128xf32, #tpu.memory_space<hbm>>, %arg7: memref<256xi32, #tpu.memory_space<vmem>>, %arg8: memref<256x256xf32, #tpu.memory_space<vmem>>, %arg9: memref<256x128xf32, #tpu.memory_space<vmem>>, %arg10: memref<!tpu.dma_semaphore, #tpu.memory_space<semaphore_mem>>) attributes {dimension_semantics = [#tpu.dimension_semantics<core_parallel>, #tpu.dimension_semantics<subcore_parallel>], iteration_bounds = array<i64: 2, 16>, scalar_prefetch = 0 : i64, scratch_operands = 4 : i64, tpu.core_type = #tpu.core_type<sc_vector_subcore>, window_params = [{transform_indices = #map}, {transform_indices = #map}, {transform_indices = #map1}, {transform_indices = #map}, {transform_indices = #map}]} {
    %mul3A = arith.constant 2 : i32
    %mul3A_0 = arith.muli %arg1, %mul3A : i32
    %add3A = arith.addi %mul3A_0, %arg0 : i32
    %mul3A_1 = arith.constant 256 : i32
    %mul3A_2 = arith.muli %add3A, %mul3A_1 : i32
    "tpu.region"() ({
      %run_scoped3A = tpu.sem_alloc : memref<!tpu.dma_semaphore, #tpu.memory_space<semaphore_mem>>
      %dma_start3A_65 = tpu.memref_slice %arg4[%mul3A_2] : memref<8192xi32, #tpu.memory_space<hbm>> -> memref<256xi32, #tpu.memory_space<hbm>>
      %dma_start3A_66 = tpu.memref_slice %arg4[%mul3A_2] : memref<8192xi32, #tpu.memory_space<hbm>> -> memref<256xi32, #tpu.memory_space<hbm>>
      tpu.enqueue_dma source(%dma_start3A_66 : memref<256xi32, #tpu.memory_space<hbm>>) target(%arg7 : memref<256xi32, #tpu.memory_space<vmem>>) target_semaphore(%run_scoped3A : memref<!tpu.dma_semaphore, #tpu.memory_space<semaphore_mem>>)
      %dma_wait3A_67 = tpu.memref_slice %arg4[%mul3A_2] : memref<8192xi32, #tpu.memory_space<hbm>> -> memref<256xi32, #tpu.memory_space<hbm>>
      %dma_wait3A_68 = tpu.memref_slice %arg4[%mul3A_2] : memref<8192xi32, #tpu.memory_space<hbm>> -> memref<256xi32, #tpu.memory_space<hbm>>
      tpu.wait_dma2 semaphore(%run_scoped3A : memref<!tpu.dma_semaphore, #tpu.memory_space<semaphore_mem>>) src(%dma_wait3A_68 : memref<256xi32, #tpu.memory_space<hbm>>) dst(%arg7 : memref<256xi32, #tpu.memory_space<vmem>>)
      tpu.yield
    }) : () -> ()
    %dma_start3A = arith.constant 0 : i32
    %dma_start3A_3 = arith.constant 0 : i32
    %dma_start3A_4 = tpu.memref_slice %arg8[%dma_start3A, %dma_start3A_3] : memref<256x256xf32, #tpu.memory_space<vmem>> -> memref<128x256xf32, #tpu.memory_space<vmem>>
    %dma_start3A_5 = arith.constant 0 : i32
    %dma_start3A_6 = tpu.memref_slice %arg7[%dma_start3A_5] : memref<256xi32, #tpu.memory_space<vmem>> -> memref<128xi32, #tpu.memory_space<vmem>>
    %dma_start3A_7 = arith.constant 0 : i32
    %dma_start3A_8 = arith.constant 0 : i32
    %dma_start3A_9 = tpu.memref_slice %arg2[%dma_start3A_7, %dma_start3A_8] : memref<16384x256xf32, #tpu.memory_space<hbm>> -> memref<16384x256xf32, #tpu.memory_space<hbm>>
    tpu.enqueue_indirect_dma source(%dma_start3A_9 : memref<16384x256xf32, #tpu.memory_space<hbm>>) target(%dma_start3A_4 : memref<128x256xf32, #tpu.memory_space<vmem>>) offsets(%dma_start3A_6 : memref<128xi32, #tpu.memory_space<vmem>>) semaphore(%arg10 : memref<!tpu.dma_semaphore, #tpu.memory_space<semaphore_mem>>)
    %dma_start3A_10 = arith.constant 0 : i32
    %dma_start3A_11 = arith.constant 0 : i32
    %dma_start3A_12 = tpu.memref_slice %arg9[%dma_start3A_10, %dma_start3A_11] : memref<256x128xf32, #tpu.memory_space<vmem>> -> memref<128x128xf32, #tpu.memory_space<vmem>>
    %dma_start3A_13 = arith.constant 0 : i32
    %dma_start3A_14 = tpu.memref_slice %arg7[%dma_start3A_13] : memref<256xi32, #tpu.memory_space<vmem>> -> memref<128xi32, #tpu.memory_space<vmem>>
    %dma_start3A_15 = arith.constant 0 : i32
    %dma_start3A_16 = arith.constant 0 : i32
    %dma_start3A_17 = tpu.memref_slice %arg3[%dma_start3A_15, %dma_start3A_16] : memref<16384x128xf32, #tpu.memory_space<hbm>> -> memref<16384x128xf32, #tpu.memory_space<hbm>>
    tpu.enqueue_indirect_dma source(%dma_start3A_17 : memref<16384x128xf32, #tpu.memory_space<hbm>>) target(%dma_start3A_12 : memref<128x128xf32, #tpu.memory_space<vmem>>) offsets(%dma_start3A_14 : memref<128xi32, #tpu.memory_space<vmem>>) semaphore(%arg10 : memref<!tpu.dma_semaphore, #tpu.memory_space<semaphore_mem>>)
    %dma_start3A_18 = arith.constant 128 : i32
    %dma_start3A_19 = arith.constant 0 : i32
    %dma_start3A_20 = tpu.memref_slice %arg8[%dma_start3A_18, %dma_start3A_19] : memref<256x256xf32, #tpu.memory_space<vmem>> -> memref<128x256xf32, #tpu.memory_space<vmem>>
    %dma_start3A_21 = arith.constant 128 : i32
    %dma_start3A_22 = tpu.memref_slice %arg7[%dma_start3A_21] : memref<256xi32, #tpu.memory_space<vmem>> -> memref<128xi32, #tpu.memory_space<vmem>>
    %dma_start3A_23 = arith.constant 0 : i32
    %dma_start3A_24 = arith.constant 0 : i32
    %dma_start3A_25 = tpu.memref_slice %arg2[%dma_start3A_23, %dma_start3A_24] : memref<16384x256xf32, #tpu.memory_space<hbm>> -> memref<16384x256xf32, #tpu.memory_space<hbm>>
    tpu.enqueue_indirect_dma source(%dma_start3A_25 : memref<16384x256xf32, #tpu.memory_space<hbm>>) target(%dma_start3A_20 : memref<128x256xf32, #tpu.memory_space<vmem>>) offsets(%dma_start3A_22 : memref<128xi32, #tpu.memory_space<vmem>>) semaphore(%arg10 : memref<!tpu.dma_semaphore, #tpu.memory_space<semaphore_mem>>)
    %dma_start3A_26 = arith.constant 128 : i32
    %dma_start3A_27 = arith.constant 0 : i32
    %dma_start3A_28 = tpu.memref_slice %arg9[%dma_start3A_26, %dma_start3A_27] : memref<256x128xf32, #tpu.memory_space<vmem>> -> memref<128x128xf32, #tpu.memory_space<vmem>>
    %dma_start3A_29 = arith.constant 128 : i32
    %dma_start3A_30 = tpu.memref_slice %arg7[%dma_start3A_29] : memref<256xi32, #tpu.memory_space<vmem>> -> memref<128xi32, #tpu.memory_space<vmem>>
    %dma_start3A_31 = arith.constant 0 : i32
    %dma_start3A_32 = arith.constant 0 : i32
    %dma_start3A_33 = tpu.memref_slice %arg3[%dma_start3A_31, %dma_start3A_32] : memref<16384x128xf32, #tpu.memory_space<hbm>> -> memref<16384x128xf32, #tpu.memory_space<hbm>>
    tpu.enqueue_indirect_dma source(%dma_start3A_33 : memref<16384x128xf32, #tpu.memory_space<hbm>>) target(%dma_start3A_28 : memref<128x128xf32, #tpu.memory_space<vmem>>) offsets(%dma_start3A_30 : memref<128xi32, #tpu.memory_space<vmem>>) semaphore(%arg10 : memref<!tpu.dma_semaphore, #tpu.memory_space<semaphore_mem>>)
    %dma_wait3A = arith.constant 0 : i32
    %dma_wait3A_34 = arith.constant 0 : i32
    %dma_wait3A_35 = tpu.memref_slice %arg8[%dma_wait3A, %dma_wait3A_34] : memref<256x256xf32, #tpu.memory_space<vmem>> -> memref<128x256xf32, #tpu.memory_space<vmem>>
    %dma_wait3A_36 = arith.constant 0 : i32
    %dma_wait3A_37 = tpu.memref_slice %arg7[%dma_wait3A_36] : memref<256xi32, #tpu.memory_space<vmem>> -> memref<128xi32, #tpu.memory_space<vmem>>
    %dma_wait3A_38 = arith.constant 0 : i32
    %dma_wait3A_39 = arith.constant 0 : i32
    %dma_wait3A_40 = tpu.memref_slice %arg2[%dma_wait3A_38, %dma_wait3A_39] : memref<16384x256xf32, #tpu.memory_space<hbm>> -> memref<16384x256xf32, #tpu.memory_space<hbm>>
    tpu.wait_indirect_dma semaphore(%arg10 : memref<!tpu.dma_semaphore, #tpu.memory_space<semaphore_mem>>) src(%dma_wait3A_40 : memref<16384x256xf32, #tpu.memory_space<hbm>>) dst(%dma_wait3A_35 : memref<128x256xf32, #tpu.memory_space<vmem>>)
    %dma_wait3A_41 = arith.constant 0 : i32
    %dma_wait3A_42 = arith.constant 0 : i32
    %dma_wait3A_43 = tpu.memref_slice %arg9[%dma_wait3A_41, %dma_wait3A_42] : memref<256x128xf32, #tpu.memory_space<vmem>> -> memref<128x128xf32, #tpu.memory_space<vmem>>
    %dma_wait3A_44 = arith.constant 0 : i32
    %dma_wait3A_45 = tpu.memref_slice %arg7[%dma_wait3A_44] : memref<256xi32, #tpu.memory_space<vmem>> -> memref<128xi32, #tpu.memory_space<vmem>>
    %dma_wait3A_46 = arith.constant 0 : i32
    %dma_wait3A_47 = arith.constant 0 : i32
    %dma_wait3A_48 = tpu.memref_slice %arg3[%dma_wait3A_46, %dma_wait3A_47] : memref<16384x128xf32, #tpu.memory_space<hbm>> -> memref<16384x128xf32, #tpu.memory_space<hbm>>
    tpu.wait_indirect_dma semaphore(%arg10 : memref<!tpu.dma_semaphore, #tpu.memory_space<semaphore_mem>>) src(%dma_wait3A_48 : memref<16384x128xf32, #tpu.memory_space<hbm>>) dst(%dma_wait3A_43 : memref<128x128xf32, #tpu.memory_space<vmem>>)
    %dma_wait3A_49 = arith.constant 128 : i32
    %dma_wait3A_50 = arith.constant 0 : i32
    %dma_wait3A_51 = tpu.memref_slice %arg8[%dma_wait3A_49, %dma_wait3A_50] : memref<256x256xf32, #tpu.memory_space<vmem>> -> memref<128x256xf32, #tpu.memory_space<vmem>>
    %dma_wait3A_52 = arith.constant 128 : i32
    %dma_wait3A_53 = tpu.memref_slice %arg7[%dma_wait3A_52] : memref<256xi32, #tpu.memory_space<vmem>> -> memref<128xi32, #tpu.memory_space<vmem>>
    %dma_wait3A_54 = arith.constant 0 : i32
    %dma_wait3A_55 = arith.constant 0 : i32
    %dma_wait3A_56 = tpu.memref_slice %arg2[%dma_wait3A_54, %dma_wait3A_55] : memref<16384x256xf32, #tpu.memory_space<hbm>> -> memref<16384x256xf32, #tpu.memory_space<hbm>>
    tpu.wait_indirect_dma semaphore(%arg10 : memref<!tpu.dma_semaphore, #tpu.memory_space<semaphore_mem>>) src(%dma_wait3A_56 : memref<16384x256xf32, #tpu.memory_space<hbm>>) dst(%dma_wait3A_51 : memref<128x256xf32, #tpu.memory_space<vmem>>)
    %dma_wait3A_57 = arith.constant 128 : i32
    %dma_wait3A_58 = arith.constant 0 : i32
    %dma_wait3A_59 = tpu.memref_slice %arg9[%dma_wait3A_57, %dma_wait3A_58] : memref<256x128xf32, #tpu.memory_space<vmem>> -> memref<128x128xf32, #tpu.memory_space<vmem>>
    %dma_wait3A_60 = arith.constant 128 : i32
    %dma_wait3A_61 = tpu.memref_slice %arg7[%dma_wait3A_60] : memref<256xi32, #tpu.memory_space<vmem>> -> memref<128xi32, #tpu.memory_space<vmem>>
    %dma_wait3A_62 = arith.constant 0 : i32
    %dma_wait3A_63 = arith.constant 0 : i32
    %dma_wait3A_64 = tpu.memref_slice %arg3[%dma_wait3A_62, %dma_wait3A_63] : memref<16384x128xf32, #tpu.memory_space<hbm>> -> memref<16384x128xf32, #tpu.memory_space<hbm>>
    tpu.wait_indirect_dma semaphore(%arg10 : memref<!tpu.dma_semaphore, #tpu.memory_space<semaphore_mem>>) src(%dma_wait3A_64 : memref<16384x128xf32, #tpu.memory_space<hbm>>) dst(%dma_wait3A_59 : memref<128x128xf32, #tpu.memory_space<vmem>>)
    "tpu.region"() ({
      %run_scoped3A = tpu.sem_alloc : memref<!tpu.dma_semaphore, #tpu.memory_space<semaphore_mem>>
      %dma_start3A_65 = arith.constant 0 : i32
      %dma_start3A_66 = tpu.memref_slice %arg5[%mul3A_2, %dma_start3A_65] : memref<8192x256xf32, #tpu.memory_space<hbm>> -> memref<256x256xf32, #tpu.memory_space<hbm>>
      %dma_start3A_67 = arith.constant 0 : i32
      %dma_start3A_68 = tpu.memref_slice %arg5[%mul3A_2, %dma_start3A_67] : memref<8192x256xf32, #tpu.memory_space<hbm>> -> memref<256x256xf32, #tpu.memory_space<hbm>>
      tpu.enqueue_dma source(%arg8 : memref<256x256xf32, #tpu.memory_space<vmem>>) target(%dma_start3A_68 : memref<256x256xf32, #tpu.memory_space<hbm>>) target_semaphore(%run_scoped3A : memref<!tpu.dma_semaphore, #tpu.memory_space<semaphore_mem>>)
      %dma_wait3A_69 = arith.constant 0 : i32
      %dma_wait3A_70 = tpu.memref_slice %arg5[%mul3A_2, %dma_wait3A_69] : memref<8192x256xf32, #tpu.memory_space<hbm>> -> memref<256x256xf32, #tpu.memory_space<hbm>>
      %dma_wait3A_71 = arith.constant 0 : i32
      %dma_wait3A_72 = tpu.memref_slice %arg5[%mul3A_2, %dma_wait3A_71] : memref<8192x256xf32, #tpu.memory_space<hbm>> -> memref<256x256xf32, #tpu.memory_space<hbm>>
      tpu.wait_dma2 semaphore(%run_scoped3A : memref<!tpu.dma_semaphore, #tpu.memory_space<semaphore_mem>>) src(%arg8 : memref<256x256xf32, #tpu.memory_space<vmem>>) dst(%dma_wait3A_72 : memref<256x256xf32, #tpu.memory_space<hbm>>)
      tpu.yield
    }) : () -> ()
    "tpu.region"() ({
      %run_scoped3A = tpu.sem_alloc : memref<!tpu.dma_semaphore, #tpu.memory_space<semaphore_mem>>
      %dma_start3A_65 = arith.constant 0 : i32
      %dma_start3A_66 = tpu.memref_slice %arg6[%mul3A_2, %dma_start3A_65] : memref<8192x128xf32, #tpu.memory_space<hbm>> -> memref<256x128xf32, #tpu.memory_space<hbm>>
      %dma_start3A_67 = arith.constant 0 : i32
      %dma_start3A_68 = tpu.memref_slice %arg6[%mul3A_2, %dma_start3A_67] : memref<8192x128xf32, #tpu.memory_space<hbm>> -> memref<256x128xf32, #tpu.memory_space<hbm>>
      tpu.enqueue_dma source(%arg9 : memref<256x128xf32, #tpu.memory_space<vmem>>) target(%dma_start3A_68 : memref<256x128xf32, #tpu.memory_space<hbm>>) target_semaphore(%run_scoped3A : memref<!tpu.dma_semaphore, #tpu.memory_space<semaphore_mem>>)
      %dma_wait3A_69 = arith.constant 0 : i32
      %dma_wait3A_70 = tpu.memref_slice %arg6[%mul3A_2, %dma_wait3A_69] : memref<8192x128xf32, #tpu.memory_space<hbm>> -> memref<256x128xf32, #tpu.memory_space<hbm>>
      %dma_wait3A_71 = arith.constant 0 : i32
      %dma_wait3A_72 = tpu.memref_slice %arg6[%mul3A_2, %dma_wait3A_71] : memref<8192x128xf32, #tpu.memory_space<hbm>> -> memref<256x128xf32, #tpu.memory_space<hbm>>
      tpu.wait_dma2 semaphore(%run_scoped3A : memref<!tpu.dma_semaphore, #tpu.memory_space<semaphore_mem>>) src(%arg9 : memref<256x128xf32, #tpu.memory_space<vmem>>) dst(%dma_wait3A_72 : memref<256x128xf32, #tpu.memory_space<hbm>>)
      tpu.yield
    }) : () -> ()
    return
  }
}

module attributes {stable_mosaic.version = 14 : i64} {
  func.func @_sort_body(%arg0: memref<8x2048xf32, #tpu.memory_space<vmem>>, %arg1: memref<8x2048xi32, #tpu.memory_space<vmem>>) attributes {dimension_semantics = [], scalar_prefetch = 0 : i64, scratch_operands = 0 : i64, tpu.core_type = #tpu.core_type<tc>} {
    %get3A = arith.constant 0 : index
    %get3A_0 = arith.constant 0 : index
    %get3A_1 = vector.load %arg0[%get3A, %get3A_0] : memref<8x2048xf32, #tpu.memory_space<vmem>>, vector<8x2048xf32>
    %iota3A = tpu.iota {dimensions = array<i32: 1>} : vector<8x2048xi32>
    %iota3A_2 = tpu.iota {dimensions = array<i32: 1>} : vector<8x2048xi32>
    %and3A = arith.constant 1 : i32
    %and3A_3 = vector.broadcast %and3A : i32 to vector<8x2048xi32>
    %and3A_4 = arith.andi %iota3A_2, %and3A_3 : vector<8x2048xi32>
    %eq3A = arith.constant 0 : i32
    %eq3A_5 = vector.broadcast %eq3A : i32 to vector<8x2048xi32>
    %eq3A_6 = arith.cmpi eq, %and3A_4, %eq3A_5 : vector<8x2048xi32>
    %slice3A = vector.extract_strided_slice %get3A_1 {offsets = [0, 1], sizes = [8, 2047], strides = [1, 1]} : vector<8x2048xf32> to vector<8x2047xf32>
    %slice3A_7 = vector.extract_strided_slice %get3A_1 {offsets = [0, 0], sizes = [8, 1], strides = [1, 1]} : vector<8x2048xf32> to vector<8x1xf32>
    %concatenate3A = tpu.concatenate %slice3A, %slice3A_7 in 1 : vector<8x2047xf32>, vector<8x1xf32> -> vector<8x2048xf32>
    %slice3A_8 = vector.extract_strided_slice %get3A_1 {offsets = [0, 2047], sizes = [8, 1], strides = [1, 1]} : vector<8x2048xf32> to vector<8x1xf32>
    %slice3A_9 = vector.extract_strided_slice %get3A_1 {offsets = [0, 0], sizes = [8, 2047], strides = [1, 1]} : vector<8x2048xf32> to vector<8x2047xf32>
    %concatenate3A_10 = tpu.concatenate %slice3A_8, %slice3A_9 in 1 : vector<8x1xf32>, vector<8x2047xf32> -> vector<8x2048xf32>
    %select_n3A = arith.select %eq3A_6, %concatenate3A, %concatenate3A_10 : vector<8x2048xi1>, vector<8x2048xf32>
    %slice3A_11 = vector.extract_strided_slice %iota3A {offsets = [0, 1], sizes = [8, 2047], strides = [1, 1]} : vector<8x2048xi32> to vector<8x2047xi32>
    %slice3A_12 = vector.extract_strided_slice %iota3A {offsets = [0, 0], sizes = [8, 1], strides = [1, 1]} : vector<8x2048xi32> to vector<8x1xi32>
    %concatenate3A_13 = tpu.concatenate %slice3A_11, %slice3A_12 in 1 : vector<8x2047xi32>, vector<8x1xi32> -> vector<8x2048xi32>
    %slice3A_14 = vector.extract_strided_slice %iota3A {offsets = [0, 2047], sizes = [8, 1], strides = [1, 1]} : vector<8x2048xi32> to vector<8x1xi32>
    %slice3A_15 = vector.extract_strided_slice %iota3A {offsets = [0, 0], sizes = [8, 2047], strides = [1, 1]} : vector<8x2048xi32> to vector<8x2047xi32>
    %concatenate3A_16 = tpu.concatenate %slice3A_14, %slice3A_15 in 1 : vector<8x1xi32>, vector<8x2047xi32> -> vector<8x2048xi32>
    %select_n3A_17 = arith.select %eq3A_6, %concatenate3A_13, %concatenate3A_16 : vector<8x2048xi1>, vector<8x2048xi32>
    %and3A_18 = arith.constant 2 : i32
    %and3A_19 = vector.broadcast %and3A_18 : i32 to vector<8x2048xi32>
    %and3A_20 = arith.andi %iota3A_2, %and3A_19 : vector<8x2048xi32>
    %eq3A_21 = arith.constant 0 : i32
    %eq3A_22 = vector.broadcast %eq3A_21 : i32 to vector<8x2048xi32>
    %eq3A_23 = arith.cmpi eq, %and3A_20, %eq3A_22 : vector<8x2048xi32>
    %eq3A_24 = arith.xori %eq3A_23, %eq3A_6 : vector<8x2048xi1>
    %eq3A_25 = arith.constant dense<true> : vector<8x2048xi1>
    %eq3A_26 = arith.xori %eq3A_24, %eq3A_25 : vector<8x2048xi1>
    %gt3A = arith.cmpf ogt, %get3A_1, %select_n3A : vector<8x2048xf32>
    %eq3A_27 = arith.cmpf oeq, %get3A_1, %select_n3A : vector<8x2048xf32>
    %lt3A = arith.cmpi slt, %iota3A, %select_n3A_17 : vector<8x2048xi32>
    %and3A_28 = arith.andi %eq3A_27, %lt3A : vector<8x2048xi1>
    %or3A = arith.ori %gt3A, %and3A_28 : vector<8x2048xi1>
    %eq3A_29 = arith.xori %eq3A_26, %or3A : vector<8x2048xi1>
    %eq3A_30 = arith.constant dense<true> : vector<8x2048xi1>
    %eq3A_31 = arith.xori %eq3A_29, %eq3A_30 : vector<8x2048xi1>
    %select_n3A_32 = arith.select %eq3A_31, %get3A_1, %select_n3A : vector<8x2048xi1>, vector<8x2048xf32>
    %select_n3A_33 = arith.select %eq3A_31, %iota3A, %select_n3A_17 : vector<8x2048xi1>, vector<8x2048xi32>
    %and3A_34 = arith.constant 2 : i32
    %and3A_35 = vector.broadcast %and3A_34 : i32 to vector<8x2048xi32>
    %and3A_36 = arith.andi %iota3A_2, %and3A_35 : vector<8x2048xi32>
    %eq3A_37 = arith.constant 0 : i32
    %eq3A_38 = vector.broadcast %eq3A_37 : i32 to vector<8x2048xi32>
    %eq3A_39 = arith.cmpi eq, %and3A_36, %eq3A_38 : vector<8x2048xi32>
    %slice3A_40 = vector.extract_strided_slice %select_n3A_32 {offsets = [0, 2], sizes = [8, 2046], strides = [1, 1]} : vector<8x2048xf32> to vector<8x2046xf32>
    %slice3A_41 = vector.extract_strided_slice %select_n3A_32 {offsets = [0, 0], sizes = [8, 2], strides = [1, 1]} : vector<8x2048xf32> to vector<8x2xf32>
    %concatenate3A_42 = tpu.concatenate %slice3A_40, %slice3A_41 in 1 : vector<8x2046xf32>, vector<8x2xf32> -> vector<8x2048xf32>
    %slice3A_43 = vector.extract_strided_slice %select_n3A_32 {offsets = [0, 2046], sizes = [8, 2], strides = [1, 1]} : vector<8x2048xf32> to vector<8x2xf32>
    %slice3A_44 = vector.extract_strided_slice %select_n3A_32 {offsets = [0, 0], sizes = [8, 2046], strides = [1, 1]} : vector<8x2048xf32> to vector<8x2046xf32>
    %concatenate3A_45 = tpu.concatenate %slice3A_43, %slice3A_44 in 1 : vector<8x2xf32>, vector<8x2046xf32> -> vector<8x2048xf32>
    %select_n3A_46 = arith.select %eq3A_39, %concatenate3A_42, %concatenate3A_45 : vector<8x2048xi1>, vector<8x2048xf32>
    %slice3A_47 = vector.extract_strided_slice %select_n3A_33 {offsets = [0, 2], sizes = [8, 2046], strides = [1, 1]} : vector<8x2048xi32> to vector<8x2046xi32>
    %slice3A_48 = vector.extract_strided_slice %select_n3A_33 {offsets = [0, 0], sizes = [8, 2], strides = [1, 1]} : vector<8x2048xi32> to vector<8x2xi32>
    %concatenate3A_49 = tpu.concatenate %slice3A_47, %slice3A_48 in 1 : vector<8x2046xi32>, vector<8x2xi32> -> vector<8x2048xi32>
    %slice3A_50 = vector.extract_strided_slice %select_n3A_33 {offsets = [0, 2046], sizes = [8, 2], strides = [1, 1]} : vector<8x2048xi32> to vector<8x2xi32>
    %slice3A_51 = vector.extract_strided_slice %select_n3A_33 {offsets = [0, 0], sizes = [8, 2046], strides = [1, 1]} : vector<8x2048xi32> to vector<8x2046xi32>
    %concatenate3A_52 = tpu.concatenate %slice3A_50, %slice3A_51 in 1 : vector<8x2xi32>, vector<8x2046xi32> -> vector<8x2048xi32>
    %select_n3A_53 = arith.select %eq3A_39, %concatenate3A_49, %concatenate3A_52 : vector<8x2048xi1>, vector<8x2048xi32>
    %and3A_54 = arith.constant 4 : i32
    %and3A_55 = vector.broadcast %and3A_54 : i32 to vector<8x2048xi32>
    %and3A_56 = arith.andi %iota3A_2, %and3A_55 : vector<8x2048xi32>
    %eq3A_57 = arith.constant 0 : i32
    %eq3A_58 = vector.broadcast %eq3A_57 : i32 to vector<8x2048xi32>
    %eq3A_59 = arith.cmpi eq, %and3A_56, %eq3A_58 : vector<8x2048xi32>
    %eq3A_60 = arith.xori %eq3A_59, %eq3A_39 : vector<8x2048xi1>
    %eq3A_61 = arith.constant dense<true> : vector<8x2048xi1>
    %eq3A_62 = arith.xori %eq3A_60, %eq3A_61 : vector<8x2048xi1>
    %gt3A_63 = arith.cmpf ogt, %select_n3A_32, %select_n3A_46 : vector<8x2048xf32>
    %eq3A_64 = arith.cmpf oeq, %select_n3A_32, %select_n3A_46 : vector<8x2048xf32>
    %lt3A_65 = arith.cmpi slt, %select_n3A_33, %select_n3A_53 : vector<8x2048xi32>
    %and3A_66 = arith.andi %eq3A_64, %lt3A_65 : vector<8x2048xi1>
    %or3A_67 = arith.ori %gt3A_63, %and3A_66 : vector<8x2048xi1>
    %eq3A_68 = arith.xori %eq3A_62, %or3A_67 : vector<8x2048xi1>
    %eq3A_69 = arith.constant dense<true> : vector<8x2048xi1>
    %eq3A_70 = arith.xori %eq3A_68, %eq3A_69 : vector<8x2048xi1>
    %select_n3A_71 = arith.select %eq3A_70, %select_n3A_32, %select_n3A_46 : vector<8x2048xi1>, vector<8x2048xf32>
    %select_n3A_72 = arith.select %eq3A_70, %select_n3A_33, %select_n3A_53 : vector<8x2048xi1>, vector<8x2048xi32>
    %and3A_73 = arith.constant 1 : i32
    %and3A_74 = vector.broadcast %and3A_73 : i32 to vector<8x2048xi32>
    %and3A_75 = arith.andi %iota3A_2, %and3A_74 : vector<8x2048xi32>
    %eq3A_76 = arith.constant 0 : i32
    %eq3A_77 = vector.broadcast %eq3A_76 : i32 to vector<8x2048xi32>
    %eq3A_78 = arith.cmpi eq, %and3A_75, %eq3A_77 : vector<8x2048xi32>
    %slice3A_79 = vector.extract_strided_slice %select_n3A_71 {offsets = [0, 1], sizes = [8, 2047], strides = [1, 1]} : vector<8x2048xf32> to vector<8x2047xf32>
    %slice3A_80 = vector.extract_strided_slice %select_n3A_71 {offsets = [0, 0], sizes = [8, 1], strides = [1, 1]} : vector<8x2048xf32> to vector<8x1xf32>
    %concatenate3A_81 = tpu.concatenate %slice3A_79, %slice3A_80 in 1 : vector<8x2047xf32>, vector<8x1xf32> -> vector<8x2048xf32>
    %slice3A_82 = vector.extract_strided_slice %select_n3A_71 {offsets = [0, 2047], sizes = [8, 1], strides = [1, 1]} : vector<8x2048xf32> to vector<8x1xf32>
    %slice3A_83 = vector.extract_strided_slice %select_n3A_71 {offsets = [0, 0], sizes = [8, 2047], strides = [1, 1]} : vector<8x2048xf32> to vector<8x2047xf32>
    %concatenate3A_84 = tpu.concatenate %slice3A_82, %slice3A_83 in 1 : vector<8x1xf32>, vector<8x2047xf32> -> vector<8x2048xf32>
    %select_n3A_85 = arith.select %eq3A_78, %concatenate3A_81, %concatenate3A_84 : vector<8x2048xi1>, vector<8x2048xf32>
    %slice3A_86 = vector.extract_strided_slice %select_n3A_72 {offsets = [0, 1], sizes = [8, 2047], strides = [1, 1]} : vector<8x2048xi32> to vector<8x2047xi32>
    %slice3A_87 = vector.extract_strided_slice %select_n3A_72 {offsets = [0, 0], sizes = [8, 1], strides = [1, 1]} : vector<8x2048xi32> to vector<8x1xi32>
    %concatenate3A_88 = tpu.concatenate %slice3A_86, %slice3A_87 in 1 : vector<8x2047xi32>, vector<8x1xi32> -> vector<8x2048xi32>
    %slice3A_89 = vector.extract_strided_slice %select_n3A_72 {offsets = [0, 2047], sizes = [8, 1], strides = [1, 1]} : vector<8x2048xi32> to vector<8x1xi32>
    %slice3A_90 = vector.extract_strided_slice %select_n3A_72 {offsets = [0, 0], sizes = [8, 2047], strides = [1, 1]} : vector<8x2048xi32> to vector<8x2047xi32>
    %concatenate3A_91 = tpu.concatenate %slice3A_89, %slice3A_90 in 1 : vector<8x1xi32>, vector<8x2047xi32> -> vector<8x2048xi32>
    %select_n3A_92 = arith.select %eq3A_78, %concatenate3A_88, %concatenate3A_91 : vector<8x2048xi1>, vector<8x2048xi32>
    %and3A_93 = arith.constant 4 : i32
    %and3A_94 = vector.broadcast %and3A_93 : i32 to vector<8x2048xi32>
    %and3A_95 = arith.andi %iota3A_2, %and3A_94 : vector<8x2048xi32>
    %eq3A_96 = arith.constant 0 : i32
    %eq3A_97 = vector.broadcast %eq3A_96 : i32 to vector<8x2048xi32>
    %eq3A_98 = arith.cmpi eq, %and3A_95, %eq3A_97 : vector<8x2048xi32>
    %eq3A_99 = arith.xori %eq3A_98, %eq3A_78 : vector<8x2048xi1>
    %eq3A_100 = arith.constant dense<true> : vector<8x2048xi1>
    %eq3A_101 = arith.xori %eq3A_99, %eq3A_100 : vector<8x2048xi1>
    %gt3A_102 = arith.cmpf ogt, %select_n3A_71, %select_n3A_85 : vector<8x2048xf32>
    %eq3A_103 = arith.cmpf oeq, %select_n3A_71, %select_n3A_85 : vector<8x2048xf32>
    %lt3A_104 = arith.cmpi slt, %select_n3A_72, %select_n3A_92 : vector<8x2048xi32>
    %and3A_105 = arith.andi %eq3A_103, %lt3A_104 : vector<8x2048xi1>
    %or3A_106 = arith.ori %gt3A_102, %and3A_105 : vector<8x2048xi1>
    %eq3A_107 = arith.xori %eq3A_101, %or3A_106 : vector<8x2048xi1>
    %eq3A_108 = arith.constant dense<true> : vector<8x2048xi1>
    %eq3A_109 = arith.xori %eq3A_107, %eq3A_108 : vector<8x2048xi1>
    %select_n3A_110 = arith.select %eq3A_109, %select_n3A_71, %select_n3A_85 : vector<8x2048xi1>, vector<8x2048xf32>
    %select_n3A_111 = arith.select %eq3A_109, %select_n3A_72, %select_n3A_92 : vector<8x2048xi1>, vector<8x2048xi32>
    %and3A_112 = arith.constant 4 : i32
    %and3A_113 = vector.broadcast %and3A_112 : i32 to vector<8x2048xi32>
    %and3A_114 = arith.andi %iota3A_2, %and3A_113 : vector<8x2048xi32>
    %eq3A_115 = arith.constant 0 : i32
    %eq3A_116 = vector.broadcast %eq3A_115 : i32 to vector<8x2048xi32>
    %eq3A_117 = arith.cmpi eq, %and3A_114, %eq3A_116 : vector<8x2048xi32>
    %slice3A_118 = vector.extract_strided_slice %select_n3A_110 {offsets = [0, 4], sizes = [8, 2044], strides = [1, 1]} : vector<8x2048xf32> to vector<8x2044xf32>
    %slice3A_119 = vector.extract_strided_slice %select_n3A_110 {offsets = [0, 0], sizes = [8, 4], strides = [1, 1]} : vector<8x2048xf32> to vector<8x4xf32>
    %concatenate3A_120 = tpu.concatenate %slice3A_118, %slice3A_119 in 1 : vector<8x2044xf32>, vector<8x4xf32> -> vector<8x2048xf32>
    %slice3A_121 = vector.extract_strided_slice %select_n3A_110 {offsets = [0, 2044], sizes = [8, 4], strides = [1, 1]} : vector<8x2048xf32> to vector<8x4xf32>
    %slice3A_122 = vector.extract_strided_slice %select_n3A_110 {offsets = [0, 0], sizes = [8, 2044], strides = [1, 1]} : vector<8x2048xf32> to vector<8x2044xf32>
    %concatenate3A_123 = tpu.concatenate %slice3A_121, %slice3A_122 in 1 : vector<8x4xf32>, vector<8x2044xf32> -> vector<8x2048xf32>
    %select_n3A_124 = arith.select %eq3A_117, %concatenate3A_120, %concatenate3A_123 : vector<8x2048xi1>, vector<8x2048xf32>
    %slice3A_125 = vector.extract_strided_slice %select_n3A_111 {offsets = [0, 4], sizes = [8, 2044], strides = [1, 1]} : vector<8x2048xi32> to vector<8x2044xi32>
    %slice3A_126 = vector.extract_strided_slice %select_n3A_111 {offsets = [0, 0], sizes = [8, 4], strides = [1, 1]} : vector<8x2048xi32> to vector<8x4xi32>
    %concatenate3A_127 = tpu.concatenate %slice3A_125, %slice3A_126 in 1 : vector<8x2044xi32>, vector<8x4xi32> -> vector<8x2048xi32>
    %slice3A_128 = vector.extract_strided_slice %select_n3A_111 {offsets = [0, 2044], sizes = [8, 4], strides = [1, 1]} : vector<8x2048xi32> to vector<8x4xi32>
    %slice3A_129 = vector.extract_strided_slice %select_n3A_111 {offsets = [0, 0], sizes = [8, 2044], strides = [1, 1]} : vector<8x2048xi32> to vector<8x2044xi32>
    %concatenate3A_130 = tpu.concatenate %slice3A_128, %slice3A_129 in 1 : vector<8x4xi32>, vector<8x2044xi32> -> vector<8x2048xi32>
    %select_n3A_131 = arith.select %eq3A_117, %concatenate3A_127, %concatenate3A_130 : vector<8x2048xi1>, vector<8x2048xi32>
    %and3A_132 = arith.constant 8 : i32
    %and3A_133 = vector.broadcast %and3A_132 : i32 to vector<8x2048xi32>
    %and3A_134 = arith.andi %iota3A_2, %and3A_133 : vector<8x2048xi32>
    %eq3A_135 = arith.constant 0 : i32
    %eq3A_136 = vector.broadcast %eq3A_135 : i32 to vector<8x2048xi32>
    %eq3A_137 = arith.cmpi eq, %and3A_134, %eq3A_136 : vector<8x2048xi32>
    %eq3A_138 = arith.xori %eq3A_137, %eq3A_117 : vector<8x2048xi1>
    %eq3A_139 = arith.constant dense<true> : vector<8x2048xi1>
    %eq3A_140 = arith.xori %eq3A_138, %eq3A_139 : vector<8x2048xi1>
    %gt3A_141 = arith.cmpf ogt, %select_n3A_110, %select_n3A_124 : vector<8x2048xf32>
    %eq3A_142 = arith.cmpf oeq, %select_n3A_110, %select_n3A_124 : vector<8x2048xf32>
    %lt3A_143 = arith.cmpi slt, %select_n3A_111, %select_n3A_131 : vector<8x2048xi32>
    %and3A_144 = arith.andi %eq3A_142, %lt3A_143 : vector<8x2048xi1>
    %or3A_145 = arith.ori %gt3A_141, %and3A_144 : vector<8x2048xi1>
    %eq3A_146 = arith.xori %eq3A_140, %or3A_145 : vector<8x2048xi1>
    %eq3A_147 = arith.constant dense<true> : vector<8x2048xi1>
    %eq3A_148 = arith.xori %eq3A_146, %eq3A_147 : vector<8x2048xi1>
    %select_n3A_149 = arith.select %eq3A_148, %select_n3A_110, %select_n3A_124 : vector<8x2048xi1>, vector<8x2048xf32>
    %select_n3A_150 = arith.select %eq3A_148, %select_n3A_111, %select_n3A_131 : vector<8x2048xi1>, vector<8x2048xi32>
    %and3A_151 = arith.constant 2 : i32
    %and3A_152 = vector.broadcast %and3A_151 : i32 to vector<8x2048xi32>
    %and3A_153 = arith.andi %iota3A_2, %and3A_152 : vector<8x2048xi32>
    %eq3A_154 = arith.constant 0 : i32
    %eq3A_155 = vector.broadcast %eq3A_154 : i32 to vector<8x2048xi32>
    %eq3A_156 = arith.cmpi eq, %and3A_153, %eq3A_155 : vector<8x2048xi32>
    %slice3A_157 = vector.extract_strided_slice %select_n3A_149 {offsets = [0, 2], sizes = [8, 2046], strides = [1, 1]} : vector<8x2048xf32> to vector<8x2046xf32>
    %slice3A_158 = vector.extract_strided_slice %select_n3A_149 {offsets = [0, 0], sizes = [8, 2], strides = [1, 1]} : vector<8x2048xf32> to vector<8x2xf32>
    %concatenate3A_159 = tpu.concatenate %slice3A_157, %slice3A_158 in 1 : vector<8x2046xf32>, vector<8x2xf32> -> vector<8x2048xf32>
    %slice3A_160 = vector.extract_strided_slice %select_n3A_149 {offsets = [0, 2046], sizes = [8, 2], strides = [1, 1]} : vector<8x2048xf32> to vector<8x2xf32>
    %slice3A_161 = vector.extract_strided_slice %select_n3A_149 {offsets = [0, 0], sizes = [8, 2046], strides = [1, 1]} : vector<8x2048xf32> to vector<8x2046xf32>
    %concatenate3A_162 = tpu.concatenate %slice3A_160, %slice3A_161 in 1 : vector<8x2xf32>, vector<8x2046xf32> -> vector<8x2048xf32>
    %select_n3A_163 = arith.select %eq3A_156, %concatenate3A_159, %concatenate3A_162 : vector<8x2048xi1>, vector<8x2048xf32>
    %slice3A_164 = vector.extract_strided_slice %select_n3A_150 {offsets = [0, 2], sizes = [8, 2046], strides = [1, 1]} : vector<8x2048xi32> to vector<8x2046xi32>
    %slice3A_165 = vector.extract_strided_slice %select_n3A_150 {offsets = [0, 0], sizes = [8, 2], strides = [1, 1]} : vector<8x2048xi32> to vector<8x2xi32>
    %concatenate3A_166 = tpu.concatenate %slice3A_164, %slice3A_165 in 1 : vector<8x2046xi32>, vector<8x2xi32> -> vector<8x2048xi32>
    %slice3A_167 = vector.extract_strided_slice %select_n3A_150 {offsets = [0, 2046], sizes = [8, 2], strides = [1, 1]} : vector<8x2048xi32> to vector<8x2xi32>
    %slice3A_168 = vector.extract_strided_slice %select_n3A_150 {offsets = [0, 0], sizes = [8, 2046], strides = [1, 1]} : vector<8x2048xi32> to vector<8x2046xi32>
    %concatenate3A_169 = tpu.concatenate %slice3A_167, %slice3A_168 in 1 : vector<8x2xi32>, vector<8x2046xi32> -> vector<8x2048xi32>
    %select_n3A_170 = arith.select %eq3A_156, %concatenate3A_166, %concatenate3A_169 : vector<8x2048xi1>, vector<8x2048xi32>
    %and3A_171 = arith.constant 8 : i32
    %and3A_172 = vector.broadcast %and3A_171 : i32 to vector<8x2048xi32>
    %and3A_173 = arith.andi %iota3A_2, %and3A_172 : vector<8x2048xi32>
    %eq3A_174 = arith.constant 0 : i32
    %eq3A_175 = vector.broadcast %eq3A_174 : i32 to vector<8x2048xi32>
    %eq3A_176 = arith.cmpi eq, %and3A_173, %eq3A_175 : vector<8x2048xi32>
    %eq3A_177 = arith.xori %eq3A_176, %eq3A_156 : vector<8x2048xi1>
    %eq3A_178 = arith.constant dense<true> : vector<8x2048xi1>
    %eq3A_179 = arith.xori %eq3A_177, %eq3A_178 : vector<8x2048xi1>
    %gt3A_180 = arith.cmpf ogt, %select_n3A_149, %select_n3A_163 : vector<8x2048xf32>
    %eq3A_181 = arith.cmpf oeq, %select_n3A_149, %select_n3A_163 : vector<8x2048xf32>
    %lt3A_182 = arith.cmpi slt, %select_n3A_150, %select_n3A_170 : vector<8x2048xi32>
    %and3A_183 = arith.andi %eq3A_181, %lt3A_182 : vector<8x2048xi1>
    %or3A_184 = arith.ori %gt3A_180, %and3A_183 : vector<8x2048xi1>
    %eq3A_185 = arith.xori %eq3A_179, %or3A_184 : vector<8x2048xi1>
    %eq3A_186 = arith.constant dense<true> : vector<8x2048xi1>
    %eq3A_187 = arith.xori %eq3A_185, %eq3A_186 : vector<8x2048xi1>
    %select_n3A_188 = arith.select %eq3A_187, %select_n3A_149, %select_n3A_163 : vector<8x2048xi1>, vector<8x2048xf32>
    %select_n3A_189 = arith.select %eq3A_187, %select_n3A_150, %select_n3A_170 : vector<8x2048xi1>, vector<8x2048xi32>
    %and3A_190 = arith.constant 1 : i32
    %and3A_191 = vector.broadcast %and3A_190 : i32 to vector<8x2048xi32>
    %and3A_192 = arith.andi %iota3A_2, %and3A_191 : vector<8x2048xi32>
    %eq3A_193 = arith.constant 0 : i32
    %eq3A_194 = vector.broadcast %eq3A_193 : i32 to vector<8x2048xi32>
    %eq3A_195 = arith.cmpi eq, %and3A_192, %eq3A_194 : vector<8x2048xi32>
    %slice3A_196 = vector.extract_strided_slice %select_n3A_188 {offsets = [0, 1], sizes = [8, 2047], strides = [1, 1]} : vector<8x2048xf32> to vector<8x2047xf32>
    %slice3A_197 = vector.extract_strided_slice %select_n3A_188 {offsets = [0, 0], sizes = [8, 1], strides = [1, 1]} : vector<8x2048xf32> to vector<8x1xf32>
    %concatenate3A_198 = tpu.concatenate %slice3A_196, %slice3A_197 in 1 : vector<8x2047xf32>, vector<8x1xf32> -> vector<8x2048xf32>
    %slice3A_199 = vector.extract_strided_slice %select_n3A_188 {offsets = [0, 2047], sizes = [8, 1], strides = [1, 1]} : vector<8x2048xf32> to vector<8x1xf32>
    %slice3A_200 = vector.extract_strided_slice %select_n3A_188 {offsets = [0, 0], sizes = [8, 2047], strides = [1, 1]} : vector<8x2048xf32> to vector<8x2047xf32>
    %concatenate3A_201 = tpu.concatenate %slice3A_199, %slice3A_200 in 1 : vector<8x1xf32>, vector<8x2047xf32> -> vector<8x2048xf32>
    %select_n3A_202 = arith.select %eq3A_195, %concatenate3A_198, %concatenate3A_201 : vector<8x2048xi1>, vector<8x2048xf32>
    %slice3A_203 = vector.extract_strided_slice %select_n3A_189 {offsets = [0, 1], sizes = [8, 2047], strides = [1, 1]} : vector<8x2048xi32> to vector<8x2047xi32>
    %slice3A_204 = vector.extract_strided_slice %select_n3A_189 {offsets = [0, 0], sizes = [8, 1], strides = [1, 1]} : vector<8x2048xi32> to vector<8x1xi32>
    %concatenate3A_205 = tpu.concatenate %slice3A_203, %slice3A_204 in 1 : vector<8x2047xi32>, vector<8x1xi32> -> vector<8x2048xi32>
    %slice3A_206 = vector.extract_strided_slice %select_n3A_189 {offsets = [0, 2047], sizes = [8, 1], strides = [1, 1]} : vector<8x2048xi32> to vector<8x1xi32>
    %slice3A_207 = vector.extract_strided_slice %select_n3A_189 {offsets = [0, 0], sizes = [8, 2047], strides = [1, 1]} : vector<8x2048xi32> to vector<8x2047xi32>
    %concatenate3A_208 = tpu.concatenate %slice3A_206, %slice3A_207 in 1 : vector<8x1xi32>, vector<8x2047xi32> -> vector<8x2048xi32>
    %select_n3A_209 = arith.select %eq3A_195, %concatenate3A_205, %concatenate3A_208 : vector<8x2048xi1>, vector<8x2048xi32>
    %and3A_210 = arith.constant 8 : i32
    %and3A_211 = vector.broadcast %and3A_210 : i32 to vector<8x2048xi32>
    %and3A_212 = arith.andi %iota3A_2, %and3A_211 : vector<8x2048xi32>
    %eq3A_213 = arith.constant 0 : i32
    %eq3A_214 = vector.broadcast %eq3A_213 : i32 to vector<8x2048xi32>
    %eq3A_215 = arith.cmpi eq, %and3A_212, %eq3A_214 : vector<8x2048xi32>
    %eq3A_216 = arith.xori %eq3A_215, %eq3A_195 : vector<8x2048xi1>
    %eq3A_217 = arith.constant dense<true> : vector<8x2048xi1>
    %eq3A_218 = arith.xori %eq3A_216, %eq3A_217 : vector<8x2048xi1>
    %gt3A_219 = arith.cmpf ogt, %select_n3A_188, %select_n3A_202 : vector<8x2048xf32>
    %eq3A_220 = arith.cmpf oeq, %select_n3A_188, %select_n3A_202 : vector<8x2048xf32>
    %lt3A_221 = arith.cmpi slt, %select_n3A_189, %select_n3A_209 : vector<8x2048xi32>
    %and3A_222 = arith.andi %eq3A_220, %lt3A_221 : vector<8x2048xi1>
    %or3A_223 = arith.ori %gt3A_219, %and3A_222 : vector<8x2048xi1>
    %eq3A_224 = arith.xori %eq3A_218, %or3A_223 : vector<8x2048xi1>
    %eq3A_225 = arith.constant dense<true> : vector<8x2048xi1>
    %eq3A_226 = arith.xori %eq3A_224, %eq3A_225 : vector<8x2048xi1>
    %select_n3A_227 = arith.select %eq3A_226, %select_n3A_188, %select_n3A_202 : vector<8x2048xi1>, vector<8x2048xf32>
    %select_n3A_228 = arith.select %eq3A_226, %select_n3A_189, %select_n3A_209 : vector<8x2048xi1>, vector<8x2048xi32>
    %and3A_229 = arith.constant 8 : i32
    %and3A_230 = vector.broadcast %and3A_229 : i32 to vector<8x2048xi32>
    %and3A_231 = arith.andi %iota3A_2, %and3A_230 : vector<8x2048xi32>
    %eq3A_232 = arith.constant 0 : i32
    %eq3A_233 = vector.broadcast %eq3A_232 : i32 to vector<8x2048xi32>
    %eq3A_234 = arith.cmpi eq, %and3A_231, %eq3A_233 : vector<8x2048xi32>
    %slice3A_235 = vector.extract_strided_slice %select_n3A_227 {offsets = [0, 8], sizes = [8, 2040], strides = [1, 1]} : vector<8x2048xf32> to vector<8x2040xf32>
    %slice3A_236 = vector.extract_strided_slice %select_n3A_227 {offsets = [0, 0], sizes = [8, 8], strides = [1, 1]} : vector<8x2048xf32> to vector<8x8xf32>
    %concatenate3A_237 = tpu.concatenate %slice3A_235, %slice3A_236 in 1 : vector<8x2040xf32>, vector<8x8xf32> -> vector<8x2048xf32>
    %slice3A_238 = vector.extract_strided_slice %select_n3A_227 {offsets = [0, 2040], sizes = [8, 8], strides = [1, 1]} : vector<8x2048xf32> to vector<8x8xf32>
    %slice3A_239 = vector.extract_strided_slice %select_n3A_227 {offsets = [0, 0], sizes = [8, 2040], strides = [1, 1]} : vector<8x2048xf32> to vector<8x2040xf32>
    %concatenate3A_240 = tpu.concatenate %slice3A_238, %slice3A_239 in 1 : vector<8x8xf32>, vector<8x2040xf32> -> vector<8x2048xf32>
    %select_n3A_241 = arith.select %eq3A_234, %concatenate3A_237, %concatenate3A_240 : vector<8x2048xi1>, vector<8x2048xf32>
    %slice3A_242 = vector.extract_strided_slice %select_n3A_228 {offsets = [0, 8], sizes = [8, 2040], strides = [1, 1]} : vector<8x2048xi32> to vector<8x2040xi32>
    %slice3A_243 = vector.extract_strided_slice %select_n3A_228 {offsets = [0, 0], sizes = [8, 8], strides = [1, 1]} : vector<8x2048xi32> to vector<8x8xi32>
    %concatenate3A_244 = tpu.concatenate %slice3A_242, %slice3A_243 in 1 : vector<8x2040xi32>, vector<8x8xi32> -> vector<8x2048xi32>
    %slice3A_245 = vector.extract_strided_slice %select_n3A_228 {offsets = [0, 2040], sizes = [8, 8], strides = [1, 1]} : vector<8x2048xi32> to vector<8x8xi32>
    %slice3A_246 = vector.extract_strided_slice %select_n3A_228 {offsets = [0, 0], sizes = [8, 2040], strides = [1, 1]} : vector<8x2048xi32> to vector<8x2040xi32>
    %concatenate3A_247 = tpu.concatenate %slice3A_245, %slice3A_246 in 1 : vector<8x8xi32>, vector<8x2040xi32> -> vector<8x2048xi32>
    %select_n3A_248 = arith.select %eq3A_234, %concatenate3A_244, %concatenate3A_247 : vector<8x2048xi1>, vector<8x2048xi32>
    %and3A_249 = arith.constant 16 : i32
    %and3A_250 = vector.broadcast %and3A_249 : i32 to vector<8x2048xi32>
    %and3A_251 = arith.andi %iota3A_2, %and3A_250 : vector<8x2048xi32>
    %eq3A_252 = arith.constant 0 : i32
    %eq3A_253 = vector.broadcast %eq3A_252 : i32 to vector<8x2048xi32>
    %eq3A_254 = arith.cmpi eq, %and3A_251, %eq3A_253 : vector<8x2048xi32>
    %eq3A_255 = arith.xori %eq3A_254, %eq3A_234 : vector<8x2048xi1>
    %eq3A_256 = arith.constant dense<true> : vector<8x2048xi1>
    %eq3A_257 = arith.xori %eq3A_255, %eq3A_256 : vector<8x2048xi1>
    %gt3A_258 = arith.cmpf ogt, %select_n3A_227, %select_n3A_241 : vector<8x2048xf32>
    %eq3A_259 = arith.cmpf oeq, %select_n3A_227, %select_n3A_241 : vector<8x2048xf32>
    %lt3A_260 = arith.cmpi slt, %select_n3A_228, %select_n3A_248 : vector<8x2048xi32>
    %and3A_261 = arith.andi %eq3A_259, %lt3A_260 : vector<8x2048xi1>
    %or3A_262 = arith.ori %gt3A_258, %and3A_261 : vector<8x2048xi1>
    %eq3A_263 = arith.xori %eq3A_257, %or3A_262 : vector<8x2048xi1>
    %eq3A_264 = arith.constant dense<true> : vector<8x2048xi1>
    %eq3A_265 = arith.xori %eq3A_263, %eq3A_264 : vector<8x2048xi1>
    %select_n3A_266 = arith.select %eq3A_265, %select_n3A_227, %select_n3A_241 : vector<8x2048xi1>, vector<8x2048xf32>
    %select_n3A_267 = arith.select %eq3A_265, %select_n3A_228, %select_n3A_248 : vector<8x2048xi1>, vector<8x2048xi32>
    %and3A_268 = arith.constant 4 : i32
    %and3A_269 = vector.broadcast %and3A_268 : i32 to vector<8x2048xi32>
    %and3A_270 = arith.andi %iota3A_2, %and3A_269 : vector<8x2048xi32>
    %eq3A_271 = arith.constant 0 : i32
    %eq3A_272 = vector.broadcast %eq3A_271 : i32 to vector<8x2048xi32>
    %eq3A_273 = arith.cmpi eq, %and3A_270, %eq3A_272 : vector<8x2048xi32>
    %slice3A_274 = vector.extract_strided_slice %select_n3A_266 {offsets = [0, 4], sizes = [8, 2044], strides = [1, 1]} : vector<8x2048xf32> to vector<8x2044xf32>
    %slice3A_275 = vector.extract_strided_slice %select_n3A_266 {offsets = [0, 0], sizes = [8, 4], strides = [1, 1]} : vector<8x2048xf32> to vector<8x4xf32>
    %concatenate3A_276 = tpu.concatenate %slice3A_274, %slice3A_275 in 1 : vector<8x2044xf32>, vector<8x4xf32> -> vector<8x2048xf32>
    %slice3A_277 = vector.extract_strided_slice %select_n3A_266 {offsets = [0, 2044], sizes = [8, 4], strides = [1, 1]} : vector<8x2048xf32> to vector<8x4xf32>
    %slice3A_278 = vector.extract_strided_slice %select_n3A_266 {offsets = [0, 0], sizes = [8, 2044], strides = [1, 1]} : vector<8x2048xf32> to vector<8x2044xf32>
    %concatenate3A_279 = tpu.concatenate %slice3A_277, %slice3A_278 in 1 : vector<8x4xf32>, vector<8x2044xf32> -> vector<8x2048xf32>
    %select_n3A_280 = arith.select %eq3A_273, %concatenate3A_276, %concatenate3A_279 : vector<8x2048xi1>, vector<8x2048xf32>
    %slice3A_281 = vector.extract_strided_slice %select_n3A_267 {offsets = [0, 4], sizes = [8, 2044], strides = [1, 1]} : vector<8x2048xi32> to vector<8x2044xi32>
    %slice3A_282 = vector.extract_strided_slice %select_n3A_267 {offsets = [0, 0], sizes = [8, 4], strides = [1, 1]} : vector<8x2048xi32> to vector<8x4xi32>
    %concatenate3A_283 = tpu.concatenate %slice3A_281, %slice3A_282 in 1 : vector<8x2044xi32>, vector<8x4xi32> -> vector<8x2048xi32>
    %slice3A_284 = vector.extract_strided_slice %select_n3A_267 {offsets = [0, 2044], sizes = [8, 4], strides = [1, 1]} : vector<8x2048xi32> to vector<8x4xi32>
    %slice3A_285 = vector.extract_strided_slice %select_n3A_267 {offsets = [0, 0], sizes = [8, 2044], strides = [1, 1]} : vector<8x2048xi32> to vector<8x2044xi32>
    %concatenate3A_286 = tpu.concatenate %slice3A_284, %slice3A_285 in 1 : vector<8x4xi32>, vector<8x2044xi32> -> vector<8x2048xi32>
    %select_n3A_287 = arith.select %eq3A_273, %concatenate3A_283, %concatenate3A_286 : vector<8x2048xi1>, vector<8x2048xi32>
    %and3A_288 = arith.constant 16 : i32
    %and3A_289 = vector.broadcast %and3A_288 : i32 to vector<8x2048xi32>
    %and3A_290 = arith.andi %iota3A_2, %and3A_289 : vector<8x2048xi32>
    %eq3A_291 = arith.constant 0 : i32
    %eq3A_292 = vector.broadcast %eq3A_291 : i32 to vector<8x2048xi32>
    %eq3A_293 = arith.cmpi eq, %and3A_290, %eq3A_292 : vector<8x2048xi32>
    %eq3A_294 = arith.xori %eq3A_293, %eq3A_273 : vector<8x2048xi1>
    %eq3A_295 = arith.constant dense<true> : vector<8x2048xi1>
    %eq3A_296 = arith.xori %eq3A_294, %eq3A_295 : vector<8x2048xi1>
    %gt3A_297 = arith.cmpf ogt, %select_n3A_266, %select_n3A_280 : vector<8x2048xf32>
    %eq3A_298 = arith.cmpf oeq, %select_n3A_266, %select_n3A_280 : vector<8x2048xf32>
    %lt3A_299 = arith.cmpi slt, %select_n3A_267, %select_n3A_287 : vector<8x2048xi32>
    %and3A_300 = arith.andi %eq3A_298, %lt3A_299 : vector<8x2048xi1>
    %or3A_301 = arith.ori %gt3A_297, %and3A_300 : vector<8x2048xi1>
    %eq3A_302 = arith.xori %eq3A_296, %or3A_301 : vector<8x2048xi1>
    %eq3A_303 = arith.constant dense<true> : vector<8x2048xi1>
    %eq3A_304 = arith.xori %eq3A_302, %eq3A_303 : vector<8x2048xi1>
    %select_n3A_305 = arith.select %eq3A_304, %select_n3A_266, %select_n3A_280 : vector<8x2048xi1>, vector<8x2048xf32>
    %select_n3A_306 = arith.select %eq3A_304, %select_n3A_267, %select_n3A_287 : vector<8x2048xi1>, vector<8x2048xi32>
    %and3A_307 = arith.constant 2 : i32
    %and3A_308 = vector.broadcast %and3A_307 : i32 to vector<8x2048xi32>
    %and3A_309 = arith.andi %iota3A_2, %and3A_308 : vector<8x2048xi32>
    %eq3A_310 = arith.constant 0 : i32
    %eq3A_311 = vector.broadcast %eq3A_310 : i32 to vector<8x2048xi32>
    %eq3A_312 = arith.cmpi eq, %and3A_309, %eq3A_311 : vector<8x2048xi32>
    %slice3A_313 = vector.extract_strided_slice %select_n3A_305 {offsets = [0, 2], sizes = [8, 2046], strides = [1, 1]} : vector<8x2048xf32> to vector<8x2046xf32>
    %slice3A_314 = vector.extract_strided_slice %select_n3A_305 {offsets = [0, 0], sizes = [8, 2], strides = [1, 1]} : vector<8x2048xf32> to vector<8x2xf32>
    %concatenate3A_315 = tpu.concatenate %slice3A_313, %slice3A_314 in 1 : vector<8x2046xf32>, vector<8x2xf32> -> vector<8x2048xf32>
    %slice3A_316 = vector.extract_strided_slice %select_n3A_305 {offsets = [0, 2046], sizes = [8, 2], strides = [1, 1]} : vector<8x2048xf32> to vector<8x2xf32>
    %slice3A_317 = vector.extract_strided_slice %select_n3A_305 {offsets = [0, 0], sizes = [8, 2046], strides = [1, 1]} : vector<8x2048xf32> to vector<8x2046xf32>
    %concatenate3A_318 = tpu.concatenate %slice3A_316, %slice3A_317 in 1 : vector<8x2xf32>, vector<8x2046xf32> -> vector<8x2048xf32>
    %select_n3A_319 = arith.select %eq3A_312, %concatenate3A_315, %concatenate3A_318 : vector<8x2048xi1>, vector<8x2048xf32>
    %slice3A_320 = vector.extract_strided_slice %select_n3A_306 {offsets = [0, 2], sizes = [8, 2046], strides = [1, 1]} : vector<8x2048xi32> to vector<8x2046xi32>
    %slice3A_321 = vector.extract_strided_slice %select_n3A_306 {offsets = [0, 0], sizes = [8, 2], strides = [1, 1]} : vector<8x2048xi32> to vector<8x2xi32>
    %concatenate3A_322 = tpu.concatenate %slice3A_320, %slice3A_321 in 1 : vector<8x2046xi32>, vector<8x2xi32> -> vector<8x2048xi32>
    %slice3A_323 = vector.extract_strided_slice %select_n3A_306 {offsets = [0, 2046], sizes = [8, 2], strides = [1, 1]} : vector<8x2048xi32> to vector<8x2xi32>
    %slice3A_324 = vector.extract_strided_slice %select_n3A_306 {offsets = [0, 0], sizes = [8, 2046], strides = [1, 1]} : vector<8x2048xi32> to vector<8x2046xi32>
    %concatenate3A_325 = tpu.concatenate %slice3A_323, %slice3A_324 in 1 : vector<8x2xi32>, vector<8x2046xi32> -> vector<8x2048xi32>
    %select_n3A_326 = arith.select %eq3A_312, %concatenate3A_322, %concatenate3A_325 : vector<8x2048xi1>, vector<8x2048xi32>
    %and3A_327 = arith.constant 16 : i32
    %and3A_328 = vector.broadcast %and3A_327 : i32 to vector<8x2048xi32>
    %and3A_329 = arith.andi %iota3A_2, %and3A_328 : vector<8x2048xi32>
    %eq3A_330 = arith.constant 0 : i32
    %eq3A_331 = vector.broadcast %eq3A_330 : i32 to vector<8x2048xi32>
    %eq3A_332 = arith.cmpi eq, %and3A_329, %eq3A_331 : vector<8x2048xi32>
    %eq3A_333 = arith.xori %eq3A_332, %eq3A_312 : vector<8x2048xi1>
    %eq3A_334 = arith.constant dense<true> : vector<8x2048xi1>
    %eq3A_335 = arith.xori %eq3A_333, %eq3A_334 : vector<8x2048xi1>
    %gt3A_336 = arith.cmpf ogt, %select_n3A_305, %select_n3A_319 : vector<8x2048xf32>
    %eq3A_337 = arith.cmpf oeq, %select_n3A_305, %select_n3A_319 : vector<8x2048xf32>
    %lt3A_338 = arith.cmpi slt, %select_n3A_306, %select_n3A_326 : vector<8x2048xi32>
    %and3A_339 = arith.andi %eq3A_337, %lt3A_338 : vector<8x2048xi1>
    %or3A_340 = arith.ori %gt3A_336, %and3A_339 : vector<8x2048xi1>
    %eq3A_341 = arith.xori %eq3A_335, %or3A_340 : vector<8x2048xi1>
    %eq3A_342 = arith.constant dense<true> : vector<8x2048xi1>
    %eq3A_343 = arith.xori %eq3A_341, %eq3A_342 : vector<8x2048xi1>
    %select_n3A_344 = arith.select %eq3A_343, %select_n3A_305, %select_n3A_319 : vector<8x2048xi1>, vector<8x2048xf32>
    %select_n3A_345 = arith.select %eq3A_343, %select_n3A_306, %select_n3A_326 : vector<8x2048xi1>, vector<8x2048xi32>
    %and3A_346 = arith.constant 1 : i32
    %and3A_347 = vector.broadcast %and3A_346 : i32 to vector<8x2048xi32>
    %and3A_348 = arith.andi %iota3A_2, %and3A_347 : vector<8x2048xi32>
    %eq3A_349 = arith.constant 0 : i32
    %eq3A_350 = vector.broadcast %eq3A_349 : i32 to vector<8x2048xi32>
    %eq3A_351 = arith.cmpi eq, %and3A_348, %eq3A_350 : vector<8x2048xi32>
    %slice3A_352 = vector.extract_strided_slice %select_n3A_344 {offsets = [0, 1], sizes = [8, 2047], strides = [1, 1]} : vector<8x2048xf32> to vector<8x2047xf32>
    %slice3A_353 = vector.extract_strided_slice %select_n3A_344 {offsets = [0, 0], sizes = [8, 1], strides = [1, 1]} : vector<8x2048xf32> to vector<8x1xf32>
    %concatenate3A_354 = tpu.concatenate %slice3A_352, %slice3A_353 in 1 : vector<8x2047xf32>, vector<8x1xf32> -> vector<8x2048xf32>
    %slice3A_355 = vector.extract_strided_slice %select_n3A_344 {offsets = [0, 2047], sizes = [8, 1], strides = [1, 1]} : vector<8x2048xf32> to vector<8x1xf32>
    %slice3A_356 = vector.extract_strided_slice %select_n3A_344 {offsets = [0, 0], sizes = [8, 2047], strides = [1, 1]} : vector<8x2048xf32> to vector<8x2047xf32>
    %concatenate3A_357 = tpu.concatenate %slice3A_355, %slice3A_356 in 1 : vector<8x1xf32>, vector<8x2047xf32> -> vector<8x2048xf32>
    %select_n3A_358 = arith.select %eq3A_351, %concatenate3A_354, %concatenate3A_357 : vector<8x2048xi1>, vector<8x2048xf32>
    %slice3A_359 = vector.extract_strided_slice %select_n3A_345 {offsets = [0, 1], sizes = [8, 2047], strides = [1, 1]} : vector<8x2048xi32> to vector<8x2047xi32>
    %slice3A_360 = vector.extract_strided_slice %select_n3A_345 {offsets = [0, 0], sizes = [8, 1], strides = [1, 1]} : vector<8x2048xi32> to vector<8x1xi32>
    %concatenate3A_361 = tpu.concatenate %slice3A_359, %slice3A_360 in 1 : vector<8x2047xi32>, vector<8x1xi32> -> vector<8x2048xi32>
    %slice3A_362 = vector.extract_strided_slice %select_n3A_345 {offsets = [0, 2047], sizes = [8, 1], strides = [1, 1]} : vector<8x2048xi32> to vector<8x1xi32>
    %slice3A_363 = vector.extract_strided_slice %select_n3A_345 {offsets = [0, 0], sizes = [8, 2047], strides = [1, 1]} : vector<8x2048xi32> to vector<8x2047xi32>
    %concatenate3A_364 = tpu.concatenate %slice3A_362, %slice3A_363 in 1 : vector<8x1xi32>, vector<8x2047xi32> -> vector<8x2048xi32>
    %select_n3A_365 = arith.select %eq3A_351, %concatenate3A_361, %concatenate3A_364 : vector<8x2048xi1>, vector<8x2048xi32>
    %and3A_366 = arith.constant 16 : i32
    %and3A_367 = vector.broadcast %and3A_366 : i32 to vector<8x2048xi32>
    %and3A_368 = arith.andi %iota3A_2, %and3A_367 : vector<8x2048xi32>
    %eq3A_369 = arith.constant 0 : i32
    %eq3A_370 = vector.broadcast %eq3A_369 : i32 to vector<8x2048xi32>
    %eq3A_371 = arith.cmpi eq, %and3A_368, %eq3A_370 : vector<8x2048xi32>
    %eq3A_372 = arith.xori %eq3A_371, %eq3A_351 : vector<8x2048xi1>
    %eq3A_373 = arith.constant dense<true> : vector<8x2048xi1>
    %eq3A_374 = arith.xori %eq3A_372, %eq3A_373 : vector<8x2048xi1>
    %gt3A_375 = arith.cmpf ogt, %select_n3A_344, %select_n3A_358 : vector<8x2048xf32>
    %eq3A_376 = arith.cmpf oeq, %select_n3A_344, %select_n3A_358 : vector<8x2048xf32>
    %lt3A_377 = arith.cmpi slt, %select_n3A_345, %select_n3A_365 : vector<8x2048xi32>
    %and3A_378 = arith.andi %eq3A_376, %lt3A_377 : vector<8x2048xi1>
    %or3A_379 = arith.ori %gt3A_375, %and3A_378 : vector<8x2048xi1>
    %eq3A_380 = arith.xori %eq3A_374, %or3A_379 : vector<8x2048xi1>
    %eq3A_381 = arith.constant dense<true> : vector<8x2048xi1>
    %eq3A_382 = arith.xori %eq3A_380, %eq3A_381 : vector<8x2048xi1>
    %select_n3A_383 = arith.select %eq3A_382, %select_n3A_344, %select_n3A_358 : vector<8x2048xi1>, vector<8x2048xf32>
    %select_n3A_384 = arith.select %eq3A_382, %select_n3A_345, %select_n3A_365 : vector<8x2048xi1>, vector<8x2048xi32>
    %and3A_385 = arith.constant 16 : i32
    %and3A_386 = vector.broadcast %and3A_385 : i32 to vector<8x2048xi32>
    %and3A_387 = arith.andi %iota3A_2, %and3A_386 : vector<8x2048xi32>
    %eq3A_388 = arith.constant 0 : i32
    %eq3A_389 = vector.broadcast %eq3A_388 : i32 to vector<8x2048xi32>
    %eq3A_390 = arith.cmpi eq, %and3A_387, %eq3A_389 : vector<8x2048xi32>
    %slice3A_391 = vector.extract_strided_slice %select_n3A_383 {offsets = [0, 16], sizes = [8, 2032], strides = [1, 1]} : vector<8x2048xf32> to vector<8x2032xf32>
    %slice3A_392 = vector.extract_strided_slice %select_n3A_383 {offsets = [0, 0], sizes = [8, 16], strides = [1, 1]} : vector<8x2048xf32> to vector<8x16xf32>
    %concatenate3A_393 = tpu.concatenate %slice3A_391, %slice3A_392 in 1 : vector<8x2032xf32>, vector<8x16xf32> -> vector<8x2048xf32>
    %slice3A_394 = vector.extract_strided_slice %select_n3A_383 {offsets = [0, 2032], sizes = [8, 16], strides = [1, 1]} : vector<8x2048xf32> to vector<8x16xf32>
    %slice3A_395 = vector.extract_strided_slice %select_n3A_383 {offsets = [0, 0], sizes = [8, 2032], strides = [1, 1]} : vector<8x2048xf32> to vector<8x2032xf32>
    %concatenate3A_396 = tpu.concatenate %slice3A_394, %slice3A_395 in 1 : vector<8x16xf32>, vector<8x2032xf32> -> vector<8x2048xf32>
    %select_n3A_397 = arith.select %eq3A_390, %concatenate3A_393, %concatenate3A_396 : vector<8x2048xi1>, vector<8x2048xf32>
    %slice3A_398 = vector.extract_strided_slice %select_n3A_384 {offsets = [0, 16], sizes = [8, 2032], strides = [1, 1]} : vector<8x2048xi32> to vector<8x2032xi32>
    %slice3A_399 = vector.extract_strided_slice %select_n3A_384 {offsets = [0, 0], sizes = [8, 16], strides = [1, 1]} : vector<8x2048xi32> to vector<8x16xi32>
    %concatenate3A_400 = tpu.concatenate %slice3A_398, %slice3A_399 in 1 : vector<8x2032xi32>, vector<8x16xi32> -> vector<8x2048xi32>
    %slice3A_401 = vector.extract_strided_slice %select_n3A_384 {offsets = [0, 2032], sizes = [8, 16], strides = [1, 1]} : vector<8x2048xi32> to vector<8x16xi32>
    %slice3A_402 = vector.extract_strided_slice %select_n3A_384 {offsets = [0, 0], sizes = [8, 2032], strides = [1, 1]} : vector<8x2048xi32> to vector<8x2032xi32>
    %concatenate3A_403 = tpu.concatenate %slice3A_401, %slice3A_402 in 1 : vector<8x16xi32>, vector<8x2032xi32> -> vector<8x2048xi32>
    %select_n3A_404 = arith.select %eq3A_390, %concatenate3A_400, %concatenate3A_403 : vector<8x2048xi1>, vector<8x2048xi32>
    %and3A_405 = arith.constant 32 : i32
    %and3A_406 = vector.broadcast %and3A_405 : i32 to vector<8x2048xi32>
    %and3A_407 = arith.andi %iota3A_2, %and3A_406 : vector<8x2048xi32>
    %eq3A_408 = arith.constant 0 : i32
    %eq3A_409 = vector.broadcast %eq3A_408 : i32 to vector<8x2048xi32>
    %eq3A_410 = arith.cmpi eq, %and3A_407, %eq3A_409 : vector<8x2048xi32>
    %eq3A_411 = arith.xori %eq3A_410, %eq3A_390 : vector<8x2048xi1>
    %eq3A_412 = arith.constant dense<true> : vector<8x2048xi1>
    %eq3A_413 = arith.xori %eq3A_411, %eq3A_412 : vector<8x2048xi1>
    %gt3A_414 = arith.cmpf ogt, %select_n3A_383, %select_n3A_397 : vector<8x2048xf32>
    %eq3A_415 = arith.cmpf oeq, %select_n3A_383, %select_n3A_397 : vector<8x2048xf32>
    %lt3A_416 = arith.cmpi slt, %select_n3A_384, %select_n3A_404 : vector<8x2048xi32>
    %and3A_417 = arith.andi %eq3A_415, %lt3A_416 : vector<8x2048xi1>
    %or3A_418 = arith.ori %gt3A_414, %and3A_417 : vector<8x2048xi1>
    %eq3A_419 = arith.xori %eq3A_413, %or3A_418 : vector<8x2048xi1>
    %eq3A_420 = arith.constant dense<true> : vector<8x2048xi1>
    %eq3A_421 = arith.xori %eq3A_419, %eq3A_420 : vector<8x2048xi1>
    %select_n3A_422 = arith.select %eq3A_421, %select_n3A_383, %select_n3A_397 : vector<8x2048xi1>, vector<8x2048xf32>
    %select_n3A_423 = arith.select %eq3A_421, %select_n3A_384, %select_n3A_404 : vector<8x2048xi1>, vector<8x2048xi32>
    %and3A_424 = arith.constant 8 : i32
    %and3A_425 = vector.broadcast %and3A_424 : i32 to vector<8x2048xi32>
    %and3A_426 = arith.andi %iota3A_2, %and3A_425 : vector<8x2048xi32>
    %eq3A_427 = arith.constant 0 : i32
    %eq3A_428 = vector.broadcast %eq3A_427 : i32 to vector<8x2048xi32>
    %eq3A_429 = arith.cmpi eq, %and3A_426, %eq3A_428 : vector<8x2048xi32>
    %slice3A_430 = vector.extract_strided_slice %select_n3A_422 {offsets = [0, 8], sizes = [8, 2040], strides = [1, 1]} : vector<8x2048xf32> to vector<8x2040xf32>
    %slice3A_431 = vector.extract_strided_slice %select_n3A_422 {offsets = [0, 0], sizes = [8, 8], strides = [1, 1]} : vector<8x2048xf32> to vector<8x8xf32>
    %concatenate3A_432 = tpu.concatenate %slice3A_430, %slice3A_431 in 1 : vector<8x2040xf32>, vector<8x8xf32> -> vector<8x2048xf32>
    %slice3A_433 = vector.extract_strided_slice %select_n3A_422 {offsets = [0, 2040], sizes = [8, 8], strides = [1, 1]} : vector<8x2048xf32> to vector<8x8xf32>
    %slice3A_434 = vector.extract_strided_slice %select_n3A_422 {offsets = [0, 0], sizes = [8, 2040], strides = [1, 1]} : vector<8x2048xf32> to vector<8x2040xf32>
    %concatenate3A_435 = tpu.concatenate %slice3A_433, %slice3A_434 in 1 : vector<8x8xf32>, vector<8x2040xf32> -> vector<8x2048xf32>
    %select_n3A_436 = arith.select %eq3A_429, %concatenate3A_432, %concatenate3A_435 : vector<8x2048xi1>, vector<8x2048xf32>
    %slice3A_437 = vector.extract_strided_slice %select_n3A_423 {offsets = [0, 8], sizes = [8, 2040], strides = [1, 1]} : vector<8x2048xi32> to vector<8x2040xi32>
    %slice3A_438 = vector.extract_strided_slice %select_n3A_423 {offsets = [0, 0], sizes = [8, 8], strides = [1, 1]} : vector<8x2048xi32> to vector<8x8xi32>
    %concatenate3A_439 = tpu.concatenate %slice3A_437, %slice3A_438 in 1 : vector<8x2040xi32>, vector<8x8xi32> -> vector<8x2048xi32>
    %slice3A_440 = vector.extract_strided_slice %select_n3A_423 {offsets = [0, 2040], sizes = [8, 8], strides = [1, 1]} : vector<8x2048xi32> to vector<8x8xi32>
    %slice3A_441 = vector.extract_strided_slice %select_n3A_423 {offsets = [0, 0], sizes = [8, 2040], strides = [1, 1]} : vector<8x2048xi32> to vector<8x2040xi32>
    %concatenate3A_442 = tpu.concatenate %slice3A_440, %slice3A_441 in 1 : vector<8x8xi32>, vector<8x2040xi32> -> vector<8x2048xi32>
    %select_n3A_443 = arith.select %eq3A_429, %concatenate3A_439, %concatenate3A_442 : vector<8x2048xi1>, vector<8x2048xi32>
    %and3A_444 = arith.constant 32 : i32
    %and3A_445 = vector.broadcast %and3A_444 : i32 to vector<8x2048xi32>
    %and3A_446 = arith.andi %iota3A_2, %and3A_445 : vector<8x2048xi32>
    %eq3A_447 = arith.constant 0 : i32
    %eq3A_448 = vector.broadcast %eq3A_447 : i32 to vector<8x2048xi32>
    %eq3A_449 = arith.cmpi eq, %and3A_446, %eq3A_448 : vector<8x2048xi32>
    %eq3A_450 = arith.xori %eq3A_449, %eq3A_429 : vector<8x2048xi1>
    %eq3A_451 = arith.constant dense<true> : vector<8x2048xi1>
    %eq3A_452 = arith.xori %eq3A_450, %eq3A_451 : vector<8x2048xi1>
    %gt3A_453 = arith.cmpf ogt, %select_n3A_422, %select_n3A_436 : vector<8x2048xf32>
    %eq3A_454 = arith.cmpf oeq, %select_n3A_422, %select_n3A_436 : vector<8x2048xf32>
    %lt3A_455 = arith.cmpi slt, %select_n3A_423, %select_n3A_443 : vector<8x2048xi32>
    %and3A_456 = arith.andi %eq3A_454, %lt3A_455 : vector<8x2048xi1>
    %or3A_457 = arith.ori %gt3A_453, %and3A_456 : vector<8x2048xi1>
    %eq3A_458 = arith.xori %eq3A_452, %or3A_457 : vector<8x2048xi1>
    %eq3A_459 = arith.constant dense<true> : vector<8x2048xi1>
    %eq3A_460 = arith.xori %eq3A_458, %eq3A_459 : vector<8x2048xi1>
    %select_n3A_461 = arith.select %eq3A_460, %select_n3A_422, %select_n3A_436 : vector<8x2048xi1>, vector<8x2048xf32>
    %select_n3A_462 = arith.select %eq3A_460, %select_n3A_423, %select_n3A_443 : vector<8x2048xi1>, vector<8x2048xi32>
    %and3A_463 = arith.constant 4 : i32
    %and3A_464 = vector.broadcast %and3A_463 : i32 to vector<8x2048xi32>
    %and3A_465 = arith.andi %iota3A_2, %and3A_464 : vector<8x2048xi32>
    %eq3A_466 = arith.constant 0 : i32
    %eq3A_467 = vector.broadcast %eq3A_466 : i32 to vector<8x2048xi32>
    %eq3A_468 = arith.cmpi eq, %and3A_465, %eq3A_467 : vector<8x2048xi32>
    %slice3A_469 = vector.extract_strided_slice %select_n3A_461 {offsets = [0, 4], sizes = [8, 2044], strides = [1, 1]} : vector<8x2048xf32> to vector<8x2044xf32>
    %slice3A_470 = vector.extract_strided_slice %select_n3A_461 {offsets = [0, 0], sizes = [8, 4], strides = [1, 1]} : vector<8x2048xf32> to vector<8x4xf32>
    %concatenate3A_471 = tpu.concatenate %slice3A_469, %slice3A_470 in 1 : vector<8x2044xf32>, vector<8x4xf32> -> vector<8x2048xf32>
    %slice3A_472 = vector.extract_strided_slice %select_n3A_461 {offsets = [0, 2044], sizes = [8, 4], strides = [1, 1]} : vector<8x2048xf32> to vector<8x4xf32>
    %slice3A_473 = vector.extract_strided_slice %select_n3A_461 {offsets = [0, 0], sizes = [8, 2044], strides = [1, 1]} : vector<8x2048xf32> to vector<8x2044xf32>
    %concatenate3A_474 = tpu.concatenate %slice3A_472, %slice3A_473 in 1 : vector<8x4xf32>, vector<8x2044xf32> -> vector<8x2048xf32>
    %select_n3A_475 = arith.select %eq3A_468, %concatenate3A_471, %concatenate3A_474 : vector<8x2048xi1>, vector<8x2048xf32>
    %slice3A_476 = vector.extract_strided_slice %select_n3A_462 {offsets = [0, 4], sizes = [8, 2044], strides = [1, 1]} : vector<8x2048xi32> to vector<8x2044xi32>
    %slice3A_477 = vector.extract_strided_slice %select_n3A_462 {offsets = [0, 0], sizes = [8, 4], strides = [1, 1]} : vector<8x2048xi32> to vector<8x4xi32>
    %concatenate3A_478 = tpu.concatenate %slice3A_476, %slice3A_477 in 1 : vector<8x2044xi32>, vector<8x4xi32> -> vector<8x2048xi32>
    %slice3A_479 = vector.extract_strided_slice %select_n3A_462 {offsets = [0, 2044], sizes = [8, 4], strides = [1, 1]} : vector<8x2048xi32> to vector<8x4xi32>
    %slice3A_480 = vector.extract_strided_slice %select_n3A_462 {offsets = [0, 0], sizes = [8, 2044], strides = [1, 1]} : vector<8x2048xi32> to vector<8x2044xi32>
    %concatenate3A_481 = tpu.concatenate %slice3A_479, %slice3A_480 in 1 : vector<8x4xi32>, vector<8x2044xi32> -> vector<8x2048xi32>
    %select_n3A_482 = arith.select %eq3A_468, %concatenate3A_478, %concatenate3A_481 : vector<8x2048xi1>, vector<8x2048xi32>
    %and3A_483 = arith.constant 32 : i32
    %and3A_484 = vector.broadcast %and3A_483 : i32 to vector<8x2048xi32>
    %and3A_485 = arith.andi %iota3A_2, %and3A_484 : vector<8x2048xi32>
    %eq3A_486 = arith.constant 0 : i32
    %eq3A_487 = vector.broadcast %eq3A_486 : i32 to vector<8x2048xi32>
    %eq3A_488 = arith.cmpi eq, %and3A_485, %eq3A_487 : vector<8x2048xi32>
    %eq3A_489 = arith.xori %eq3A_488, %eq3A_468 : vector<8x2048xi1>
    %eq3A_490 = arith.constant dense<true> : vector<8x2048xi1>
    %eq3A_491 = arith.xori %eq3A_489, %eq3A_490 : vector<8x2048xi1>
    %gt3A_492 = arith.cmpf ogt, %select_n3A_461, %select_n3A_475 : vector<8x2048xf32>
    %eq3A_493 = arith.cmpf oeq, %select_n3A_461, %select_n3A_475 : vector<8x2048xf32>
    %lt3A_494 = arith.cmpi slt, %select_n3A_462, %select_n3A_482 : vector<8x2048xi32>
    %and3A_495 = arith.andi %eq3A_493, %lt3A_494 : vector<8x2048xi1>
    %or3A_496 = arith.ori %gt3A_492, %and3A_495 : vector<8x2048xi1>
    %eq3A_497 = arith.xori %eq3A_491, %or3A_496 : vector<8x2048xi1>
    %eq3A_498 = arith.constant dense<true> : vector<8x2048xi1>
    %eq3A_499 = arith.xori %eq3A_497, %eq3A_498 : vector<8x2048xi1>
    %select_n3A_500 = arith.select %eq3A_499, %select_n3A_461, %select_n3A_475 : vector<8x2048xi1>, vector<8x2048xf32>
    %select_n3A_501 = arith.select %eq3A_499, %select_n3A_462, %select_n3A_482 : vector<8x2048xi1>, vector<8x2048xi32>
    %and3A_502 = arith.constant 2 : i32
    %and3A_503 = vector.broadcast %and3A_502 : i32 to vector<8x2048xi32>
    %and3A_504 = arith.andi %iota3A_2, %and3A_503 : vector<8x2048xi32>
    %eq3A_505 = arith.constant 0 : i32
    %eq3A_506 = vector.broadcast %eq3A_505 : i32 to vector<8x2048xi32>
    %eq3A_507 = arith.cmpi eq, %and3A_504, %eq3A_506 : vector<8x2048xi32>
    %slice3A_508 = vector.extract_strided_slice %select_n3A_500 {offsets = [0, 2], sizes = [8, 2046], strides = [1, 1]} : vector<8x2048xf32> to vector<8x2046xf32>
    %slice3A_509 = vector.extract_strided_slice %select_n3A_500 {offsets = [0, 0], sizes = [8, 2], strides = [1, 1]} : vector<8x2048xf32> to vector<8x2xf32>
    %concatenate3A_510 = tpu.concatenate %slice3A_508, %slice3A_509 in 1 : vector<8x2046xf32>, vector<8x2xf32> -> vector<8x2048xf32>
    %slice3A_511 = vector.extract_strided_slice %select_n3A_500 {offsets = [0, 2046], sizes = [8, 2], strides = [1, 1]} : vector<8x2048xf32> to vector<8x2xf32>
    %slice3A_512 = vector.extract_strided_slice %select_n3A_500 {offsets = [0, 0], sizes = [8, 2046], strides = [1, 1]} : vector<8x2048xf32> to vector<8x2046xf32>
    %concatenate3A_513 = tpu.concatenate %slice3A_511, %slice3A_512 in 1 : vector<8x2xf32>, vector<8x2046xf32> -> vector<8x2048xf32>
    %select_n3A_514 = arith.select %eq3A_507, %concatenate3A_510, %concatenate3A_513 : vector<8x2048xi1>, vector<8x2048xf32>
    %slice3A_515 = vector.extract_strided_slice %select_n3A_501 {offsets = [0, 2], sizes = [8, 2046], strides = [1, 1]} : vector<8x2048xi32> to vector<8x2046xi32>
    %slice3A_516 = vector.extract_strided_slice %select_n3A_501 {offsets = [0, 0], sizes = [8, 2], strides = [1, 1]} : vector<8x2048xi32> to vector<8x2xi32>
    %concatenate3A_517 = tpu.concatenate %slice3A_515, %slice3A_516 in 1 : vector<8x2046xi32>, vector<8x2xi32> -> vector<8x2048xi32>
    %slice3A_518 = vector.extract_strided_slice %select_n3A_501 {offsets = [0, 2046], sizes = [8, 2], strides = [1, 1]} : vector<8x2048xi32> to vector<8x2xi32>
    %slice3A_519 = vector.extract_strided_slice %select_n3A_501 {offsets = [0, 0], sizes = [8, 2046], strides = [1, 1]} : vector<8x2048xi32> to vector<8x2046xi32>
    %concatenate3A_520 = tpu.concatenate %slice3A_518, %slice3A_519 in 1 : vector<8x2xi32>, vector<8x2046xi32> -> vector<8x2048xi32>
    %select_n3A_521 = arith.select %eq3A_507, %concatenate3A_517, %concatenate3A_520 : vector<8x2048xi1>, vector<8x2048xi32>
    %and3A_522 = arith.constant 32 : i32
    %and3A_523 = vector.broadcast %and3A_522 : i32 to vector<8x2048xi32>
    %and3A_524 = arith.andi %iota3A_2, %and3A_523 : vector<8x2048xi32>
    %eq3A_525 = arith.constant 0 : i32
    %eq3A_526 = vector.broadcast %eq3A_525 : i32 to vector<8x2048xi32>
    %eq3A_527 = arith.cmpi eq, %and3A_524, %eq3A_526 : vector<8x2048xi32>
    %eq3A_528 = arith.xori %eq3A_527, %eq3A_507 : vector<8x2048xi1>
    %eq3A_529 = arith.constant dense<true> : vector<8x2048xi1>
    %eq3A_530 = arith.xori %eq3A_528, %eq3A_529 : vector<8x2048xi1>
    %gt3A_531 = arith.cmpf ogt, %select_n3A_500, %select_n3A_514 : vector<8x2048xf32>
    %eq3A_532 = arith.cmpf oeq, %select_n3A_500, %select_n3A_514 : vector<8x2048xf32>
    %lt3A_533 = arith.cmpi slt, %select_n3A_501, %select_n3A_521 : vector<8x2048xi32>
    %and3A_534 = arith.andi %eq3A_532, %lt3A_533 : vector<8x2048xi1>
    %or3A_535 = arith.ori %gt3A_531, %and3A_534 : vector<8x2048xi1>
    %eq3A_536 = arith.xori %eq3A_530, %or3A_535 : vector<8x2048xi1>
    %eq3A_537 = arith.constant dense<true> : vector<8x2048xi1>
    %eq3A_538 = arith.xori %eq3A_536, %eq3A_537 : vector<8x2048xi1>
    %select_n3A_539 = arith.select %eq3A_538, %select_n3A_500, %select_n3A_514 : vector<8x2048xi1>, vector<8x2048xf32>
    %select_n3A_540 = arith.select %eq3A_538, %select_n3A_501, %select_n3A_521 : vector<8x2048xi1>, vector<8x2048xi32>
    %and3A_541 = arith.constant 1 : i32
    %and3A_542 = vector.broadcast %and3A_541 : i32 to vector<8x2048xi32>
    %and3A_543 = arith.andi %iota3A_2, %and3A_542 : vector<8x2048xi32>
    %eq3A_544 = arith.constant 0 : i32
    %eq3A_545 = vector.broadcast %eq3A_544 : i32 to vector<8x2048xi32>
    %eq3A_546 = arith.cmpi eq, %and3A_543, %eq3A_545 : vector<8x2048xi32>
    %slice3A_547 = vector.extract_strided_slice %select_n3A_539 {offsets = [0, 1], sizes = [8, 2047], strides = [1, 1]} : vector<8x2048xf32> to vector<8x2047xf32>
    %slice3A_548 = vector.extract_strided_slice %select_n3A_539 {offsets = [0, 0], sizes = [8, 1], strides = [1, 1]} : vector<8x2048xf32> to vector<8x1xf32>
    %concatenate3A_549 = tpu.concatenate %slice3A_547, %slice3A_548 in 1 : vector<8x2047xf32>, vector<8x1xf32> -> vector<8x2048xf32>
    %slice3A_550 = vector.extract_strided_slice %select_n3A_539 {offsets = [0, 2047], sizes = [8, 1], strides = [1, 1]} : vector<8x2048xf32> to vector<8x1xf32>
    %slice3A_551 = vector.extract_strided_slice %select_n3A_539 {offsets = [0, 0], sizes = [8, 2047], strides = [1, 1]} : vector<8x2048xf32> to vector<8x2047xf32>
    %concatenate3A_552 = tpu.concatenate %slice3A_550, %slice3A_551 in 1 : vector<8x1xf32>, vector<8x2047xf32> -> vector<8x2048xf32>
    %select_n3A_553 = arith.select %eq3A_546, %concatenate3A_549, %concatenate3A_552 : vector<8x2048xi1>, vector<8x2048xf32>
    %slice3A_554 = vector.extract_strided_slice %select_n3A_540 {offsets = [0, 1], sizes = [8, 2047], strides = [1, 1]} : vector<8x2048xi32> to vector<8x2047xi32>
    %slice3A_555 = vector.extract_strided_slice %select_n3A_540 {offsets = [0, 0], sizes = [8, 1], strides = [1, 1]} : vector<8x2048xi32> to vector<8x1xi32>
    %concatenate3A_556 = tpu.concatenate %slice3A_554, %slice3A_555 in 1 : vector<8x2047xi32>, vector<8x1xi32> -> vector<8x2048xi32>
    %slice3A_557 = vector.extract_strided_slice %select_n3A_540 {offsets = [0, 2047], sizes = [8, 1], strides = [1, 1]} : vector<8x2048xi32> to vector<8x1xi32>
    %slice3A_558 = vector.extract_strided_slice %select_n3A_540 {offsets = [0, 0], sizes = [8, 2047], strides = [1, 1]} : vector<8x2048xi32> to vector<8x2047xi32>
    %concatenate3A_559 = tpu.concatenate %slice3A_557, %slice3A_558 in 1 : vector<8x1xi32>, vector<8x2047xi32> -> vector<8x2048xi32>
    %select_n3A_560 = arith.select %eq3A_546, %concatenate3A_556, %concatenate3A_559 : vector<8x2048xi1>, vector<8x2048xi32>
    %and3A_561 = arith.constant 32 : i32
    %and3A_562 = vector.broadcast %and3A_561 : i32 to vector<8x2048xi32>
    %and3A_563 = arith.andi %iota3A_2, %and3A_562 : vector<8x2048xi32>
    %eq3A_564 = arith.constant 0 : i32
    %eq3A_565 = vector.broadcast %eq3A_564 : i32 to vector<8x2048xi32>
    %eq3A_566 = arith.cmpi eq, %and3A_563, %eq3A_565 : vector<8x2048xi32>
    %eq3A_567 = arith.xori %eq3A_566, %eq3A_546 : vector<8x2048xi1>
    %eq3A_568 = arith.constant dense<true> : vector<8x2048xi1>
    %eq3A_569 = arith.xori %eq3A_567, %eq3A_568 : vector<8x2048xi1>
    %gt3A_570 = arith.cmpf ogt, %select_n3A_539, %select_n3A_553 : vector<8x2048xf32>
    %eq3A_571 = arith.cmpf oeq, %select_n3A_539, %select_n3A_553 : vector<8x2048xf32>
    %lt3A_572 = arith.cmpi slt, %select_n3A_540, %select_n3A_560 : vector<8x2048xi32>
    %and3A_573 = arith.andi %eq3A_571, %lt3A_572 : vector<8x2048xi1>
    %or3A_574 = arith.ori %gt3A_570, %and3A_573 : vector<8x2048xi1>
    %eq3A_575 = arith.xori %eq3A_569, %or3A_574 : vector<8x2048xi1>
    %eq3A_576 = arith.constant dense<true> : vector<8x2048xi1>
    %eq3A_577 = arith.xori %eq3A_575, %eq3A_576 : vector<8x2048xi1>
    %select_n3A_578 = arith.select %eq3A_577, %select_n3A_539, %select_n3A_553 : vector<8x2048xi1>, vector<8x2048xf32>
    %select_n3A_579 = arith.select %eq3A_577, %select_n3A_540, %select_n3A_560 : vector<8x2048xi1>, vector<8x2048xi32>
    %and3A_580 = arith.constant 32 : i32
    %and3A_581 = vector.broadcast %and3A_580 : i32 to vector<8x2048xi32>
    %and3A_582 = arith.andi %iota3A_2, %and3A_581 : vector<8x2048xi32>
    %eq3A_583 = arith.constant 0 : i32
    %eq3A_584 = vector.broadcast %eq3A_583 : i32 to vector<8x2048xi32>
    %eq3A_585 = arith.cmpi eq, %and3A_582, %eq3A_584 : vector<8x2048xi32>
    %slice3A_586 = vector.extract_strided_slice %select_n3A_578 {offsets = [0, 32], sizes = [8, 2016], strides = [1, 1]} : vector<8x2048xf32> to vector<8x2016xf32>
    %slice3A_587 = vector.extract_strided_slice %select_n3A_578 {offsets = [0, 0], sizes = [8, 32], strides = [1, 1]} : vector<8x2048xf32> to vector<8x32xf32>
    %concatenate3A_588 = tpu.concatenate %slice3A_586, %slice3A_587 in 1 : vector<8x2016xf32>, vector<8x32xf32> -> vector<8x2048xf32>
    %slice3A_589 = vector.extract_strided_slice %select_n3A_578 {offsets = [0, 2016], sizes = [8, 32], strides = [1, 1]} : vector<8x2048xf32> to vector<8x32xf32>
    %slice3A_590 = vector.extract_strided_slice %select_n3A_578 {offsets = [0, 0], sizes = [8, 2016], strides = [1, 1]} : vector<8x2048xf32> to vector<8x2016xf32>
    %concatenate3A_591 = tpu.concatenate %slice3A_589, %slice3A_590 in 1 : vector<8x32xf32>, vector<8x2016xf32> -> vector<8x2048xf32>
    %select_n3A_592 = arith.select %eq3A_585, %concatenate3A_588, %concatenate3A_591 : vector<8x2048xi1>, vector<8x2048xf32>
    %slice3A_593 = vector.extract_strided_slice %select_n3A_579 {offsets = [0, 32], sizes = [8, 2016], strides = [1, 1]} : vector<8x2048xi32> to vector<8x2016xi32>
    %slice3A_594 = vector.extract_strided_slice %select_n3A_579 {offsets = [0, 0], sizes = [8, 32], strides = [1, 1]} : vector<8x2048xi32> to vector<8x32xi32>
    %concatenate3A_595 = tpu.concatenate %slice3A_593, %slice3A_594 in 1 : vector<8x2016xi32>, vector<8x32xi32> -> vector<8x2048xi32>
    %slice3A_596 = vector.extract_strided_slice %select_n3A_579 {offsets = [0, 2016], sizes = [8, 32], strides = [1, 1]} : vector<8x2048xi32> to vector<8x32xi32>
    %slice3A_597 = vector.extract_strided_slice %select_n3A_579 {offsets = [0, 0], sizes = [8, 2016], strides = [1, 1]} : vector<8x2048xi32> to vector<8x2016xi32>
    %concatenate3A_598 = tpu.concatenate %slice3A_596, %slice3A_597 in 1 : vector<8x32xi32>, vector<8x2016xi32> -> vector<8x2048xi32>
    %select_n3A_599 = arith.select %eq3A_585, %concatenate3A_595, %concatenate3A_598 : vector<8x2048xi1>, vector<8x2048xi32>
    %and3A_600 = arith.constant 64 : i32
    %and3A_601 = vector.broadcast %and3A_600 : i32 to vector<8x2048xi32>
    %and3A_602 = arith.andi %iota3A_2, %and3A_601 : vector<8x2048xi32>
    %eq3A_603 = arith.constant 0 : i32
    %eq3A_604 = vector.broadcast %eq3A_603 : i32 to vector<8x2048xi32>
    %eq3A_605 = arith.cmpi eq, %and3A_602, %eq3A_604 : vector<8x2048xi32>
    %eq3A_606 = arith.xori %eq3A_605, %eq3A_585 : vector<8x2048xi1>
    %eq3A_607 = arith.constant dense<true> : vector<8x2048xi1>
    %eq3A_608 = arith.xori %eq3A_606, %eq3A_607 : vector<8x2048xi1>
    %gt3A_609 = arith.cmpf ogt, %select_n3A_578, %select_n3A_592 : vector<8x2048xf32>
    %eq3A_610 = arith.cmpf oeq, %select_n3A_578, %select_n3A_592 : vector<8x2048xf32>
    %lt3A_611 = arith.cmpi slt, %select_n3A_579, %select_n3A_599 : vector<8x2048xi32>
    %and3A_612 = arith.andi %eq3A_610, %lt3A_611 : vector<8x2048xi1>
    %or3A_613 = arith.ori %gt3A_609, %and3A_612 : vector<8x2048xi1>
    %eq3A_614 = arith.xori %eq3A_608, %or3A_613 : vector<8x2048xi1>
    %eq3A_615 = arith.constant dense<true> : vector<8x2048xi1>
    %eq3A_616 = arith.xori %eq3A_614, %eq3A_615 : vector<8x2048xi1>
    %select_n3A_617 = arith.select %eq3A_616, %select_n3A_578, %select_n3A_592 : vector<8x2048xi1>, vector<8x2048xf32>
    %select_n3A_618 = arith.select %eq3A_616, %select_n3A_579, %select_n3A_599 : vector<8x2048xi1>, vector<8x2048xi32>
    %and3A_619 = arith.constant 16 : i32
    %and3A_620 = vector.broadcast %and3A_619 : i32 to vector<8x2048xi32>
    %and3A_621 = arith.andi %iota3A_2, %and3A_620 : vector<8x2048xi32>
    %eq3A_622 = arith.constant 0 : i32
    %eq3A_623 = vector.broadcast %eq3A_622 : i32 to vector<8x2048xi32>
    %eq3A_624 = arith.cmpi eq, %and3A_621, %eq3A_623 : vector<8x2048xi32>
    %slice3A_625 = vector.extract_strided_slice %select_n3A_617 {offsets = [0, 16], sizes = [8, 2032], strides = [1, 1]} : vector<8x2048xf32> to vector<8x2032xf32>
    %slice3A_626 = vector.extract_strided_slice %select_n3A_617 {offsets = [0, 0], sizes = [8, 16], strides = [1, 1]} : vector<8x2048xf32> to vector<8x16xf32>
    %concatenate3A_627 = tpu.concatenate %slice3A_625, %slice3A_626 in 1 : vector<8x2032xf32>, vector<8x16xf32> -> vector<8x2048xf32>
    %slice3A_628 = vector.extract_strided_slice %select_n3A_617 {offsets = [0, 2032], sizes = [8, 16], strides = [1, 1]} : vector<8x2048xf32> to vector<8x16xf32>
    %slice3A_629 = vector.extract_strided_slice %select_n3A_617 {offsets = [0, 0], sizes = [8, 2032], strides = [1, 1]} : vector<8x2048xf32> to vector<8x2032xf32>
    %concatenate3A_630 = tpu.concatenate %slice3A_628, %slice3A_629 in 1 : vector<8x16xf32>, vector<8x2032xf32> -> vector<8x2048xf32>
    %select_n3A_631 = arith.select %eq3A_624, %concatenate3A_627, %concatenate3A_630 : vector<8x2048xi1>, vector<8x2048xf32>
    %slice3A_632 = vector.extract_strided_slice %select_n3A_618 {offsets = [0, 16], sizes = [8, 2032], strides = [1, 1]} : vector<8x2048xi32> to vector<8x2032xi32>
    %slice3A_633 = vector.extract_strided_slice %select_n3A_618 {offsets = [0, 0], sizes = [8, 16], strides = [1, 1]} : vector<8x2048xi32> to vector<8x16xi32>
    %concatenate3A_634 = tpu.concatenate %slice3A_632, %slice3A_633 in 1 : vector<8x2032xi32>, vector<8x16xi32> -> vector<8x2048xi32>
    %slice3A_635 = vector.extract_strided_slice %select_n3A_618 {offsets = [0, 2032], sizes = [8, 16], strides = [1, 1]} : vector<8x2048xi32> to vector<8x16xi32>
    %slice3A_636 = vector.extract_strided_slice %select_n3A_618 {offsets = [0, 0], sizes = [8, 2032], strides = [1, 1]} : vector<8x2048xi32> to vector<8x2032xi32>
    %concatenate3A_637 = tpu.concatenate %slice3A_635, %slice3A_636 in 1 : vector<8x16xi32>, vector<8x2032xi32> -> vector<8x2048xi32>
    %select_n3A_638 = arith.select %eq3A_624, %concatenate3A_634, %concatenate3A_637 : vector<8x2048xi1>, vector<8x2048xi32>
    %and3A_639 = arith.constant 64 : i32
    %and3A_640 = vector.broadcast %and3A_639 : i32 to vector<8x2048xi32>
    %and3A_641 = arith.andi %iota3A_2, %and3A_640 : vector<8x2048xi32>
    %eq3A_642 = arith.constant 0 : i32
    %eq3A_643 = vector.broadcast %eq3A_642 : i32 to vector<8x2048xi32>
    %eq3A_644 = arith.cmpi eq, %and3A_641, %eq3A_643 : vector<8x2048xi32>
    %eq3A_645 = arith.xori %eq3A_644, %eq3A_624 : vector<8x2048xi1>
    %eq3A_646 = arith.constant dense<true> : vector<8x2048xi1>
    %eq3A_647 = arith.xori %eq3A_645, %eq3A_646 : vector<8x2048xi1>
    %gt3A_648 = arith.cmpf ogt, %select_n3A_617, %select_n3A_631 : vector<8x2048xf32>
    %eq3A_649 = arith.cmpf oeq, %select_n3A_617, %select_n3A_631 : vector<8x2048xf32>
    %lt3A_650 = arith.cmpi slt, %select_n3A_618, %select_n3A_638 : vector<8x2048xi32>
    %and3A_651 = arith.andi %eq3A_649, %lt3A_650 : vector<8x2048xi1>
    %or3A_652 = arith.ori %gt3A_648, %and3A_651 : vector<8x2048xi1>
    %eq3A_653 = arith.xori %eq3A_647, %or3A_652 : vector<8x2048xi1>
    %eq3A_654 = arith.constant dense<true> : vector<8x2048xi1>
    %eq3A_655 = arith.xori %eq3A_653, %eq3A_654 : vector<8x2048xi1>
    %select_n3A_656 = arith.select %eq3A_655, %select_n3A_617, %select_n3A_631 : vector<8x2048xi1>, vector<8x2048xf32>
    %select_n3A_657 = arith.select %eq3A_655, %select_n3A_618, %select_n3A_638 : vector<8x2048xi1>, vector<8x2048xi32>
    %and3A_658 = arith.constant 8 : i32
    %and3A_659 = vector.broadcast %and3A_658 : i32 to vector<8x2048xi32>
    %and3A_660 = arith.andi %iota3A_2, %and3A_659 : vector<8x2048xi32>
    %eq3A_661 = arith.constant 0 : i32
    %eq3A_662 = vector.broadcast %eq3A_661 : i32 to vector<8x2048xi32>
    %eq3A_663 = arith.cmpi eq, %and3A_660, %eq3A_662 : vector<8x2048xi32>
    %slice3A_664 = vector.extract_strided_slice %select_n3A_656 {offsets = [0, 8], sizes = [8, 2040], strides = [1, 1]} : vector<8x2048xf32> to vector<8x2040xf32>
    %slice3A_665 = vector.extract_strided_slice %select_n3A_656 {offsets = [0, 0], sizes = [8, 8], strides = [1, 1]} : vector<8x2048xf32> to vector<8x8xf32>
    %concatenate3A_666 = tpu.concatenate %slice3A_664, %slice3A_665 in 1 : vector<8x2040xf32>, vector<8x8xf32> -> vector<8x2048xf32>
    %slice3A_667 = vector.extract_strided_slice %select_n3A_656 {offsets = [0, 2040], sizes = [8, 8], strides = [1, 1]} : vector<8x2048xf32> to vector<8x8xf32>
    %slice3A_668 = vector.extract_strided_slice %select_n3A_656 {offsets = [0, 0], sizes = [8, 2040], strides = [1, 1]} : vector<8x2048xf32> to vector<8x2040xf32>
    %concatenate3A_669 = tpu.concatenate %slice3A_667, %slice3A_668 in 1 : vector<8x8xf32>, vector<8x2040xf32> -> vector<8x2048xf32>
    %select_n3A_670 = arith.select %eq3A_663, %concatenate3A_666, %concatenate3A_669 : vector<8x2048xi1>, vector<8x2048xf32>
    %slice3A_671 = vector.extract_strided_slice %select_n3A_657 {offsets = [0, 8], sizes = [8, 2040], strides = [1, 1]} : vector<8x2048xi32> to vector<8x2040xi32>
    %slice3A_672 = vector.extract_strided_slice %select_n3A_657 {offsets = [0, 0], sizes = [8, 8], strides = [1, 1]} : vector<8x2048xi32> to vector<8x8xi32>
    %concatenate3A_673 = tpu.concatenate %slice3A_671, %slice3A_672 in 1 : vector<8x2040xi32>, vector<8x8xi32> -> vector<8x2048xi32>
    %slice3A_674 = vector.extract_strided_slice %select_n3A_657 {offsets = [0, 2040], sizes = [8, 8], strides = [1, 1]} : vector<8x2048xi32> to vector<8x8xi32>
    %slice3A_675 = vector.extract_strided_slice %select_n3A_657 {offsets = [0, 0], sizes = [8, 2040], strides = [1, 1]} : vector<8x2048xi32> to vector<8x2040xi32>
    %concatenate3A_676 = tpu.concatenate %slice3A_674, %slice3A_675 in 1 : vector<8x8xi32>, vector<8x2040xi32> -> vector<8x2048xi32>
    %select_n3A_677 = arith.select %eq3A_663, %concatenate3A_673, %concatenate3A_676 : vector<8x2048xi1>, vector<8x2048xi32>
    %and3A_678 = arith.constant 64 : i32
    %and3A_679 = vector.broadcast %and3A_678 : i32 to vector<8x2048xi32>
    %and3A_680 = arith.andi %iota3A_2, %and3A_679 : vector<8x2048xi32>
    %eq3A_681 = arith.constant 0 : i32
    %eq3A_682 = vector.broadcast %eq3A_681 : i32 to vector<8x2048xi32>
    %eq3A_683 = arith.cmpi eq, %and3A_680, %eq3A_682 : vector<8x2048xi32>
    %eq3A_684 = arith.xori %eq3A_683, %eq3A_663 : vector<8x2048xi1>
    %eq3A_685 = arith.constant dense<true> : vector<8x2048xi1>
    %eq3A_686 = arith.xori %eq3A_684, %eq3A_685 : vector<8x2048xi1>
    %gt3A_687 = arith.cmpf ogt, %select_n3A_656, %select_n3A_670 : vector<8x2048xf32>
    %eq3A_688 = arith.cmpf oeq, %select_n3A_656, %select_n3A_670 : vector<8x2048xf32>
    %lt3A_689 = arith.cmpi slt, %select_n3A_657, %select_n3A_677 : vector<8x2048xi32>
    %and3A_690 = arith.andi %eq3A_688, %lt3A_689 : vector<8x2048xi1>
    %or3A_691 = arith.ori %gt3A_687, %and3A_690 : vector<8x2048xi1>
    %eq3A_692 = arith.xori %eq3A_686, %or3A_691 : vector<8x2048xi1>
    %eq3A_693 = arith.constant dense<true> : vector<8x2048xi1>
    %eq3A_694 = arith.xori %eq3A_692, %eq3A_693 : vector<8x2048xi1>
    %select_n3A_695 = arith.select %eq3A_694, %select_n3A_656, %select_n3A_670 : vector<8x2048xi1>, vector<8x2048xf32>
    %select_n3A_696 = arith.select %eq3A_694, %select_n3A_657, %select_n3A_677 : vector<8x2048xi1>, vector<8x2048xi32>
    %and3A_697 = arith.constant 4 : i32
    %and3A_698 = vector.broadcast %and3A_697 : i32 to vector<8x2048xi32>
    %and3A_699 = arith.andi %iota3A_2, %and3A_698 : vector<8x2048xi32>
    %eq3A_700 = arith.constant 0 : i32
    %eq3A_701 = vector.broadcast %eq3A_700 : i32 to vector<8x2048xi32>
    %eq3A_702 = arith.cmpi eq, %and3A_699, %eq3A_701 : vector<8x2048xi32>
    %slice3A_703 = vector.extract_strided_slice %select_n3A_695 {offsets = [0, 4], sizes = [8, 2044], strides = [1, 1]} : vector<8x2048xf32> to vector<8x2044xf32>
    %slice3A_704 = vector.extract_strided_slice %select_n3A_695 {offsets = [0, 0], sizes = [8, 4], strides = [1, 1]} : vector<8x2048xf32> to vector<8x4xf32>
    %concatenate3A_705 = tpu.concatenate %slice3A_703, %slice3A_704 in 1 : vector<8x2044xf32>, vector<8x4xf32> -> vector<8x2048xf32>
    %slice3A_706 = vector.extract_strided_slice %select_n3A_695 {offsets = [0, 2044], sizes = [8, 4], strides = [1, 1]} : vector<8x2048xf32> to vector<8x4xf32>
    %slice3A_707 = vector.extract_strided_slice %select_n3A_695 {offsets = [0, 0], sizes = [8, 2044], strides = [1, 1]} : vector<8x2048xf32> to vector<8x2044xf32>
    %concatenate3A_708 = tpu.concatenate %slice3A_706, %slice3A_707 in 1 : vector<8x4xf32>, vector<8x2044xf32> -> vector<8x2048xf32>
    %select_n3A_709 = arith.select %eq3A_702, %concatenate3A_705, %concatenate3A_708 : vector<8x2048xi1>, vector<8x2048xf32>
    %slice3A_710 = vector.extract_strided_slice %select_n3A_696 {offsets = [0, 4], sizes = [8, 2044], strides = [1, 1]} : vector<8x2048xi32> to vector<8x2044xi32>
    %slice3A_711 = vector.extract_strided_slice %select_n3A_696 {offsets = [0, 0], sizes = [8, 4], strides = [1, 1]} : vector<8x2048xi32> to vector<8x4xi32>
    %concatenate3A_712 = tpu.concatenate %slice3A_710, %slice3A_711 in 1 : vector<8x2044xi32>, vector<8x4xi32> -> vector<8x2048xi32>
    %slice3A_713 = vector.extract_strided_slice %select_n3A_696 {offsets = [0, 2044], sizes = [8, 4], strides = [1, 1]} : vector<8x2048xi32> to vector<8x4xi32>
    %slice3A_714 = vector.extract_strided_slice %select_n3A_696 {offsets = [0, 0], sizes = [8, 2044], strides = [1, 1]} : vector<8x2048xi32> to vector<8x2044xi32>
    %concatenate3A_715 = tpu.concatenate %slice3A_713, %slice3A_714 in 1 : vector<8x4xi32>, vector<8x2044xi32> -> vector<8x2048xi32>
    %select_n3A_716 = arith.select %eq3A_702, %concatenate3A_712, %concatenate3A_715 : vector<8x2048xi1>, vector<8x2048xi32>
    %and3A_717 = arith.constant 64 : i32
    %and3A_718 = vector.broadcast %and3A_717 : i32 to vector<8x2048xi32>
    %and3A_719 = arith.andi %iota3A_2, %and3A_718 : vector<8x2048xi32>
    %eq3A_720 = arith.constant 0 : i32
    %eq3A_721 = vector.broadcast %eq3A_720 : i32 to vector<8x2048xi32>
    %eq3A_722 = arith.cmpi eq, %and3A_719, %eq3A_721 : vector<8x2048xi32>
    %eq3A_723 = arith.xori %eq3A_722, %eq3A_702 : vector<8x2048xi1>
    %eq3A_724 = arith.constant dense<true> : vector<8x2048xi1>
    %eq3A_725 = arith.xori %eq3A_723, %eq3A_724 : vector<8x2048xi1>
    %gt3A_726 = arith.cmpf ogt, %select_n3A_695, %select_n3A_709 : vector<8x2048xf32>
    %eq3A_727 = arith.cmpf oeq, %select_n3A_695, %select_n3A_709 : vector<8x2048xf32>
    %lt3A_728 = arith.cmpi slt, %select_n3A_696, %select_n3A_716 : vector<8x2048xi32>
    %and3A_729 = arith.andi %eq3A_727, %lt3A_728 : vector<8x2048xi1>
    %or3A_730 = arith.ori %gt3A_726, %and3A_729 : vector<8x2048xi1>
    %eq3A_731 = arith.xori %eq3A_725, %or3A_730 : vector<8x2048xi1>
    %eq3A_732 = arith.constant dense<true> : vector<8x2048xi1>
    %eq3A_733 = arith.xori %eq3A_731, %eq3A_732 : vector<8x2048xi1>
    %select_n3A_734 = arith.select %eq3A_733, %select_n3A_695, %select_n3A_709 : vector<8x2048xi1>, vector<8x2048xf32>
    %select_n3A_735 = arith.select %eq3A_733, %select_n3A_696, %select_n3A_716 : vector<8x2048xi1>, vector<8x2048xi32>
    %and3A_736 = arith.constant 2 : i32
    %and3A_737 = vector.broadcast %and3A_736 : i32 to vector<8x2048xi32>
    %and3A_738 = arith.andi %iota3A_2, %and3A_737 : vector<8x2048xi32>
    %eq3A_739 = arith.constant 0 : i32
    %eq3A_740 = vector.broadcast %eq3A_739 : i32 to vector<8x2048xi32>
    %eq3A_741 = arith.cmpi eq, %and3A_738, %eq3A_740 : vector<8x2048xi32>
    %slice3A_742 = vector.extract_strided_slice %select_n3A_734 {offsets = [0, 2], sizes = [8, 2046], strides = [1, 1]} : vector<8x2048xf32> to vector<8x2046xf32>
    %slice3A_743 = vector.extract_strided_slice %select_n3A_734 {offsets = [0, 0], sizes = [8, 2], strides = [1, 1]} : vector<8x2048xf32> to vector<8x2xf32>
    %concatenate3A_744 = tpu.concatenate %slice3A_742, %slice3A_743 in 1 : vector<8x2046xf32>, vector<8x2xf32> -> vector<8x2048xf32>
    %slice3A_745 = vector.extract_strided_slice %select_n3A_734 {offsets = [0, 2046], sizes = [8, 2], strides = [1, 1]} : vector<8x2048xf32> to vector<8x2xf32>
    %slice3A_746 = vector.extract_strided_slice %select_n3A_734 {offsets = [0, 0], sizes = [8, 2046], strides = [1, 1]} : vector<8x2048xf32> to vector<8x2046xf32>
    %concatenate3A_747 = tpu.concatenate %slice3A_745, %slice3A_746 in 1 : vector<8x2xf32>, vector<8x2046xf32> -> vector<8x2048xf32>
    %select_n3A_748 = arith.select %eq3A_741, %concatenate3A_744, %concatenate3A_747 : vector<8x2048xi1>, vector<8x2048xf32>
    %slice3A_749 = vector.extract_strided_slice %select_n3A_735 {offsets = [0, 2], sizes = [8, 2046], strides = [1, 1]} : vector<8x2048xi32> to vector<8x2046xi32>
    %slice3A_750 = vector.extract_strided_slice %select_n3A_735 {offsets = [0, 0], sizes = [8, 2], strides = [1, 1]} : vector<8x2048xi32> to vector<8x2xi32>
    %concatenate3A_751 = tpu.concatenate %slice3A_749, %slice3A_750 in 1 : vector<8x2046xi32>, vector<8x2xi32> -> vector<8x2048xi32>
    %slice3A_752 = vector.extract_strided_slice %select_n3A_735 {offsets = [0, 2046], sizes = [8, 2], strides = [1, 1]} : vector<8x2048xi32> to vector<8x2xi32>
    %slice3A_753 = vector.extract_strided_slice %select_n3A_735 {offsets = [0, 0], sizes = [8, 2046], strides = [1, 1]} : vector<8x2048xi32> to vector<8x2046xi32>
    %concatenate3A_754 = tpu.concatenate %slice3A_752, %slice3A_753 in 1 : vector<8x2xi32>, vector<8x2046xi32> -> vector<8x2048xi32>
    %select_n3A_755 = arith.select %eq3A_741, %concatenate3A_751, %concatenate3A_754 : vector<8x2048xi1>, vector<8x2048xi32>
    %and3A_756 = arith.constant 64 : i32
    %and3A_757 = vector.broadcast %and3A_756 : i32 to vector<8x2048xi32>
    %and3A_758 = arith.andi %iota3A_2, %and3A_757 : vector<8x2048xi32>
    %eq3A_759 = arith.constant 0 : i32
    %eq3A_760 = vector.broadcast %eq3A_759 : i32 to vector<8x2048xi32>
    %eq3A_761 = arith.cmpi eq, %and3A_758, %eq3A_760 : vector<8x2048xi32>
    %eq3A_762 = arith.xori %eq3A_761, %eq3A_741 : vector<8x2048xi1>
    %eq3A_763 = arith.constant dense<true> : vector<8x2048xi1>
    %eq3A_764 = arith.xori %eq3A_762, %eq3A_763 : vector<8x2048xi1>
    %gt3A_765 = arith.cmpf ogt, %select_n3A_734, %select_n3A_748 : vector<8x2048xf32>
    %eq3A_766 = arith.cmpf oeq, %select_n3A_734, %select_n3A_748 : vector<8x2048xf32>
    %lt3A_767 = arith.cmpi slt, %select_n3A_735, %select_n3A_755 : vector<8x2048xi32>
    %and3A_768 = arith.andi %eq3A_766, %lt3A_767 : vector<8x2048xi1>
    %or3A_769 = arith.ori %gt3A_765, %and3A_768 : vector<8x2048xi1>
    %eq3A_770 = arith.xori %eq3A_764, %or3A_769 : vector<8x2048xi1>
    %eq3A_771 = arith.constant dense<true> : vector<8x2048xi1>
    %eq3A_772 = arith.xori %eq3A_770, %eq3A_771 : vector<8x2048xi1>
    %select_n3A_773 = arith.select %eq3A_772, %select_n3A_734, %select_n3A_748 : vector<8x2048xi1>, vector<8x2048xf32>
    %select_n3A_774 = arith.select %eq3A_772, %select_n3A_735, %select_n3A_755 : vector<8x2048xi1>, vector<8x2048xi32>
    %and3A_775 = arith.constant 1 : i32
    %and3A_776 = vector.broadcast %and3A_775 : i32 to vector<8x2048xi32>
    %and3A_777 = arith.andi %iota3A_2, %and3A_776 : vector<8x2048xi32>
    %eq3A_778 = arith.constant 0 : i32
    %eq3A_779 = vector.broadcast %eq3A_778 : i32 to vector<8x2048xi32>
    %eq3A_780 = arith.cmpi eq, %and3A_777, %eq3A_779 : vector<8x2048xi32>
    %slice3A_781 = vector.extract_strided_slice %select_n3A_773 {offsets = [0, 1], sizes = [8, 2047], strides = [1, 1]} : vector<8x2048xf32> to vector<8x2047xf32>
    %slice3A_782 = vector.extract_strided_slice %select_n3A_773 {offsets = [0, 0], sizes = [8, 1], strides = [1, 1]} : vector<8x2048xf32> to vector<8x1xf32>
    %concatenate3A_783 = tpu.concatenate %slice3A_781, %slice3A_782 in 1 : vector<8x2047xf32>, vector<8x1xf32> -> vector<8x2048xf32>
    %slice3A_784 = vector.extract_strided_slice %select_n3A_773 {offsets = [0, 2047], sizes = [8, 1], strides = [1, 1]} : vector<8x2048xf32> to vector<8x1xf32>
    %slice3A_785 = vector.extract_strided_slice %select_n3A_773 {offsets = [0, 0], sizes = [8, 2047], strides = [1, 1]} : vector<8x2048xf32> to vector<8x2047xf32>
    %concatenate3A_786 = tpu.concatenate %slice3A_784, %slice3A_785 in 1 : vector<8x1xf32>, vector<8x2047xf32> -> vector<8x2048xf32>
    %select_n3A_787 = arith.select %eq3A_780, %concatenate3A_783, %concatenate3A_786 : vector<8x2048xi1>, vector<8x2048xf32>
    %slice3A_788 = vector.extract_strided_slice %select_n3A_774 {offsets = [0, 1], sizes = [8, 2047], strides = [1, 1]} : vector<8x2048xi32> to vector<8x2047xi32>
    %slice3A_789 = vector.extract_strided_slice %select_n3A_774 {offsets = [0, 0], sizes = [8, 1], strides = [1, 1]} : vector<8x2048xi32> to vector<8x1xi32>
    %concatenate3A_790 = tpu.concatenate %slice3A_788, %slice3A_789 in 1 : vector<8x2047xi32>, vector<8x1xi32> -> vector<8x2048xi32>
    %slice3A_791 = vector.extract_strided_slice %select_n3A_774 {offsets = [0, 2047], sizes = [8, 1], strides = [1, 1]} : vector<8x2048xi32> to vector<8x1xi32>
    %slice3A_792 = vector.extract_strided_slice %select_n3A_774 {offsets = [0, 0], sizes = [8, 2047], strides = [1, 1]} : vector<8x2048xi32> to vector<8x2047xi32>
    %concatenate3A_793 = tpu.concatenate %slice3A_791, %slice3A_792 in 1 : vector<8x1xi32>, vector<8x2047xi32> -> vector<8x2048xi32>
    %select_n3A_794 = arith.select %eq3A_780, %concatenate3A_790, %concatenate3A_793 : vector<8x2048xi1>, vector<8x2048xi32>
    %and3A_795 = arith.constant 64 : i32
    %and3A_796 = vector.broadcast %and3A_795 : i32 to vector<8x2048xi32>
    %and3A_797 = arith.andi %iota3A_2, %and3A_796 : vector<8x2048xi32>
    %eq3A_798 = arith.constant 0 : i32
    %eq3A_799 = vector.broadcast %eq3A_798 : i32 to vector<8x2048xi32>
    %eq3A_800 = arith.cmpi eq, %and3A_797, %eq3A_799 : vector<8x2048xi32>
    %eq3A_801 = arith.xori %eq3A_800, %eq3A_780 : vector<8x2048xi1>
    %eq3A_802 = arith.constant dense<true> : vector<8x2048xi1>
    %eq3A_803 = arith.xori %eq3A_801, %eq3A_802 : vector<8x2048xi1>
    %gt3A_804 = arith.cmpf ogt, %select_n3A_773, %select_n3A_787 : vector<8x2048xf32>
    %eq3A_805 = arith.cmpf oeq, %select_n3A_773, %select_n3A_787 : vector<8x2048xf32>
    %lt3A_806 = arith.cmpi slt, %select_n3A_774, %select_n3A_794 : vector<8x2048xi32>
    %and3A_807 = arith.andi %eq3A_805, %lt3A_806 : vector<8x2048xi1>
    %or3A_808 = arith.ori %gt3A_804, %and3A_807 : vector<8x2048xi1>
    %eq3A_809 = arith.xori %eq3A_803, %or3A_808 : vector<8x2048xi1>
    %eq3A_810 = arith.constant dense<true> : vector<8x2048xi1>
    %eq3A_811 = arith.xori %eq3A_809, %eq3A_810 : vector<8x2048xi1>
    %select_n3A_812 = arith.select %eq3A_811, %select_n3A_773, %select_n3A_787 : vector<8x2048xi1>, vector<8x2048xf32>
    %select_n3A_813 = arith.select %eq3A_811, %select_n3A_774, %select_n3A_794 : vector<8x2048xi1>, vector<8x2048xi32>
    %and3A_814 = arith.constant 64 : i32
    %and3A_815 = vector.broadcast %and3A_814 : i32 to vector<8x2048xi32>
    %and3A_816 = arith.andi %iota3A_2, %and3A_815 : vector<8x2048xi32>
    %eq3A_817 = arith.constant 0 : i32
    %eq3A_818 = vector.broadcast %eq3A_817 : i32 to vector<8x2048xi32>
    %eq3A_819 = arith.cmpi eq, %and3A_816, %eq3A_818 : vector<8x2048xi32>
    %slice3A_820 = vector.extract_strided_slice %select_n3A_812 {offsets = [0, 64], sizes = [8, 1984], strides = [1, 1]} : vector<8x2048xf32> to vector<8x1984xf32>
    %slice3A_821 = vector.extract_strided_slice %select_n3A_812 {offsets = [0, 0], sizes = [8, 64], strides = [1, 1]} : vector<8x2048xf32> to vector<8x64xf32>
    %concatenate3A_822 = tpu.concatenate %slice3A_820, %slice3A_821 in 1 : vector<8x1984xf32>, vector<8x64xf32> -> vector<8x2048xf32>
    %slice3A_823 = vector.extract_strided_slice %select_n3A_812 {offsets = [0, 1984], sizes = [8, 64], strides = [1, 1]} : vector<8x2048xf32> to vector<8x64xf32>
    %slice3A_824 = vector.extract_strided_slice %select_n3A_812 {offsets = [0, 0], sizes = [8, 1984], strides = [1, 1]} : vector<8x2048xf32> to vector<8x1984xf32>
    %concatenate3A_825 = tpu.concatenate %slice3A_823, %slice3A_824 in 1 : vector<8x64xf32>, vector<8x1984xf32> -> vector<8x2048xf32>
    %select_n3A_826 = arith.select %eq3A_819, %concatenate3A_822, %concatenate3A_825 : vector<8x2048xi1>, vector<8x2048xf32>
    %slice3A_827 = vector.extract_strided_slice %select_n3A_813 {offsets = [0, 64], sizes = [8, 1984], strides = [1, 1]} : vector<8x2048xi32> to vector<8x1984xi32>
    %slice3A_828 = vector.extract_strided_slice %select_n3A_813 {offsets = [0, 0], sizes = [8, 64], strides = [1, 1]} : vector<8x2048xi32> to vector<8x64xi32>
    %concatenate3A_829 = tpu.concatenate %slice3A_827, %slice3A_828 in 1 : vector<8x1984xi32>, vector<8x64xi32> -> vector<8x2048xi32>
    %slice3A_830 = vector.extract_strided_slice %select_n3A_813 {offsets = [0, 1984], sizes = [8, 64], strides = [1, 1]} : vector<8x2048xi32> to vector<8x64xi32>
    %slice3A_831 = vector.extract_strided_slice %select_n3A_813 {offsets = [0, 0], sizes = [8, 1984], strides = [1, 1]} : vector<8x2048xi32> to vector<8x1984xi32>
    %concatenate3A_832 = tpu.concatenate %slice3A_830, %slice3A_831 in 1 : vector<8x64xi32>, vector<8x1984xi32> -> vector<8x2048xi32>
    %select_n3A_833 = arith.select %eq3A_819, %concatenate3A_829, %concatenate3A_832 : vector<8x2048xi1>, vector<8x2048xi32>
    %and3A_834 = arith.constant 128 : i32
    %and3A_835 = vector.broadcast %and3A_834 : i32 to vector<8x2048xi32>
    %and3A_836 = arith.andi %iota3A_2, %and3A_835 : vector<8x2048xi32>
    %eq3A_837 = arith.constant 0 : i32
    %eq3A_838 = vector.broadcast %eq3A_837 : i32 to vector<8x2048xi32>
    %eq3A_839 = arith.cmpi eq, %and3A_836, %eq3A_838 : vector<8x2048xi32>
    %eq3A_840 = arith.xori %eq3A_839, %eq3A_819 : vector<8x2048xi1>
    %eq3A_841 = arith.constant dense<true> : vector<8x2048xi1>
    %eq3A_842 = arith.xori %eq3A_840, %eq3A_841 : vector<8x2048xi1>
    %gt3A_843 = arith.cmpf ogt, %select_n3A_812, %select_n3A_826 : vector<8x2048xf32>
    %eq3A_844 = arith.cmpf oeq, %select_n3A_812, %select_n3A_826 : vector<8x2048xf32>
    %lt3A_845 = arith.cmpi slt, %select_n3A_813, %select_n3A_833 : vector<8x2048xi32>
    %and3A_846 = arith.andi %eq3A_844, %lt3A_845 : vector<8x2048xi1>
    %or3A_847 = arith.ori %gt3A_843, %and3A_846 : vector<8x2048xi1>
    %eq3A_848 = arith.xori %eq3A_842, %or3A_847 : vector<8x2048xi1>
    %eq3A_849 = arith.constant dense<true> : vector<8x2048xi1>
    %eq3A_850 = arith.xori %eq3A_848, %eq3A_849 : vector<8x2048xi1>
    %select_n3A_851 = arith.select %eq3A_850, %select_n3A_812, %select_n3A_826 : vector<8x2048xi1>, vector<8x2048xf32>
    %select_n3A_852 = arith.select %eq3A_850, %select_n3A_813, %select_n3A_833 : vector<8x2048xi1>, vector<8x2048xi32>
    %and3A_853 = arith.constant 32 : i32
    %and3A_854 = vector.broadcast %and3A_853 : i32 to vector<8x2048xi32>
    %and3A_855 = arith.andi %iota3A_2, %and3A_854 : vector<8x2048xi32>
    %eq3A_856 = arith.constant 0 : i32
    %eq3A_857 = vector.broadcast %eq3A_856 : i32 to vector<8x2048xi32>
    %eq3A_858 = arith.cmpi eq, %and3A_855, %eq3A_857 : vector<8x2048xi32>
    %slice3A_859 = vector.extract_strided_slice %select_n3A_851 {offsets = [0, 32], sizes = [8, 2016], strides = [1, 1]} : vector<8x2048xf32> to vector<8x2016xf32>
    %slice3A_860 = vector.extract_strided_slice %select_n3A_851 {offsets = [0, 0], sizes = [8, 32], strides = [1, 1]} : vector<8x2048xf32> to vector<8x32xf32>
    %concatenate3A_861 = tpu.concatenate %slice3A_859, %slice3A_860 in 1 : vector<8x2016xf32>, vector<8x32xf32> -> vector<8x2048xf32>
    %slice3A_862 = vector.extract_strided_slice %select_n3A_851 {offsets = [0, 2016], sizes = [8, 32], strides = [1, 1]} : vector<8x2048xf32> to vector<8x32xf32>
    %slice3A_863 = vector.extract_strided_slice %select_n3A_851 {offsets = [0, 0], sizes = [8, 2016], strides = [1, 1]} : vector<8x2048xf32> to vector<8x2016xf32>
    %concatenate3A_864 = tpu.concatenate %slice3A_862, %slice3A_863 in 1 : vector<8x32xf32>, vector<8x2016xf32> -> vector<8x2048xf32>
    %select_n3A_865 = arith.select %eq3A_858, %concatenate3A_861, %concatenate3A_864 : vector<8x2048xi1>, vector<8x2048xf32>
    %slice3A_866 = vector.extract_strided_slice %select_n3A_852 {offsets = [0, 32], sizes = [8, 2016], strides = [1, 1]} : vector<8x2048xi32> to vector<8x2016xi32>
    %slice3A_867 = vector.extract_strided_slice %select_n3A_852 {offsets = [0, 0], sizes = [8, 32], strides = [1, 1]} : vector<8x2048xi32> to vector<8x32xi32>
    %concatenate3A_868 = tpu.concatenate %slice3A_866, %slice3A_867 in 1 : vector<8x2016xi32>, vector<8x32xi32> -> vector<8x2048xi32>
    %slice3A_869 = vector.extract_strided_slice %select_n3A_852 {offsets = [0, 2016], sizes = [8, 32], strides = [1, 1]} : vector<8x2048xi32> to vector<8x32xi32>
    %slice3A_870 = vector.extract_strided_slice %select_n3A_852 {offsets = [0, 0], sizes = [8, 2016], strides = [1, 1]} : vector<8x2048xi32> to vector<8x2016xi32>
    %concatenate3A_871 = tpu.concatenate %slice3A_869, %slice3A_870 in 1 : vector<8x32xi32>, vector<8x2016xi32> -> vector<8x2048xi32>
    %select_n3A_872 = arith.select %eq3A_858, %concatenate3A_868, %concatenate3A_871 : vector<8x2048xi1>, vector<8x2048xi32>
    %and3A_873 = arith.constant 128 : i32
    %and3A_874 = vector.broadcast %and3A_873 : i32 to vector<8x2048xi32>
    %and3A_875 = arith.andi %iota3A_2, %and3A_874 : vector<8x2048xi32>
    %eq3A_876 = arith.constant 0 : i32
    %eq3A_877 = vector.broadcast %eq3A_876 : i32 to vector<8x2048xi32>
    %eq3A_878 = arith.cmpi eq, %and3A_875, %eq3A_877 : vector<8x2048xi32>
    %eq3A_879 = arith.xori %eq3A_878, %eq3A_858 : vector<8x2048xi1>
    %eq3A_880 = arith.constant dense<true> : vector<8x2048xi1>
    %eq3A_881 = arith.xori %eq3A_879, %eq3A_880 : vector<8x2048xi1>
    %gt3A_882 = arith.cmpf ogt, %select_n3A_851, %select_n3A_865 : vector<8x2048xf32>
    %eq3A_883 = arith.cmpf oeq, %select_n3A_851, %select_n3A_865 : vector<8x2048xf32>
    %lt3A_884 = arith.cmpi slt, %select_n3A_852, %select_n3A_872 : vector<8x2048xi32>
    %and3A_885 = arith.andi %eq3A_883, %lt3A_884 : vector<8x2048xi1>
    %or3A_886 = arith.ori %gt3A_882, %and3A_885 : vector<8x2048xi1>
    %eq3A_887 = arith.xori %eq3A_881, %or3A_886 : vector<8x2048xi1>
    %eq3A_888 = arith.constant dense<true> : vector<8x2048xi1>
    %eq3A_889 = arith.xori %eq3A_887, %eq3A_888 : vector<8x2048xi1>
    %select_n3A_890 = arith.select %eq3A_889, %select_n3A_851, %select_n3A_865 : vector<8x2048xi1>, vector<8x2048xf32>
    %select_n3A_891 = arith.select %eq3A_889, %select_n3A_852, %select_n3A_872 : vector<8x2048xi1>, vector<8x2048xi32>
    %and3A_892 = arith.constant 16 : i32
    %and3A_893 = vector.broadcast %and3A_892 : i32 to vector<8x2048xi32>
    %and3A_894 = arith.andi %iota3A_2, %and3A_893 : vector<8x2048xi32>
    %eq3A_895 = arith.constant 0 : i32
    %eq3A_896 = vector.broadcast %eq3A_895 : i32 to vector<8x2048xi32>
    %eq3A_897 = arith.cmpi eq, %and3A_894, %eq3A_896 : vector<8x2048xi32>
    %slice3A_898 = vector.extract_strided_slice %select_n3A_890 {offsets = [0, 16], sizes = [8, 2032], strides = [1, 1]} : vector<8x2048xf32> to vector<8x2032xf32>
    %slice3A_899 = vector.extract_strided_slice %select_n3A_890 {offsets = [0, 0], sizes = [8, 16], strides = [1, 1]} : vector<8x2048xf32> to vector<8x16xf32>
    %concatenate3A_900 = tpu.concatenate %slice3A_898, %slice3A_899 in 1 : vector<8x2032xf32>, vector<8x16xf32> -> vector<8x2048xf32>
    %slice3A_901 = vector.extract_strided_slice %select_n3A_890 {offsets = [0, 2032], sizes = [8, 16], strides = [1, 1]} : vector<8x2048xf32> to vector<8x16xf32>
    %slice3A_902 = vector.extract_strided_slice %select_n3A_890 {offsets = [0, 0], sizes = [8, 2032], strides = [1, 1]} : vector<8x2048xf32> to vector<8x2032xf32>
    %concatenate3A_903 = tpu.concatenate %slice3A_901, %slice3A_902 in 1 : vector<8x16xf32>, vector<8x2032xf32> -> vector<8x2048xf32>
    %select_n3A_904 = arith.select %eq3A_897, %concatenate3A_900, %concatenate3A_903 : vector<8x2048xi1>, vector<8x2048xf32>
    %slice3A_905 = vector.extract_strided_slice %select_n3A_891 {offsets = [0, 16], sizes = [8, 2032], strides = [1, 1]} : vector<8x2048xi32> to vector<8x2032xi32>
    %slice3A_906 = vector.extract_strided_slice %select_n3A_891 {offsets = [0, 0], sizes = [8, 16], strides = [1, 1]} : vector<8x2048xi32> to vector<8x16xi32>
    %concatenate3A_907 = tpu.concatenate %slice3A_905, %slice3A_906 in 1 : vector<8x2032xi32>, vector<8x16xi32> -> vector<8x2048xi32>
    %slice3A_908 = vector.extract_strided_slice %select_n3A_891 {offsets = [0, 2032], sizes = [8, 16], strides = [1, 1]} : vector<8x2048xi32> to vector<8x16xi32>
    %slice3A_909 = vector.extract_strided_slice %select_n3A_891 {offsets = [0, 0], sizes = [8, 2032], strides = [1, 1]} : vector<8x2048xi32> to vector<8x2032xi32>
    %concatenate3A_910 = tpu.concatenate %slice3A_908, %slice3A_909 in 1 : vector<8x16xi32>, vector<8x2032xi32> -> vector<8x2048xi32>
    %select_n3A_911 = arith.select %eq3A_897, %concatenate3A_907, %concatenate3A_910 : vector<8x2048xi1>, vector<8x2048xi32>
    %and3A_912 = arith.constant 128 : i32
    %and3A_913 = vector.broadcast %and3A_912 : i32 to vector<8x2048xi32>
    %and3A_914 = arith.andi %iota3A_2, %and3A_913 : vector<8x2048xi32>
    %eq3A_915 = arith.constant 0 : i32
    %eq3A_916 = vector.broadcast %eq3A_915 : i32 to vector<8x2048xi32>
    %eq3A_917 = arith.cmpi eq, %and3A_914, %eq3A_916 : vector<8x2048xi32>
    %eq3A_918 = arith.xori %eq3A_917, %eq3A_897 : vector<8x2048xi1>
    %eq3A_919 = arith.constant dense<true> : vector<8x2048xi1>
    %eq3A_920 = arith.xori %eq3A_918, %eq3A_919 : vector<8x2048xi1>
    %gt3A_921 = arith.cmpf ogt, %select_n3A_890, %select_n3A_904 : vector<8x2048xf32>
    %eq3A_922 = arith.cmpf oeq, %select_n3A_890, %select_n3A_904 : vector<8x2048xf32>
    %lt3A_923 = arith.cmpi slt, %select_n3A_891, %select_n3A_911 : vector<8x2048xi32>
    %and3A_924 = arith.andi %eq3A_922, %lt3A_923 : vector<8x2048xi1>
    %or3A_925 = arith.ori %gt3A_921, %and3A_924 : vector<8x2048xi1>
    %eq3A_926 = arith.xori %eq3A_920, %or3A_925 : vector<8x2048xi1>
    %eq3A_927 = arith.constant dense<true> : vector<8x2048xi1>
    %eq3A_928 = arith.xori %eq3A_926, %eq3A_927 : vector<8x2048xi1>
    %select_n3A_929 = arith.select %eq3A_928, %select_n3A_890, %select_n3A_904 : vector<8x2048xi1>, vector<8x2048xf32>
    %select_n3A_930 = arith.select %eq3A_928, %select_n3A_891, %select_n3A_911 : vector<8x2048xi1>, vector<8x2048xi32>
    %and3A_931 = arith.constant 8 : i32
    %and3A_932 = vector.broadcast %and3A_931 : i32 to vector<8x2048xi32>
    %and3A_933 = arith.andi %iota3A_2, %and3A_932 : vector<8x2048xi32>
    %eq3A_934 = arith.constant 0 : i32
    %eq3A_935 = vector.broadcast %eq3A_934 : i32 to vector<8x2048xi32>
    %eq3A_936 = arith.cmpi eq, %and3A_933, %eq3A_935 : vector<8x2048xi32>
    %slice3A_937 = vector.extract_strided_slice %select_n3A_929 {offsets = [0, 8], sizes = [8, 2040], strides = [1, 1]} : vector<8x2048xf32> to vector<8x2040xf32>
    %slice3A_938 = vector.extract_strided_slice %select_n3A_929 {offsets = [0, 0], sizes = [8, 8], strides = [1, 1]} : vector<8x2048xf32> to vector<8x8xf32>
    %concatenate3A_939 = tpu.concatenate %slice3A_937, %slice3A_938 in 1 : vector<8x2040xf32>, vector<8x8xf32> -> vector<8x2048xf32>
    %slice3A_940 = vector.extract_strided_slice %select_n3A_929 {offsets = [0, 2040], sizes = [8, 8], strides = [1, 1]} : vector<8x2048xf32> to vector<8x8xf32>
    %slice3A_941 = vector.extract_strided_slice %select_n3A_929 {offsets = [0, 0], sizes = [8, 2040], strides = [1, 1]} : vector<8x2048xf32> to vector<8x2040xf32>
    %concatenate3A_942 = tpu.concatenate %slice3A_940, %slice3A_941 in 1 : vector<8x8xf32>, vector<8x2040xf32> -> vector<8x2048xf32>
    %select_n3A_943 = arith.select %eq3A_936, %concatenate3A_939, %concatenate3A_942 : vector<8x2048xi1>, vector<8x2048xf32>
    %slice3A_944 = vector.extract_strided_slice %select_n3A_930 {offsets = [0, 8], sizes = [8, 2040], strides = [1, 1]} : vector<8x2048xi32> to vector<8x2040xi32>
    %slice3A_945 = vector.extract_strided_slice %select_n3A_930 {offsets = [0, 0], sizes = [8, 8], strides = [1, 1]} : vector<8x2048xi32> to vector<8x8xi32>
    %concatenate3A_946 = tpu.concatenate %slice3A_944, %slice3A_945 in 1 : vector<8x2040xi32>, vector<8x8xi32> -> vector<8x2048xi32>
    %slice3A_947 = vector.extract_strided_slice %select_n3A_930 {offsets = [0, 2040], sizes = [8, 8], strides = [1, 1]} : vector<8x2048xi32> to vector<8x8xi32>
    %slice3A_948 = vector.extract_strided_slice %select_n3A_930 {offsets = [0, 0], sizes = [8, 2040], strides = [1, 1]} : vector<8x2048xi32> to vector<8x2040xi32>
    %concatenate3A_949 = tpu.concatenate %slice3A_947, %slice3A_948 in 1 : vector<8x8xi32>, vector<8x2040xi32> -> vector<8x2048xi32>
    %select_n3A_950 = arith.select %eq3A_936, %concatenate3A_946, %concatenate3A_949 : vector<8x2048xi1>, vector<8x2048xi32>
    %and3A_951 = arith.constant 128 : i32
    %and3A_952 = vector.broadcast %and3A_951 : i32 to vector<8x2048xi32>
    %and3A_953 = arith.andi %iota3A_2, %and3A_952 : vector<8x2048xi32>
    %eq3A_954 = arith.constant 0 : i32
    %eq3A_955 = vector.broadcast %eq3A_954 : i32 to vector<8x2048xi32>
    %eq3A_956 = arith.cmpi eq, %and3A_953, %eq3A_955 : vector<8x2048xi32>
    %eq3A_957 = arith.xori %eq3A_956, %eq3A_936 : vector<8x2048xi1>
    %eq3A_958 = arith.constant dense<true> : vector<8x2048xi1>
    %eq3A_959 = arith.xori %eq3A_957, %eq3A_958 : vector<8x2048xi1>
    %gt3A_960 = arith.cmpf ogt, %select_n3A_929, %select_n3A_943 : vector<8x2048xf32>
    %eq3A_961 = arith.cmpf oeq, %select_n3A_929, %select_n3A_943 : vector<8x2048xf32>
    %lt3A_962 = arith.cmpi slt, %select_n3A_930, %select_n3A_950 : vector<8x2048xi32>
    %and3A_963 = arith.andi %eq3A_961, %lt3A_962 : vector<8x2048xi1>
    %or3A_964 = arith.ori %gt3A_960, %and3A_963 : vector<8x2048xi1>
    %eq3A_965 = arith.xori %eq3A_959, %or3A_964 : vector<8x2048xi1>
    %eq3A_966 = arith.constant dense<true> : vector<8x2048xi1>
    %eq3A_967 = arith.xori %eq3A_965, %eq3A_966 : vector<8x2048xi1>
    %select_n3A_968 = arith.select %eq3A_967, %select_n3A_929, %select_n3A_943 : vector<8x2048xi1>, vector<8x2048xf32>
    %select_n3A_969 = arith.select %eq3A_967, %select_n3A_930, %select_n3A_950 : vector<8x2048xi1>, vector<8x2048xi32>
    %and3A_970 = arith.constant 4 : i32
    %and3A_971 = vector.broadcast %and3A_970 : i32 to vector<8x2048xi32>
    %and3A_972 = arith.andi %iota3A_2, %and3A_971 : vector<8x2048xi32>
    %eq3A_973 = arith.constant 0 : i32
    %eq3A_974 = vector.broadcast %eq3A_973 : i32 to vector<8x2048xi32>
    %eq3A_975 = arith.cmpi eq, %and3A_972, %eq3A_974 : vector<8x2048xi32>
    %slice3A_976 = vector.extract_strided_slice %select_n3A_968 {offsets = [0, 4], sizes = [8, 2044], strides = [1, 1]} : vector<8x2048xf32> to vector<8x2044xf32>
    %slice3A_977 = vector.extract_strided_slice %select_n3A_968 {offsets = [0, 0], sizes = [8, 4], strides = [1, 1]} : vector<8x2048xf32> to vector<8x4xf32>
    %concatenate3A_978 = tpu.concatenate %slice3A_976, %slice3A_977 in 1 : vector<8x2044xf32>, vector<8x4xf32> -> vector<8x2048xf32>
    %slice3A_979 = vector.extract_strided_slice %select_n3A_968 {offsets = [0, 2044], sizes = [8, 4], strides = [1, 1]} : vector<8x2048xf32> to vector<8x4xf32>
    %slice3A_980 = vector.extract_strided_slice %select_n3A_968 {offsets = [0, 0], sizes = [8, 2044], strides = [1, 1]} : vector<8x2048xf32> to vector<8x2044xf32>
    %concatenate3A_981 = tpu.concatenate %slice3A_979, %slice3A_980 in 1 : vector<8x4xf32>, vector<8x2044xf32> -> vector<8x2048xf32>
    %select_n3A_982 = arith.select %eq3A_975, %concatenate3A_978, %concatenate3A_981 : vector<8x2048xi1>, vector<8x2048xf32>
    %slice3A_983 = vector.extract_strided_slice %select_n3A_969 {offsets = [0, 4], sizes = [8, 2044], strides = [1, 1]} : vector<8x2048xi32> to vector<8x2044xi32>
    %slice3A_984 = vector.extract_strided_slice %select_n3A_969 {offsets = [0, 0], sizes = [8, 4], strides = [1, 1]} : vector<8x2048xi32> to vector<8x4xi32>
    %concatenate3A_985 = tpu.concatenate %slice3A_983, %slice3A_984 in 1 : vector<8x2044xi32>, vector<8x4xi32> -> vector<8x2048xi32>
    %slice3A_986 = vector.extract_strided_slice %select_n3A_969 {offsets = [0, 2044], sizes = [8, 4], strides = [1, 1]} : vector<8x2048xi32> to vector<8x4xi32>
    %slice3A_987 = vector.extract_strided_slice %select_n3A_969 {offsets = [0, 0], sizes = [8, 2044], strides = [1, 1]} : vector<8x2048xi32> to vector<8x2044xi32>
    %concatenate3A_988 = tpu.concatenate %slice3A_986, %slice3A_987 in 1 : vector<8x4xi32>, vector<8x2044xi32> -> vector<8x2048xi32>
    %select_n3A_989 = arith.select %eq3A_975, %concatenate3A_985, %concatenate3A_988 : vector<8x2048xi1>, vector<8x2048xi32>
    %and3A_990 = arith.constant 128 : i32
    %and3A_991 = vector.broadcast %and3A_990 : i32 to vector<8x2048xi32>
    %and3A_992 = arith.andi %iota3A_2, %and3A_991 : vector<8x2048xi32>
    %eq3A_993 = arith.constant 0 : i32
    %eq3A_994 = vector.broadcast %eq3A_993 : i32 to vector<8x2048xi32>
    %eq3A_995 = arith.cmpi eq, %and3A_992, %eq3A_994 : vector<8x2048xi32>
    %eq3A_996 = arith.xori %eq3A_995, %eq3A_975 : vector<8x2048xi1>
    %eq3A_997 = arith.constant dense<true> : vector<8x2048xi1>
    %eq3A_998 = arith.xori %eq3A_996, %eq3A_997 : vector<8x2048xi1>
    %gt3A_999 = arith.cmpf ogt, %select_n3A_968, %select_n3A_982 : vector<8x2048xf32>
    %eq3A_1000 = arith.cmpf oeq, %select_n3A_968, %select_n3A_982 : vector<8x2048xf32>
    %lt3A_1001 = arith.cmpi slt, %select_n3A_969, %select_n3A_989 : vector<8x2048xi32>
    %and3A_1002 = arith.andi %eq3A_1000, %lt3A_1001 : vector<8x2048xi1>
    %or3A_1003 = arith.ori %gt3A_999, %and3A_1002 : vector<8x2048xi1>
    %eq3A_1004 = arith.xori %eq3A_998, %or3A_1003 : vector<8x2048xi1>
    %eq3A_1005 = arith.constant dense<true> : vector<8x2048xi1>
    %eq3A_1006 = arith.xori %eq3A_1004, %eq3A_1005 : vector<8x2048xi1>
    %select_n3A_1007 = arith.select %eq3A_1006, %select_n3A_968, %select_n3A_982 : vector<8x2048xi1>, vector<8x2048xf32>
    %select_n3A_1008 = arith.select %eq3A_1006, %select_n3A_969, %select_n3A_989 : vector<8x2048xi1>, vector<8x2048xi32>
    %and3A_1009 = arith.constant 2 : i32
    %and3A_1010 = vector.broadcast %and3A_1009 : i32 to vector<8x2048xi32>
    %and3A_1011 = arith.andi %iota3A_2, %and3A_1010 : vector<8x2048xi32>
    %eq3A_1012 = arith.constant 0 : i32
    %eq3A_1013 = vector.broadcast %eq3A_1012 : i32 to vector<8x2048xi32>
    %eq3A_1014 = arith.cmpi eq, %and3A_1011, %eq3A_1013 : vector<8x2048xi32>
    %slice3A_1015 = vector.extract_strided_slice %select_n3A_1007 {offsets = [0, 2], sizes = [8, 2046], strides = [1, 1]} : vector<8x2048xf32> to vector<8x2046xf32>
    %slice3A_1016 = vector.extract_strided_slice %select_n3A_1007 {offsets = [0, 0], sizes = [8, 2], strides = [1, 1]} : vector<8x2048xf32> to vector<8x2xf32>
    %concatenate3A_1017 = tpu.concatenate %slice3A_1015, %slice3A_1016 in 1 : vector<8x2046xf32>, vector<8x2xf32> -> vector<8x2048xf32>
    %slice3A_1018 = vector.extract_strided_slice %select_n3A_1007 {offsets = [0, 2046], sizes = [8, 2], strides = [1, 1]} : vector<8x2048xf32> to vector<8x2xf32>
    %slice3A_1019 = vector.extract_strided_slice %select_n3A_1007 {offsets = [0, 0], sizes = [8, 2046], strides = [1, 1]} : vector<8x2048xf32> to vector<8x2046xf32>
    %concatenate3A_1020 = tpu.concatenate %slice3A_1018, %slice3A_1019 in 1 : vector<8x2xf32>, vector<8x2046xf32> -> vector<8x2048xf32>
    %select_n3A_1021 = arith.select %eq3A_1014, %concatenate3A_1017, %concatenate3A_1020 : vector<8x2048xi1>, vector<8x2048xf32>
    %slice3A_1022 = vector.extract_strided_slice %select_n3A_1008 {offsets = [0, 2], sizes = [8, 2046], strides = [1, 1]} : vector<8x2048xi32> to vector<8x2046xi32>
    %slice3A_1023 = vector.extract_strided_slice %select_n3A_1008 {offsets = [0, 0], sizes = [8, 2], strides = [1, 1]} : vector<8x2048xi32> to vector<8x2xi32>
    %concatenate3A_1024 = tpu.concatenate %slice3A_1022, %slice3A_1023 in 1 : vector<8x2046xi32>, vector<8x2xi32> -> vector<8x2048xi32>
    %slice3A_1025 = vector.extract_strided_slice %select_n3A_1008 {offsets = [0, 2046], sizes = [8, 2], strides = [1, 1]} : vector<8x2048xi32> to vector<8x2xi32>
    %slice3A_1026 = vector.extract_strided_slice %select_n3A_1008 {offsets = [0, 0], sizes = [8, 2046], strides = [1, 1]} : vector<8x2048xi32> to vector<8x2046xi32>
    %concatenate3A_1027 = tpu.concatenate %slice3A_1025, %slice3A_1026 in 1 : vector<8x2xi32>, vector<8x2046xi32> -> vector<8x2048xi32>
    %select_n3A_1028 = arith.select %eq3A_1014, %concatenate3A_1024, %concatenate3A_1027 : vector<8x2048xi1>, vector<8x2048xi32>
    %and3A_1029 = arith.constant 128 : i32
    %and3A_1030 = vector.broadcast %and3A_1029 : i32 to vector<8x2048xi32>
    %and3A_1031 = arith.andi %iota3A_2, %and3A_1030 : vector<8x2048xi32>
    %eq3A_1032 = arith.constant 0 : i32
    %eq3A_1033 = vector.broadcast %eq3A_1032 : i32 to vector<8x2048xi32>
    %eq3A_1034 = arith.cmpi eq, %and3A_1031, %eq3A_1033 : vector<8x2048xi32>
    %eq3A_1035 = arith.xori %eq3A_1034, %eq3A_1014 : vector<8x2048xi1>
    %eq3A_1036 = arith.constant dense<true> : vector<8x2048xi1>
    %eq3A_1037 = arith.xori %eq3A_1035, %eq3A_1036 : vector<8x2048xi1>
    %gt3A_1038 = arith.cmpf ogt, %select_n3A_1007, %select_n3A_1021 : vector<8x2048xf32>
    %eq3A_1039 = arith.cmpf oeq, %select_n3A_1007, %select_n3A_1021 : vector<8x2048xf32>
    %lt3A_1040 = arith.cmpi slt, %select_n3A_1008, %select_n3A_1028 : vector<8x2048xi32>
    %and3A_1041 = arith.andi %eq3A_1039, %lt3A_1040 : vector<8x2048xi1>
    %or3A_1042 = arith.ori %gt3A_1038, %and3A_1041 : vector<8x2048xi1>
    %eq3A_1043 = arith.xori %eq3A_1037, %or3A_1042 : vector<8x2048xi1>
    %eq3A_1044 = arith.constant dense<true> : vector<8x2048xi1>
    %eq3A_1045 = arith.xori %eq3A_1043, %eq3A_1044 : vector<8x2048xi1>
    %select_n3A_1046 = arith.select %eq3A_1045, %select_n3A_1007, %select_n3A_1021 : vector<8x2048xi1>, vector<8x2048xf32>
    %select_n3A_1047 = arith.select %eq3A_1045, %select_n3A_1008, %select_n3A_1028 : vector<8x2048xi1>, vector<8x2048xi32>
    %and3A_1048 = arith.constant 1 : i32
    %and3A_1049 = vector.broadcast %and3A_1048 : i32 to vector<8x2048xi32>
    %and3A_1050 = arith.andi %iota3A_2, %and3A_1049 : vector<8x2048xi32>
    %eq3A_1051 = arith.constant 0 : i32
    %eq3A_1052 = vector.broadcast %eq3A_1051 : i32 to vector<8x2048xi32>
    %eq3A_1053 = arith.cmpi eq, %and3A_1050, %eq3A_1052 : vector<8x2048xi32>
    %slice3A_1054 = vector.extract_strided_slice %select_n3A_1046 {offsets = [0, 1], sizes = [8, 2047], strides = [1, 1]} : vector<8x2048xf32> to vector<8x2047xf32>
    %slice3A_1055 = vector.extract_strided_slice %select_n3A_1046 {offsets = [0, 0], sizes = [8, 1], strides = [1, 1]} : vector<8x2048xf32> to vector<8x1xf32>
    %concatenate3A_1056 = tpu.concatenate %slice3A_1054, %slice3A_1055 in 1 : vector<8x2047xf32>, vector<8x1xf32> -> vector<8x2048xf32>
    %slice3A_1057 = vector.extract_strided_slice %select_n3A_1046 {offsets = [0, 2047], sizes = [8, 1], strides = [1, 1]} : vector<8x2048xf32> to vector<8x1xf32>
    %slice3A_1058 = vector.extract_strided_slice %select_n3A_1046 {offsets = [0, 0], sizes = [8, 2047], strides = [1, 1]} : vector<8x2048xf32> to vector<8x2047xf32>
    %concatenate3A_1059 = tpu.concatenate %slice3A_1057, %slice3A_1058 in 1 : vector<8x1xf32>, vector<8x2047xf32> -> vector<8x2048xf32>
    %select_n3A_1060 = arith.select %eq3A_1053, %concatenate3A_1056, %concatenate3A_1059 : vector<8x2048xi1>, vector<8x2048xf32>
    %slice3A_1061 = vector.extract_strided_slice %select_n3A_1047 {offsets = [0, 1], sizes = [8, 2047], strides = [1, 1]} : vector<8x2048xi32> to vector<8x2047xi32>
    %slice3A_1062 = vector.extract_strided_slice %select_n3A_1047 {offsets = [0, 0], sizes = [8, 1], strides = [1, 1]} : vector<8x2048xi32> to vector<8x1xi32>
    %concatenate3A_1063 = tpu.concatenate %slice3A_1061, %slice3A_1062 in 1 : vector<8x2047xi32>, vector<8x1xi32> -> vector<8x2048xi32>
    %slice3A_1064 = vector.extract_strided_slice %select_n3A_1047 {offsets = [0, 2047], sizes = [8, 1], strides = [1, 1]} : vector<8x2048xi32> to vector<8x1xi32>
    %slice3A_1065 = vector.extract_strided_slice %select_n3A_1047 {offsets = [0, 0], sizes = [8, 2047], strides = [1, 1]} : vector<8x2048xi32> to vector<8x2047xi32>
    %concatenate3A_1066 = tpu.concatenate %slice3A_1064, %slice3A_1065 in 1 : vector<8x1xi32>, vector<8x2047xi32> -> vector<8x2048xi32>
    %select_n3A_1067 = arith.select %eq3A_1053, %concatenate3A_1063, %concatenate3A_1066 : vector<8x2048xi1>, vector<8x2048xi32>
    %and3A_1068 = arith.constant 128 : i32
    %and3A_1069 = vector.broadcast %and3A_1068 : i32 to vector<8x2048xi32>
    %and3A_1070 = arith.andi %iota3A_2, %and3A_1069 : vector<8x2048xi32>
    %eq3A_1071 = arith.constant 0 : i32
    %eq3A_1072 = vector.broadcast %eq3A_1071 : i32 to vector<8x2048xi32>
    %eq3A_1073 = arith.cmpi eq, %and3A_1070, %eq3A_1072 : vector<8x2048xi32>
    %eq3A_1074 = arith.xori %eq3A_1073, %eq3A_1053 : vector<8x2048xi1>
    %eq3A_1075 = arith.constant dense<true> : vector<8x2048xi1>
    %eq3A_1076 = arith.xori %eq3A_1074, %eq3A_1075 : vector<8x2048xi1>
    %gt3A_1077 = arith.cmpf ogt, %select_n3A_1046, %select_n3A_1060 : vector<8x2048xf32>
    %eq3A_1078 = arith.cmpf oeq, %select_n3A_1046, %select_n3A_1060 : vector<8x2048xf32>
    %lt3A_1079 = arith.cmpi slt, %select_n3A_1047, %select_n3A_1067 : vector<8x2048xi32>
    %and3A_1080 = arith.andi %eq3A_1078, %lt3A_1079 : vector<8x2048xi1>
    %or3A_1081 = arith.ori %gt3A_1077, %and3A_1080 : vector<8x2048xi1>
    %eq3A_1082 = arith.xori %eq3A_1076, %or3A_1081 : vector<8x2048xi1>
    %eq3A_1083 = arith.constant dense<true> : vector<8x2048xi1>
    %eq3A_1084 = arith.xori %eq3A_1082, %eq3A_1083 : vector<8x2048xi1>
    %select_n3A_1085 = arith.select %eq3A_1084, %select_n3A_1046, %select_n3A_1060 : vector<8x2048xi1>, vector<8x2048xf32>
    %select_n3A_1086 = arith.select %eq3A_1084, %select_n3A_1047, %select_n3A_1067 : vector<8x2048xi1>, vector<8x2048xi32>
    %and3A_1087 = arith.constant 128 : i32
    %and3A_1088 = vector.broadcast %and3A_1087 : i32 to vector<8x2048xi32>
    %and3A_1089 = arith.andi %iota3A_2, %and3A_1088 : vector<8x2048xi32>
    %eq3A_1090 = arith.constant 0 : i32
    %eq3A_1091 = vector.broadcast %eq3A_1090 : i32 to vector<8x2048xi32>
    %eq3A_1092 = arith.cmpi eq, %and3A_1089, %eq3A_1091 : vector<8x2048xi32>
    %slice3A_1093 = vector.extract_strided_slice %select_n3A_1085 {offsets = [0, 128], sizes = [8, 1920], strides = [1, 1]} : vector<8x2048xf32> to vector<8x1920xf32>
    %slice3A_1094 = vector.extract_strided_slice %select_n3A_1085 {offsets = [0, 0], sizes = [8, 128], strides = [1, 1]} : vector<8x2048xf32> to vector<8x128xf32>
    %concatenate3A_1095 = tpu.concatenate %slice3A_1093, %slice3A_1094 in 1 : vector<8x1920xf32>, vector<8x128xf32> -> vector<8x2048xf32>
    %slice3A_1096 = vector.extract_strided_slice %select_n3A_1085 {offsets = [0, 1920], sizes = [8, 128], strides = [1, 1]} : vector<8x2048xf32> to vector<8x128xf32>
    %slice3A_1097 = vector.extract_strided_slice %select_n3A_1085 {offsets = [0, 0], sizes = [8, 1920], strides = [1, 1]} : vector<8x2048xf32> to vector<8x1920xf32>
    %concatenate3A_1098 = tpu.concatenate %slice3A_1096, %slice3A_1097 in 1 : vector<8x128xf32>, vector<8x1920xf32> -> vector<8x2048xf32>
    %select_n3A_1099 = arith.select %eq3A_1092, %concatenate3A_1095, %concatenate3A_1098 : vector<8x2048xi1>, vector<8x2048xf32>
    %slice3A_1100 = vector.extract_strided_slice %select_n3A_1086 {offsets = [0, 128], sizes = [8, 1920], strides = [1, 1]} : vector<8x2048xi32> to vector<8x1920xi32>
    %slice3A_1101 = vector.extract_strided_slice %select_n3A_1086 {offsets = [0, 0], sizes = [8, 128], strides = [1, 1]} : vector<8x2048xi32> to vector<8x128xi32>
    %concatenate3A_1102 = tpu.concatenate %slice3A_1100, %slice3A_1101 in 1 : vector<8x1920xi32>, vector<8x128xi32> -> vector<8x2048xi32>
    %slice3A_1103 = vector.extract_strided_slice %select_n3A_1086 {offsets = [0, 1920], sizes = [8, 128], strides = [1, 1]} : vector<8x2048xi32> to vector<8x128xi32>
    %slice3A_1104 = vector.extract_strided_slice %select_n3A_1086 {offsets = [0, 0], sizes = [8, 1920], strides = [1, 1]} : vector<8x2048xi32> to vector<8x1920xi32>
    %concatenate3A_1105 = tpu.concatenate %slice3A_1103, %slice3A_1104 in 1 : vector<8x128xi32>, vector<8x1920xi32> -> vector<8x2048xi32>
    %select_n3A_1106 = arith.select %eq3A_1092, %concatenate3A_1102, %concatenate3A_1105 : vector<8x2048xi1>, vector<8x2048xi32>
    %and3A_1107 = arith.constant 256 : i32
    %and3A_1108 = vector.broadcast %and3A_1107 : i32 to vector<8x2048xi32>
    %and3A_1109 = arith.andi %iota3A_2, %and3A_1108 : vector<8x2048xi32>
    %eq3A_1110 = arith.constant 0 : i32
    %eq3A_1111 = vector.broadcast %eq3A_1110 : i32 to vector<8x2048xi32>
    %eq3A_1112 = arith.cmpi eq, %and3A_1109, %eq3A_1111 : vector<8x2048xi32>
    %eq3A_1113 = arith.xori %eq3A_1112, %eq3A_1092 : vector<8x2048xi1>
    %eq3A_1114 = arith.constant dense<true> : vector<8x2048xi1>
    %eq3A_1115 = arith.xori %eq3A_1113, %eq3A_1114 : vector<8x2048xi1>
    %gt3A_1116 = arith.cmpf ogt, %select_n3A_1085, %select_n3A_1099 : vector<8x2048xf32>
    %eq3A_1117 = arith.cmpf oeq, %select_n3A_1085, %select_n3A_1099 : vector<8x2048xf32>
    %lt3A_1118 = arith.cmpi slt, %select_n3A_1086, %select_n3A_1106 : vector<8x2048xi32>
    %and3A_1119 = arith.andi %eq3A_1117, %lt3A_1118 : vector<8x2048xi1>
    %or3A_1120 = arith.ori %gt3A_1116, %and3A_1119 : vector<8x2048xi1>
    %eq3A_1121 = arith.xori %eq3A_1115, %or3A_1120 : vector<8x2048xi1>
    %eq3A_1122 = arith.constant dense<true> : vector<8x2048xi1>
    %eq3A_1123 = arith.xori %eq3A_1121, %eq3A_1122 : vector<8x2048xi1>
    %select_n3A_1124 = arith.select %eq3A_1123, %select_n3A_1085, %select_n3A_1099 : vector<8x2048xi1>, vector<8x2048xf32>
    %select_n3A_1125 = arith.select %eq3A_1123, %select_n3A_1086, %select_n3A_1106 : vector<8x2048xi1>, vector<8x2048xi32>
    %and3A_1126 = arith.constant 64 : i32
    %and3A_1127 = vector.broadcast %and3A_1126 : i32 to vector<8x2048xi32>
    %and3A_1128 = arith.andi %iota3A_2, %and3A_1127 : vector<8x2048xi32>
    %eq3A_1129 = arith.constant 0 : i32
    %eq3A_1130 = vector.broadcast %eq3A_1129 : i32 to vector<8x2048xi32>
    %eq3A_1131 = arith.cmpi eq, %and3A_1128, %eq3A_1130 : vector<8x2048xi32>
    %slice3A_1132 = vector.extract_strided_slice %select_n3A_1124 {offsets = [0, 64], sizes = [8, 1984], strides = [1, 1]} : vector<8x2048xf32> to vector<8x1984xf32>
    %slice3A_1133 = vector.extract_strided_slice %select_n3A_1124 {offsets = [0, 0], sizes = [8, 64], strides = [1, 1]} : vector<8x2048xf32> to vector<8x64xf32>
    %concatenate3A_1134 = tpu.concatenate %slice3A_1132, %slice3A_1133 in 1 : vector<8x1984xf32>, vector<8x64xf32> -> vector<8x2048xf32>
    %slice3A_1135 = vector.extract_strided_slice %select_n3A_1124 {offsets = [0, 1984], sizes = [8, 64], strides = [1, 1]} : vector<8x2048xf32> to vector<8x64xf32>
    %slice3A_1136 = vector.extract_strided_slice %select_n3A_1124 {offsets = [0, 0], sizes = [8, 1984], strides = [1, 1]} : vector<8x2048xf32> to vector<8x1984xf32>
    %concatenate3A_1137 = tpu.concatenate %slice3A_1135, %slice3A_1136 in 1 : vector<8x64xf32>, vector<8x1984xf32> -> vector<8x2048xf32>
    %select_n3A_1138 = arith.select %eq3A_1131, %concatenate3A_1134, %concatenate3A_1137 : vector<8x2048xi1>, vector<8x2048xf32>
    %slice3A_1139 = vector.extract_strided_slice %select_n3A_1125 {offsets = [0, 64], sizes = [8, 1984], strides = [1, 1]} : vector<8x2048xi32> to vector<8x1984xi32>
    %slice3A_1140 = vector.extract_strided_slice %select_n3A_1125 {offsets = [0, 0], sizes = [8, 64], strides = [1, 1]} : vector<8x2048xi32> to vector<8x64xi32>
    %concatenate3A_1141 = tpu.concatenate %slice3A_1139, %slice3A_1140 in 1 : vector<8x1984xi32>, vector<8x64xi32> -> vector<8x2048xi32>
    %slice3A_1142 = vector.extract_strided_slice %select_n3A_1125 {offsets = [0, 1984], sizes = [8, 64], strides = [1, 1]} : vector<8x2048xi32> to vector<8x64xi32>
    %slice3A_1143 = vector.extract_strided_slice %select_n3A_1125 {offsets = [0, 0], sizes = [8, 1984], strides = [1, 1]} : vector<8x2048xi32> to vector<8x1984xi32>
    %concatenate3A_1144 = tpu.concatenate %slice3A_1142, %slice3A_1143 in 1 : vector<8x64xi32>, vector<8x1984xi32> -> vector<8x2048xi32>
    %select_n3A_1145 = arith.select %eq3A_1131, %concatenate3A_1141, %concatenate3A_1144 : vector<8x2048xi1>, vector<8x2048xi32>
    %and3A_1146 = arith.constant 256 : i32
    %and3A_1147 = vector.broadcast %and3A_1146 : i32 to vector<8x2048xi32>
    %and3A_1148 = arith.andi %iota3A_2, %and3A_1147 : vector<8x2048xi32>
    %eq3A_1149 = arith.constant 0 : i32
    %eq3A_1150 = vector.broadcast %eq3A_1149 : i32 to vector<8x2048xi32>
    %eq3A_1151 = arith.cmpi eq, %and3A_1148, %eq3A_1150 : vector<8x2048xi32>
    %eq3A_1152 = arith.xori %eq3A_1151, %eq3A_1131 : vector<8x2048xi1>
    %eq3A_1153 = arith.constant dense<true> : vector<8x2048xi1>
    %eq3A_1154 = arith.xori %eq3A_1152, %eq3A_1153 : vector<8x2048xi1>
    %gt3A_1155 = arith.cmpf ogt, %select_n3A_1124, %select_n3A_1138 : vector<8x2048xf32>
    %eq3A_1156 = arith.cmpf oeq, %select_n3A_1124, %select_n3A_1138 : vector<8x2048xf32>
    %lt3A_1157 = arith.cmpi slt, %select_n3A_1125, %select_n3A_1145 : vector<8x2048xi32>
    %and3A_1158 = arith.andi %eq3A_1156, %lt3A_1157 : vector<8x2048xi1>
    %or3A_1159 = arith.ori %gt3A_1155, %and3A_1158 : vector<8x2048xi1>
    %eq3A_1160 = arith.xori %eq3A_1154, %or3A_1159 : vector<8x2048xi1>
    %eq3A_1161 = arith.constant dense<true> : vector<8x2048xi1>
    %eq3A_1162 = arith.xori %eq3A_1160, %eq3A_1161 : vector<8x2048xi1>
    %select_n3A_1163 = arith.select %eq3A_1162, %select_n3A_1124, %select_n3A_1138 : vector<8x2048xi1>, vector<8x2048xf32>
    %select_n3A_1164 = arith.select %eq3A_1162, %select_n3A_1125, %select_n3A_1145 : vector<8x2048xi1>, vector<8x2048xi32>
    %and3A_1165 = arith.constant 32 : i32
    %and3A_1166 = vector.broadcast %and3A_1165 : i32 to vector<8x2048xi32>
    %and3A_1167 = arith.andi %iota3A_2, %and3A_1166 : vector<8x2048xi32>
    %eq3A_1168 = arith.constant 0 : i32
    %eq3A_1169 = vector.broadcast %eq3A_1168 : i32 to vector<8x2048xi32>
    %eq3A_1170 = arith.cmpi eq, %and3A_1167, %eq3A_1169 : vector<8x2048xi32>
    %slice3A_1171 = vector.extract_strided_slice %select_n3A_1163 {offsets = [0, 32], sizes = [8, 2016], strides = [1, 1]} : vector<8x2048xf32> to vector<8x2016xf32>
    %slice3A_1172 = vector.extract_strided_slice %select_n3A_1163 {offsets = [0, 0], sizes = [8, 32], strides = [1, 1]} : vector<8x2048xf32> to vector<8x32xf32>
    %concatenate3A_1173 = tpu.concatenate %slice3A_1171, %slice3A_1172 in 1 : vector<8x2016xf32>, vector<8x32xf32> -> vector<8x2048xf32>
    %slice3A_1174 = vector.extract_strided_slice %select_n3A_1163 {offsets = [0, 2016], sizes = [8, 32], strides = [1, 1]} : vector<8x2048xf32> to vector<8x32xf32>
    %slice3A_1175 = vector.extract_strided_slice %select_n3A_1163 {offsets = [0, 0], sizes = [8, 2016], strides = [1, 1]} : vector<8x2048xf32> to vector<8x2016xf32>
    %concatenate3A_1176 = tpu.concatenate %slice3A_1174, %slice3A_1175 in 1 : vector<8x32xf32>, vector<8x2016xf32> -> vector<8x2048xf32>
    %select_n3A_1177 = arith.select %eq3A_1170, %concatenate3A_1173, %concatenate3A_1176 : vector<8x2048xi1>, vector<8x2048xf32>
    %slice3A_1178 = vector.extract_strided_slice %select_n3A_1164 {offsets = [0, 32], sizes = [8, 2016], strides = [1, 1]} : vector<8x2048xi32> to vector<8x2016xi32>
    %slice3A_1179 = vector.extract_strided_slice %select_n3A_1164 {offsets = [0, 0], sizes = [8, 32], strides = [1, 1]} : vector<8x2048xi32> to vector<8x32xi32>
    %concatenate3A_1180 = tpu.concatenate %slice3A_1178, %slice3A_1179 in 1 : vector<8x2016xi32>, vector<8x32xi32> -> vector<8x2048xi32>
    %slice3A_1181 = vector.extract_strided_slice %select_n3A_1164 {offsets = [0, 2016], sizes = [8, 32], strides = [1, 1]} : vector<8x2048xi32> to vector<8x32xi32>
    %slice3A_1182 = vector.extract_strided_slice %select_n3A_1164 {offsets = [0, 0], sizes = [8, 2016], strides = [1, 1]} : vector<8x2048xi32> to vector<8x2016xi32>
    %concatenate3A_1183 = tpu.concatenate %slice3A_1181, %slice3A_1182 in 1 : vector<8x32xi32>, vector<8x2016xi32> -> vector<8x2048xi32>
    %select_n3A_1184 = arith.select %eq3A_1170, %concatenate3A_1180, %concatenate3A_1183 : vector<8x2048xi1>, vector<8x2048xi32>
    %and3A_1185 = arith.constant 256 : i32
    %and3A_1186 = vector.broadcast %and3A_1185 : i32 to vector<8x2048xi32>
    %and3A_1187 = arith.andi %iota3A_2, %and3A_1186 : vector<8x2048xi32>
    %eq3A_1188 = arith.constant 0 : i32
    %eq3A_1189 = vector.broadcast %eq3A_1188 : i32 to vector<8x2048xi32>
    %eq3A_1190 = arith.cmpi eq, %and3A_1187, %eq3A_1189 : vector<8x2048xi32>
    %eq3A_1191 = arith.xori %eq3A_1190, %eq3A_1170 : vector<8x2048xi1>
    %eq3A_1192 = arith.constant dense<true> : vector<8x2048xi1>
    %eq3A_1193 = arith.xori %eq3A_1191, %eq3A_1192 : vector<8x2048xi1>
    %gt3A_1194 = arith.cmpf ogt, %select_n3A_1163, %select_n3A_1177 : vector<8x2048xf32>
    %eq3A_1195 = arith.cmpf oeq, %select_n3A_1163, %select_n3A_1177 : vector<8x2048xf32>
    %lt3A_1196 = arith.cmpi slt, %select_n3A_1164, %select_n3A_1184 : vector<8x2048xi32>
    %and3A_1197 = arith.andi %eq3A_1195, %lt3A_1196 : vector<8x2048xi1>
    %or3A_1198 = arith.ori %gt3A_1194, %and3A_1197 : vector<8x2048xi1>
    %eq3A_1199 = arith.xori %eq3A_1193, %or3A_1198 : vector<8x2048xi1>
    %eq3A_1200 = arith.constant dense<true> : vector<8x2048xi1>
    %eq3A_1201 = arith.xori %eq3A_1199, %eq3A_1200 : vector<8x2048xi1>
    %select_n3A_1202 = arith.select %eq3A_1201, %select_n3A_1163, %select_n3A_1177 : vector<8x2048xi1>, vector<8x2048xf32>
    %select_n3A_1203 = arith.select %eq3A_1201, %select_n3A_1164, %select_n3A_1184 : vector<8x2048xi1>, vector<8x2048xi32>
    %and3A_1204 = arith.constant 16 : i32
    %and3A_1205 = vector.broadcast %and3A_1204 : i32 to vector<8x2048xi32>
    %and3A_1206 = arith.andi %iota3A_2, %and3A_1205 : vector<8x2048xi32>
    %eq3A_1207 = arith.constant 0 : i32
    %eq3A_1208 = vector.broadcast %eq3A_1207 : i32 to vector<8x2048xi32>
    %eq3A_1209 = arith.cmpi eq, %and3A_1206, %eq3A_1208 : vector<8x2048xi32>
    %slice3A_1210 = vector.extract_strided_slice %select_n3A_1202 {offsets = [0, 16], sizes = [8, 2032], strides = [1, 1]} : vector<8x2048xf32> to vector<8x2032xf32>
    %slice3A_1211 = vector.extract_strided_slice %select_n3A_1202 {offsets = [0, 0], sizes = [8, 16], strides = [1, 1]} : vector<8x2048xf32> to vector<8x16xf32>
    %concatenate3A_1212 = tpu.concatenate %slice3A_1210, %slice3A_1211 in 1 : vector<8x2032xf32>, vector<8x16xf32> -> vector<8x2048xf32>
    %slice3A_1213 = vector.extract_strided_slice %select_n3A_1202 {offsets = [0, 2032], sizes = [8, 16], strides = [1, 1]} : vector<8x2048xf32> to vector<8x16xf32>
    %slice3A_1214 = vector.extract_strided_slice %select_n3A_1202 {offsets = [0, 0], sizes = [8, 2032], strides = [1, 1]} : vector<8x2048xf32> to vector<8x2032xf32>
    %concatenate3A_1215 = tpu.concatenate %slice3A_1213, %slice3A_1214 in 1 : vector<8x16xf32>, vector<8x2032xf32> -> vector<8x2048xf32>
    %select_n3A_1216 = arith.select %eq3A_1209, %concatenate3A_1212, %concatenate3A_1215 : vector<8x2048xi1>, vector<8x2048xf32>
    %slice3A_1217 = vector.extract_strided_slice %select_n3A_1203 {offsets = [0, 16], sizes = [8, 2032], strides = [1, 1]} : vector<8x2048xi32> to vector<8x2032xi32>
    %slice3A_1218 = vector.extract_strided_slice %select_n3A_1203 {offsets = [0, 0], sizes = [8, 16], strides = [1, 1]} : vector<8x2048xi32> to vector<8x16xi32>
    %concatenate3A_1219 = tpu.concatenate %slice3A_1217, %slice3A_1218 in 1 : vector<8x2032xi32>, vector<8x16xi32> -> vector<8x2048xi32>
    %slice3A_1220 = vector.extract_strided_slice %select_n3A_1203 {offsets = [0, 2032], sizes = [8, 16], strides = [1, 1]} : vector<8x2048xi32> to vector<8x16xi32>
    %slice3A_1221 = vector.extract_strided_slice %select_n3A_1203 {offsets = [0, 0], sizes = [8, 2032], strides = [1, 1]} : vector<8x2048xi32> to vector<8x2032xi32>
    %concatenate3A_1222 = tpu.concatenate %slice3A_1220, %slice3A_1221 in 1 : vector<8x16xi32>, vector<8x2032xi32> -> vector<8x2048xi32>
    %select_n3A_1223 = arith.select %eq3A_1209, %concatenate3A_1219, %concatenate3A_1222 : vector<8x2048xi1>, vector<8x2048xi32>
    %and3A_1224 = arith.constant 256 : i32
    %and3A_1225 = vector.broadcast %and3A_1224 : i32 to vector<8x2048xi32>
    %and3A_1226 = arith.andi %iota3A_2, %and3A_1225 : vector<8x2048xi32>
    %eq3A_1227 = arith.constant 0 : i32
    %eq3A_1228 = vector.broadcast %eq3A_1227 : i32 to vector<8x2048xi32>
    %eq3A_1229 = arith.cmpi eq, %and3A_1226, %eq3A_1228 : vector<8x2048xi32>
    %eq3A_1230 = arith.xori %eq3A_1229, %eq3A_1209 : vector<8x2048xi1>
    %eq3A_1231 = arith.constant dense<true> : vector<8x2048xi1>
    %eq3A_1232 = arith.xori %eq3A_1230, %eq3A_1231 : vector<8x2048xi1>
    %gt3A_1233 = arith.cmpf ogt, %select_n3A_1202, %select_n3A_1216 : vector<8x2048xf32>
    %eq3A_1234 = arith.cmpf oeq, %select_n3A_1202, %select_n3A_1216 : vector<8x2048xf32>
    %lt3A_1235 = arith.cmpi slt, %select_n3A_1203, %select_n3A_1223 : vector<8x2048xi32>
    %and3A_1236 = arith.andi %eq3A_1234, %lt3A_1235 : vector<8x2048xi1>
    %or3A_1237 = arith.ori %gt3A_1233, %and3A_1236 : vector<8x2048xi1>
    %eq3A_1238 = arith.xori %eq3A_1232, %or3A_1237 : vector<8x2048xi1>
    %eq3A_1239 = arith.constant dense<true> : vector<8x2048xi1>
    %eq3A_1240 = arith.xori %eq3A_1238, %eq3A_1239 : vector<8x2048xi1>
    %select_n3A_1241 = arith.select %eq3A_1240, %select_n3A_1202, %select_n3A_1216 : vector<8x2048xi1>, vector<8x2048xf32>
    %select_n3A_1242 = arith.select %eq3A_1240, %select_n3A_1203, %select_n3A_1223 : vector<8x2048xi1>, vector<8x2048xi32>
    %and3A_1243 = arith.constant 8 : i32
    %and3A_1244 = vector.broadcast %and3A_1243 : i32 to vector<8x2048xi32>
    %and3A_1245 = arith.andi %iota3A_2, %and3A_1244 : vector<8x2048xi32>
    %eq3A_1246 = arith.constant 0 : i32
    %eq3A_1247 = vector.broadcast %eq3A_1246 : i32 to vector<8x2048xi32>
    %eq3A_1248 = arith.cmpi eq, %and3A_1245, %eq3A_1247 : vector<8x2048xi32>
    %slice3A_1249 = vector.extract_strided_slice %select_n3A_1241 {offsets = [0, 8], sizes = [8, 2040], strides = [1, 1]} : vector<8x2048xf32> to vector<8x2040xf32>
    %slice3A_1250 = vector.extract_strided_slice %select_n3A_1241 {offsets = [0, 0], sizes = [8, 8], strides = [1, 1]} : vector<8x2048xf32> to vector<8x8xf32>
    %concatenate3A_1251 = tpu.concatenate %slice3A_1249, %slice3A_1250 in 1 : vector<8x2040xf32>, vector<8x8xf32> -> vector<8x2048xf32>
    %slice3A_1252 = vector.extract_strided_slice %select_n3A_1241 {offsets = [0, 2040], sizes = [8, 8], strides = [1, 1]} : vector<8x2048xf32> to vector<8x8xf32>
    %slice3A_1253 = vector.extract_strided_slice %select_n3A_1241 {offsets = [0, 0], sizes = [8, 2040], strides = [1, 1]} : vector<8x2048xf32> to vector<8x2040xf32>
    %concatenate3A_1254 = tpu.concatenate %slice3A_1252, %slice3A_1253 in 1 : vector<8x8xf32>, vector<8x2040xf32> -> vector<8x2048xf32>
    %select_n3A_1255 = arith.select %eq3A_1248, %concatenate3A_1251, %concatenate3A_1254 : vector<8x2048xi1>, vector<8x2048xf32>
    %slice3A_1256 = vector.extract_strided_slice %select_n3A_1242 {offsets = [0, 8], sizes = [8, 2040], strides = [1, 1]} : vector<8x2048xi32> to vector<8x2040xi32>
    %slice3A_1257 = vector.extract_strided_slice %select_n3A_1242 {offsets = [0, 0], sizes = [8, 8], strides = [1, 1]} : vector<8x2048xi32> to vector<8x8xi32>
    %concatenate3A_1258 = tpu.concatenate %slice3A_1256, %slice3A_1257 in 1 : vector<8x2040xi32>, vector<8x8xi32> -> vector<8x2048xi32>
    %slice3A_1259 = vector.extract_strided_slice %select_n3A_1242 {offsets = [0, 2040], sizes = [8, 8], strides = [1, 1]} : vector<8x2048xi32> to vector<8x8xi32>
    %slice3A_1260 = vector.extract_strided_slice %select_n3A_1242 {offsets = [0, 0], sizes = [8, 2040], strides = [1, 1]} : vector<8x2048xi32> to vector<8x2040xi32>
    %concatenate3A_1261 = tpu.concatenate %slice3A_1259, %slice3A_1260 in 1 : vector<8x8xi32>, vector<8x2040xi32> -> vector<8x2048xi32>
    %select_n3A_1262 = arith.select %eq3A_1248, %concatenate3A_1258, %concatenate3A_1261 : vector<8x2048xi1>, vector<8x2048xi32>
    %and3A_1263 = arith.constant 256 : i32
    %and3A_1264 = vector.broadcast %and3A_1263 : i32 to vector<8x2048xi32>
    %and3A_1265 = arith.andi %iota3A_2, %and3A_1264 : vector<8x2048xi32>
    %eq3A_1266 = arith.constant 0 : i32
    %eq3A_1267 = vector.broadcast %eq3A_1266 : i32 to vector<8x2048xi32>
    %eq3A_1268 = arith.cmpi eq, %and3A_1265, %eq3A_1267 : vector<8x2048xi32>
    %eq3A_1269 = arith.xori %eq3A_1268, %eq3A_1248 : vector<8x2048xi1>
    %eq3A_1270 = arith.constant dense<true> : vector<8x2048xi1>
    %eq3A_1271 = arith.xori %eq3A_1269, %eq3A_1270 : vector<8x2048xi1>
    %gt3A_1272 = arith.cmpf ogt, %select_n3A_1241, %select_n3A_1255 : vector<8x2048xf32>
    %eq3A_1273 = arith.cmpf oeq, %select_n3A_1241, %select_n3A_1255 : vector<8x2048xf32>
    %lt3A_1274 = arith.cmpi slt, %select_n3A_1242, %select_n3A_1262 : vector<8x2048xi32>
    %and3A_1275 = arith.andi %eq3A_1273, %lt3A_1274 : vector<8x2048xi1>
    %or3A_1276 = arith.ori %gt3A_1272, %and3A_1275 : vector<8x2048xi1>
    %eq3A_1277 = arith.xori %eq3A_1271, %or3A_1276 : vector<8x2048xi1>
    %eq3A_1278 = arith.constant dense<true> : vector<8x2048xi1>
    %eq3A_1279 = arith.xori %eq3A_1277, %eq3A_1278 : vector<8x2048xi1>
    %select_n3A_1280 = arith.select %eq3A_1279, %select_n3A_1241, %select_n3A_1255 : vector<8x2048xi1>, vector<8x2048xf32>
    %select_n3A_1281 = arith.select %eq3A_1279, %select_n3A_1242, %select_n3A_1262 : vector<8x2048xi1>, vector<8x2048xi32>
    %and3A_1282 = arith.constant 4 : i32
    %and3A_1283 = vector.broadcast %and3A_1282 : i32 to vector<8x2048xi32>
    %and3A_1284 = arith.andi %iota3A_2, %and3A_1283 : vector<8x2048xi32>
    %eq3A_1285 = arith.constant 0 : i32
    %eq3A_1286 = vector.broadcast %eq3A_1285 : i32 to vector<8x2048xi32>
    %eq3A_1287 = arith.cmpi eq, %and3A_1284, %eq3A_1286 : vector<8x2048xi32>
    %slice3A_1288 = vector.extract_strided_slice %select_n3A_1280 {offsets = [0, 4], sizes = [8, 2044], strides = [1, 1]} : vector<8x2048xf32> to vector<8x2044xf32>
    %slice3A_1289 = vector.extract_strided_slice %select_n3A_1280 {offsets = [0, 0], sizes = [8, 4], strides = [1, 1]} : vector<8x2048xf32> to vector<8x4xf32>
    %concatenate3A_1290 = tpu.concatenate %slice3A_1288, %slice3A_1289 in 1 : vector<8x2044xf32>, vector<8x4xf32> -> vector<8x2048xf32>
    %slice3A_1291 = vector.extract_strided_slice %select_n3A_1280 {offsets = [0, 2044], sizes = [8, 4], strides = [1, 1]} : vector<8x2048xf32> to vector<8x4xf32>
    %slice3A_1292 = vector.extract_strided_slice %select_n3A_1280 {offsets = [0, 0], sizes = [8, 2044], strides = [1, 1]} : vector<8x2048xf32> to vector<8x2044xf32>
    %concatenate3A_1293 = tpu.concatenate %slice3A_1291, %slice3A_1292 in 1 : vector<8x4xf32>, vector<8x2044xf32> -> vector<8x2048xf32>
    %select_n3A_1294 = arith.select %eq3A_1287, %concatenate3A_1290, %concatenate3A_1293 : vector<8x2048xi1>, vector<8x2048xf32>
    %slice3A_1295 = vector.extract_strided_slice %select_n3A_1281 {offsets = [0, 4], sizes = [8, 2044], strides = [1, 1]} : vector<8x2048xi32> to vector<8x2044xi32>
    %slice3A_1296 = vector.extract_strided_slice %select_n3A_1281 {offsets = [0, 0], sizes = [8, 4], strides = [1, 1]} : vector<8x2048xi32> to vector<8x4xi32>
    %concatenate3A_1297 = tpu.concatenate %slice3A_1295, %slice3A_1296 in 1 : vector<8x2044xi32>, vector<8x4xi32> -> vector<8x2048xi32>
    %slice3A_1298 = vector.extract_strided_slice %select_n3A_1281 {offsets = [0, 2044], sizes = [8, 4], strides = [1, 1]} : vector<8x2048xi32> to vector<8x4xi32>
    %slice3A_1299 = vector.extract_strided_slice %select_n3A_1281 {offsets = [0, 0], sizes = [8, 2044], strides = [1, 1]} : vector<8x2048xi32> to vector<8x2044xi32>
    %concatenate3A_1300 = tpu.concatenate %slice3A_1298, %slice3A_1299 in 1 : vector<8x4xi32>, vector<8x2044xi32> -> vector<8x2048xi32>
    %select_n3A_1301 = arith.select %eq3A_1287, %concatenate3A_1297, %concatenate3A_1300 : vector<8x2048xi1>, vector<8x2048xi32>
    %and3A_1302 = arith.constant 256 : i32
    %and3A_1303 = vector.broadcast %and3A_1302 : i32 to vector<8x2048xi32>
    %and3A_1304 = arith.andi %iota3A_2, %and3A_1303 : vector<8x2048xi32>
    %eq3A_1305 = arith.constant 0 : i32
    %eq3A_1306 = vector.broadcast %eq3A_1305 : i32 to vector<8x2048xi32>
    %eq3A_1307 = arith.cmpi eq, %and3A_1304, %eq3A_1306 : vector<8x2048xi32>
    %eq3A_1308 = arith.xori %eq3A_1307, %eq3A_1287 : vector<8x2048xi1>
    %eq3A_1309 = arith.constant dense<true> : vector<8x2048xi1>
    %eq3A_1310 = arith.xori %eq3A_1308, %eq3A_1309 : vector<8x2048xi1>
    %gt3A_1311 = arith.cmpf ogt, %select_n3A_1280, %select_n3A_1294 : vector<8x2048xf32>
    %eq3A_1312 = arith.cmpf oeq, %select_n3A_1280, %select_n3A_1294 : vector<8x2048xf32>
    %lt3A_1313 = arith.cmpi slt, %select_n3A_1281, %select_n3A_1301 : vector<8x2048xi32>
    %and3A_1314 = arith.andi %eq3A_1312, %lt3A_1313 : vector<8x2048xi1>
    %or3A_1315 = arith.ori %gt3A_1311, %and3A_1314 : vector<8x2048xi1>
    %eq3A_1316 = arith.xori %eq3A_1310, %or3A_1315 : vector<8x2048xi1>
    %eq3A_1317 = arith.constant dense<true> : vector<8x2048xi1>
    %eq3A_1318 = arith.xori %eq3A_1316, %eq3A_1317 : vector<8x2048xi1>
    %select_n3A_1319 = arith.select %eq3A_1318, %select_n3A_1280, %select_n3A_1294 : vector<8x2048xi1>, vector<8x2048xf32>
    %select_n3A_1320 = arith.select %eq3A_1318, %select_n3A_1281, %select_n3A_1301 : vector<8x2048xi1>, vector<8x2048xi32>
    %and3A_1321 = arith.constant 2 : i32
    %and3A_1322 = vector.broadcast %and3A_1321 : i32 to vector<8x2048xi32>
    %and3A_1323 = arith.andi %iota3A_2, %and3A_1322 : vector<8x2048xi32>
    %eq3A_1324 = arith.constant 0 : i32
    %eq3A_1325 = vector.broadcast %eq3A_1324 : i32 to vector<8x2048xi32>
    %eq3A_1326 = arith.cmpi eq, %and3A_1323, %eq3A_1325 : vector<8x2048xi32>
    %slice3A_1327 = vector.extract_strided_slice %select_n3A_1319 {offsets = [0, 2], sizes = [8, 2046], strides = [1, 1]} : vector<8x2048xf32> to vector<8x2046xf32>
    %slice3A_1328 = vector.extract_strided_slice %select_n3A_1319 {offsets = [0, 0], sizes = [8, 2], strides = [1, 1]} : vector<8x2048xf32> to vector<8x2xf32>
    %concatenate3A_1329 = tpu.concatenate %slice3A_1327, %slice3A_1328 in 1 : vector<8x2046xf32>, vector<8x2xf32> -> vector<8x2048xf32>
    %slice3A_1330 = vector.extract_strided_slice %select_n3A_1319 {offsets = [0, 2046], sizes = [8, 2], strides = [1, 1]} : vector<8x2048xf32> to vector<8x2xf32>
    %slice3A_1331 = vector.extract_strided_slice %select_n3A_1319 {offsets = [0, 0], sizes = [8, 2046], strides = [1, 1]} : vector<8x2048xf32> to vector<8x2046xf32>
    %concatenate3A_1332 = tpu.concatenate %slice3A_1330, %slice3A_1331 in 1 : vector<8x2xf32>, vector<8x2046xf32> -> vector<8x2048xf32>
    %select_n3A_1333 = arith.select %eq3A_1326, %concatenate3A_1329, %concatenate3A_1332 : vector<8x2048xi1>, vector<8x2048xf32>
    %slice3A_1334 = vector.extract_strided_slice %select_n3A_1320 {offsets = [0, 2], sizes = [8, 2046], strides = [1, 1]} : vector<8x2048xi32> to vector<8x2046xi32>
    %slice3A_1335 = vector.extract_strided_slice %select_n3A_1320 {offsets = [0, 0], sizes = [8, 2], strides = [1, 1]} : vector<8x2048xi32> to vector<8x2xi32>
    %concatenate3A_1336 = tpu.concatenate %slice3A_1334, %slice3A_1335 in 1 : vector<8x2046xi32>, vector<8x2xi32> -> vector<8x2048xi32>
    %slice3A_1337 = vector.extract_strided_slice %select_n3A_1320 {offsets = [0, 2046], sizes = [8, 2], strides = [1, 1]} : vector<8x2048xi32> to vector<8x2xi32>
    %slice3A_1338 = vector.extract_strided_slice %select_n3A_1320 {offsets = [0, 0], sizes = [8, 2046], strides = [1, 1]} : vector<8x2048xi32> to vector<8x2046xi32>
    %concatenate3A_1339 = tpu.concatenate %slice3A_1337, %slice3A_1338 in 1 : vector<8x2xi32>, vector<8x2046xi32> -> vector<8x2048xi32>
    %select_n3A_1340 = arith.select %eq3A_1326, %concatenate3A_1336, %concatenate3A_1339 : vector<8x2048xi1>, vector<8x2048xi32>
    %and3A_1341 = arith.constant 256 : i32
    %and3A_1342 = vector.broadcast %and3A_1341 : i32 to vector<8x2048xi32>
    %and3A_1343 = arith.andi %iota3A_2, %and3A_1342 : vector<8x2048xi32>
    %eq3A_1344 = arith.constant 0 : i32
    %eq3A_1345 = vector.broadcast %eq3A_1344 : i32 to vector<8x2048xi32>
    %eq3A_1346 = arith.cmpi eq, %and3A_1343, %eq3A_1345 : vector<8x2048xi32>
    %eq3A_1347 = arith.xori %eq3A_1346, %eq3A_1326 : vector<8x2048xi1>
    %eq3A_1348 = arith.constant dense<true> : vector<8x2048xi1>
    %eq3A_1349 = arith.xori %eq3A_1347, %eq3A_1348 : vector<8x2048xi1>
    %gt3A_1350 = arith.cmpf ogt, %select_n3A_1319, %select_n3A_1333 : vector<8x2048xf32>
    %eq3A_1351 = arith.cmpf oeq, %select_n3A_1319, %select_n3A_1333 : vector<8x2048xf32>
    %lt3A_1352 = arith.cmpi slt, %select_n3A_1320, %select_n3A_1340 : vector<8x2048xi32>
    %and3A_1353 = arith.andi %eq3A_1351, %lt3A_1352 : vector<8x2048xi1>
    %or3A_1354 = arith.ori %gt3A_1350, %and3A_1353 : vector<8x2048xi1>
    %eq3A_1355 = arith.xori %eq3A_1349, %or3A_1354 : vector<8x2048xi1>
    %eq3A_1356 = arith.constant dense<true> : vector<8x2048xi1>
    %eq3A_1357 = arith.xori %eq3A_1355, %eq3A_1356 : vector<8x2048xi1>
    %select_n3A_1358 = arith.select %eq3A_1357, %select_n3A_1319, %select_n3A_1333 : vector<8x2048xi1>, vector<8x2048xf32>
    %select_n3A_1359 = arith.select %eq3A_1357, %select_n3A_1320, %select_n3A_1340 : vector<8x2048xi1>, vector<8x2048xi32>
    %and3A_1360 = arith.constant 1 : i32
    %and3A_1361 = vector.broadcast %and3A_1360 : i32 to vector<8x2048xi32>
    %and3A_1362 = arith.andi %iota3A_2, %and3A_1361 : vector<8x2048xi32>
    %eq3A_1363 = arith.constant 0 : i32
    %eq3A_1364 = vector.broadcast %eq3A_1363 : i32 to vector<8x2048xi32>
    %eq3A_1365 = arith.cmpi eq, %and3A_1362, %eq3A_1364 : vector<8x2048xi32>
    %slice3A_1366 = vector.extract_strided_slice %select_n3A_1358 {offsets = [0, 1], sizes = [8, 2047], strides = [1, 1]} : vector<8x2048xf32> to vector<8x2047xf32>
    %slice3A_1367 = vector.extract_strided_slice %select_n3A_1358 {offsets = [0, 0], sizes = [8, 1], strides = [1, 1]} : vector<8x2048xf32> to vector<8x1xf32>
    %concatenate3A_1368 = tpu.concatenate %slice3A_1366, %slice3A_1367 in 1 : vector<8x2047xf32>, vector<8x1xf32> -> vector<8x2048xf32>
    %slice3A_1369 = vector.extract_strided_slice %select_n3A_1358 {offsets = [0, 2047], sizes = [8, 1], strides = [1, 1]} : vector<8x2048xf32> to vector<8x1xf32>
    %slice3A_1370 = vector.extract_strided_slice %select_n3A_1358 {offsets = [0, 0], sizes = [8, 2047], strides = [1, 1]} : vector<8x2048xf32> to vector<8x2047xf32>
    %concatenate3A_1371 = tpu.concatenate %slice3A_1369, %slice3A_1370 in 1 : vector<8x1xf32>, vector<8x2047xf32> -> vector<8x2048xf32>
    %select_n3A_1372 = arith.select %eq3A_1365, %concatenate3A_1368, %concatenate3A_1371 : vector<8x2048xi1>, vector<8x2048xf32>
    %slice3A_1373 = vector.extract_strided_slice %select_n3A_1359 {offsets = [0, 1], sizes = [8, 2047], strides = [1, 1]} : vector<8x2048xi32> to vector<8x2047xi32>
    %slice3A_1374 = vector.extract_strided_slice %select_n3A_1359 {offsets = [0, 0], sizes = [8, 1], strides = [1, 1]} : vector<8x2048xi32> to vector<8x1xi32>
    %concatenate3A_1375 = tpu.concatenate %slice3A_1373, %slice3A_1374 in 1 : vector<8x2047xi32>, vector<8x1xi32> -> vector<8x2048xi32>
    %slice3A_1376 = vector.extract_strided_slice %select_n3A_1359 {offsets = [0, 2047], sizes = [8, 1], strides = [1, 1]} : vector<8x2048xi32> to vector<8x1xi32>
    %slice3A_1377 = vector.extract_strided_slice %select_n3A_1359 {offsets = [0, 0], sizes = [8, 2047], strides = [1, 1]} : vector<8x2048xi32> to vector<8x2047xi32>
    %concatenate3A_1378 = tpu.concatenate %slice3A_1376, %slice3A_1377 in 1 : vector<8x1xi32>, vector<8x2047xi32> -> vector<8x2048xi32>
    %select_n3A_1379 = arith.select %eq3A_1365, %concatenate3A_1375, %concatenate3A_1378 : vector<8x2048xi1>, vector<8x2048xi32>
    %and3A_1380 = arith.constant 256 : i32
    %and3A_1381 = vector.broadcast %and3A_1380 : i32 to vector<8x2048xi32>
    %and3A_1382 = arith.andi %iota3A_2, %and3A_1381 : vector<8x2048xi32>
    %eq3A_1383 = arith.constant 0 : i32
    %eq3A_1384 = vector.broadcast %eq3A_1383 : i32 to vector<8x2048xi32>
    %eq3A_1385 = arith.cmpi eq, %and3A_1382, %eq3A_1384 : vector<8x2048xi32>
    %eq3A_1386 = arith.xori %eq3A_1385, %eq3A_1365 : vector<8x2048xi1>
    %eq3A_1387 = arith.constant dense<true> : vector<8x2048xi1>
    %eq3A_1388 = arith.xori %eq3A_1386, %eq3A_1387 : vector<8x2048xi1>
    %gt3A_1389 = arith.cmpf ogt, %select_n3A_1358, %select_n3A_1372 : vector<8x2048xf32>
    %eq3A_1390 = arith.cmpf oeq, %select_n3A_1358, %select_n3A_1372 : vector<8x2048xf32>
    %lt3A_1391 = arith.cmpi slt, %select_n3A_1359, %select_n3A_1379 : vector<8x2048xi32>
    %and3A_1392 = arith.andi %eq3A_1390, %lt3A_1391 : vector<8x2048xi1>
    %or3A_1393 = arith.ori %gt3A_1389, %and3A_1392 : vector<8x2048xi1>
    %eq3A_1394 = arith.xori %eq3A_1388, %or3A_1393 : vector<8x2048xi1>
    %eq3A_1395 = arith.constant dense<true> : vector<8x2048xi1>
    %eq3A_1396 = arith.xori %eq3A_1394, %eq3A_1395 : vector<8x2048xi1>
    %select_n3A_1397 = arith.select %eq3A_1396, %select_n3A_1358, %select_n3A_1372 : vector<8x2048xi1>, vector<8x2048xf32>
    %select_n3A_1398 = arith.select %eq3A_1396, %select_n3A_1359, %select_n3A_1379 : vector<8x2048xi1>, vector<8x2048xi32>
    %and3A_1399 = arith.constant 256 : i32
    %and3A_1400 = vector.broadcast %and3A_1399 : i32 to vector<8x2048xi32>
    %and3A_1401 = arith.andi %iota3A_2, %and3A_1400 : vector<8x2048xi32>
    %eq3A_1402 = arith.constant 0 : i32
    %eq3A_1403 = vector.broadcast %eq3A_1402 : i32 to vector<8x2048xi32>
    %eq3A_1404 = arith.cmpi eq, %and3A_1401, %eq3A_1403 : vector<8x2048xi32>
    %slice3A_1405 = vector.extract_strided_slice %select_n3A_1397 {offsets = [0, 256], sizes = [8, 1792], strides = [1, 1]} : vector<8x2048xf32> to vector<8x1792xf32>
    %slice3A_1406 = vector.extract_strided_slice %select_n3A_1397 {offsets = [0, 0], sizes = [8, 256], strides = [1, 1]} : vector<8x2048xf32> to vector<8x256xf32>
    %concatenate3A_1407 = tpu.concatenate %slice3A_1405, %slice3A_1406 in 1 : vector<8x1792xf32>, vector<8x256xf32> -> vector<8x2048xf32>
    %slice3A_1408 = vector.extract_strided_slice %select_n3A_1397 {offsets = [0, 1792], sizes = [8, 256], strides = [1, 1]} : vector<8x2048xf32> to vector<8x256xf32>
    %slice3A_1409 = vector.extract_strided_slice %select_n3A_1397 {offsets = [0, 0], sizes = [8, 1792], strides = [1, 1]} : vector<8x2048xf32> to vector<8x1792xf32>
    %concatenate3A_1410 = tpu.concatenate %slice3A_1408, %slice3A_1409 in 1 : vector<8x256xf32>, vector<8x1792xf32> -> vector<8x2048xf32>
    %select_n3A_1411 = arith.select %eq3A_1404, %concatenate3A_1407, %concatenate3A_1410 : vector<8x2048xi1>, vector<8x2048xf32>
    %slice3A_1412 = vector.extract_strided_slice %select_n3A_1398 {offsets = [0, 256], sizes = [8, 1792], strides = [1, 1]} : vector<8x2048xi32> to vector<8x1792xi32>
    %slice3A_1413 = vector.extract_strided_slice %select_n3A_1398 {offsets = [0, 0], sizes = [8, 256], strides = [1, 1]} : vector<8x2048xi32> to vector<8x256xi32>
    %concatenate3A_1414 = tpu.concatenate %slice3A_1412, %slice3A_1413 in 1 : vector<8x1792xi32>, vector<8x256xi32> -> vector<8x2048xi32>
    %slice3A_1415 = vector.extract_strided_slice %select_n3A_1398 {offsets = [0, 1792], sizes = [8, 256], strides = [1, 1]} : vector<8x2048xi32> to vector<8x256xi32>
    %slice3A_1416 = vector.extract_strided_slice %select_n3A_1398 {offsets = [0, 0], sizes = [8, 1792], strides = [1, 1]} : vector<8x2048xi32> to vector<8x1792xi32>
    %concatenate3A_1417 = tpu.concatenate %slice3A_1415, %slice3A_1416 in 1 : vector<8x256xi32>, vector<8x1792xi32> -> vector<8x2048xi32>
    %select_n3A_1418 = arith.select %eq3A_1404, %concatenate3A_1414, %concatenate3A_1417 : vector<8x2048xi1>, vector<8x2048xi32>
    %and3A_1419 = arith.constant 512 : i32
    %and3A_1420 = vector.broadcast %and3A_1419 : i32 to vector<8x2048xi32>
    %and3A_1421 = arith.andi %iota3A_2, %and3A_1420 : vector<8x2048xi32>
    %eq3A_1422 = arith.constant 0 : i32
    %eq3A_1423 = vector.broadcast %eq3A_1422 : i32 to vector<8x2048xi32>
    %eq3A_1424 = arith.cmpi eq, %and3A_1421, %eq3A_1423 : vector<8x2048xi32>
    %eq3A_1425 = arith.xori %eq3A_1424, %eq3A_1404 : vector<8x2048xi1>
    %eq3A_1426 = arith.constant dense<true> : vector<8x2048xi1>
    %eq3A_1427 = arith.xori %eq3A_1425, %eq3A_1426 : vector<8x2048xi1>
    %gt3A_1428 = arith.cmpf ogt, %select_n3A_1397, %select_n3A_1411 : vector<8x2048xf32>
    %eq3A_1429 = arith.cmpf oeq, %select_n3A_1397, %select_n3A_1411 : vector<8x2048xf32>
    %lt3A_1430 = arith.cmpi slt, %select_n3A_1398, %select_n3A_1418 : vector<8x2048xi32>
    %and3A_1431 = arith.andi %eq3A_1429, %lt3A_1430 : vector<8x2048xi1>
    %or3A_1432 = arith.ori %gt3A_1428, %and3A_1431 : vector<8x2048xi1>
    %eq3A_1433 = arith.xori %eq3A_1427, %or3A_1432 : vector<8x2048xi1>
    %eq3A_1434 = arith.constant dense<true> : vector<8x2048xi1>
    %eq3A_1435 = arith.xori %eq3A_1433, %eq3A_1434 : vector<8x2048xi1>
    %select_n3A_1436 = arith.select %eq3A_1435, %select_n3A_1397, %select_n3A_1411 : vector<8x2048xi1>, vector<8x2048xf32>
    %select_n3A_1437 = arith.select %eq3A_1435, %select_n3A_1398, %select_n3A_1418 : vector<8x2048xi1>, vector<8x2048xi32>
    %and3A_1438 = arith.constant 128 : i32
    %and3A_1439 = vector.broadcast %and3A_1438 : i32 to vector<8x2048xi32>
    %and3A_1440 = arith.andi %iota3A_2, %and3A_1439 : vector<8x2048xi32>
    %eq3A_1441 = arith.constant 0 : i32
    %eq3A_1442 = vector.broadcast %eq3A_1441 : i32 to vector<8x2048xi32>
    %eq3A_1443 = arith.cmpi eq, %and3A_1440, %eq3A_1442 : vector<8x2048xi32>
    %slice3A_1444 = vector.extract_strided_slice %select_n3A_1436 {offsets = [0, 128], sizes = [8, 1920], strides = [1, 1]} : vector<8x2048xf32> to vector<8x1920xf32>
    %slice3A_1445 = vector.extract_strided_slice %select_n3A_1436 {offsets = [0, 0], sizes = [8, 128], strides = [1, 1]} : vector<8x2048xf32> to vector<8x128xf32>
    %concatenate3A_1446 = tpu.concatenate %slice3A_1444, %slice3A_1445 in 1 : vector<8x1920xf32>, vector<8x128xf32> -> vector<8x2048xf32>
    %slice3A_1447 = vector.extract_strided_slice %select_n3A_1436 {offsets = [0, 1920], sizes = [8, 128], strides = [1, 1]} : vector<8x2048xf32> to vector<8x128xf32>
    %slice3A_1448 = vector.extract_strided_slice %select_n3A_1436 {offsets = [0, 0], sizes = [8, 1920], strides = [1, 1]} : vector<8x2048xf32> to vector<8x1920xf32>
    %concatenate3A_1449 = tpu.concatenate %slice3A_1447, %slice3A_1448 in 1 : vector<8x128xf32>, vector<8x1920xf32> -> vector<8x2048xf32>
    %select_n3A_1450 = arith.select %eq3A_1443, %concatenate3A_1446, %concatenate3A_1449 : vector<8x2048xi1>, vector<8x2048xf32>
    %slice3A_1451 = vector.extract_strided_slice %select_n3A_1437 {offsets = [0, 128], sizes = [8, 1920], strides = [1, 1]} : vector<8x2048xi32> to vector<8x1920xi32>
    %slice3A_1452 = vector.extract_strided_slice %select_n3A_1437 {offsets = [0, 0], sizes = [8, 128], strides = [1, 1]} : vector<8x2048xi32> to vector<8x128xi32>
    %concatenate3A_1453 = tpu.concatenate %slice3A_1451, %slice3A_1452 in 1 : vector<8x1920xi32>, vector<8x128xi32> -> vector<8x2048xi32>
    %slice3A_1454 = vector.extract_strided_slice %select_n3A_1437 {offsets = [0, 1920], sizes = [8, 128], strides = [1, 1]} : vector<8x2048xi32> to vector<8x128xi32>
    %slice3A_1455 = vector.extract_strided_slice %select_n3A_1437 {offsets = [0, 0], sizes = [8, 1920], strides = [1, 1]} : vector<8x2048xi32> to vector<8x1920xi32>
    %concatenate3A_1456 = tpu.concatenate %slice3A_1454, %slice3A_1455 in 1 : vector<8x128xi32>, vector<8x1920xi32> -> vector<8x2048xi32>
    %select_n3A_1457 = arith.select %eq3A_1443, %concatenate3A_1453, %concatenate3A_1456 : vector<8x2048xi1>, vector<8x2048xi32>
    %and3A_1458 = arith.constant 512 : i32
    %and3A_1459 = vector.broadcast %and3A_1458 : i32 to vector<8x2048xi32>
    %and3A_1460 = arith.andi %iota3A_2, %and3A_1459 : vector<8x2048xi32>
    %eq3A_1461 = arith.constant 0 : i32
    %eq3A_1462 = vector.broadcast %eq3A_1461 : i32 to vector<8x2048xi32>
    %eq3A_1463 = arith.cmpi eq, %and3A_1460, %eq3A_1462 : vector<8x2048xi32>
    %eq3A_1464 = arith.xori %eq3A_1463, %eq3A_1443 : vector<8x2048xi1>
    %eq3A_1465 = arith.constant dense<true> : vector<8x2048xi1>
    %eq3A_1466 = arith.xori %eq3A_1464, %eq3A_1465 : vector<8x2048xi1>
    %gt3A_1467 = arith.cmpf ogt, %select_n3A_1436, %select_n3A_1450 : vector<8x2048xf32>
    %eq3A_1468 = arith.cmpf oeq, %select_n3A_1436, %select_n3A_1450 : vector<8x2048xf32>
    %lt3A_1469 = arith.cmpi slt, %select_n3A_1437, %select_n3A_1457 : vector<8x2048xi32>
    %and3A_1470 = arith.andi %eq3A_1468, %lt3A_1469 : vector<8x2048xi1>
    %or3A_1471 = arith.ori %gt3A_1467, %and3A_1470 : vector<8x2048xi1>
    %eq3A_1472 = arith.xori %eq3A_1466, %or3A_1471 : vector<8x2048xi1>
    %eq3A_1473 = arith.constant dense<true> : vector<8x2048xi1>
    %eq3A_1474 = arith.xori %eq3A_1472, %eq3A_1473 : vector<8x2048xi1>
    %select_n3A_1475 = arith.select %eq3A_1474, %select_n3A_1436, %select_n3A_1450 : vector<8x2048xi1>, vector<8x2048xf32>
    %select_n3A_1476 = arith.select %eq3A_1474, %select_n3A_1437, %select_n3A_1457 : vector<8x2048xi1>, vector<8x2048xi32>
    %and3A_1477 = arith.constant 64 : i32
    %and3A_1478 = vector.broadcast %and3A_1477 : i32 to vector<8x2048xi32>
    %and3A_1479 = arith.andi %iota3A_2, %and3A_1478 : vector<8x2048xi32>
    %eq3A_1480 = arith.constant 0 : i32
    %eq3A_1481 = vector.broadcast %eq3A_1480 : i32 to vector<8x2048xi32>
    %eq3A_1482 = arith.cmpi eq, %and3A_1479, %eq3A_1481 : vector<8x2048xi32>
    %slice3A_1483 = vector.extract_strided_slice %select_n3A_1475 {offsets = [0, 64], sizes = [8, 1984], strides = [1, 1]} : vector<8x2048xf32> to vector<8x1984xf32>
    %slice3A_1484 = vector.extract_strided_slice %select_n3A_1475 {offsets = [0, 0], sizes = [8, 64], strides = [1, 1]} : vector<8x2048xf32> to vector<8x64xf32>
    %concatenate3A_1485 = tpu.concatenate %slice3A_1483, %slice3A_1484 in 1 : vector<8x1984xf32>, vector<8x64xf32> -> vector<8x2048xf32>
    %slice3A_1486 = vector.extract_strided_slice %select_n3A_1475 {offsets = [0, 1984], sizes = [8, 64], strides = [1, 1]} : vector<8x2048xf32> to vector<8x64xf32>
    %slice3A_1487 = vector.extract_strided_slice %select_n3A_1475 {offsets = [0, 0], sizes = [8, 1984], strides = [1, 1]} : vector<8x2048xf32> to vector<8x1984xf32>
    %concatenate3A_1488 = tpu.concatenate %slice3A_1486, %slice3A_1487 in 1 : vector<8x64xf32>, vector<8x1984xf32> -> vector<8x2048xf32>
    %select_n3A_1489 = arith.select %eq3A_1482, %concatenate3A_1485, %concatenate3A_1488 : vector<8x2048xi1>, vector<8x2048xf32>
    %slice3A_1490 = vector.extract_strided_slice %select_n3A_1476 {offsets = [0, 64], sizes = [8, 1984], strides = [1, 1]} : vector<8x2048xi32> to vector<8x1984xi32>
    %slice3A_1491 = vector.extract_strided_slice %select_n3A_1476 {offsets = [0, 0], sizes = [8, 64], strides = [1, 1]} : vector<8x2048xi32> to vector<8x64xi32>
    %concatenate3A_1492 = tpu.concatenate %slice3A_1490, %slice3A_1491 in 1 : vector<8x1984xi32>, vector<8x64xi32> -> vector<8x2048xi32>
    %slice3A_1493 = vector.extract_strided_slice %select_n3A_1476 {offsets = [0, 1984], sizes = [8, 64], strides = [1, 1]} : vector<8x2048xi32> to vector<8x64xi32>
    %slice3A_1494 = vector.extract_strided_slice %select_n3A_1476 {offsets = [0, 0], sizes = [8, 1984], strides = [1, 1]} : vector<8x2048xi32> to vector<8x1984xi32>
    %concatenate3A_1495 = tpu.concatenate %slice3A_1493, %slice3A_1494 in 1 : vector<8x64xi32>, vector<8x1984xi32> -> vector<8x2048xi32>
    %select_n3A_1496 = arith.select %eq3A_1482, %concatenate3A_1492, %concatenate3A_1495 : vector<8x2048xi1>, vector<8x2048xi32>
    %and3A_1497 = arith.constant 512 : i32
    %and3A_1498 = vector.broadcast %and3A_1497 : i32 to vector<8x2048xi32>
    %and3A_1499 = arith.andi %iota3A_2, %and3A_1498 : vector<8x2048xi32>
    %eq3A_1500 = arith.constant 0 : i32
    %eq3A_1501 = vector.broadcast %eq3A_1500 : i32 to vector<8x2048xi32>
    %eq3A_1502 = arith.cmpi eq, %and3A_1499, %eq3A_1501 : vector<8x2048xi32>
    %eq3A_1503 = arith.xori %eq3A_1502, %eq3A_1482 : vector<8x2048xi1>
    %eq3A_1504 = arith.constant dense<true> : vector<8x2048xi1>
    %eq3A_1505 = arith.xori %eq3A_1503, %eq3A_1504 : vector<8x2048xi1>
    %gt3A_1506 = arith.cmpf ogt, %select_n3A_1475, %select_n3A_1489 : vector<8x2048xf32>
    %eq3A_1507 = arith.cmpf oeq, %select_n3A_1475, %select_n3A_1489 : vector<8x2048xf32>
    %lt3A_1508 = arith.cmpi slt, %select_n3A_1476, %select_n3A_1496 : vector<8x2048xi32>
    %and3A_1509 = arith.andi %eq3A_1507, %lt3A_1508 : vector<8x2048xi1>
    %or3A_1510 = arith.ori %gt3A_1506, %and3A_1509 : vector<8x2048xi1>
    %eq3A_1511 = arith.xori %eq3A_1505, %or3A_1510 : vector<8x2048xi1>
    %eq3A_1512 = arith.constant dense<true> : vector<8x2048xi1>
    %eq3A_1513 = arith.xori %eq3A_1511, %eq3A_1512 : vector<8x2048xi1>
    %select_n3A_1514 = arith.select %eq3A_1513, %select_n3A_1475, %select_n3A_1489 : vector<8x2048xi1>, vector<8x2048xf32>
    %select_n3A_1515 = arith.select %eq3A_1513, %select_n3A_1476, %select_n3A_1496 : vector<8x2048xi1>, vector<8x2048xi32>
    %and3A_1516 = arith.constant 32 : i32
    %and3A_1517 = vector.broadcast %and3A_1516 : i32 to vector<8x2048xi32>
    %and3A_1518 = arith.andi %iota3A_2, %and3A_1517 : vector<8x2048xi32>
    %eq3A_1519 = arith.constant 0 : i32
    %eq3A_1520 = vector.broadcast %eq3A_1519 : i32 to vector<8x2048xi32>
    %eq3A_1521 = arith.cmpi eq, %and3A_1518, %eq3A_1520 : vector<8x2048xi32>
    %slice3A_1522 = vector.extract_strided_slice %select_n3A_1514 {offsets = [0, 32], sizes = [8, 2016], strides = [1, 1]} : vector<8x2048xf32> to vector<8x2016xf32>
    %slice3A_1523 = vector.extract_strided_slice %select_n3A_1514 {offsets = [0, 0], sizes = [8, 32], strides = [1, 1]} : vector<8x2048xf32> to vector<8x32xf32>
    %concatenate3A_1524 = tpu.concatenate %slice3A_1522, %slice3A_1523 in 1 : vector<8x2016xf32>, vector<8x32xf32> -> vector<8x2048xf32>
    %slice3A_1525 = vector.extract_strided_slice %select_n3A_1514 {offsets = [0, 2016], sizes = [8, 32], strides = [1, 1]} : vector<8x2048xf32> to vector<8x32xf32>
    %slice3A_1526 = vector.extract_strided_slice %select_n3A_1514 {offsets = [0, 0], sizes = [8, 2016], strides = [1, 1]} : vector<8x2048xf32> to vector<8x2016xf32>
    %concatenate3A_1527 = tpu.concatenate %slice3A_1525, %slice3A_1526 in 1 : vector<8x32xf32>, vector<8x2016xf32> -> vector<8x2048xf32>
    %select_n3A_1528 = arith.select %eq3A_1521, %concatenate3A_1524, %concatenate3A_1527 : vector<8x2048xi1>, vector<8x2048xf32>
    %slice3A_1529 = vector.extract_strided_slice %select_n3A_1515 {offsets = [0, 32], sizes = [8, 2016], strides = [1, 1]} : vector<8x2048xi32> to vector<8x2016xi32>
    %slice3A_1530 = vector.extract_strided_slice %select_n3A_1515 {offsets = [0, 0], sizes = [8, 32], strides = [1, 1]} : vector<8x2048xi32> to vector<8x32xi32>
    %concatenate3A_1531 = tpu.concatenate %slice3A_1529, %slice3A_1530 in 1 : vector<8x2016xi32>, vector<8x32xi32> -> vector<8x2048xi32>
    %slice3A_1532 = vector.extract_strided_slice %select_n3A_1515 {offsets = [0, 2016], sizes = [8, 32], strides = [1, 1]} : vector<8x2048xi32> to vector<8x32xi32>
    %slice3A_1533 = vector.extract_strided_slice %select_n3A_1515 {offsets = [0, 0], sizes = [8, 2016], strides = [1, 1]} : vector<8x2048xi32> to vector<8x2016xi32>
    %concatenate3A_1534 = tpu.concatenate %slice3A_1532, %slice3A_1533 in 1 : vector<8x32xi32>, vector<8x2016xi32> -> vector<8x2048xi32>
    %select_n3A_1535 = arith.select %eq3A_1521, %concatenate3A_1531, %concatenate3A_1534 : vector<8x2048xi1>, vector<8x2048xi32>
    %and3A_1536 = arith.constant 512 : i32
    %and3A_1537 = vector.broadcast %and3A_1536 : i32 to vector<8x2048xi32>
    %and3A_1538 = arith.andi %iota3A_2, %and3A_1537 : vector<8x2048xi32>
    %eq3A_1539 = arith.constant 0 : i32
    %eq3A_1540 = vector.broadcast %eq3A_1539 : i32 to vector<8x2048xi32>
    %eq3A_1541 = arith.cmpi eq, %and3A_1538, %eq3A_1540 : vector<8x2048xi32>
    %eq3A_1542 = arith.xori %eq3A_1541, %eq3A_1521 : vector<8x2048xi1>
    %eq3A_1543 = arith.constant dense<true> : vector<8x2048xi1>
    %eq3A_1544 = arith.xori %eq3A_1542, %eq3A_1543 : vector<8x2048xi1>
    %gt3A_1545 = arith.cmpf ogt, %select_n3A_1514, %select_n3A_1528 : vector<8x2048xf32>
    %eq3A_1546 = arith.cmpf oeq, %select_n3A_1514, %select_n3A_1528 : vector<8x2048xf32>
    %lt3A_1547 = arith.cmpi slt, %select_n3A_1515, %select_n3A_1535 : vector<8x2048xi32>
    %and3A_1548 = arith.andi %eq3A_1546, %lt3A_1547 : vector<8x2048xi1>
    %or3A_1549 = arith.ori %gt3A_1545, %and3A_1548 : vector<8x2048xi1>
    %eq3A_1550 = arith.xori %eq3A_1544, %or3A_1549 : vector<8x2048xi1>
    %eq3A_1551 = arith.constant dense<true> : vector<8x2048xi1>
    %eq3A_1552 = arith.xori %eq3A_1550, %eq3A_1551 : vector<8x2048xi1>
    %select_n3A_1553 = arith.select %eq3A_1552, %select_n3A_1514, %select_n3A_1528 : vector<8x2048xi1>, vector<8x2048xf32>
    %select_n3A_1554 = arith.select %eq3A_1552, %select_n3A_1515, %select_n3A_1535 : vector<8x2048xi1>, vector<8x2048xi32>
    %and3A_1555 = arith.constant 16 : i32
    %and3A_1556 = vector.broadcast %and3A_1555 : i32 to vector<8x2048xi32>
    %and3A_1557 = arith.andi %iota3A_2, %and3A_1556 : vector<8x2048xi32>
    %eq3A_1558 = arith.constant 0 : i32
    %eq3A_1559 = vector.broadcast %eq3A_1558 : i32 to vector<8x2048xi32>
    %eq3A_1560 = arith.cmpi eq, %and3A_1557, %eq3A_1559 : vector<8x2048xi32>
    %slice3A_1561 = vector.extract_strided_slice %select_n3A_1553 {offsets = [0, 16], sizes = [8, 2032], strides = [1, 1]} : vector<8x2048xf32> to vector<8x2032xf32>
    %slice3A_1562 = vector.extract_strided_slice %select_n3A_1553 {offsets = [0, 0], sizes = [8, 16], strides = [1, 1]} : vector<8x2048xf32> to vector<8x16xf32>
    %concatenate3A_1563 = tpu.concatenate %slice3A_1561, %slice3A_1562 in 1 : vector<8x2032xf32>, vector<8x16xf32> -> vector<8x2048xf32>
    %slice3A_1564 = vector.extract_strided_slice %select_n3A_1553 {offsets = [0, 2032], sizes = [8, 16], strides = [1, 1]} : vector<8x2048xf32> to vector<8x16xf32>
    %slice3A_1565 = vector.extract_strided_slice %select_n3A_1553 {offsets = [0, 0], sizes = [8, 2032], strides = [1, 1]} : vector<8x2048xf32> to vector<8x2032xf32>
    %concatenate3A_1566 = tpu.concatenate %slice3A_1564, %slice3A_1565 in 1 : vector<8x16xf32>, vector<8x2032xf32> -> vector<8x2048xf32>
    %select_n3A_1567 = arith.select %eq3A_1560, %concatenate3A_1563, %concatenate3A_1566 : vector<8x2048xi1>, vector<8x2048xf32>
    %slice3A_1568 = vector.extract_strided_slice %select_n3A_1554 {offsets = [0, 16], sizes = [8, 2032], strides = [1, 1]} : vector<8x2048xi32> to vector<8x2032xi32>
    %slice3A_1569 = vector.extract_strided_slice %select_n3A_1554 {offsets = [0, 0], sizes = [8, 16], strides = [1, 1]} : vector<8x2048xi32> to vector<8x16xi32>
    %concatenate3A_1570 = tpu.concatenate %slice3A_1568, %slice3A_1569 in 1 : vector<8x2032xi32>, vector<8x16xi32> -> vector<8x2048xi32>
    %slice3A_1571 = vector.extract_strided_slice %select_n3A_1554 {offsets = [0, 2032], sizes = [8, 16], strides = [1, 1]} : vector<8x2048xi32> to vector<8x16xi32>
    %slice3A_1572 = vector.extract_strided_slice %select_n3A_1554 {offsets = [0, 0], sizes = [8, 2032], strides = [1, 1]} : vector<8x2048xi32> to vector<8x2032xi32>
    %concatenate3A_1573 = tpu.concatenate %slice3A_1571, %slice3A_1572 in 1 : vector<8x16xi32>, vector<8x2032xi32> -> vector<8x2048xi32>
    %select_n3A_1574 = arith.select %eq3A_1560, %concatenate3A_1570, %concatenate3A_1573 : vector<8x2048xi1>, vector<8x2048xi32>
    %and3A_1575 = arith.constant 512 : i32
    %and3A_1576 = vector.broadcast %and3A_1575 : i32 to vector<8x2048xi32>
    %and3A_1577 = arith.andi %iota3A_2, %and3A_1576 : vector<8x2048xi32>
    %eq3A_1578 = arith.constant 0 : i32
    %eq3A_1579 = vector.broadcast %eq3A_1578 : i32 to vector<8x2048xi32>
    %eq3A_1580 = arith.cmpi eq, %and3A_1577, %eq3A_1579 : vector<8x2048xi32>
    %eq3A_1581 = arith.xori %eq3A_1580, %eq3A_1560 : vector<8x2048xi1>
    %eq3A_1582 = arith.constant dense<true> : vector<8x2048xi1>
    %eq3A_1583 = arith.xori %eq3A_1581, %eq3A_1582 : vector<8x2048xi1>
    %gt3A_1584 = arith.cmpf ogt, %select_n3A_1553, %select_n3A_1567 : vector<8x2048xf32>
    %eq3A_1585 = arith.cmpf oeq, %select_n3A_1553, %select_n3A_1567 : vector<8x2048xf32>
    %lt3A_1586 = arith.cmpi slt, %select_n3A_1554, %select_n3A_1574 : vector<8x2048xi32>
    %and3A_1587 = arith.andi %eq3A_1585, %lt3A_1586 : vector<8x2048xi1>
    %or3A_1588 = arith.ori %gt3A_1584, %and3A_1587 : vector<8x2048xi1>
    %eq3A_1589 = arith.xori %eq3A_1583, %or3A_1588 : vector<8x2048xi1>
    %eq3A_1590 = arith.constant dense<true> : vector<8x2048xi1>
    %eq3A_1591 = arith.xori %eq3A_1589, %eq3A_1590 : vector<8x2048xi1>
    %select_n3A_1592 = arith.select %eq3A_1591, %select_n3A_1553, %select_n3A_1567 : vector<8x2048xi1>, vector<8x2048xf32>
    %select_n3A_1593 = arith.select %eq3A_1591, %select_n3A_1554, %select_n3A_1574 : vector<8x2048xi1>, vector<8x2048xi32>
    %and3A_1594 = arith.constant 8 : i32
    %and3A_1595 = vector.broadcast %and3A_1594 : i32 to vector<8x2048xi32>
    %and3A_1596 = arith.andi %iota3A_2, %and3A_1595 : vector<8x2048xi32>
    %eq3A_1597 = arith.constant 0 : i32
    %eq3A_1598 = vector.broadcast %eq3A_1597 : i32 to vector<8x2048xi32>
    %eq3A_1599 = arith.cmpi eq, %and3A_1596, %eq3A_1598 : vector<8x2048xi32>
    %slice3A_1600 = vector.extract_strided_slice %select_n3A_1592 {offsets = [0, 8], sizes = [8, 2040], strides = [1, 1]} : vector<8x2048xf32> to vector<8x2040xf32>
    %slice3A_1601 = vector.extract_strided_slice %select_n3A_1592 {offsets = [0, 0], sizes = [8, 8], strides = [1, 1]} : vector<8x2048xf32> to vector<8x8xf32>
    %concatenate3A_1602 = tpu.concatenate %slice3A_1600, %slice3A_1601 in 1 : vector<8x2040xf32>, vector<8x8xf32> -> vector<8x2048xf32>
    %slice3A_1603 = vector.extract_strided_slice %select_n3A_1592 {offsets = [0, 2040], sizes = [8, 8], strides = [1, 1]} : vector<8x2048xf32> to vector<8x8xf32>
    %slice3A_1604 = vector.extract_strided_slice %select_n3A_1592 {offsets = [0, 0], sizes = [8, 2040], strides = [1, 1]} : vector<8x2048xf32> to vector<8x2040xf32>
    %concatenate3A_1605 = tpu.concatenate %slice3A_1603, %slice3A_1604 in 1 : vector<8x8xf32>, vector<8x2040xf32> -> vector<8x2048xf32>
    %select_n3A_1606 = arith.select %eq3A_1599, %concatenate3A_1602, %concatenate3A_1605 : vector<8x2048xi1>, vector<8x2048xf32>
    %slice3A_1607 = vector.extract_strided_slice %select_n3A_1593 {offsets = [0, 8], sizes = [8, 2040], strides = [1, 1]} : vector<8x2048xi32> to vector<8x2040xi32>
    %slice3A_1608 = vector.extract_strided_slice %select_n3A_1593 {offsets = [0, 0], sizes = [8, 8], strides = [1, 1]} : vector<8x2048xi32> to vector<8x8xi32>
    %concatenate3A_1609 = tpu.concatenate %slice3A_1607, %slice3A_1608 in 1 : vector<8x2040xi32>, vector<8x8xi32> -> vector<8x2048xi32>
    %slice3A_1610 = vector.extract_strided_slice %select_n3A_1593 {offsets = [0, 2040], sizes = [8, 8], strides = [1, 1]} : vector<8x2048xi32> to vector<8x8xi32>
    %slice3A_1611 = vector.extract_strided_slice %select_n3A_1593 {offsets = [0, 0], sizes = [8, 2040], strides = [1, 1]} : vector<8x2048xi32> to vector<8x2040xi32>
    %concatenate3A_1612 = tpu.concatenate %slice3A_1610, %slice3A_1611 in 1 : vector<8x8xi32>, vector<8x2040xi32> -> vector<8x2048xi32>
    %select_n3A_1613 = arith.select %eq3A_1599, %concatenate3A_1609, %concatenate3A_1612 : vector<8x2048xi1>, vector<8x2048xi32>
    %and3A_1614 = arith.constant 512 : i32
    %and3A_1615 = vector.broadcast %and3A_1614 : i32 to vector<8x2048xi32>
    %and3A_1616 = arith.andi %iota3A_2, %and3A_1615 : vector<8x2048xi32>
    %eq3A_1617 = arith.constant 0 : i32
    %eq3A_1618 = vector.broadcast %eq3A_1617 : i32 to vector<8x2048xi32>
    %eq3A_1619 = arith.cmpi eq, %and3A_1616, %eq3A_1618 : vector<8x2048xi32>
    %eq3A_1620 = arith.xori %eq3A_1619, %eq3A_1599 : vector<8x2048xi1>
    %eq3A_1621 = arith.constant dense<true> : vector<8x2048xi1>
    %eq3A_1622 = arith.xori %eq3A_1620, %eq3A_1621 : vector<8x2048xi1>
    %gt3A_1623 = arith.cmpf ogt, %select_n3A_1592, %select_n3A_1606 : vector<8x2048xf32>
    %eq3A_1624 = arith.cmpf oeq, %select_n3A_1592, %select_n3A_1606 : vector<8x2048xf32>
    %lt3A_1625 = arith.cmpi slt, %select_n3A_1593, %select_n3A_1613 : vector<8x2048xi32>
    %and3A_1626 = arith.andi %eq3A_1624, %lt3A_1625 : vector<8x2048xi1>
    %or3A_1627 = arith.ori %gt3A_1623, %and3A_1626 : vector<8x2048xi1>
    %eq3A_1628 = arith.xori %eq3A_1622, %or3A_1627 : vector<8x2048xi1>
    %eq3A_1629 = arith.constant dense<true> : vector<8x2048xi1>
    %eq3A_1630 = arith.xori %eq3A_1628, %eq3A_1629 : vector<8x2048xi1>
    %select_n3A_1631 = arith.select %eq3A_1630, %select_n3A_1592, %select_n3A_1606 : vector<8x2048xi1>, vector<8x2048xf32>
    %select_n3A_1632 = arith.select %eq3A_1630, %select_n3A_1593, %select_n3A_1613 : vector<8x2048xi1>, vector<8x2048xi32>
    %and3A_1633 = arith.constant 4 : i32
    %and3A_1634 = vector.broadcast %and3A_1633 : i32 to vector<8x2048xi32>
    %and3A_1635 = arith.andi %iota3A_2, %and3A_1634 : vector<8x2048xi32>
    %eq3A_1636 = arith.constant 0 : i32
    %eq3A_1637 = vector.broadcast %eq3A_1636 : i32 to vector<8x2048xi32>
    %eq3A_1638 = arith.cmpi eq, %and3A_1635, %eq3A_1637 : vector<8x2048xi32>
    %slice3A_1639 = vector.extract_strided_slice %select_n3A_1631 {offsets = [0, 4], sizes = [8, 2044], strides = [1, 1]} : vector<8x2048xf32> to vector<8x2044xf32>
    %slice3A_1640 = vector.extract_strided_slice %select_n3A_1631 {offsets = [0, 0], sizes = [8, 4], strides = [1, 1]} : vector<8x2048xf32> to vector<8x4xf32>
    %concatenate3A_1641 = tpu.concatenate %slice3A_1639, %slice3A_1640 in 1 : vector<8x2044xf32>, vector<8x4xf32> -> vector<8x2048xf32>
    %slice3A_1642 = vector.extract_strided_slice %select_n3A_1631 {offsets = [0, 2044], sizes = [8, 4], strides = [1, 1]} : vector<8x2048xf32> to vector<8x4xf32>
    %slice3A_1643 = vector.extract_strided_slice %select_n3A_1631 {offsets = [0, 0], sizes = [8, 2044], strides = [1, 1]} : vector<8x2048xf32> to vector<8x2044xf32>
    %concatenate3A_1644 = tpu.concatenate %slice3A_1642, %slice3A_1643 in 1 : vector<8x4xf32>, vector<8x2044xf32> -> vector<8x2048xf32>
    %select_n3A_1645 = arith.select %eq3A_1638, %concatenate3A_1641, %concatenate3A_1644 : vector<8x2048xi1>, vector<8x2048xf32>
    %slice3A_1646 = vector.extract_strided_slice %select_n3A_1632 {offsets = [0, 4], sizes = [8, 2044], strides = [1, 1]} : vector<8x2048xi32> to vector<8x2044xi32>
    %slice3A_1647 = vector.extract_strided_slice %select_n3A_1632 {offsets = [0, 0], sizes = [8, 4], strides = [1, 1]} : vector<8x2048xi32> to vector<8x4xi32>
    %concatenate3A_1648 = tpu.concatenate %slice3A_1646, %slice3A_1647 in 1 : vector<8x2044xi32>, vector<8x4xi32> -> vector<8x2048xi32>
    %slice3A_1649 = vector.extract_strided_slice %select_n3A_1632 {offsets = [0, 2044], sizes = [8, 4], strides = [1, 1]} : vector<8x2048xi32> to vector<8x4xi32>
    %slice3A_1650 = vector.extract_strided_slice %select_n3A_1632 {offsets = [0, 0], sizes = [8, 2044], strides = [1, 1]} : vector<8x2048xi32> to vector<8x2044xi32>
    %concatenate3A_1651 = tpu.concatenate %slice3A_1649, %slice3A_1650 in 1 : vector<8x4xi32>, vector<8x2044xi32> -> vector<8x2048xi32>
    %select_n3A_1652 = arith.select %eq3A_1638, %concatenate3A_1648, %concatenate3A_1651 : vector<8x2048xi1>, vector<8x2048xi32>
    %and3A_1653 = arith.constant 512 : i32
    %and3A_1654 = vector.broadcast %and3A_1653 : i32 to vector<8x2048xi32>
    %and3A_1655 = arith.andi %iota3A_2, %and3A_1654 : vector<8x2048xi32>
    %eq3A_1656 = arith.constant 0 : i32
    %eq3A_1657 = vector.broadcast %eq3A_1656 : i32 to vector<8x2048xi32>
    %eq3A_1658 = arith.cmpi eq, %and3A_1655, %eq3A_1657 : vector<8x2048xi32>
    %eq3A_1659 = arith.xori %eq3A_1658, %eq3A_1638 : vector<8x2048xi1>
    %eq3A_1660 = arith.constant dense<true> : vector<8x2048xi1>
    %eq3A_1661 = arith.xori %eq3A_1659, %eq3A_1660 : vector<8x2048xi1>
    %gt3A_1662 = arith.cmpf ogt, %select_n3A_1631, %select_n3A_1645 : vector<8x2048xf32>
    %eq3A_1663 = arith.cmpf oeq, %select_n3A_1631, %select_n3A_1645 : vector<8x2048xf32>
    %lt3A_1664 = arith.cmpi slt, %select_n3A_1632, %select_n3A_1652 : vector<8x2048xi32>
    %and3A_1665 = arith.andi %eq3A_1663, %lt3A_1664 : vector<8x2048xi1>
    %or3A_1666 = arith.ori %gt3A_1662, %and3A_1665 : vector<8x2048xi1>
    %eq3A_1667 = arith.xori %eq3A_1661, %or3A_1666 : vector<8x2048xi1>
    %eq3A_1668 = arith.constant dense<true> : vector<8x2048xi1>
    %eq3A_1669 = arith.xori %eq3A_1667, %eq3A_1668 : vector<8x2048xi1>
    %select_n3A_1670 = arith.select %eq3A_1669, %select_n3A_1631, %select_n3A_1645 : vector<8x2048xi1>, vector<8x2048xf32>
    %select_n3A_1671 = arith.select %eq3A_1669, %select_n3A_1632, %select_n3A_1652 : vector<8x2048xi1>, vector<8x2048xi32>
    %and3A_1672 = arith.constant 2 : i32
    %and3A_1673 = vector.broadcast %and3A_1672 : i32 to vector<8x2048xi32>
    %and3A_1674 = arith.andi %iota3A_2, %and3A_1673 : vector<8x2048xi32>
    %eq3A_1675 = arith.constant 0 : i32
    %eq3A_1676 = vector.broadcast %eq3A_1675 : i32 to vector<8x2048xi32>
    %eq3A_1677 = arith.cmpi eq, %and3A_1674, %eq3A_1676 : vector<8x2048xi32>
    %slice3A_1678 = vector.extract_strided_slice %select_n3A_1670 {offsets = [0, 2], sizes = [8, 2046], strides = [1, 1]} : vector<8x2048xf32> to vector<8x2046xf32>
    %slice3A_1679 = vector.extract_strided_slice %select_n3A_1670 {offsets = [0, 0], sizes = [8, 2], strides = [1, 1]} : vector<8x2048xf32> to vector<8x2xf32>
    %concatenate3A_1680 = tpu.concatenate %slice3A_1678, %slice3A_1679 in 1 : vector<8x2046xf32>, vector<8x2xf32> -> vector<8x2048xf32>
    %slice3A_1681 = vector.extract_strided_slice %select_n3A_1670 {offsets = [0, 2046], sizes = [8, 2], strides = [1, 1]} : vector<8x2048xf32> to vector<8x2xf32>
    %slice3A_1682 = vector.extract_strided_slice %select_n3A_1670 {offsets = [0, 0], sizes = [8, 2046], strides = [1, 1]} : vector<8x2048xf32> to vector<8x2046xf32>
    %concatenate3A_1683 = tpu.concatenate %slice3A_1681, %slice3A_1682 in 1 : vector<8x2xf32>, vector<8x2046xf32> -> vector<8x2048xf32>
    %select_n3A_1684 = arith.select %eq3A_1677, %concatenate3A_1680, %concatenate3A_1683 : vector<8x2048xi1>, vector<8x2048xf32>
    %slice3A_1685 = vector.extract_strided_slice %select_n3A_1671 {offsets = [0, 2], sizes = [8, 2046], strides = [1, 1]} : vector<8x2048xi32> to vector<8x2046xi32>
    %slice3A_1686 = vector.extract_strided_slice %select_n3A_1671 {offsets = [0, 0], sizes = [8, 2], strides = [1, 1]} : vector<8x2048xi32> to vector<8x2xi32>
    %concatenate3A_1687 = tpu.concatenate %slice3A_1685, %slice3A_1686 in 1 : vector<8x2046xi32>, vector<8x2xi32> -> vector<8x2048xi32>
    %slice3A_1688 = vector.extract_strided_slice %select_n3A_1671 {offsets = [0, 2046], sizes = [8, 2], strides = [1, 1]} : vector<8x2048xi32> to vector<8x2xi32>
    %slice3A_1689 = vector.extract_strided_slice %select_n3A_1671 {offsets = [0, 0], sizes = [8, 2046], strides = [1, 1]} : vector<8x2048xi32> to vector<8x2046xi32>
    %concatenate3A_1690 = tpu.concatenate %slice3A_1688, %slice3A_1689 in 1 : vector<8x2xi32>, vector<8x2046xi32> -> vector<8x2048xi32>
    %select_n3A_1691 = arith.select %eq3A_1677, %concatenate3A_1687, %concatenate3A_1690 : vector<8x2048xi1>, vector<8x2048xi32>
    %and3A_1692 = arith.constant 512 : i32
    %and3A_1693 = vector.broadcast %and3A_1692 : i32 to vector<8x2048xi32>
    %and3A_1694 = arith.andi %iota3A_2, %and3A_1693 : vector<8x2048xi32>
    %eq3A_1695 = arith.constant 0 : i32
    %eq3A_1696 = vector.broadcast %eq3A_1695 : i32 to vector<8x2048xi32>
    %eq3A_1697 = arith.cmpi eq, %and3A_1694, %eq3A_1696 : vector<8x2048xi32>
    %eq3A_1698 = arith.xori %eq3A_1697, %eq3A_1677 : vector<8x2048xi1>
    %eq3A_1699 = arith.constant dense<true> : vector<8x2048xi1>
    %eq3A_1700 = arith.xori %eq3A_1698, %eq3A_1699 : vector<8x2048xi1>
    %gt3A_1701 = arith.cmpf ogt, %select_n3A_1670, %select_n3A_1684 : vector<8x2048xf32>
    %eq3A_1702 = arith.cmpf oeq, %select_n3A_1670, %select_n3A_1684 : vector<8x2048xf32>
    %lt3A_1703 = arith.cmpi slt, %select_n3A_1671, %select_n3A_1691 : vector<8x2048xi32>
    %and3A_1704 = arith.andi %eq3A_1702, %lt3A_1703 : vector<8x2048xi1>
    %or3A_1705 = arith.ori %gt3A_1701, %and3A_1704 : vector<8x2048xi1>
    %eq3A_1706 = arith.xori %eq3A_1700, %or3A_1705 : vector<8x2048xi1>
    %eq3A_1707 = arith.constant dense<true> : vector<8x2048xi1>
    %eq3A_1708 = arith.xori %eq3A_1706, %eq3A_1707 : vector<8x2048xi1>
    %select_n3A_1709 = arith.select %eq3A_1708, %select_n3A_1670, %select_n3A_1684 : vector<8x2048xi1>, vector<8x2048xf32>
    %select_n3A_1710 = arith.select %eq3A_1708, %select_n3A_1671, %select_n3A_1691 : vector<8x2048xi1>, vector<8x2048xi32>
    %and3A_1711 = arith.constant 1 : i32
    %and3A_1712 = vector.broadcast %and3A_1711 : i32 to vector<8x2048xi32>
    %and3A_1713 = arith.andi %iota3A_2, %and3A_1712 : vector<8x2048xi32>
    %eq3A_1714 = arith.constant 0 : i32
    %eq3A_1715 = vector.broadcast %eq3A_1714 : i32 to vector<8x2048xi32>
    %eq3A_1716 = arith.cmpi eq, %and3A_1713, %eq3A_1715 : vector<8x2048xi32>
    %slice3A_1717 = vector.extract_strided_slice %select_n3A_1709 {offsets = [0, 1], sizes = [8, 2047], strides = [1, 1]} : vector<8x2048xf32> to vector<8x2047xf32>
    %slice3A_1718 = vector.extract_strided_slice %select_n3A_1709 {offsets = [0, 0], sizes = [8, 1], strides = [1, 1]} : vector<8x2048xf32> to vector<8x1xf32>
    %concatenate3A_1719 = tpu.concatenate %slice3A_1717, %slice3A_1718 in 1 : vector<8x2047xf32>, vector<8x1xf32> -> vector<8x2048xf32>
    %slice3A_1720 = vector.extract_strided_slice %select_n3A_1709 {offsets = [0, 2047], sizes = [8, 1], strides = [1, 1]} : vector<8x2048xf32> to vector<8x1xf32>
    %slice3A_1721 = vector.extract_strided_slice %select_n3A_1709 {offsets = [0, 0], sizes = [8, 2047], strides = [1, 1]} : vector<8x2048xf32> to vector<8x2047xf32>
    %concatenate3A_1722 = tpu.concatenate %slice3A_1720, %slice3A_1721 in 1 : vector<8x1xf32>, vector<8x2047xf32> -> vector<8x2048xf32>
    %select_n3A_1723 = arith.select %eq3A_1716, %concatenate3A_1719, %concatenate3A_1722 : vector<8x2048xi1>, vector<8x2048xf32>
    %slice3A_1724 = vector.extract_strided_slice %select_n3A_1710 {offsets = [0, 1], sizes = [8, 2047], strides = [1, 1]} : vector<8x2048xi32> to vector<8x2047xi32>
    %slice3A_1725 = vector.extract_strided_slice %select_n3A_1710 {offsets = [0, 0], sizes = [8, 1], strides = [1, 1]} : vector<8x2048xi32> to vector<8x1xi32>
    %concatenate3A_1726 = tpu.concatenate %slice3A_1724, %slice3A_1725 in 1 : vector<8x2047xi32>, vector<8x1xi32> -> vector<8x2048xi32>
    %slice3A_1727 = vector.extract_strided_slice %select_n3A_1710 {offsets = [0, 2047], sizes = [8, 1], strides = [1, 1]} : vector<8x2048xi32> to vector<8x1xi32>
    %slice3A_1728 = vector.extract_strided_slice %select_n3A_1710 {offsets = [0, 0], sizes = [8, 2047], strides = [1, 1]} : vector<8x2048xi32> to vector<8x2047xi32>
    %concatenate3A_1729 = tpu.concatenate %slice3A_1727, %slice3A_1728 in 1 : vector<8x1xi32>, vector<8x2047xi32> -> vector<8x2048xi32>
    %select_n3A_1730 = arith.select %eq3A_1716, %concatenate3A_1726, %concatenate3A_1729 : vector<8x2048xi1>, vector<8x2048xi32>
    %and3A_1731 = arith.constant 512 : i32
    %and3A_1732 = vector.broadcast %and3A_1731 : i32 to vector<8x2048xi32>
    %and3A_1733 = arith.andi %iota3A_2, %and3A_1732 : vector<8x2048xi32>
    %eq3A_1734 = arith.constant 0 : i32
    %eq3A_1735 = vector.broadcast %eq3A_1734 : i32 to vector<8x2048xi32>
    %eq3A_1736 = arith.cmpi eq, %and3A_1733, %eq3A_1735 : vector<8x2048xi32>
    %eq3A_1737 = arith.xori %eq3A_1736, %eq3A_1716 : vector<8x2048xi1>
    %eq3A_1738 = arith.constant dense<true> : vector<8x2048xi1>
    %eq3A_1739 = arith.xori %eq3A_1737, %eq3A_1738 : vector<8x2048xi1>
    %gt3A_1740 = arith.cmpf ogt, %select_n3A_1709, %select_n3A_1723 : vector<8x2048xf32>
    %eq3A_1741 = arith.cmpf oeq, %select_n3A_1709, %select_n3A_1723 : vector<8x2048xf32>
    %lt3A_1742 = arith.cmpi slt, %select_n3A_1710, %select_n3A_1730 : vector<8x2048xi32>
    %and3A_1743 = arith.andi %eq3A_1741, %lt3A_1742 : vector<8x2048xi1>
    %or3A_1744 = arith.ori %gt3A_1740, %and3A_1743 : vector<8x2048xi1>
    %eq3A_1745 = arith.xori %eq3A_1739, %or3A_1744 : vector<8x2048xi1>
    %eq3A_1746 = arith.constant dense<true> : vector<8x2048xi1>
    %eq3A_1747 = arith.xori %eq3A_1745, %eq3A_1746 : vector<8x2048xi1>
    %select_n3A_1748 = arith.select %eq3A_1747, %select_n3A_1709, %select_n3A_1723 : vector<8x2048xi1>, vector<8x2048xf32>
    %select_n3A_1749 = arith.select %eq3A_1747, %select_n3A_1710, %select_n3A_1730 : vector<8x2048xi1>, vector<8x2048xi32>
    %and3A_1750 = arith.constant 512 : i32
    %and3A_1751 = vector.broadcast %and3A_1750 : i32 to vector<8x2048xi32>
    %and3A_1752 = arith.andi %iota3A_2, %and3A_1751 : vector<8x2048xi32>
    %eq3A_1753 = arith.constant 0 : i32
    %eq3A_1754 = vector.broadcast %eq3A_1753 : i32 to vector<8x2048xi32>
    %eq3A_1755 = arith.cmpi eq, %and3A_1752, %eq3A_1754 : vector<8x2048xi32>
    %slice3A_1756 = vector.extract_strided_slice %select_n3A_1748 {offsets = [0, 512], sizes = [8, 1536], strides = [1, 1]} : vector<8x2048xf32> to vector<8x1536xf32>
    %slice3A_1757 = vector.extract_strided_slice %select_n3A_1748 {offsets = [0, 0], sizes = [8, 512], strides = [1, 1]} : vector<8x2048xf32> to vector<8x512xf32>
    %concatenate3A_1758 = tpu.concatenate %slice3A_1756, %slice3A_1757 in 1 : vector<8x1536xf32>, vector<8x512xf32> -> vector<8x2048xf32>
    %slice3A_1759 = vector.extract_strided_slice %select_n3A_1748 {offsets = [0, 1536], sizes = [8, 512], strides = [1, 1]} : vector<8x2048xf32> to vector<8x512xf32>
    %slice3A_1760 = vector.extract_strided_slice %select_n3A_1748 {offsets = [0, 0], sizes = [8, 1536], strides = [1, 1]} : vector<8x2048xf32> to vector<8x1536xf32>
    %concatenate3A_1761 = tpu.concatenate %slice3A_1759, %slice3A_1760 in 1 : vector<8x512xf32>, vector<8x1536xf32> -> vector<8x2048xf32>
    %select_n3A_1762 = arith.select %eq3A_1755, %concatenate3A_1758, %concatenate3A_1761 : vector<8x2048xi1>, vector<8x2048xf32>
    %slice3A_1763 = vector.extract_strided_slice %select_n3A_1749 {offsets = [0, 512], sizes = [8, 1536], strides = [1, 1]} : vector<8x2048xi32> to vector<8x1536xi32>
    %slice3A_1764 = vector.extract_strided_slice %select_n3A_1749 {offsets = [0, 0], sizes = [8, 512], strides = [1, 1]} : vector<8x2048xi32> to vector<8x512xi32>
    %concatenate3A_1765 = tpu.concatenate %slice3A_1763, %slice3A_1764 in 1 : vector<8x1536xi32>, vector<8x512xi32> -> vector<8x2048xi32>
    %slice3A_1766 = vector.extract_strided_slice %select_n3A_1749 {offsets = [0, 1536], sizes = [8, 512], strides = [1, 1]} : vector<8x2048xi32> to vector<8x512xi32>
    %slice3A_1767 = vector.extract_strided_slice %select_n3A_1749 {offsets = [0, 0], sizes = [8, 1536], strides = [1, 1]} : vector<8x2048xi32> to vector<8x1536xi32>
    %concatenate3A_1768 = tpu.concatenate %slice3A_1766, %slice3A_1767 in 1 : vector<8x512xi32>, vector<8x1536xi32> -> vector<8x2048xi32>
    %select_n3A_1769 = arith.select %eq3A_1755, %concatenate3A_1765, %concatenate3A_1768 : vector<8x2048xi1>, vector<8x2048xi32>
    %and3A_1770 = arith.constant 1024 : i32
    %and3A_1771 = vector.broadcast %and3A_1770 : i32 to vector<8x2048xi32>
    %and3A_1772 = arith.andi %iota3A_2, %and3A_1771 : vector<8x2048xi32>
    %eq3A_1773 = arith.constant 0 : i32
    %eq3A_1774 = vector.broadcast %eq3A_1773 : i32 to vector<8x2048xi32>
    %eq3A_1775 = arith.cmpi eq, %and3A_1772, %eq3A_1774 : vector<8x2048xi32>
    %eq3A_1776 = arith.xori %eq3A_1775, %eq3A_1755 : vector<8x2048xi1>
    %eq3A_1777 = arith.constant dense<true> : vector<8x2048xi1>
    %eq3A_1778 = arith.xori %eq3A_1776, %eq3A_1777 : vector<8x2048xi1>
    %gt3A_1779 = arith.cmpf ogt, %select_n3A_1748, %select_n3A_1762 : vector<8x2048xf32>
    %eq3A_1780 = arith.cmpf oeq, %select_n3A_1748, %select_n3A_1762 : vector<8x2048xf32>
    %lt3A_1781 = arith.cmpi slt, %select_n3A_1749, %select_n3A_1769 : vector<8x2048xi32>
    %and3A_1782 = arith.andi %eq3A_1780, %lt3A_1781 : vector<8x2048xi1>
    %or3A_1783 = arith.ori %gt3A_1779, %and3A_1782 : vector<8x2048xi1>
    %eq3A_1784 = arith.xori %eq3A_1778, %or3A_1783 : vector<8x2048xi1>
    %eq3A_1785 = arith.constant dense<true> : vector<8x2048xi1>
    %eq3A_1786 = arith.xori %eq3A_1784, %eq3A_1785 : vector<8x2048xi1>
    %select_n3A_1787 = arith.select %eq3A_1786, %select_n3A_1748, %select_n3A_1762 : vector<8x2048xi1>, vector<8x2048xf32>
    %select_n3A_1788 = arith.select %eq3A_1786, %select_n3A_1749, %select_n3A_1769 : vector<8x2048xi1>, vector<8x2048xi32>
    %and3A_1789 = arith.constant 256 : i32
    %and3A_1790 = vector.broadcast %and3A_1789 : i32 to vector<8x2048xi32>
    %and3A_1791 = arith.andi %iota3A_2, %and3A_1790 : vector<8x2048xi32>
    %eq3A_1792 = arith.constant 0 : i32
    %eq3A_1793 = vector.broadcast %eq3A_1792 : i32 to vector<8x2048xi32>
    %eq3A_1794 = arith.cmpi eq, %and3A_1791, %eq3A_1793 : vector<8x2048xi32>
    %slice3A_1795 = vector.extract_strided_slice %select_n3A_1787 {offsets = [0, 256], sizes = [8, 1792], strides = [1, 1]} : vector<8x2048xf32> to vector<8x1792xf32>
    %slice3A_1796 = vector.extract_strided_slice %select_n3A_1787 {offsets = [0, 0], sizes = [8, 256], strides = [1, 1]} : vector<8x2048xf32> to vector<8x256xf32>
    %concatenate3A_1797 = tpu.concatenate %slice3A_1795, %slice3A_1796 in 1 : vector<8x1792xf32>, vector<8x256xf32> -> vector<8x2048xf32>
    %slice3A_1798 = vector.extract_strided_slice %select_n3A_1787 {offsets = [0, 1792], sizes = [8, 256], strides = [1, 1]} : vector<8x2048xf32> to vector<8x256xf32>
    %slice3A_1799 = vector.extract_strided_slice %select_n3A_1787 {offsets = [0, 0], sizes = [8, 1792], strides = [1, 1]} : vector<8x2048xf32> to vector<8x1792xf32>
    %concatenate3A_1800 = tpu.concatenate %slice3A_1798, %slice3A_1799 in 1 : vector<8x256xf32>, vector<8x1792xf32> -> vector<8x2048xf32>
    %select_n3A_1801 = arith.select %eq3A_1794, %concatenate3A_1797, %concatenate3A_1800 : vector<8x2048xi1>, vector<8x2048xf32>
    %slice3A_1802 = vector.extract_strided_slice %select_n3A_1788 {offsets = [0, 256], sizes = [8, 1792], strides = [1, 1]} : vector<8x2048xi32> to vector<8x1792xi32>
    %slice3A_1803 = vector.extract_strided_slice %select_n3A_1788 {offsets = [0, 0], sizes = [8, 256], strides = [1, 1]} : vector<8x2048xi32> to vector<8x256xi32>
    %concatenate3A_1804 = tpu.concatenate %slice3A_1802, %slice3A_1803 in 1 : vector<8x1792xi32>, vector<8x256xi32> -> vector<8x2048xi32>
    %slice3A_1805 = vector.extract_strided_slice %select_n3A_1788 {offsets = [0, 1792], sizes = [8, 256], strides = [1, 1]} : vector<8x2048xi32> to vector<8x256xi32>
    %slice3A_1806 = vector.extract_strided_slice %select_n3A_1788 {offsets = [0, 0], sizes = [8, 1792], strides = [1, 1]} : vector<8x2048xi32> to vector<8x1792xi32>
    %concatenate3A_1807 = tpu.concatenate %slice3A_1805, %slice3A_1806 in 1 : vector<8x256xi32>, vector<8x1792xi32> -> vector<8x2048xi32>
    %select_n3A_1808 = arith.select %eq3A_1794, %concatenate3A_1804, %concatenate3A_1807 : vector<8x2048xi1>, vector<8x2048xi32>
    %and3A_1809 = arith.constant 1024 : i32
    %and3A_1810 = vector.broadcast %and3A_1809 : i32 to vector<8x2048xi32>
    %and3A_1811 = arith.andi %iota3A_2, %and3A_1810 : vector<8x2048xi32>
    %eq3A_1812 = arith.constant 0 : i32
    %eq3A_1813 = vector.broadcast %eq3A_1812 : i32 to vector<8x2048xi32>
    %eq3A_1814 = arith.cmpi eq, %and3A_1811, %eq3A_1813 : vector<8x2048xi32>
    %eq3A_1815 = arith.xori %eq3A_1814, %eq3A_1794 : vector<8x2048xi1>
    %eq3A_1816 = arith.constant dense<true> : vector<8x2048xi1>
    %eq3A_1817 = arith.xori %eq3A_1815, %eq3A_1816 : vector<8x2048xi1>
    %gt3A_1818 = arith.cmpf ogt, %select_n3A_1787, %select_n3A_1801 : vector<8x2048xf32>
    %eq3A_1819 = arith.cmpf oeq, %select_n3A_1787, %select_n3A_1801 : vector<8x2048xf32>
    %lt3A_1820 = arith.cmpi slt, %select_n3A_1788, %select_n3A_1808 : vector<8x2048xi32>
    %and3A_1821 = arith.andi %eq3A_1819, %lt3A_1820 : vector<8x2048xi1>
    %or3A_1822 = arith.ori %gt3A_1818, %and3A_1821 : vector<8x2048xi1>
    %eq3A_1823 = arith.xori %eq3A_1817, %or3A_1822 : vector<8x2048xi1>
    %eq3A_1824 = arith.constant dense<true> : vector<8x2048xi1>
    %eq3A_1825 = arith.xori %eq3A_1823, %eq3A_1824 : vector<8x2048xi1>
    %select_n3A_1826 = arith.select %eq3A_1825, %select_n3A_1787, %select_n3A_1801 : vector<8x2048xi1>, vector<8x2048xf32>
    %select_n3A_1827 = arith.select %eq3A_1825, %select_n3A_1788, %select_n3A_1808 : vector<8x2048xi1>, vector<8x2048xi32>
    %and3A_1828 = arith.constant 128 : i32
    %and3A_1829 = vector.broadcast %and3A_1828 : i32 to vector<8x2048xi32>
    %and3A_1830 = arith.andi %iota3A_2, %and3A_1829 : vector<8x2048xi32>
    %eq3A_1831 = arith.constant 0 : i32
    %eq3A_1832 = vector.broadcast %eq3A_1831 : i32 to vector<8x2048xi32>
    %eq3A_1833 = arith.cmpi eq, %and3A_1830, %eq3A_1832 : vector<8x2048xi32>
    %slice3A_1834 = vector.extract_strided_slice %select_n3A_1826 {offsets = [0, 128], sizes = [8, 1920], strides = [1, 1]} : vector<8x2048xf32> to vector<8x1920xf32>
    %slice3A_1835 = vector.extract_strided_slice %select_n3A_1826 {offsets = [0, 0], sizes = [8, 128], strides = [1, 1]} : vector<8x2048xf32> to vector<8x128xf32>
    %concatenate3A_1836 = tpu.concatenate %slice3A_1834, %slice3A_1835 in 1 : vector<8x1920xf32>, vector<8x128xf32> -> vector<8x2048xf32>
    %slice3A_1837 = vector.extract_strided_slice %select_n3A_1826 {offsets = [0, 1920], sizes = [8, 128], strides = [1, 1]} : vector<8x2048xf32> to vector<8x128xf32>
    %slice3A_1838 = vector.extract_strided_slice %select_n3A_1826 {offsets = [0, 0], sizes = [8, 1920], strides = [1, 1]} : vector<8x2048xf32> to vector<8x1920xf32>
    %concatenate3A_1839 = tpu.concatenate %slice3A_1837, %slice3A_1838 in 1 : vector<8x128xf32>, vector<8x1920xf32> -> vector<8x2048xf32>
    %select_n3A_1840 = arith.select %eq3A_1833, %concatenate3A_1836, %concatenate3A_1839 : vector<8x2048xi1>, vector<8x2048xf32>
    %slice3A_1841 = vector.extract_strided_slice %select_n3A_1827 {offsets = [0, 128], sizes = [8, 1920], strides = [1, 1]} : vector<8x2048xi32> to vector<8x1920xi32>
    %slice3A_1842 = vector.extract_strided_slice %select_n3A_1827 {offsets = [0, 0], sizes = [8, 128], strides = [1, 1]} : vector<8x2048xi32> to vector<8x128xi32>
    %concatenate3A_1843 = tpu.concatenate %slice3A_1841, %slice3A_1842 in 1 : vector<8x1920xi32>, vector<8x128xi32> -> vector<8x2048xi32>
    %slice3A_1844 = vector.extract_strided_slice %select_n3A_1827 {offsets = [0, 1920], sizes = [8, 128], strides = [1, 1]} : vector<8x2048xi32> to vector<8x128xi32>
    %slice3A_1845 = vector.extract_strided_slice %select_n3A_1827 {offsets = [0, 0], sizes = [8, 1920], strides = [1, 1]} : vector<8x2048xi32> to vector<8x1920xi32>
    %concatenate3A_1846 = tpu.concatenate %slice3A_1844, %slice3A_1845 in 1 : vector<8x128xi32>, vector<8x1920xi32> -> vector<8x2048xi32>
    %select_n3A_1847 = arith.select %eq3A_1833, %concatenate3A_1843, %concatenate3A_1846 : vector<8x2048xi1>, vector<8x2048xi32>
    %and3A_1848 = arith.constant 1024 : i32
    %and3A_1849 = vector.broadcast %and3A_1848 : i32 to vector<8x2048xi32>
    %and3A_1850 = arith.andi %iota3A_2, %and3A_1849 : vector<8x2048xi32>
    %eq3A_1851 = arith.constant 0 : i32
    %eq3A_1852 = vector.broadcast %eq3A_1851 : i32 to vector<8x2048xi32>
    %eq3A_1853 = arith.cmpi eq, %and3A_1850, %eq3A_1852 : vector<8x2048xi32>
    %eq3A_1854 = arith.xori %eq3A_1853, %eq3A_1833 : vector<8x2048xi1>
    %eq3A_1855 = arith.constant dense<true> : vector<8x2048xi1>
    %eq3A_1856 = arith.xori %eq3A_1854, %eq3A_1855 : vector<8x2048xi1>
    %gt3A_1857 = arith.cmpf ogt, %select_n3A_1826, %select_n3A_1840 : vector<8x2048xf32>
    %eq3A_1858 = arith.cmpf oeq, %select_n3A_1826, %select_n3A_1840 : vector<8x2048xf32>
    %lt3A_1859 = arith.cmpi slt, %select_n3A_1827, %select_n3A_1847 : vector<8x2048xi32>
    %and3A_1860 = arith.andi %eq3A_1858, %lt3A_1859 : vector<8x2048xi1>
    %or3A_1861 = arith.ori %gt3A_1857, %and3A_1860 : vector<8x2048xi1>
    %eq3A_1862 = arith.xori %eq3A_1856, %or3A_1861 : vector<8x2048xi1>
    %eq3A_1863 = arith.constant dense<true> : vector<8x2048xi1>
    %eq3A_1864 = arith.xori %eq3A_1862, %eq3A_1863 : vector<8x2048xi1>
    %select_n3A_1865 = arith.select %eq3A_1864, %select_n3A_1826, %select_n3A_1840 : vector<8x2048xi1>, vector<8x2048xf32>
    %select_n3A_1866 = arith.select %eq3A_1864, %select_n3A_1827, %select_n3A_1847 : vector<8x2048xi1>, vector<8x2048xi32>
    %and3A_1867 = arith.constant 64 : i32
    %and3A_1868 = vector.broadcast %and3A_1867 : i32 to vector<8x2048xi32>
    %and3A_1869 = arith.andi %iota3A_2, %and3A_1868 : vector<8x2048xi32>
    %eq3A_1870 = arith.constant 0 : i32
    %eq3A_1871 = vector.broadcast %eq3A_1870 : i32 to vector<8x2048xi32>
    %eq3A_1872 = arith.cmpi eq, %and3A_1869, %eq3A_1871 : vector<8x2048xi32>
    %slice3A_1873 = vector.extract_strided_slice %select_n3A_1865 {offsets = [0, 64], sizes = [8, 1984], strides = [1, 1]} : vector<8x2048xf32> to vector<8x1984xf32>
    %slice3A_1874 = vector.extract_strided_slice %select_n3A_1865 {offsets = [0, 0], sizes = [8, 64], strides = [1, 1]} : vector<8x2048xf32> to vector<8x64xf32>
    %concatenate3A_1875 = tpu.concatenate %slice3A_1873, %slice3A_1874 in 1 : vector<8x1984xf32>, vector<8x64xf32> -> vector<8x2048xf32>
    %slice3A_1876 = vector.extract_strided_slice %select_n3A_1865 {offsets = [0, 1984], sizes = [8, 64], strides = [1, 1]} : vector<8x2048xf32> to vector<8x64xf32>
    %slice3A_1877 = vector.extract_strided_slice %select_n3A_1865 {offsets = [0, 0], sizes = [8, 1984], strides = [1, 1]} : vector<8x2048xf32> to vector<8x1984xf32>
    %concatenate3A_1878 = tpu.concatenate %slice3A_1876, %slice3A_1877 in 1 : vector<8x64xf32>, vector<8x1984xf32> -> vector<8x2048xf32>
    %select_n3A_1879 = arith.select %eq3A_1872, %concatenate3A_1875, %concatenate3A_1878 : vector<8x2048xi1>, vector<8x2048xf32>
    %slice3A_1880 = vector.extract_strided_slice %select_n3A_1866 {offsets = [0, 64], sizes = [8, 1984], strides = [1, 1]} : vector<8x2048xi32> to vector<8x1984xi32>
    %slice3A_1881 = vector.extract_strided_slice %select_n3A_1866 {offsets = [0, 0], sizes = [8, 64], strides = [1, 1]} : vector<8x2048xi32> to vector<8x64xi32>
    %concatenate3A_1882 = tpu.concatenate %slice3A_1880, %slice3A_1881 in 1 : vector<8x1984xi32>, vector<8x64xi32> -> vector<8x2048xi32>
    %slice3A_1883 = vector.extract_strided_slice %select_n3A_1866 {offsets = [0, 1984], sizes = [8, 64], strides = [1, 1]} : vector<8x2048xi32> to vector<8x64xi32>
    %slice3A_1884 = vector.extract_strided_slice %select_n3A_1866 {offsets = [0, 0], sizes = [8, 1984], strides = [1, 1]} : vector<8x2048xi32> to vector<8x1984xi32>
    %concatenate3A_1885 = tpu.concatenate %slice3A_1883, %slice3A_1884 in 1 : vector<8x64xi32>, vector<8x1984xi32> -> vector<8x2048xi32>
    %select_n3A_1886 = arith.select %eq3A_1872, %concatenate3A_1882, %concatenate3A_1885 : vector<8x2048xi1>, vector<8x2048xi32>
    %and3A_1887 = arith.constant 1024 : i32
    %and3A_1888 = vector.broadcast %and3A_1887 : i32 to vector<8x2048xi32>
    %and3A_1889 = arith.andi %iota3A_2, %and3A_1888 : vector<8x2048xi32>
    %eq3A_1890 = arith.constant 0 : i32
    %eq3A_1891 = vector.broadcast %eq3A_1890 : i32 to vector<8x2048xi32>
    %eq3A_1892 = arith.cmpi eq, %and3A_1889, %eq3A_1891 : vector<8x2048xi32>
    %eq3A_1893 = arith.xori %eq3A_1892, %eq3A_1872 : vector<8x2048xi1>
    %eq3A_1894 = arith.constant dense<true> : vector<8x2048xi1>
    %eq3A_1895 = arith.xori %eq3A_1893, %eq3A_1894 : vector<8x2048xi1>
    %gt3A_1896 = arith.cmpf ogt, %select_n3A_1865, %select_n3A_1879 : vector<8x2048xf32>
    %eq3A_1897 = arith.cmpf oeq, %select_n3A_1865, %select_n3A_1879 : vector<8x2048xf32>
    %lt3A_1898 = arith.cmpi slt, %select_n3A_1866, %select_n3A_1886 : vector<8x2048xi32>
    %and3A_1899 = arith.andi %eq3A_1897, %lt3A_1898 : vector<8x2048xi1>
    %or3A_1900 = arith.ori %gt3A_1896, %and3A_1899 : vector<8x2048xi1>
    %eq3A_1901 = arith.xori %eq3A_1895, %or3A_1900 : vector<8x2048xi1>
    %eq3A_1902 = arith.constant dense<true> : vector<8x2048xi1>
    %eq3A_1903 = arith.xori %eq3A_1901, %eq3A_1902 : vector<8x2048xi1>
    %select_n3A_1904 = arith.select %eq3A_1903, %select_n3A_1865, %select_n3A_1879 : vector<8x2048xi1>, vector<8x2048xf32>
    %select_n3A_1905 = arith.select %eq3A_1903, %select_n3A_1866, %select_n3A_1886 : vector<8x2048xi1>, vector<8x2048xi32>
    %and3A_1906 = arith.constant 32 : i32
    %and3A_1907 = vector.broadcast %and3A_1906 : i32 to vector<8x2048xi32>
    %and3A_1908 = arith.andi %iota3A_2, %and3A_1907 : vector<8x2048xi32>
    %eq3A_1909 = arith.constant 0 : i32
    %eq3A_1910 = vector.broadcast %eq3A_1909 : i32 to vector<8x2048xi32>
    %eq3A_1911 = arith.cmpi eq, %and3A_1908, %eq3A_1910 : vector<8x2048xi32>
    %slice3A_1912 = vector.extract_strided_slice %select_n3A_1904 {offsets = [0, 32], sizes = [8, 2016], strides = [1, 1]} : vector<8x2048xf32> to vector<8x2016xf32>
    %slice3A_1913 = vector.extract_strided_slice %select_n3A_1904 {offsets = [0, 0], sizes = [8, 32], strides = [1, 1]} : vector<8x2048xf32> to vector<8x32xf32>
    %concatenate3A_1914 = tpu.concatenate %slice3A_1912, %slice3A_1913 in 1 : vector<8x2016xf32>, vector<8x32xf32> -> vector<8x2048xf32>
    %slice3A_1915 = vector.extract_strided_slice %select_n3A_1904 {offsets = [0, 2016], sizes = [8, 32], strides = [1, 1]} : vector<8x2048xf32> to vector<8x32xf32>
    %slice3A_1916 = vector.extract_strided_slice %select_n3A_1904 {offsets = [0, 0], sizes = [8, 2016], strides = [1, 1]} : vector<8x2048xf32> to vector<8x2016xf32>
    %concatenate3A_1917 = tpu.concatenate %slice3A_1915, %slice3A_1916 in 1 : vector<8x32xf32>, vector<8x2016xf32> -> vector<8x2048xf32>
    %select_n3A_1918 = arith.select %eq3A_1911, %concatenate3A_1914, %concatenate3A_1917 : vector<8x2048xi1>, vector<8x2048xf32>
    %slice3A_1919 = vector.extract_strided_slice %select_n3A_1905 {offsets = [0, 32], sizes = [8, 2016], strides = [1, 1]} : vector<8x2048xi32> to vector<8x2016xi32>
    %slice3A_1920 = vector.extract_strided_slice %select_n3A_1905 {offsets = [0, 0], sizes = [8, 32], strides = [1, 1]} : vector<8x2048xi32> to vector<8x32xi32>
    %concatenate3A_1921 = tpu.concatenate %slice3A_1919, %slice3A_1920 in 1 : vector<8x2016xi32>, vector<8x32xi32> -> vector<8x2048xi32>
    %slice3A_1922 = vector.extract_strided_slice %select_n3A_1905 {offsets = [0, 2016], sizes = [8, 32], strides = [1, 1]} : vector<8x2048xi32> to vector<8x32xi32>
    %slice3A_1923 = vector.extract_strided_slice %select_n3A_1905 {offsets = [0, 0], sizes = [8, 2016], strides = [1, 1]} : vector<8x2048xi32> to vector<8x2016xi32>
    %concatenate3A_1924 = tpu.concatenate %slice3A_1922, %slice3A_1923 in 1 : vector<8x32xi32>, vector<8x2016xi32> -> vector<8x2048xi32>
    %select_n3A_1925 = arith.select %eq3A_1911, %concatenate3A_1921, %concatenate3A_1924 : vector<8x2048xi1>, vector<8x2048xi32>
    %and3A_1926 = arith.constant 1024 : i32
    %and3A_1927 = vector.broadcast %and3A_1926 : i32 to vector<8x2048xi32>
    %and3A_1928 = arith.andi %iota3A_2, %and3A_1927 : vector<8x2048xi32>
    %eq3A_1929 = arith.constant 0 : i32
    %eq3A_1930 = vector.broadcast %eq3A_1929 : i32 to vector<8x2048xi32>
    %eq3A_1931 = arith.cmpi eq, %and3A_1928, %eq3A_1930 : vector<8x2048xi32>
    %eq3A_1932 = arith.xori %eq3A_1931, %eq3A_1911 : vector<8x2048xi1>
    %eq3A_1933 = arith.constant dense<true> : vector<8x2048xi1>
    %eq3A_1934 = arith.xori %eq3A_1932, %eq3A_1933 : vector<8x2048xi1>
    %gt3A_1935 = arith.cmpf ogt, %select_n3A_1904, %select_n3A_1918 : vector<8x2048xf32>
    %eq3A_1936 = arith.cmpf oeq, %select_n3A_1904, %select_n3A_1918 : vector<8x2048xf32>
    %lt3A_1937 = arith.cmpi slt, %select_n3A_1905, %select_n3A_1925 : vector<8x2048xi32>
    %and3A_1938 = arith.andi %eq3A_1936, %lt3A_1937 : vector<8x2048xi1>
    %or3A_1939 = arith.ori %gt3A_1935, %and3A_1938 : vector<8x2048xi1>
    %eq3A_1940 = arith.xori %eq3A_1934, %or3A_1939 : vector<8x2048xi1>
    %eq3A_1941 = arith.constant dense<true> : vector<8x2048xi1>
    %eq3A_1942 = arith.xori %eq3A_1940, %eq3A_1941 : vector<8x2048xi1>
    %select_n3A_1943 = arith.select %eq3A_1942, %select_n3A_1904, %select_n3A_1918 : vector<8x2048xi1>, vector<8x2048xf32>
    %select_n3A_1944 = arith.select %eq3A_1942, %select_n3A_1905, %select_n3A_1925 : vector<8x2048xi1>, vector<8x2048xi32>
    %and3A_1945 = arith.constant 16 : i32
    %and3A_1946 = vector.broadcast %and3A_1945 : i32 to vector<8x2048xi32>
    %and3A_1947 = arith.andi %iota3A_2, %and3A_1946 : vector<8x2048xi32>
    %eq3A_1948 = arith.constant 0 : i32
    %eq3A_1949 = vector.broadcast %eq3A_1948 : i32 to vector<8x2048xi32>
    %eq3A_1950 = arith.cmpi eq, %and3A_1947, %eq3A_1949 : vector<8x2048xi32>
    %slice3A_1951 = vector.extract_strided_slice %select_n3A_1943 {offsets = [0, 16], sizes = [8, 2032], strides = [1, 1]} : vector<8x2048xf32> to vector<8x2032xf32>
    %slice3A_1952 = vector.extract_strided_slice %select_n3A_1943 {offsets = [0, 0], sizes = [8, 16], strides = [1, 1]} : vector<8x2048xf32> to vector<8x16xf32>
    %concatenate3A_1953 = tpu.concatenate %slice3A_1951, %slice3A_1952 in 1 : vector<8x2032xf32>, vector<8x16xf32> -> vector<8x2048xf32>
    %slice3A_1954 = vector.extract_strided_slice %select_n3A_1943 {offsets = [0, 2032], sizes = [8, 16], strides = [1, 1]} : vector<8x2048xf32> to vector<8x16xf32>
    %slice3A_1955 = vector.extract_strided_slice %select_n3A_1943 {offsets = [0, 0], sizes = [8, 2032], strides = [1, 1]} : vector<8x2048xf32> to vector<8x2032xf32>
    %concatenate3A_1956 = tpu.concatenate %slice3A_1954, %slice3A_1955 in 1 : vector<8x16xf32>, vector<8x2032xf32> -> vector<8x2048xf32>
    %select_n3A_1957 = arith.select %eq3A_1950, %concatenate3A_1953, %concatenate3A_1956 : vector<8x2048xi1>, vector<8x2048xf32>
    %slice3A_1958 = vector.extract_strided_slice %select_n3A_1944 {offsets = [0, 16], sizes = [8, 2032], strides = [1, 1]} : vector<8x2048xi32> to vector<8x2032xi32>
    %slice3A_1959 = vector.extract_strided_slice %select_n3A_1944 {offsets = [0, 0], sizes = [8, 16], strides = [1, 1]} : vector<8x2048xi32> to vector<8x16xi32>
    %concatenate3A_1960 = tpu.concatenate %slice3A_1958, %slice3A_1959 in 1 : vector<8x2032xi32>, vector<8x16xi32> -> vector<8x2048xi32>
    %slice3A_1961 = vector.extract_strided_slice %select_n3A_1944 {offsets = [0, 2032], sizes = [8, 16], strides = [1, 1]} : vector<8x2048xi32> to vector<8x16xi32>
    %slice3A_1962 = vector.extract_strided_slice %select_n3A_1944 {offsets = [0, 0], sizes = [8, 2032], strides = [1, 1]} : vector<8x2048xi32> to vector<8x2032xi32>
    %concatenate3A_1963 = tpu.concatenate %slice3A_1961, %slice3A_1962 in 1 : vector<8x16xi32>, vector<8x2032xi32> -> vector<8x2048xi32>
    %select_n3A_1964 = arith.select %eq3A_1950, %concatenate3A_1960, %concatenate3A_1963 : vector<8x2048xi1>, vector<8x2048xi32>
    %and3A_1965 = arith.constant 1024 : i32
    %and3A_1966 = vector.broadcast %and3A_1965 : i32 to vector<8x2048xi32>
    %and3A_1967 = arith.andi %iota3A_2, %and3A_1966 : vector<8x2048xi32>
    %eq3A_1968 = arith.constant 0 : i32
    %eq3A_1969 = vector.broadcast %eq3A_1968 : i32 to vector<8x2048xi32>
    %eq3A_1970 = arith.cmpi eq, %and3A_1967, %eq3A_1969 : vector<8x2048xi32>
    %eq3A_1971 = arith.xori %eq3A_1970, %eq3A_1950 : vector<8x2048xi1>
    %eq3A_1972 = arith.constant dense<true> : vector<8x2048xi1>
    %eq3A_1973 = arith.xori %eq3A_1971, %eq3A_1972 : vector<8x2048xi1>
    %gt3A_1974 = arith.cmpf ogt, %select_n3A_1943, %select_n3A_1957 : vector<8x2048xf32>
    %eq3A_1975 = arith.cmpf oeq, %select_n3A_1943, %select_n3A_1957 : vector<8x2048xf32>
    %lt3A_1976 = arith.cmpi slt, %select_n3A_1944, %select_n3A_1964 : vector<8x2048xi32>
    %and3A_1977 = arith.andi %eq3A_1975, %lt3A_1976 : vector<8x2048xi1>
    %or3A_1978 = arith.ori %gt3A_1974, %and3A_1977 : vector<8x2048xi1>
    %eq3A_1979 = arith.xori %eq3A_1973, %or3A_1978 : vector<8x2048xi1>
    %eq3A_1980 = arith.constant dense<true> : vector<8x2048xi1>
    %eq3A_1981 = arith.xori %eq3A_1979, %eq3A_1980 : vector<8x2048xi1>
    %select_n3A_1982 = arith.select %eq3A_1981, %select_n3A_1943, %select_n3A_1957 : vector<8x2048xi1>, vector<8x2048xf32>
    %select_n3A_1983 = arith.select %eq3A_1981, %select_n3A_1944, %select_n3A_1964 : vector<8x2048xi1>, vector<8x2048xi32>
    %and3A_1984 = arith.constant 8 : i32
    %and3A_1985 = vector.broadcast %and3A_1984 : i32 to vector<8x2048xi32>
    %and3A_1986 = arith.andi %iota3A_2, %and3A_1985 : vector<8x2048xi32>
    %eq3A_1987 = arith.constant 0 : i32
    %eq3A_1988 = vector.broadcast %eq3A_1987 : i32 to vector<8x2048xi32>
    %eq3A_1989 = arith.cmpi eq, %and3A_1986, %eq3A_1988 : vector<8x2048xi32>
    %slice3A_1990 = vector.extract_strided_slice %select_n3A_1982 {offsets = [0, 8], sizes = [8, 2040], strides = [1, 1]} : vector<8x2048xf32> to vector<8x2040xf32>
    %slice3A_1991 = vector.extract_strided_slice %select_n3A_1982 {offsets = [0, 0], sizes = [8, 8], strides = [1, 1]} : vector<8x2048xf32> to vector<8x8xf32>
    %concatenate3A_1992 = tpu.concatenate %slice3A_1990, %slice3A_1991 in 1 : vector<8x2040xf32>, vector<8x8xf32> -> vector<8x2048xf32>
    %slice3A_1993 = vector.extract_strided_slice %select_n3A_1982 {offsets = [0, 2040], sizes = [8, 8], strides = [1, 1]} : vector<8x2048xf32> to vector<8x8xf32>
    %slice3A_1994 = vector.extract_strided_slice %select_n3A_1982 {offsets = [0, 0], sizes = [8, 2040], strides = [1, 1]} : vector<8x2048xf32> to vector<8x2040xf32>
    %concatenate3A_1995 = tpu.concatenate %slice3A_1993, %slice3A_1994 in 1 : vector<8x8xf32>, vector<8x2040xf32> -> vector<8x2048xf32>
    %select_n3A_1996 = arith.select %eq3A_1989, %concatenate3A_1992, %concatenate3A_1995 : vector<8x2048xi1>, vector<8x2048xf32>
    %slice3A_1997 = vector.extract_strided_slice %select_n3A_1983 {offsets = [0, 8], sizes = [8, 2040], strides = [1, 1]} : vector<8x2048xi32> to vector<8x2040xi32>
    %slice3A_1998 = vector.extract_strided_slice %select_n3A_1983 {offsets = [0, 0], sizes = [8, 8], strides = [1, 1]} : vector<8x2048xi32> to vector<8x8xi32>
    %concatenate3A_1999 = tpu.concatenate %slice3A_1997, %slice3A_1998 in 1 : vector<8x2040xi32>, vector<8x8xi32> -> vector<8x2048xi32>
    %slice3A_2000 = vector.extract_strided_slice %select_n3A_1983 {offsets = [0, 2040], sizes = [8, 8], strides = [1, 1]} : vector<8x2048xi32> to vector<8x8xi32>
    %slice3A_2001 = vector.extract_strided_slice %select_n3A_1983 {offsets = [0, 0], sizes = [8, 2040], strides = [1, 1]} : vector<8x2048xi32> to vector<8x2040xi32>
    %concatenate3A_2002 = tpu.concatenate %slice3A_2000, %slice3A_2001 in 1 : vector<8x8xi32>, vector<8x2040xi32> -> vector<8x2048xi32>
    %select_n3A_2003 = arith.select %eq3A_1989, %concatenate3A_1999, %concatenate3A_2002 : vector<8x2048xi1>, vector<8x2048xi32>
    %and3A_2004 = arith.constant 1024 : i32
    %and3A_2005 = vector.broadcast %and3A_2004 : i32 to vector<8x2048xi32>
    %and3A_2006 = arith.andi %iota3A_2, %and3A_2005 : vector<8x2048xi32>
    %eq3A_2007 = arith.constant 0 : i32
    %eq3A_2008 = vector.broadcast %eq3A_2007 : i32 to vector<8x2048xi32>
    %eq3A_2009 = arith.cmpi eq, %and3A_2006, %eq3A_2008 : vector<8x2048xi32>
    %eq3A_2010 = arith.xori %eq3A_2009, %eq3A_1989 : vector<8x2048xi1>
    %eq3A_2011 = arith.constant dense<true> : vector<8x2048xi1>
    %eq3A_2012 = arith.xori %eq3A_2010, %eq3A_2011 : vector<8x2048xi1>
    %gt3A_2013 = arith.cmpf ogt, %select_n3A_1982, %select_n3A_1996 : vector<8x2048xf32>
    %eq3A_2014 = arith.cmpf oeq, %select_n3A_1982, %select_n3A_1996 : vector<8x2048xf32>
    %lt3A_2015 = arith.cmpi slt, %select_n3A_1983, %select_n3A_2003 : vector<8x2048xi32>
    %and3A_2016 = arith.andi %eq3A_2014, %lt3A_2015 : vector<8x2048xi1>
    %or3A_2017 = arith.ori %gt3A_2013, %and3A_2016 : vector<8x2048xi1>
    %eq3A_2018 = arith.xori %eq3A_2012, %or3A_2017 : vector<8x2048xi1>
    %eq3A_2019 = arith.constant dense<true> : vector<8x2048xi1>
    %eq3A_2020 = arith.xori %eq3A_2018, %eq3A_2019 : vector<8x2048xi1>
    %select_n3A_2021 = arith.select %eq3A_2020, %select_n3A_1982, %select_n3A_1996 : vector<8x2048xi1>, vector<8x2048xf32>
    %select_n3A_2022 = arith.select %eq3A_2020, %select_n3A_1983, %select_n3A_2003 : vector<8x2048xi1>, vector<8x2048xi32>
    %and3A_2023 = arith.constant 4 : i32
    %and3A_2024 = vector.broadcast %and3A_2023 : i32 to vector<8x2048xi32>
    %and3A_2025 = arith.andi %iota3A_2, %and3A_2024 : vector<8x2048xi32>
    %eq3A_2026 = arith.constant 0 : i32
    %eq3A_2027 = vector.broadcast %eq3A_2026 : i32 to vector<8x2048xi32>
    %eq3A_2028 = arith.cmpi eq, %and3A_2025, %eq3A_2027 : vector<8x2048xi32>
    %slice3A_2029 = vector.extract_strided_slice %select_n3A_2021 {offsets = [0, 4], sizes = [8, 2044], strides = [1, 1]} : vector<8x2048xf32> to vector<8x2044xf32>
    %slice3A_2030 = vector.extract_strided_slice %select_n3A_2021 {offsets = [0, 0], sizes = [8, 4], strides = [1, 1]} : vector<8x2048xf32> to vector<8x4xf32>
    %concatenate3A_2031 = tpu.concatenate %slice3A_2029, %slice3A_2030 in 1 : vector<8x2044xf32>, vector<8x4xf32> -> vector<8x2048xf32>
    %slice3A_2032 = vector.extract_strided_slice %select_n3A_2021 {offsets = [0, 2044], sizes = [8, 4], strides = [1, 1]} : vector<8x2048xf32> to vector<8x4xf32>
    %slice3A_2033 = vector.extract_strided_slice %select_n3A_2021 {offsets = [0, 0], sizes = [8, 2044], strides = [1, 1]} : vector<8x2048xf32> to vector<8x2044xf32>
    %concatenate3A_2034 = tpu.concatenate %slice3A_2032, %slice3A_2033 in 1 : vector<8x4xf32>, vector<8x2044xf32> -> vector<8x2048xf32>
    %select_n3A_2035 = arith.select %eq3A_2028, %concatenate3A_2031, %concatenate3A_2034 : vector<8x2048xi1>, vector<8x2048xf32>
    %slice3A_2036 = vector.extract_strided_slice %select_n3A_2022 {offsets = [0, 4], sizes = [8, 2044], strides = [1, 1]} : vector<8x2048xi32> to vector<8x2044xi32>
    %slice3A_2037 = vector.extract_strided_slice %select_n3A_2022 {offsets = [0, 0], sizes = [8, 4], strides = [1, 1]} : vector<8x2048xi32> to vector<8x4xi32>
    %concatenate3A_2038 = tpu.concatenate %slice3A_2036, %slice3A_2037 in 1 : vector<8x2044xi32>, vector<8x4xi32> -> vector<8x2048xi32>
    %slice3A_2039 = vector.extract_strided_slice %select_n3A_2022 {offsets = [0, 2044], sizes = [8, 4], strides = [1, 1]} : vector<8x2048xi32> to vector<8x4xi32>
    %slice3A_2040 = vector.extract_strided_slice %select_n3A_2022 {offsets = [0, 0], sizes = [8, 2044], strides = [1, 1]} : vector<8x2048xi32> to vector<8x2044xi32>
    %concatenate3A_2041 = tpu.concatenate %slice3A_2039, %slice3A_2040 in 1 : vector<8x4xi32>, vector<8x2044xi32> -> vector<8x2048xi32>
    %select_n3A_2042 = arith.select %eq3A_2028, %concatenate3A_2038, %concatenate3A_2041 : vector<8x2048xi1>, vector<8x2048xi32>
    %and3A_2043 = arith.constant 1024 : i32
    %and3A_2044 = vector.broadcast %and3A_2043 : i32 to vector<8x2048xi32>
    %and3A_2045 = arith.andi %iota3A_2, %and3A_2044 : vector<8x2048xi32>
    %eq3A_2046 = arith.constant 0 : i32
    %eq3A_2047 = vector.broadcast %eq3A_2046 : i32 to vector<8x2048xi32>
    %eq3A_2048 = arith.cmpi eq, %and3A_2045, %eq3A_2047 : vector<8x2048xi32>
    %eq3A_2049 = arith.xori %eq3A_2048, %eq3A_2028 : vector<8x2048xi1>
    %eq3A_2050 = arith.constant dense<true> : vector<8x2048xi1>
    %eq3A_2051 = arith.xori %eq3A_2049, %eq3A_2050 : vector<8x2048xi1>
    %gt3A_2052 = arith.cmpf ogt, %select_n3A_2021, %select_n3A_2035 : vector<8x2048xf32>
    %eq3A_2053 = arith.cmpf oeq, %select_n3A_2021, %select_n3A_2035 : vector<8x2048xf32>
    %lt3A_2054 = arith.cmpi slt, %select_n3A_2022, %select_n3A_2042 : vector<8x2048xi32>
    %and3A_2055 = arith.andi %eq3A_2053, %lt3A_2054 : vector<8x2048xi1>
    %or3A_2056 = arith.ori %gt3A_2052, %and3A_2055 : vector<8x2048xi1>
    %eq3A_2057 = arith.xori %eq3A_2051, %or3A_2056 : vector<8x2048xi1>
    %eq3A_2058 = arith.constant dense<true> : vector<8x2048xi1>
    %eq3A_2059 = arith.xori %eq3A_2057, %eq3A_2058 : vector<8x2048xi1>
    %select_n3A_2060 = arith.select %eq3A_2059, %select_n3A_2021, %select_n3A_2035 : vector<8x2048xi1>, vector<8x2048xf32>
    %select_n3A_2061 = arith.select %eq3A_2059, %select_n3A_2022, %select_n3A_2042 : vector<8x2048xi1>, vector<8x2048xi32>
    %and3A_2062 = arith.constant 2 : i32
    %and3A_2063 = vector.broadcast %and3A_2062 : i32 to vector<8x2048xi32>
    %and3A_2064 = arith.andi %iota3A_2, %and3A_2063 : vector<8x2048xi32>
    %eq3A_2065 = arith.constant 0 : i32
    %eq3A_2066 = vector.broadcast %eq3A_2065 : i32 to vector<8x2048xi32>
    %eq3A_2067 = arith.cmpi eq, %and3A_2064, %eq3A_2066 : vector<8x2048xi32>
    %slice3A_2068 = vector.extract_strided_slice %select_n3A_2060 {offsets = [0, 2], sizes = [8, 2046], strides = [1, 1]} : vector<8x2048xf32> to vector<8x2046xf32>
    %slice3A_2069 = vector.extract_strided_slice %select_n3A_2060 {offsets = [0, 0], sizes = [8, 2], strides = [1, 1]} : vector<8x2048xf32> to vector<8x2xf32>
    %concatenate3A_2070 = tpu.concatenate %slice3A_2068, %slice3A_2069 in 1 : vector<8x2046xf32>, vector<8x2xf32> -> vector<8x2048xf32>
    %slice3A_2071 = vector.extract_strided_slice %select_n3A_2060 {offsets = [0, 2046], sizes = [8, 2], strides = [1, 1]} : vector<8x2048xf32> to vector<8x2xf32>
    %slice3A_2072 = vector.extract_strided_slice %select_n3A_2060 {offsets = [0, 0], sizes = [8, 2046], strides = [1, 1]} : vector<8x2048xf32> to vector<8x2046xf32>
    %concatenate3A_2073 = tpu.concatenate %slice3A_2071, %slice3A_2072 in 1 : vector<8x2xf32>, vector<8x2046xf32> -> vector<8x2048xf32>
    %select_n3A_2074 = arith.select %eq3A_2067, %concatenate3A_2070, %concatenate3A_2073 : vector<8x2048xi1>, vector<8x2048xf32>
    %slice3A_2075 = vector.extract_strided_slice %select_n3A_2061 {offsets = [0, 2], sizes = [8, 2046], strides = [1, 1]} : vector<8x2048xi32> to vector<8x2046xi32>
    %slice3A_2076 = vector.extract_strided_slice %select_n3A_2061 {offsets = [0, 0], sizes = [8, 2], strides = [1, 1]} : vector<8x2048xi32> to vector<8x2xi32>
    %concatenate3A_2077 = tpu.concatenate %slice3A_2075, %slice3A_2076 in 1 : vector<8x2046xi32>, vector<8x2xi32> -> vector<8x2048xi32>
    %slice3A_2078 = vector.extract_strided_slice %select_n3A_2061 {offsets = [0, 2046], sizes = [8, 2], strides = [1, 1]} : vector<8x2048xi32> to vector<8x2xi32>
    %slice3A_2079 = vector.extract_strided_slice %select_n3A_2061 {offsets = [0, 0], sizes = [8, 2046], strides = [1, 1]} : vector<8x2048xi32> to vector<8x2046xi32>
    %concatenate3A_2080 = tpu.concatenate %slice3A_2078, %slice3A_2079 in 1 : vector<8x2xi32>, vector<8x2046xi32> -> vector<8x2048xi32>
    %select_n3A_2081 = arith.select %eq3A_2067, %concatenate3A_2077, %concatenate3A_2080 : vector<8x2048xi1>, vector<8x2048xi32>
    %and3A_2082 = arith.constant 1024 : i32
    %and3A_2083 = vector.broadcast %and3A_2082 : i32 to vector<8x2048xi32>
    %and3A_2084 = arith.andi %iota3A_2, %and3A_2083 : vector<8x2048xi32>
    %eq3A_2085 = arith.constant 0 : i32
    %eq3A_2086 = vector.broadcast %eq3A_2085 : i32 to vector<8x2048xi32>
    %eq3A_2087 = arith.cmpi eq, %and3A_2084, %eq3A_2086 : vector<8x2048xi32>
    %eq3A_2088 = arith.xori %eq3A_2087, %eq3A_2067 : vector<8x2048xi1>
    %eq3A_2089 = arith.constant dense<true> : vector<8x2048xi1>
    %eq3A_2090 = arith.xori %eq3A_2088, %eq3A_2089 : vector<8x2048xi1>
    %gt3A_2091 = arith.cmpf ogt, %select_n3A_2060, %select_n3A_2074 : vector<8x2048xf32>
    %eq3A_2092 = arith.cmpf oeq, %select_n3A_2060, %select_n3A_2074 : vector<8x2048xf32>
    %lt3A_2093 = arith.cmpi slt, %select_n3A_2061, %select_n3A_2081 : vector<8x2048xi32>
    %and3A_2094 = arith.andi %eq3A_2092, %lt3A_2093 : vector<8x2048xi1>
    %or3A_2095 = arith.ori %gt3A_2091, %and3A_2094 : vector<8x2048xi1>
    %eq3A_2096 = arith.xori %eq3A_2090, %or3A_2095 : vector<8x2048xi1>
    %eq3A_2097 = arith.constant dense<true> : vector<8x2048xi1>
    %eq3A_2098 = arith.xori %eq3A_2096, %eq3A_2097 : vector<8x2048xi1>
    %select_n3A_2099 = arith.select %eq3A_2098, %select_n3A_2060, %select_n3A_2074 : vector<8x2048xi1>, vector<8x2048xf32>
    %select_n3A_2100 = arith.select %eq3A_2098, %select_n3A_2061, %select_n3A_2081 : vector<8x2048xi1>, vector<8x2048xi32>
    %and3A_2101 = arith.constant 1 : i32
    %and3A_2102 = vector.broadcast %and3A_2101 : i32 to vector<8x2048xi32>
    %and3A_2103 = arith.andi %iota3A_2, %and3A_2102 : vector<8x2048xi32>
    %eq3A_2104 = arith.constant 0 : i32
    %eq3A_2105 = vector.broadcast %eq3A_2104 : i32 to vector<8x2048xi32>
    %eq3A_2106 = arith.cmpi eq, %and3A_2103, %eq3A_2105 : vector<8x2048xi32>
    %slice3A_2107 = vector.extract_strided_slice %select_n3A_2099 {offsets = [0, 1], sizes = [8, 2047], strides = [1, 1]} : vector<8x2048xf32> to vector<8x2047xf32>
    %slice3A_2108 = vector.extract_strided_slice %select_n3A_2099 {offsets = [0, 0], sizes = [8, 1], strides = [1, 1]} : vector<8x2048xf32> to vector<8x1xf32>
    %concatenate3A_2109 = tpu.concatenate %slice3A_2107, %slice3A_2108 in 1 : vector<8x2047xf32>, vector<8x1xf32> -> vector<8x2048xf32>
    %slice3A_2110 = vector.extract_strided_slice %select_n3A_2099 {offsets = [0, 2047], sizes = [8, 1], strides = [1, 1]} : vector<8x2048xf32> to vector<8x1xf32>
    %slice3A_2111 = vector.extract_strided_slice %select_n3A_2099 {offsets = [0, 0], sizes = [8, 2047], strides = [1, 1]} : vector<8x2048xf32> to vector<8x2047xf32>
    %concatenate3A_2112 = tpu.concatenate %slice3A_2110, %slice3A_2111 in 1 : vector<8x1xf32>, vector<8x2047xf32> -> vector<8x2048xf32>
    %select_n3A_2113 = arith.select %eq3A_2106, %concatenate3A_2109, %concatenate3A_2112 : vector<8x2048xi1>, vector<8x2048xf32>
    %slice3A_2114 = vector.extract_strided_slice %select_n3A_2100 {offsets = [0, 1], sizes = [8, 2047], strides = [1, 1]} : vector<8x2048xi32> to vector<8x2047xi32>
    %slice3A_2115 = vector.extract_strided_slice %select_n3A_2100 {offsets = [0, 0], sizes = [8, 1], strides = [1, 1]} : vector<8x2048xi32> to vector<8x1xi32>
    %concatenate3A_2116 = tpu.concatenate %slice3A_2114, %slice3A_2115 in 1 : vector<8x2047xi32>, vector<8x1xi32> -> vector<8x2048xi32>
    %slice3A_2117 = vector.extract_strided_slice %select_n3A_2100 {offsets = [0, 2047], sizes = [8, 1], strides = [1, 1]} : vector<8x2048xi32> to vector<8x1xi32>
    %slice3A_2118 = vector.extract_strided_slice %select_n3A_2100 {offsets = [0, 0], sizes = [8, 2047], strides = [1, 1]} : vector<8x2048xi32> to vector<8x2047xi32>
    %concatenate3A_2119 = tpu.concatenate %slice3A_2117, %slice3A_2118 in 1 : vector<8x1xi32>, vector<8x2047xi32> -> vector<8x2048xi32>
    %select_n3A_2120 = arith.select %eq3A_2106, %concatenate3A_2116, %concatenate3A_2119 : vector<8x2048xi1>, vector<8x2048xi32>
    %and3A_2121 = arith.constant 1024 : i32
    %and3A_2122 = vector.broadcast %and3A_2121 : i32 to vector<8x2048xi32>
    %and3A_2123 = arith.andi %iota3A_2, %and3A_2122 : vector<8x2048xi32>
    %eq3A_2124 = arith.constant 0 : i32
    %eq3A_2125 = vector.broadcast %eq3A_2124 : i32 to vector<8x2048xi32>
    %eq3A_2126 = arith.cmpi eq, %and3A_2123, %eq3A_2125 : vector<8x2048xi32>
    %eq3A_2127 = arith.xori %eq3A_2126, %eq3A_2106 : vector<8x2048xi1>
    %eq3A_2128 = arith.constant dense<true> : vector<8x2048xi1>
    %eq3A_2129 = arith.xori %eq3A_2127, %eq3A_2128 : vector<8x2048xi1>
    %gt3A_2130 = arith.cmpf ogt, %select_n3A_2099, %select_n3A_2113 : vector<8x2048xf32>
    %eq3A_2131 = arith.cmpf oeq, %select_n3A_2099, %select_n3A_2113 : vector<8x2048xf32>
    %lt3A_2132 = arith.cmpi slt, %select_n3A_2100, %select_n3A_2120 : vector<8x2048xi32>
    %and3A_2133 = arith.andi %eq3A_2131, %lt3A_2132 : vector<8x2048xi1>
    %or3A_2134 = arith.ori %gt3A_2130, %and3A_2133 : vector<8x2048xi1>
    %eq3A_2135 = arith.xori %eq3A_2129, %or3A_2134 : vector<8x2048xi1>
    %eq3A_2136 = arith.constant dense<true> : vector<8x2048xi1>
    %eq3A_2137 = arith.xori %eq3A_2135, %eq3A_2136 : vector<8x2048xi1>
    %select_n3A_2138 = arith.select %eq3A_2137, %select_n3A_2099, %select_n3A_2113 : vector<8x2048xi1>, vector<8x2048xf32>
    %select_n3A_2139 = arith.select %eq3A_2137, %select_n3A_2100, %select_n3A_2120 : vector<8x2048xi1>, vector<8x2048xi32>
    %and3A_2140 = arith.constant 1024 : i32
    %and3A_2141 = vector.broadcast %and3A_2140 : i32 to vector<8x2048xi32>
    %and3A_2142 = arith.andi %iota3A_2, %and3A_2141 : vector<8x2048xi32>
    %eq3A_2143 = arith.constant 0 : i32
    %eq3A_2144 = vector.broadcast %eq3A_2143 : i32 to vector<8x2048xi32>
    %eq3A_2145 = arith.cmpi eq, %and3A_2142, %eq3A_2144 : vector<8x2048xi32>
    %slice3A_2146 = vector.extract_strided_slice %select_n3A_2138 {offsets = [0, 1024], sizes = [8, 1024], strides = [1, 1]} : vector<8x2048xf32> to vector<8x1024xf32>
    %slice3A_2147 = vector.extract_strided_slice %select_n3A_2138 {offsets = [0, 0], sizes = [8, 1024], strides = [1, 1]} : vector<8x2048xf32> to vector<8x1024xf32>
    %concatenate3A_2148 = tpu.concatenate %slice3A_2146, %slice3A_2147 in 1 : vector<8x1024xf32>, vector<8x1024xf32> -> vector<8x2048xf32>
    %slice3A_2149 = vector.extract_strided_slice %select_n3A_2138 {offsets = [0, 1024], sizes = [8, 1024], strides = [1, 1]} : vector<8x2048xf32> to vector<8x1024xf32>
    %slice3A_2150 = vector.extract_strided_slice %select_n3A_2138 {offsets = [0, 0], sizes = [8, 1024], strides = [1, 1]} : vector<8x2048xf32> to vector<8x1024xf32>
    %concatenate3A_2151 = tpu.concatenate %slice3A_2149, %slice3A_2150 in 1 : vector<8x1024xf32>, vector<8x1024xf32> -> vector<8x2048xf32>
    %select_n3A_2152 = arith.select %eq3A_2145, %concatenate3A_2148, %concatenate3A_2151 : vector<8x2048xi1>, vector<8x2048xf32>
    %slice3A_2153 = vector.extract_strided_slice %select_n3A_2139 {offsets = [0, 1024], sizes = [8, 1024], strides = [1, 1]} : vector<8x2048xi32> to vector<8x1024xi32>
    %slice3A_2154 = vector.extract_strided_slice %select_n3A_2139 {offsets = [0, 0], sizes = [8, 1024], strides = [1, 1]} : vector<8x2048xi32> to vector<8x1024xi32>
    %concatenate3A_2155 = tpu.concatenate %slice3A_2153, %slice3A_2154 in 1 : vector<8x1024xi32>, vector<8x1024xi32> -> vector<8x2048xi32>
    %slice3A_2156 = vector.extract_strided_slice %select_n3A_2139 {offsets = [0, 1024], sizes = [8, 1024], strides = [1, 1]} : vector<8x2048xi32> to vector<8x1024xi32>
    %slice3A_2157 = vector.extract_strided_slice %select_n3A_2139 {offsets = [0, 0], sizes = [8, 1024], strides = [1, 1]} : vector<8x2048xi32> to vector<8x1024xi32>
    %concatenate3A_2158 = tpu.concatenate %slice3A_2156, %slice3A_2157 in 1 : vector<8x1024xi32>, vector<8x1024xi32> -> vector<8x2048xi32>
    %select_n3A_2159 = arith.select %eq3A_2145, %concatenate3A_2155, %concatenate3A_2158 : vector<8x2048xi1>, vector<8x2048xi32>
    %and3A_2160 = arith.constant 2048 : i32
    %and3A_2161 = vector.broadcast %and3A_2160 : i32 to vector<8x2048xi32>
    %and3A_2162 = arith.andi %iota3A_2, %and3A_2161 : vector<8x2048xi32>
    %eq3A_2163 = arith.constant 0 : i32
    %eq3A_2164 = vector.broadcast %eq3A_2163 : i32 to vector<8x2048xi32>
    %eq3A_2165 = arith.cmpi eq, %and3A_2162, %eq3A_2164 : vector<8x2048xi32>
    %eq3A_2166 = arith.xori %eq3A_2165, %eq3A_2145 : vector<8x2048xi1>
    %eq3A_2167 = arith.constant dense<true> : vector<8x2048xi1>
    %eq3A_2168 = arith.xori %eq3A_2166, %eq3A_2167 : vector<8x2048xi1>
    %gt3A_2169 = arith.cmpf ogt, %select_n3A_2138, %select_n3A_2152 : vector<8x2048xf32>
    %eq3A_2170 = arith.cmpf oeq, %select_n3A_2138, %select_n3A_2152 : vector<8x2048xf32>
    %lt3A_2171 = arith.cmpi slt, %select_n3A_2139, %select_n3A_2159 : vector<8x2048xi32>
    %and3A_2172 = arith.andi %eq3A_2170, %lt3A_2171 : vector<8x2048xi1>
    %or3A_2173 = arith.ori %gt3A_2169, %and3A_2172 : vector<8x2048xi1>
    %eq3A_2174 = arith.xori %eq3A_2168, %or3A_2173 : vector<8x2048xi1>
    %eq3A_2175 = arith.constant dense<true> : vector<8x2048xi1>
    %eq3A_2176 = arith.xori %eq3A_2174, %eq3A_2175 : vector<8x2048xi1>
    %select_n3A_2177 = arith.select %eq3A_2176, %select_n3A_2138, %select_n3A_2152 : vector<8x2048xi1>, vector<8x2048xf32>
    %select_n3A_2178 = arith.select %eq3A_2176, %select_n3A_2139, %select_n3A_2159 : vector<8x2048xi1>, vector<8x2048xi32>
    %and3A_2179 = arith.constant 512 : i32
    %and3A_2180 = vector.broadcast %and3A_2179 : i32 to vector<8x2048xi32>
    %and3A_2181 = arith.andi %iota3A_2, %and3A_2180 : vector<8x2048xi32>
    %eq3A_2182 = arith.constant 0 : i32
    %eq3A_2183 = vector.broadcast %eq3A_2182 : i32 to vector<8x2048xi32>
    %eq3A_2184 = arith.cmpi eq, %and3A_2181, %eq3A_2183 : vector<8x2048xi32>
    %slice3A_2185 = vector.extract_strided_slice %select_n3A_2177 {offsets = [0, 512], sizes = [8, 1536], strides = [1, 1]} : vector<8x2048xf32> to vector<8x1536xf32>
    %slice3A_2186 = vector.extract_strided_slice %select_n3A_2177 {offsets = [0, 0], sizes = [8, 512], strides = [1, 1]} : vector<8x2048xf32> to vector<8x512xf32>
    %concatenate3A_2187 = tpu.concatenate %slice3A_2185, %slice3A_2186 in 1 : vector<8x1536xf32>, vector<8x512xf32> -> vector<8x2048xf32>
    %slice3A_2188 = vector.extract_strided_slice %select_n3A_2177 {offsets = [0, 1536], sizes = [8, 512], strides = [1, 1]} : vector<8x2048xf32> to vector<8x512xf32>
    %slice3A_2189 = vector.extract_strided_slice %select_n3A_2177 {offsets = [0, 0], sizes = [8, 1536], strides = [1, 1]} : vector<8x2048xf32> to vector<8x1536xf32>
    %concatenate3A_2190 = tpu.concatenate %slice3A_2188, %slice3A_2189 in 1 : vector<8x512xf32>, vector<8x1536xf32> -> vector<8x2048xf32>
    %select_n3A_2191 = arith.select %eq3A_2184, %concatenate3A_2187, %concatenate3A_2190 : vector<8x2048xi1>, vector<8x2048xf32>
    %slice3A_2192 = vector.extract_strided_slice %select_n3A_2178 {offsets = [0, 512], sizes = [8, 1536], strides = [1, 1]} : vector<8x2048xi32> to vector<8x1536xi32>
    %slice3A_2193 = vector.extract_strided_slice %select_n3A_2178 {offsets = [0, 0], sizes = [8, 512], strides = [1, 1]} : vector<8x2048xi32> to vector<8x512xi32>
    %concatenate3A_2194 = tpu.concatenate %slice3A_2192, %slice3A_2193 in 1 : vector<8x1536xi32>, vector<8x512xi32> -> vector<8x2048xi32>
    %slice3A_2195 = vector.extract_strided_slice %select_n3A_2178 {offsets = [0, 1536], sizes = [8, 512], strides = [1, 1]} : vector<8x2048xi32> to vector<8x512xi32>
    %slice3A_2196 = vector.extract_strided_slice %select_n3A_2178 {offsets = [0, 0], sizes = [8, 1536], strides = [1, 1]} : vector<8x2048xi32> to vector<8x1536xi32>
    %concatenate3A_2197 = tpu.concatenate %slice3A_2195, %slice3A_2196 in 1 : vector<8x512xi32>, vector<8x1536xi32> -> vector<8x2048xi32>
    %select_n3A_2198 = arith.select %eq3A_2184, %concatenate3A_2194, %concatenate3A_2197 : vector<8x2048xi1>, vector<8x2048xi32>
    %and3A_2199 = arith.constant 2048 : i32
    %and3A_2200 = vector.broadcast %and3A_2199 : i32 to vector<8x2048xi32>
    %and3A_2201 = arith.andi %iota3A_2, %and3A_2200 : vector<8x2048xi32>
    %eq3A_2202 = arith.constant 0 : i32
    %eq3A_2203 = vector.broadcast %eq3A_2202 : i32 to vector<8x2048xi32>
    %eq3A_2204 = arith.cmpi eq, %and3A_2201, %eq3A_2203 : vector<8x2048xi32>
    %eq3A_2205 = arith.xori %eq3A_2204, %eq3A_2184 : vector<8x2048xi1>
    %eq3A_2206 = arith.constant dense<true> : vector<8x2048xi1>
    %eq3A_2207 = arith.xori %eq3A_2205, %eq3A_2206 : vector<8x2048xi1>
    %gt3A_2208 = arith.cmpf ogt, %select_n3A_2177, %select_n3A_2191 : vector<8x2048xf32>
    %eq3A_2209 = arith.cmpf oeq, %select_n3A_2177, %select_n3A_2191 : vector<8x2048xf32>
    %lt3A_2210 = arith.cmpi slt, %select_n3A_2178, %select_n3A_2198 : vector<8x2048xi32>
    %and3A_2211 = arith.andi %eq3A_2209, %lt3A_2210 : vector<8x2048xi1>
    %or3A_2212 = arith.ori %gt3A_2208, %and3A_2211 : vector<8x2048xi1>
    %eq3A_2213 = arith.xori %eq3A_2207, %or3A_2212 : vector<8x2048xi1>
    %eq3A_2214 = arith.constant dense<true> : vector<8x2048xi1>
    %eq3A_2215 = arith.xori %eq3A_2213, %eq3A_2214 : vector<8x2048xi1>
    %select_n3A_2216 = arith.select %eq3A_2215, %select_n3A_2177, %select_n3A_2191 : vector<8x2048xi1>, vector<8x2048xf32>
    %select_n3A_2217 = arith.select %eq3A_2215, %select_n3A_2178, %select_n3A_2198 : vector<8x2048xi1>, vector<8x2048xi32>
    %and3A_2218 = arith.constant 256 : i32
    %and3A_2219 = vector.broadcast %and3A_2218 : i32 to vector<8x2048xi32>
    %and3A_2220 = arith.andi %iota3A_2, %and3A_2219 : vector<8x2048xi32>
    %eq3A_2221 = arith.constant 0 : i32
    %eq3A_2222 = vector.broadcast %eq3A_2221 : i32 to vector<8x2048xi32>
    %eq3A_2223 = arith.cmpi eq, %and3A_2220, %eq3A_2222 : vector<8x2048xi32>
    %slice3A_2224 = vector.extract_strided_slice %select_n3A_2216 {offsets = [0, 256], sizes = [8, 1792], strides = [1, 1]} : vector<8x2048xf32> to vector<8x1792xf32>
    %slice3A_2225 = vector.extract_strided_slice %select_n3A_2216 {offsets = [0, 0], sizes = [8, 256], strides = [1, 1]} : vector<8x2048xf32> to vector<8x256xf32>
    %concatenate3A_2226 = tpu.concatenate %slice3A_2224, %slice3A_2225 in 1 : vector<8x1792xf32>, vector<8x256xf32> -> vector<8x2048xf32>
    %slice3A_2227 = vector.extract_strided_slice %select_n3A_2216 {offsets = [0, 1792], sizes = [8, 256], strides = [1, 1]} : vector<8x2048xf32> to vector<8x256xf32>
    %slice3A_2228 = vector.extract_strided_slice %select_n3A_2216 {offsets = [0, 0], sizes = [8, 1792], strides = [1, 1]} : vector<8x2048xf32> to vector<8x1792xf32>
    %concatenate3A_2229 = tpu.concatenate %slice3A_2227, %slice3A_2228 in 1 : vector<8x256xf32>, vector<8x1792xf32> -> vector<8x2048xf32>
    %select_n3A_2230 = arith.select %eq3A_2223, %concatenate3A_2226, %concatenate3A_2229 : vector<8x2048xi1>, vector<8x2048xf32>
    %slice3A_2231 = vector.extract_strided_slice %select_n3A_2217 {offsets = [0, 256], sizes = [8, 1792], strides = [1, 1]} : vector<8x2048xi32> to vector<8x1792xi32>
    %slice3A_2232 = vector.extract_strided_slice %select_n3A_2217 {offsets = [0, 0], sizes = [8, 256], strides = [1, 1]} : vector<8x2048xi32> to vector<8x256xi32>
    %concatenate3A_2233 = tpu.concatenate %slice3A_2231, %slice3A_2232 in 1 : vector<8x1792xi32>, vector<8x256xi32> -> vector<8x2048xi32>
    %slice3A_2234 = vector.extract_strided_slice %select_n3A_2217 {offsets = [0, 1792], sizes = [8, 256], strides = [1, 1]} : vector<8x2048xi32> to vector<8x256xi32>
    %slice3A_2235 = vector.extract_strided_slice %select_n3A_2217 {offsets = [0, 0], sizes = [8, 1792], strides = [1, 1]} : vector<8x2048xi32> to vector<8x1792xi32>
    %concatenate3A_2236 = tpu.concatenate %slice3A_2234, %slice3A_2235 in 1 : vector<8x256xi32>, vector<8x1792xi32> -> vector<8x2048xi32>
    %select_n3A_2237 = arith.select %eq3A_2223, %concatenate3A_2233, %concatenate3A_2236 : vector<8x2048xi1>, vector<8x2048xi32>
    %and3A_2238 = arith.constant 2048 : i32
    %and3A_2239 = vector.broadcast %and3A_2238 : i32 to vector<8x2048xi32>
    %and3A_2240 = arith.andi %iota3A_2, %and3A_2239 : vector<8x2048xi32>
    %eq3A_2241 = arith.constant 0 : i32
    %eq3A_2242 = vector.broadcast %eq3A_2241 : i32 to vector<8x2048xi32>
    %eq3A_2243 = arith.cmpi eq, %and3A_2240, %eq3A_2242 : vector<8x2048xi32>
    %eq3A_2244 = arith.xori %eq3A_2243, %eq3A_2223 : vector<8x2048xi1>
    %eq3A_2245 = arith.constant dense<true> : vector<8x2048xi1>
    %eq3A_2246 = arith.xori %eq3A_2244, %eq3A_2245 : vector<8x2048xi1>
    %gt3A_2247 = arith.cmpf ogt, %select_n3A_2216, %select_n3A_2230 : vector<8x2048xf32>
    %eq3A_2248 = arith.cmpf oeq, %select_n3A_2216, %select_n3A_2230 : vector<8x2048xf32>
    %lt3A_2249 = arith.cmpi slt, %select_n3A_2217, %select_n3A_2237 : vector<8x2048xi32>
    %and3A_2250 = arith.andi %eq3A_2248, %lt3A_2249 : vector<8x2048xi1>
    %or3A_2251 = arith.ori %gt3A_2247, %and3A_2250 : vector<8x2048xi1>
    %eq3A_2252 = arith.xori %eq3A_2246, %or3A_2251 : vector<8x2048xi1>
    %eq3A_2253 = arith.constant dense<true> : vector<8x2048xi1>
    %eq3A_2254 = arith.xori %eq3A_2252, %eq3A_2253 : vector<8x2048xi1>
    %select_n3A_2255 = arith.select %eq3A_2254, %select_n3A_2216, %select_n3A_2230 : vector<8x2048xi1>, vector<8x2048xf32>
    %select_n3A_2256 = arith.select %eq3A_2254, %select_n3A_2217, %select_n3A_2237 : vector<8x2048xi1>, vector<8x2048xi32>
    %and3A_2257 = arith.constant 128 : i32
    %and3A_2258 = vector.broadcast %and3A_2257 : i32 to vector<8x2048xi32>
    %and3A_2259 = arith.andi %iota3A_2, %and3A_2258 : vector<8x2048xi32>
    %eq3A_2260 = arith.constant 0 : i32
    %eq3A_2261 = vector.broadcast %eq3A_2260 : i32 to vector<8x2048xi32>
    %eq3A_2262 = arith.cmpi eq, %and3A_2259, %eq3A_2261 : vector<8x2048xi32>
    %slice3A_2263 = vector.extract_strided_slice %select_n3A_2255 {offsets = [0, 128], sizes = [8, 1920], strides = [1, 1]} : vector<8x2048xf32> to vector<8x1920xf32>
    %slice3A_2264 = vector.extract_strided_slice %select_n3A_2255 {offsets = [0, 0], sizes = [8, 128], strides = [1, 1]} : vector<8x2048xf32> to vector<8x128xf32>
    %concatenate3A_2265 = tpu.concatenate %slice3A_2263, %slice3A_2264 in 1 : vector<8x1920xf32>, vector<8x128xf32> -> vector<8x2048xf32>
    %slice3A_2266 = vector.extract_strided_slice %select_n3A_2255 {offsets = [0, 1920], sizes = [8, 128], strides = [1, 1]} : vector<8x2048xf32> to vector<8x128xf32>
    %slice3A_2267 = vector.extract_strided_slice %select_n3A_2255 {offsets = [0, 0], sizes = [8, 1920], strides = [1, 1]} : vector<8x2048xf32> to vector<8x1920xf32>
    %concatenate3A_2268 = tpu.concatenate %slice3A_2266, %slice3A_2267 in 1 : vector<8x128xf32>, vector<8x1920xf32> -> vector<8x2048xf32>
    %select_n3A_2269 = arith.select %eq3A_2262, %concatenate3A_2265, %concatenate3A_2268 : vector<8x2048xi1>, vector<8x2048xf32>
    %slice3A_2270 = vector.extract_strided_slice %select_n3A_2256 {offsets = [0, 128], sizes = [8, 1920], strides = [1, 1]} : vector<8x2048xi32> to vector<8x1920xi32>
    %slice3A_2271 = vector.extract_strided_slice %select_n3A_2256 {offsets = [0, 0], sizes = [8, 128], strides = [1, 1]} : vector<8x2048xi32> to vector<8x128xi32>
    %concatenate3A_2272 = tpu.concatenate %slice3A_2270, %slice3A_2271 in 1 : vector<8x1920xi32>, vector<8x128xi32> -> vector<8x2048xi32>
    %slice3A_2273 = vector.extract_strided_slice %select_n3A_2256 {offsets = [0, 1920], sizes = [8, 128], strides = [1, 1]} : vector<8x2048xi32> to vector<8x128xi32>
    %slice3A_2274 = vector.extract_strided_slice %select_n3A_2256 {offsets = [0, 0], sizes = [8, 1920], strides = [1, 1]} : vector<8x2048xi32> to vector<8x1920xi32>
    %concatenate3A_2275 = tpu.concatenate %slice3A_2273, %slice3A_2274 in 1 : vector<8x128xi32>, vector<8x1920xi32> -> vector<8x2048xi32>
    %select_n3A_2276 = arith.select %eq3A_2262, %concatenate3A_2272, %concatenate3A_2275 : vector<8x2048xi1>, vector<8x2048xi32>
    %and3A_2277 = arith.constant 2048 : i32
    %and3A_2278 = vector.broadcast %and3A_2277 : i32 to vector<8x2048xi32>
    %and3A_2279 = arith.andi %iota3A_2, %and3A_2278 : vector<8x2048xi32>
    %eq3A_2280 = arith.constant 0 : i32
    %eq3A_2281 = vector.broadcast %eq3A_2280 : i32 to vector<8x2048xi32>
    %eq3A_2282 = arith.cmpi eq, %and3A_2279, %eq3A_2281 : vector<8x2048xi32>
    %eq3A_2283 = arith.xori %eq3A_2282, %eq3A_2262 : vector<8x2048xi1>
    %eq3A_2284 = arith.constant dense<true> : vector<8x2048xi1>
    %eq3A_2285 = arith.xori %eq3A_2283, %eq3A_2284 : vector<8x2048xi1>
    %gt3A_2286 = arith.cmpf ogt, %select_n3A_2255, %select_n3A_2269 : vector<8x2048xf32>
    %eq3A_2287 = arith.cmpf oeq, %select_n3A_2255, %select_n3A_2269 : vector<8x2048xf32>
    %lt3A_2288 = arith.cmpi slt, %select_n3A_2256, %select_n3A_2276 : vector<8x2048xi32>
    %and3A_2289 = arith.andi %eq3A_2287, %lt3A_2288 : vector<8x2048xi1>
    %or3A_2290 = arith.ori %gt3A_2286, %and3A_2289 : vector<8x2048xi1>
    %eq3A_2291 = arith.xori %eq3A_2285, %or3A_2290 : vector<8x2048xi1>
    %eq3A_2292 = arith.constant dense<true> : vector<8x2048xi1>
    %eq3A_2293 = arith.xori %eq3A_2291, %eq3A_2292 : vector<8x2048xi1>
    %select_n3A_2294 = arith.select %eq3A_2293, %select_n3A_2255, %select_n3A_2269 : vector<8x2048xi1>, vector<8x2048xf32>
    %select_n3A_2295 = arith.select %eq3A_2293, %select_n3A_2256, %select_n3A_2276 : vector<8x2048xi1>, vector<8x2048xi32>
    %and3A_2296 = arith.constant 64 : i32
    %and3A_2297 = vector.broadcast %and3A_2296 : i32 to vector<8x2048xi32>
    %and3A_2298 = arith.andi %iota3A_2, %and3A_2297 : vector<8x2048xi32>
    %eq3A_2299 = arith.constant 0 : i32
    %eq3A_2300 = vector.broadcast %eq3A_2299 : i32 to vector<8x2048xi32>
    %eq3A_2301 = arith.cmpi eq, %and3A_2298, %eq3A_2300 : vector<8x2048xi32>
    %slice3A_2302 = vector.extract_strided_slice %select_n3A_2294 {offsets = [0, 64], sizes = [8, 1984], strides = [1, 1]} : vector<8x2048xf32> to vector<8x1984xf32>
    %slice3A_2303 = vector.extract_strided_slice %select_n3A_2294 {offsets = [0, 0], sizes = [8, 64], strides = [1, 1]} : vector<8x2048xf32> to vector<8x64xf32>
    %concatenate3A_2304 = tpu.concatenate %slice3A_2302, %slice3A_2303 in 1 : vector<8x1984xf32>, vector<8x64xf32> -> vector<8x2048xf32>
    %slice3A_2305 = vector.extract_strided_slice %select_n3A_2294 {offsets = [0, 1984], sizes = [8, 64], strides = [1, 1]} : vector<8x2048xf32> to vector<8x64xf32>
    %slice3A_2306 = vector.extract_strided_slice %select_n3A_2294 {offsets = [0, 0], sizes = [8, 1984], strides = [1, 1]} : vector<8x2048xf32> to vector<8x1984xf32>
    %concatenate3A_2307 = tpu.concatenate %slice3A_2305, %slice3A_2306 in 1 : vector<8x64xf32>, vector<8x1984xf32> -> vector<8x2048xf32>
    %select_n3A_2308 = arith.select %eq3A_2301, %concatenate3A_2304, %concatenate3A_2307 : vector<8x2048xi1>, vector<8x2048xf32>
    %slice3A_2309 = vector.extract_strided_slice %select_n3A_2295 {offsets = [0, 64], sizes = [8, 1984], strides = [1, 1]} : vector<8x2048xi32> to vector<8x1984xi32>
    %slice3A_2310 = vector.extract_strided_slice %select_n3A_2295 {offsets = [0, 0], sizes = [8, 64], strides = [1, 1]} : vector<8x2048xi32> to vector<8x64xi32>
    %concatenate3A_2311 = tpu.concatenate %slice3A_2309, %slice3A_2310 in 1 : vector<8x1984xi32>, vector<8x64xi32> -> vector<8x2048xi32>
    %slice3A_2312 = vector.extract_strided_slice %select_n3A_2295 {offsets = [0, 1984], sizes = [8, 64], strides = [1, 1]} : vector<8x2048xi32> to vector<8x64xi32>
    %slice3A_2313 = vector.extract_strided_slice %select_n3A_2295 {offsets = [0, 0], sizes = [8, 1984], strides = [1, 1]} : vector<8x2048xi32> to vector<8x1984xi32>
    %concatenate3A_2314 = tpu.concatenate %slice3A_2312, %slice3A_2313 in 1 : vector<8x64xi32>, vector<8x1984xi32> -> vector<8x2048xi32>
    %select_n3A_2315 = arith.select %eq3A_2301, %concatenate3A_2311, %concatenate3A_2314 : vector<8x2048xi1>, vector<8x2048xi32>
    %and3A_2316 = arith.constant 2048 : i32
    %and3A_2317 = vector.broadcast %and3A_2316 : i32 to vector<8x2048xi32>
    %and3A_2318 = arith.andi %iota3A_2, %and3A_2317 : vector<8x2048xi32>
    %eq3A_2319 = arith.constant 0 : i32
    %eq3A_2320 = vector.broadcast %eq3A_2319 : i32 to vector<8x2048xi32>
    %eq3A_2321 = arith.cmpi eq, %and3A_2318, %eq3A_2320 : vector<8x2048xi32>
    %eq3A_2322 = arith.xori %eq3A_2321, %eq3A_2301 : vector<8x2048xi1>
    %eq3A_2323 = arith.constant dense<true> : vector<8x2048xi1>
    %eq3A_2324 = arith.xori %eq3A_2322, %eq3A_2323 : vector<8x2048xi1>
    %gt3A_2325 = arith.cmpf ogt, %select_n3A_2294, %select_n3A_2308 : vector<8x2048xf32>
    %eq3A_2326 = arith.cmpf oeq, %select_n3A_2294, %select_n3A_2308 : vector<8x2048xf32>
    %lt3A_2327 = arith.cmpi slt, %select_n3A_2295, %select_n3A_2315 : vector<8x2048xi32>
    %and3A_2328 = arith.andi %eq3A_2326, %lt3A_2327 : vector<8x2048xi1>
    %or3A_2329 = arith.ori %gt3A_2325, %and3A_2328 : vector<8x2048xi1>
    %eq3A_2330 = arith.xori %eq3A_2324, %or3A_2329 : vector<8x2048xi1>
    %eq3A_2331 = arith.constant dense<true> : vector<8x2048xi1>
    %eq3A_2332 = arith.xori %eq3A_2330, %eq3A_2331 : vector<8x2048xi1>
    %select_n3A_2333 = arith.select %eq3A_2332, %select_n3A_2294, %select_n3A_2308 : vector<8x2048xi1>, vector<8x2048xf32>
    %select_n3A_2334 = arith.select %eq3A_2332, %select_n3A_2295, %select_n3A_2315 : vector<8x2048xi1>, vector<8x2048xi32>
    %and3A_2335 = arith.constant 32 : i32
    %and3A_2336 = vector.broadcast %and3A_2335 : i32 to vector<8x2048xi32>
    %and3A_2337 = arith.andi %iota3A_2, %and3A_2336 : vector<8x2048xi32>
    %eq3A_2338 = arith.constant 0 : i32
    %eq3A_2339 = vector.broadcast %eq3A_2338 : i32 to vector<8x2048xi32>
    %eq3A_2340 = arith.cmpi eq, %and3A_2337, %eq3A_2339 : vector<8x2048xi32>
    %slice3A_2341 = vector.extract_strided_slice %select_n3A_2333 {offsets = [0, 32], sizes = [8, 2016], strides = [1, 1]} : vector<8x2048xf32> to vector<8x2016xf32>
    %slice3A_2342 = vector.extract_strided_slice %select_n3A_2333 {offsets = [0, 0], sizes = [8, 32], strides = [1, 1]} : vector<8x2048xf32> to vector<8x32xf32>
    %concatenate3A_2343 = tpu.concatenate %slice3A_2341, %slice3A_2342 in 1 : vector<8x2016xf32>, vector<8x32xf32> -> vector<8x2048xf32>
    %slice3A_2344 = vector.extract_strided_slice %select_n3A_2333 {offsets = [0, 2016], sizes = [8, 32], strides = [1, 1]} : vector<8x2048xf32> to vector<8x32xf32>
    %slice3A_2345 = vector.extract_strided_slice %select_n3A_2333 {offsets = [0, 0], sizes = [8, 2016], strides = [1, 1]} : vector<8x2048xf32> to vector<8x2016xf32>
    %concatenate3A_2346 = tpu.concatenate %slice3A_2344, %slice3A_2345 in 1 : vector<8x32xf32>, vector<8x2016xf32> -> vector<8x2048xf32>
    %select_n3A_2347 = arith.select %eq3A_2340, %concatenate3A_2343, %concatenate3A_2346 : vector<8x2048xi1>, vector<8x2048xf32>
    %slice3A_2348 = vector.extract_strided_slice %select_n3A_2334 {offsets = [0, 32], sizes = [8, 2016], strides = [1, 1]} : vector<8x2048xi32> to vector<8x2016xi32>
    %slice3A_2349 = vector.extract_strided_slice %select_n3A_2334 {offsets = [0, 0], sizes = [8, 32], strides = [1, 1]} : vector<8x2048xi32> to vector<8x32xi32>
    %concatenate3A_2350 = tpu.concatenate %slice3A_2348, %slice3A_2349 in 1 : vector<8x2016xi32>, vector<8x32xi32> -> vector<8x2048xi32>
    %slice3A_2351 = vector.extract_strided_slice %select_n3A_2334 {offsets = [0, 2016], sizes = [8, 32], strides = [1, 1]} : vector<8x2048xi32> to vector<8x32xi32>
    %slice3A_2352 = vector.extract_strided_slice %select_n3A_2334 {offsets = [0, 0], sizes = [8, 2016], strides = [1, 1]} : vector<8x2048xi32> to vector<8x2016xi32>
    %concatenate3A_2353 = tpu.concatenate %slice3A_2351, %slice3A_2352 in 1 : vector<8x32xi32>, vector<8x2016xi32> -> vector<8x2048xi32>
    %select_n3A_2354 = arith.select %eq3A_2340, %concatenate3A_2350, %concatenate3A_2353 : vector<8x2048xi1>, vector<8x2048xi32>
    %and3A_2355 = arith.constant 2048 : i32
    %and3A_2356 = vector.broadcast %and3A_2355 : i32 to vector<8x2048xi32>
    %and3A_2357 = arith.andi %iota3A_2, %and3A_2356 : vector<8x2048xi32>
    %eq3A_2358 = arith.constant 0 : i32
    %eq3A_2359 = vector.broadcast %eq3A_2358 : i32 to vector<8x2048xi32>
    %eq3A_2360 = arith.cmpi eq, %and3A_2357, %eq3A_2359 : vector<8x2048xi32>
    %eq3A_2361 = arith.xori %eq3A_2360, %eq3A_2340 : vector<8x2048xi1>
    %eq3A_2362 = arith.constant dense<true> : vector<8x2048xi1>
    %eq3A_2363 = arith.xori %eq3A_2361, %eq3A_2362 : vector<8x2048xi1>
    %gt3A_2364 = arith.cmpf ogt, %select_n3A_2333, %select_n3A_2347 : vector<8x2048xf32>
    %eq3A_2365 = arith.cmpf oeq, %select_n3A_2333, %select_n3A_2347 : vector<8x2048xf32>
    %lt3A_2366 = arith.cmpi slt, %select_n3A_2334, %select_n3A_2354 : vector<8x2048xi32>
    %and3A_2367 = arith.andi %eq3A_2365, %lt3A_2366 : vector<8x2048xi1>
    %or3A_2368 = arith.ori %gt3A_2364, %and3A_2367 : vector<8x2048xi1>
    %eq3A_2369 = arith.xori %eq3A_2363, %or3A_2368 : vector<8x2048xi1>
    %eq3A_2370 = arith.constant dense<true> : vector<8x2048xi1>
    %eq3A_2371 = arith.xori %eq3A_2369, %eq3A_2370 : vector<8x2048xi1>
    %select_n3A_2372 = arith.select %eq3A_2371, %select_n3A_2333, %select_n3A_2347 : vector<8x2048xi1>, vector<8x2048xf32>
    %select_n3A_2373 = arith.select %eq3A_2371, %select_n3A_2334, %select_n3A_2354 : vector<8x2048xi1>, vector<8x2048xi32>
    %and3A_2374 = arith.constant 16 : i32
    %and3A_2375 = vector.broadcast %and3A_2374 : i32 to vector<8x2048xi32>
    %and3A_2376 = arith.andi %iota3A_2, %and3A_2375 : vector<8x2048xi32>
    %eq3A_2377 = arith.constant 0 : i32
    %eq3A_2378 = vector.broadcast %eq3A_2377 : i32 to vector<8x2048xi32>
    %eq3A_2379 = arith.cmpi eq, %and3A_2376, %eq3A_2378 : vector<8x2048xi32>
    %slice3A_2380 = vector.extract_strided_slice %select_n3A_2372 {offsets = [0, 16], sizes = [8, 2032], strides = [1, 1]} : vector<8x2048xf32> to vector<8x2032xf32>
    %slice3A_2381 = vector.extract_strided_slice %select_n3A_2372 {offsets = [0, 0], sizes = [8, 16], strides = [1, 1]} : vector<8x2048xf32> to vector<8x16xf32>
    %concatenate3A_2382 = tpu.concatenate %slice3A_2380, %slice3A_2381 in 1 : vector<8x2032xf32>, vector<8x16xf32> -> vector<8x2048xf32>
    %slice3A_2383 = vector.extract_strided_slice %select_n3A_2372 {offsets = [0, 2032], sizes = [8, 16], strides = [1, 1]} : vector<8x2048xf32> to vector<8x16xf32>
    %slice3A_2384 = vector.extract_strided_slice %select_n3A_2372 {offsets = [0, 0], sizes = [8, 2032], strides = [1, 1]} : vector<8x2048xf32> to vector<8x2032xf32>
    %concatenate3A_2385 = tpu.concatenate %slice3A_2383, %slice3A_2384 in 1 : vector<8x16xf32>, vector<8x2032xf32> -> vector<8x2048xf32>
    %select_n3A_2386 = arith.select %eq3A_2379, %concatenate3A_2382, %concatenate3A_2385 : vector<8x2048xi1>, vector<8x2048xf32>
    %slice3A_2387 = vector.extract_strided_slice %select_n3A_2373 {offsets = [0, 16], sizes = [8, 2032], strides = [1, 1]} : vector<8x2048xi32> to vector<8x2032xi32>
    %slice3A_2388 = vector.extract_strided_slice %select_n3A_2373 {offsets = [0, 0], sizes = [8, 16], strides = [1, 1]} : vector<8x2048xi32> to vector<8x16xi32>
    %concatenate3A_2389 = tpu.concatenate %slice3A_2387, %slice3A_2388 in 1 : vector<8x2032xi32>, vector<8x16xi32> -> vector<8x2048xi32>
    %slice3A_2390 = vector.extract_strided_slice %select_n3A_2373 {offsets = [0, 2032], sizes = [8, 16], strides = [1, 1]} : vector<8x2048xi32> to vector<8x16xi32>
    %slice3A_2391 = vector.extract_strided_slice %select_n3A_2373 {offsets = [0, 0], sizes = [8, 2032], strides = [1, 1]} : vector<8x2048xi32> to vector<8x2032xi32>
    %concatenate3A_2392 = tpu.concatenate %slice3A_2390, %slice3A_2391 in 1 : vector<8x16xi32>, vector<8x2032xi32> -> vector<8x2048xi32>
    %select_n3A_2393 = arith.select %eq3A_2379, %concatenate3A_2389, %concatenate3A_2392 : vector<8x2048xi1>, vector<8x2048xi32>
    %and3A_2394 = arith.constant 2048 : i32
    %and3A_2395 = vector.broadcast %and3A_2394 : i32 to vector<8x2048xi32>
    %and3A_2396 = arith.andi %iota3A_2, %and3A_2395 : vector<8x2048xi32>
    %eq3A_2397 = arith.constant 0 : i32
    %eq3A_2398 = vector.broadcast %eq3A_2397 : i32 to vector<8x2048xi32>
    %eq3A_2399 = arith.cmpi eq, %and3A_2396, %eq3A_2398 : vector<8x2048xi32>
    %eq3A_2400 = arith.xori %eq3A_2399, %eq3A_2379 : vector<8x2048xi1>
    %eq3A_2401 = arith.constant dense<true> : vector<8x2048xi1>
    %eq3A_2402 = arith.xori %eq3A_2400, %eq3A_2401 : vector<8x2048xi1>
    %gt3A_2403 = arith.cmpf ogt, %select_n3A_2372, %select_n3A_2386 : vector<8x2048xf32>
    %eq3A_2404 = arith.cmpf oeq, %select_n3A_2372, %select_n3A_2386 : vector<8x2048xf32>
    %lt3A_2405 = arith.cmpi slt, %select_n3A_2373, %select_n3A_2393 : vector<8x2048xi32>
    %and3A_2406 = arith.andi %eq3A_2404, %lt3A_2405 : vector<8x2048xi1>
    %or3A_2407 = arith.ori %gt3A_2403, %and3A_2406 : vector<8x2048xi1>
    %eq3A_2408 = arith.xori %eq3A_2402, %or3A_2407 : vector<8x2048xi1>
    %eq3A_2409 = arith.constant dense<true> : vector<8x2048xi1>
    %eq3A_2410 = arith.xori %eq3A_2408, %eq3A_2409 : vector<8x2048xi1>
    %select_n3A_2411 = arith.select %eq3A_2410, %select_n3A_2372, %select_n3A_2386 : vector<8x2048xi1>, vector<8x2048xf32>
    %select_n3A_2412 = arith.select %eq3A_2410, %select_n3A_2373, %select_n3A_2393 : vector<8x2048xi1>, vector<8x2048xi32>
    %and3A_2413 = arith.constant 8 : i32
    %and3A_2414 = vector.broadcast %and3A_2413 : i32 to vector<8x2048xi32>
    %and3A_2415 = arith.andi %iota3A_2, %and3A_2414 : vector<8x2048xi32>
    %eq3A_2416 = arith.constant 0 : i32
    %eq3A_2417 = vector.broadcast %eq3A_2416 : i32 to vector<8x2048xi32>
    %eq3A_2418 = arith.cmpi eq, %and3A_2415, %eq3A_2417 : vector<8x2048xi32>
    %slice3A_2419 = vector.extract_strided_slice %select_n3A_2411 {offsets = [0, 8], sizes = [8, 2040], strides = [1, 1]} : vector<8x2048xf32> to vector<8x2040xf32>
    %slice3A_2420 = vector.extract_strided_slice %select_n3A_2411 {offsets = [0, 0], sizes = [8, 8], strides = [1, 1]} : vector<8x2048xf32> to vector<8x8xf32>
    %concatenate3A_2421 = tpu.concatenate %slice3A_2419, %slice3A_2420 in 1 : vector<8x2040xf32>, vector<8x8xf32> -> vector<8x2048xf32>
    %slice3A_2422 = vector.extract_strided_slice %select_n3A_2411 {offsets = [0, 2040], sizes = [8, 8], strides = [1, 1]} : vector<8x2048xf32> to vector<8x8xf32>
    %slice3A_2423 = vector.extract_strided_slice %select_n3A_2411 {offsets = [0, 0], sizes = [8, 2040], strides = [1, 1]} : vector<8x2048xf32> to vector<8x2040xf32>
    %concatenate3A_2424 = tpu.concatenate %slice3A_2422, %slice3A_2423 in 1 : vector<8x8xf32>, vector<8x2040xf32> -> vector<8x2048xf32>
    %select_n3A_2425 = arith.select %eq3A_2418, %concatenate3A_2421, %concatenate3A_2424 : vector<8x2048xi1>, vector<8x2048xf32>
    %slice3A_2426 = vector.extract_strided_slice %select_n3A_2412 {offsets = [0, 8], sizes = [8, 2040], strides = [1, 1]} : vector<8x2048xi32> to vector<8x2040xi32>
    %slice3A_2427 = vector.extract_strided_slice %select_n3A_2412 {offsets = [0, 0], sizes = [8, 8], strides = [1, 1]} : vector<8x2048xi32> to vector<8x8xi32>
    %concatenate3A_2428 = tpu.concatenate %slice3A_2426, %slice3A_2427 in 1 : vector<8x2040xi32>, vector<8x8xi32> -> vector<8x2048xi32>
    %slice3A_2429 = vector.extract_strided_slice %select_n3A_2412 {offsets = [0, 2040], sizes = [8, 8], strides = [1, 1]} : vector<8x2048xi32> to vector<8x8xi32>
    %slice3A_2430 = vector.extract_strided_slice %select_n3A_2412 {offsets = [0, 0], sizes = [8, 2040], strides = [1, 1]} : vector<8x2048xi32> to vector<8x2040xi32>
    %concatenate3A_2431 = tpu.concatenate %slice3A_2429, %slice3A_2430 in 1 : vector<8x8xi32>, vector<8x2040xi32> -> vector<8x2048xi32>
    %select_n3A_2432 = arith.select %eq3A_2418, %concatenate3A_2428, %concatenate3A_2431 : vector<8x2048xi1>, vector<8x2048xi32>
    %and3A_2433 = arith.constant 2048 : i32
    %and3A_2434 = vector.broadcast %and3A_2433 : i32 to vector<8x2048xi32>
    %and3A_2435 = arith.andi %iota3A_2, %and3A_2434 : vector<8x2048xi32>
    %eq3A_2436 = arith.constant 0 : i32
    %eq3A_2437 = vector.broadcast %eq3A_2436 : i32 to vector<8x2048xi32>
    %eq3A_2438 = arith.cmpi eq, %and3A_2435, %eq3A_2437 : vector<8x2048xi32>
    %eq3A_2439 = arith.xori %eq3A_2438, %eq3A_2418 : vector<8x2048xi1>
    %eq3A_2440 = arith.constant dense<true> : vector<8x2048xi1>
    %eq3A_2441 = arith.xori %eq3A_2439, %eq3A_2440 : vector<8x2048xi1>
    %gt3A_2442 = arith.cmpf ogt, %select_n3A_2411, %select_n3A_2425 : vector<8x2048xf32>
    %eq3A_2443 = arith.cmpf oeq, %select_n3A_2411, %select_n3A_2425 : vector<8x2048xf32>
    %lt3A_2444 = arith.cmpi slt, %select_n3A_2412, %select_n3A_2432 : vector<8x2048xi32>
    %and3A_2445 = arith.andi %eq3A_2443, %lt3A_2444 : vector<8x2048xi1>
    %or3A_2446 = arith.ori %gt3A_2442, %and3A_2445 : vector<8x2048xi1>
    %eq3A_2447 = arith.xori %eq3A_2441, %or3A_2446 : vector<8x2048xi1>
    %eq3A_2448 = arith.constant dense<true> : vector<8x2048xi1>
    %eq3A_2449 = arith.xori %eq3A_2447, %eq3A_2448 : vector<8x2048xi1>
    %select_n3A_2450 = arith.select %eq3A_2449, %select_n3A_2411, %select_n3A_2425 : vector<8x2048xi1>, vector<8x2048xf32>
    %select_n3A_2451 = arith.select %eq3A_2449, %select_n3A_2412, %select_n3A_2432 : vector<8x2048xi1>, vector<8x2048xi32>
    %and3A_2452 = arith.constant 4 : i32
    %and3A_2453 = vector.broadcast %and3A_2452 : i32 to vector<8x2048xi32>
    %and3A_2454 = arith.andi %iota3A_2, %and3A_2453 : vector<8x2048xi32>
    %eq3A_2455 = arith.constant 0 : i32
    %eq3A_2456 = vector.broadcast %eq3A_2455 : i32 to vector<8x2048xi32>
    %eq3A_2457 = arith.cmpi eq, %and3A_2454, %eq3A_2456 : vector<8x2048xi32>
    %slice3A_2458 = vector.extract_strided_slice %select_n3A_2450 {offsets = [0, 4], sizes = [8, 2044], strides = [1, 1]} : vector<8x2048xf32> to vector<8x2044xf32>
    %slice3A_2459 = vector.extract_strided_slice %select_n3A_2450 {offsets = [0, 0], sizes = [8, 4], strides = [1, 1]} : vector<8x2048xf32> to vector<8x4xf32>
    %concatenate3A_2460 = tpu.concatenate %slice3A_2458, %slice3A_2459 in 1 : vector<8x2044xf32>, vector<8x4xf32> -> vector<8x2048xf32>
    %slice3A_2461 = vector.extract_strided_slice %select_n3A_2450 {offsets = [0, 2044], sizes = [8, 4], strides = [1, 1]} : vector<8x2048xf32> to vector<8x4xf32>
    %slice3A_2462 = vector.extract_strided_slice %select_n3A_2450 {offsets = [0, 0], sizes = [8, 2044], strides = [1, 1]} : vector<8x2048xf32> to vector<8x2044xf32>
    %concatenate3A_2463 = tpu.concatenate %slice3A_2461, %slice3A_2462 in 1 : vector<8x4xf32>, vector<8x2044xf32> -> vector<8x2048xf32>
    %select_n3A_2464 = arith.select %eq3A_2457, %concatenate3A_2460, %concatenate3A_2463 : vector<8x2048xi1>, vector<8x2048xf32>
    %slice3A_2465 = vector.extract_strided_slice %select_n3A_2451 {offsets = [0, 4], sizes = [8, 2044], strides = [1, 1]} : vector<8x2048xi32> to vector<8x2044xi32>
    %slice3A_2466 = vector.extract_strided_slice %select_n3A_2451 {offsets = [0, 0], sizes = [8, 4], strides = [1, 1]} : vector<8x2048xi32> to vector<8x4xi32>
    %concatenate3A_2467 = tpu.concatenate %slice3A_2465, %slice3A_2466 in 1 : vector<8x2044xi32>, vector<8x4xi32> -> vector<8x2048xi32>
    %slice3A_2468 = vector.extract_strided_slice %select_n3A_2451 {offsets = [0, 2044], sizes = [8, 4], strides = [1, 1]} : vector<8x2048xi32> to vector<8x4xi32>
    %slice3A_2469 = vector.extract_strided_slice %select_n3A_2451 {offsets = [0, 0], sizes = [8, 2044], strides = [1, 1]} : vector<8x2048xi32> to vector<8x2044xi32>
    %concatenate3A_2470 = tpu.concatenate %slice3A_2468, %slice3A_2469 in 1 : vector<8x4xi32>, vector<8x2044xi32> -> vector<8x2048xi32>
    %select_n3A_2471 = arith.select %eq3A_2457, %concatenate3A_2467, %concatenate3A_2470 : vector<8x2048xi1>, vector<8x2048xi32>
    %and3A_2472 = arith.constant 2048 : i32
    %and3A_2473 = vector.broadcast %and3A_2472 : i32 to vector<8x2048xi32>
    %and3A_2474 = arith.andi %iota3A_2, %and3A_2473 : vector<8x2048xi32>
    %eq3A_2475 = arith.constant 0 : i32
    %eq3A_2476 = vector.broadcast %eq3A_2475 : i32 to vector<8x2048xi32>
    %eq3A_2477 = arith.cmpi eq, %and3A_2474, %eq3A_2476 : vector<8x2048xi32>
    %eq3A_2478 = arith.xori %eq3A_2477, %eq3A_2457 : vector<8x2048xi1>
    %eq3A_2479 = arith.constant dense<true> : vector<8x2048xi1>
    %eq3A_2480 = arith.xori %eq3A_2478, %eq3A_2479 : vector<8x2048xi1>
    %gt3A_2481 = arith.cmpf ogt, %select_n3A_2450, %select_n3A_2464 : vector<8x2048xf32>
    %eq3A_2482 = arith.cmpf oeq, %select_n3A_2450, %select_n3A_2464 : vector<8x2048xf32>
    %lt3A_2483 = arith.cmpi slt, %select_n3A_2451, %select_n3A_2471 : vector<8x2048xi32>
    %and3A_2484 = arith.andi %eq3A_2482, %lt3A_2483 : vector<8x2048xi1>
    %or3A_2485 = arith.ori %gt3A_2481, %and3A_2484 : vector<8x2048xi1>
    %eq3A_2486 = arith.xori %eq3A_2480, %or3A_2485 : vector<8x2048xi1>
    %eq3A_2487 = arith.constant dense<true> : vector<8x2048xi1>
    %eq3A_2488 = arith.xori %eq3A_2486, %eq3A_2487 : vector<8x2048xi1>
    %select_n3A_2489 = arith.select %eq3A_2488, %select_n3A_2450, %select_n3A_2464 : vector<8x2048xi1>, vector<8x2048xf32>
    %select_n3A_2490 = arith.select %eq3A_2488, %select_n3A_2451, %select_n3A_2471 : vector<8x2048xi1>, vector<8x2048xi32>
    %and3A_2491 = arith.constant 2 : i32
    %and3A_2492 = vector.broadcast %and3A_2491 : i32 to vector<8x2048xi32>
    %and3A_2493 = arith.andi %iota3A_2, %and3A_2492 : vector<8x2048xi32>
    %eq3A_2494 = arith.constant 0 : i32
    %eq3A_2495 = vector.broadcast %eq3A_2494 : i32 to vector<8x2048xi32>
    %eq3A_2496 = arith.cmpi eq, %and3A_2493, %eq3A_2495 : vector<8x2048xi32>
    %slice3A_2497 = vector.extract_strided_slice %select_n3A_2489 {offsets = [0, 2], sizes = [8, 2046], strides = [1, 1]} : vector<8x2048xf32> to vector<8x2046xf32>
    %slice3A_2498 = vector.extract_strided_slice %select_n3A_2489 {offsets = [0, 0], sizes = [8, 2], strides = [1, 1]} : vector<8x2048xf32> to vector<8x2xf32>
    %concatenate3A_2499 = tpu.concatenate %slice3A_2497, %slice3A_2498 in 1 : vector<8x2046xf32>, vector<8x2xf32> -> vector<8x2048xf32>
    %slice3A_2500 = vector.extract_strided_slice %select_n3A_2489 {offsets = [0, 2046], sizes = [8, 2], strides = [1, 1]} : vector<8x2048xf32> to vector<8x2xf32>
    %slice3A_2501 = vector.extract_strided_slice %select_n3A_2489 {offsets = [0, 0], sizes = [8, 2046], strides = [1, 1]} : vector<8x2048xf32> to vector<8x2046xf32>
    %concatenate3A_2502 = tpu.concatenate %slice3A_2500, %slice3A_2501 in 1 : vector<8x2xf32>, vector<8x2046xf32> -> vector<8x2048xf32>
    %select_n3A_2503 = arith.select %eq3A_2496, %concatenate3A_2499, %concatenate3A_2502 : vector<8x2048xi1>, vector<8x2048xf32>
    %slice3A_2504 = vector.extract_strided_slice %select_n3A_2490 {offsets = [0, 2], sizes = [8, 2046], strides = [1, 1]} : vector<8x2048xi32> to vector<8x2046xi32>
    %slice3A_2505 = vector.extract_strided_slice %select_n3A_2490 {offsets = [0, 0], sizes = [8, 2], strides = [1, 1]} : vector<8x2048xi32> to vector<8x2xi32>
    %concatenate3A_2506 = tpu.concatenate %slice3A_2504, %slice3A_2505 in 1 : vector<8x2046xi32>, vector<8x2xi32> -> vector<8x2048xi32>
    %slice3A_2507 = vector.extract_strided_slice %select_n3A_2490 {offsets = [0, 2046], sizes = [8, 2], strides = [1, 1]} : vector<8x2048xi32> to vector<8x2xi32>
    %slice3A_2508 = vector.extract_strided_slice %select_n3A_2490 {offsets = [0, 0], sizes = [8, 2046], strides = [1, 1]} : vector<8x2048xi32> to vector<8x2046xi32>
    %concatenate3A_2509 = tpu.concatenate %slice3A_2507, %slice3A_2508 in 1 : vector<8x2xi32>, vector<8x2046xi32> -> vector<8x2048xi32>
    %select_n3A_2510 = arith.select %eq3A_2496, %concatenate3A_2506, %concatenate3A_2509 : vector<8x2048xi1>, vector<8x2048xi32>
    %and3A_2511 = arith.constant 2048 : i32
    %and3A_2512 = vector.broadcast %and3A_2511 : i32 to vector<8x2048xi32>
    %and3A_2513 = arith.andi %iota3A_2, %and3A_2512 : vector<8x2048xi32>
    %eq3A_2514 = arith.constant 0 : i32
    %eq3A_2515 = vector.broadcast %eq3A_2514 : i32 to vector<8x2048xi32>
    %eq3A_2516 = arith.cmpi eq, %and3A_2513, %eq3A_2515 : vector<8x2048xi32>
    %eq3A_2517 = arith.xori %eq3A_2516, %eq3A_2496 : vector<8x2048xi1>
    %eq3A_2518 = arith.constant dense<true> : vector<8x2048xi1>
    %eq3A_2519 = arith.xori %eq3A_2517, %eq3A_2518 : vector<8x2048xi1>
    %gt3A_2520 = arith.cmpf ogt, %select_n3A_2489, %select_n3A_2503 : vector<8x2048xf32>
    %eq3A_2521 = arith.cmpf oeq, %select_n3A_2489, %select_n3A_2503 : vector<8x2048xf32>
    %lt3A_2522 = arith.cmpi slt, %select_n3A_2490, %select_n3A_2510 : vector<8x2048xi32>
    %and3A_2523 = arith.andi %eq3A_2521, %lt3A_2522 : vector<8x2048xi1>
    %or3A_2524 = arith.ori %gt3A_2520, %and3A_2523 : vector<8x2048xi1>
    %eq3A_2525 = arith.xori %eq3A_2519, %or3A_2524 : vector<8x2048xi1>
    %eq3A_2526 = arith.constant dense<true> : vector<8x2048xi1>
    %eq3A_2527 = arith.xori %eq3A_2525, %eq3A_2526 : vector<8x2048xi1>
    %select_n3A_2528 = arith.select %eq3A_2527, %select_n3A_2489, %select_n3A_2503 : vector<8x2048xi1>, vector<8x2048xf32>
    %select_n3A_2529 = arith.select %eq3A_2527, %select_n3A_2490, %select_n3A_2510 : vector<8x2048xi1>, vector<8x2048xi32>
    %and3A_2530 = arith.constant 1 : i32
    %and3A_2531 = vector.broadcast %and3A_2530 : i32 to vector<8x2048xi32>
    %and3A_2532 = arith.andi %iota3A_2, %and3A_2531 : vector<8x2048xi32>
    %eq3A_2533 = arith.constant 0 : i32
    %eq3A_2534 = vector.broadcast %eq3A_2533 : i32 to vector<8x2048xi32>
    %eq3A_2535 = arith.cmpi eq, %and3A_2532, %eq3A_2534 : vector<8x2048xi32>
    %slice3A_2536 = vector.extract_strided_slice %select_n3A_2528 {offsets = [0, 1], sizes = [8, 2047], strides = [1, 1]} : vector<8x2048xf32> to vector<8x2047xf32>
    %slice3A_2537 = vector.extract_strided_slice %select_n3A_2528 {offsets = [0, 0], sizes = [8, 1], strides = [1, 1]} : vector<8x2048xf32> to vector<8x1xf32>
    %concatenate3A_2538 = tpu.concatenate %slice3A_2536, %slice3A_2537 in 1 : vector<8x2047xf32>, vector<8x1xf32> -> vector<8x2048xf32>
    %slice3A_2539 = vector.extract_strided_slice %select_n3A_2528 {offsets = [0, 2047], sizes = [8, 1], strides = [1, 1]} : vector<8x2048xf32> to vector<8x1xf32>
    %slice3A_2540 = vector.extract_strided_slice %select_n3A_2528 {offsets = [0, 0], sizes = [8, 2047], strides = [1, 1]} : vector<8x2048xf32> to vector<8x2047xf32>
    %concatenate3A_2541 = tpu.concatenate %slice3A_2539, %slice3A_2540 in 1 : vector<8x1xf32>, vector<8x2047xf32> -> vector<8x2048xf32>
    %select_n3A_2542 = arith.select %eq3A_2535, %concatenate3A_2538, %concatenate3A_2541 : vector<8x2048xi1>, vector<8x2048xf32>
    %slice3A_2543 = vector.extract_strided_slice %select_n3A_2529 {offsets = [0, 1], sizes = [8, 2047], strides = [1, 1]} : vector<8x2048xi32> to vector<8x2047xi32>
    %slice3A_2544 = vector.extract_strided_slice %select_n3A_2529 {offsets = [0, 0], sizes = [8, 1], strides = [1, 1]} : vector<8x2048xi32> to vector<8x1xi32>
    %concatenate3A_2545 = tpu.concatenate %slice3A_2543, %slice3A_2544 in 1 : vector<8x2047xi32>, vector<8x1xi32> -> vector<8x2048xi32>
    %slice3A_2546 = vector.extract_strided_slice %select_n3A_2529 {offsets = [0, 2047], sizes = [8, 1], strides = [1, 1]} : vector<8x2048xi32> to vector<8x1xi32>
    %slice3A_2547 = vector.extract_strided_slice %select_n3A_2529 {offsets = [0, 0], sizes = [8, 2047], strides = [1, 1]} : vector<8x2048xi32> to vector<8x2047xi32>
    %concatenate3A_2548 = tpu.concatenate %slice3A_2546, %slice3A_2547 in 1 : vector<8x1xi32>, vector<8x2047xi32> -> vector<8x2048xi32>
    %select_n3A_2549 = arith.select %eq3A_2535, %concatenate3A_2545, %concatenate3A_2548 : vector<8x2048xi1>, vector<8x2048xi32>
    %and3A_2550 = arith.constant 2048 : i32
    %and3A_2551 = vector.broadcast %and3A_2550 : i32 to vector<8x2048xi32>
    %and3A_2552 = arith.andi %iota3A_2, %and3A_2551 : vector<8x2048xi32>
    %eq3A_2553 = arith.constant 0 : i32
    %eq3A_2554 = vector.broadcast %eq3A_2553 : i32 to vector<8x2048xi32>
    %eq3A_2555 = arith.cmpi eq, %and3A_2552, %eq3A_2554 : vector<8x2048xi32>
    %eq3A_2556 = arith.xori %eq3A_2555, %eq3A_2535 : vector<8x2048xi1>
    %eq3A_2557 = arith.constant dense<true> : vector<8x2048xi1>
    %eq3A_2558 = arith.xori %eq3A_2556, %eq3A_2557 : vector<8x2048xi1>
    %gt3A_2559 = arith.cmpf ogt, %select_n3A_2528, %select_n3A_2542 : vector<8x2048xf32>
    %eq3A_2560 = arith.cmpf oeq, %select_n3A_2528, %select_n3A_2542 : vector<8x2048xf32>
    %lt3A_2561 = arith.cmpi slt, %select_n3A_2529, %select_n3A_2549 : vector<8x2048xi32>
    %and3A_2562 = arith.andi %eq3A_2560, %lt3A_2561 : vector<8x2048xi1>
    %or3A_2563 = arith.ori %gt3A_2559, %and3A_2562 : vector<8x2048xi1>
    %eq3A_2564 = arith.xori %eq3A_2558, %or3A_2563 : vector<8x2048xi1>
    %eq3A_2565 = arith.constant dense<true> : vector<8x2048xi1>
    %eq3A_2566 = arith.xori %eq3A_2564, %eq3A_2565 : vector<8x2048xi1>
    %select_n3A_2567 = arith.select %eq3A_2566, %select_n3A_2529, %select_n3A_2549 : vector<8x2048xi1>, vector<8x2048xi32>
    %swap3A = arith.constant 0 : index
    %swap3A_2568 = arith.constant 0 : index
    %swap3A_2569 = vector.load %arg1[%swap3A, %swap3A_2568] : memref<8x2048xi32, #tpu.memory_space<vmem>>, vector<8x2048xi32>
    tpu.vector_store %arg1[%swap3A, %swap3A_2568], %select_n3A_2567 {strides = array<i32>} : memref<8x2048xi32, #tpu.memory_space<vmem>>, vector<8x2048xi32>,
    return
  }
}

module attributes {stable_mosaic.version = 14 : i64} {
  func.func @_nf_body(%arg0: i32, %arg1: memref<1x256x2048xf32, #tpu.memory_space<vmem>>, %arg2: memref<1x2048x3xf32, #tpu.memory_space<vmem>>, %arg3: memref<256x1xf32, #tpu.memory_space<vmem>>, %arg4: memref<256x1xf32, #tpu.memory_space<vmem>>, %arg5: memref<256x256xf32, #tpu.memory_space<vmem>>, %arg6: memref<256x1xf32, #tpu.memory_space<vmem>>, %arg7: memref<256x256xf32, #tpu.memory_space<vmem>>, %arg8: memref<1x256xf32, #tpu.memory_space<vmem>>, %arg9: memref<1x2048x256xf32, #tpu.memory_space<vmem>>, %arg10: memref<1x2048x128xf32, #tpu.memory_space<vmem>>) attributes {dimension_semantics = [#tpu.dimension_semantics<arbitrary>], iteration_bounds = array<i64: 8>, scalar_prefetch = 0 : i64, scratch_operands = 0 : i64, tpu.core_type = #tpu.core_type<tc>, window_params = [{transform_indices = @transform_0, window_bounds = array<i64: 1, 256, 2048>}, {transform_indices = @transform_1, window_bounds = array<i64: 1, 2048, 3>}, {pipeline_mode = #tpu.pipeline_mode<synchronous>, transform_indices = @transform_2, window_bounds = array<i64: 256, 1>}, {pipeline_mode = #tpu.pipeline_mode<synchronous>, transform_indices = @transform_3, window_bounds = array<i64: 256, 1>}, {pipeline_mode = #tpu.pipeline_mode<synchronous>, transform_indices = @transform_4, window_bounds = array<i64: 256, 256>}, {pipeline_mode = #tpu.pipeline_mode<synchronous>, transform_indices = @transform_5, window_bounds = array<i64: 256, 1>}, {pipeline_mode = #tpu.pipeline_mode<synchronous>, transform_indices = @transform_6, window_bounds = array<i64: 256, 256>}, {pipeline_mode = #tpu.pipeline_mode<synchronous>, transform_indices = @transform_7, window_bounds = array<i64: 1, 256>}, {transform_indices = @transform_8, window_bounds = array<i64: 1, 2048, 256>}, {transform_indices = @transform_9, window_bounds = array<i64: 1, 2048, 128>}]} {
    %get3A = arith.constant 0 : index
    %get3A_0 = arith.constant 0 : index
    %get3A_1 = arith.constant 0 : index
    %get3A_2 = vector.load %arg2[%get3A, %get3A_0, %get3A_1] : memref<1x2048x3xf32, #tpu.memory_space<vmem>>, vector<1x2048x3xf32>
    %get3A_3 = vector.shape_cast %get3A_2 : vector<1x2048x3xf32> to vector<2048x3xf32>
    %broadcast_in_dim3A = arith.constant 0.000000e+00 : f32
    %broadcast_in_dim3A_4 = vector.broadcast %broadcast_in_dim3A : f32 to vector<2048x125xf32>
    %concatenate3A = tpu.concatenate %get3A_3, %broadcast_in_dim3A_4 in 1 : vector<2048x3xf32>, vector<2048x125xf32> -> vector<2048x128xf32>
    %swap3A = arith.constant 0 : index
    %swap3A_5 = arith.constant 0 : index
    %swap3A_6 = arith.constant 0 : index
    %swap3A_7 = vector.load %arg10[%swap3A, %swap3A_5, %swap3A_6] : memref<1x2048x128xf32, #tpu.memory_space<vmem>>, vector<1x2048x128xf32>
    %swap3A_8 = vector.shape_cast %swap3A_7 : vector<1x2048x128xf32> to vector<2048x128xf32>
    %swap3A_9 = vector.shape_cast %concatenate3A : vector<2048x128xf32> to vector<1x2048x128xf32>
    tpu.vector_store %arg10[%swap3A, %swap3A_5, %swap3A_6], %swap3A_9 {strides = array<i32>} : memref<1x2048x128xf32, #tpu.memory_space<vmem>>, vector<1x2048x128xf32>,
    %get3A_10 = arith.constant 0 : index
    %get3A_11 = arith.constant 0 : index
    %get3A_12 = arith.constant 0 : index
    %get3A_13 = vector.load %arg1[%get3A_10, %get3A_11, %get3A_12] : memref<1x256x2048xf32, #tpu.memory_space<vmem>>, vector<1x256x2048xf32>
    %get3A_14 = vector.shape_cast %get3A_13 : vector<1x256x2048xf32> to vector<256x2048xf32>
    %reduce_sum3A = arith.constant dense<0.000000e+00> : vector<2048xf32>
    %reduce_sum3A_15 = vector.multi_reduction <add>, %get3A_14, %reduce_sum3A [0] : vector<256x2048xf32> to vector<2048xf32>
    %broadcast_in_dim3A_16 = vector.shape_cast %reduce_sum3A_15 : vector<2048xf32> to vector<1x2048xf32>
    %div3A = arith.constant 2.560000e+02 : f32
    %div3A_17 = vector.broadcast %div3A : f32 to vector<1x2048xf32>
    %div3A_18 = arith.divf %broadcast_in_dim3A_16, %div3A_17 : vector<1x2048xf32>
    %sub3A = vector.broadcast %div3A_18 : vector<1x2048xf32> to vector<256x2048xf32>
    %sub3A_19 = arith.subf %get3A_14, %sub3A : vector<256x2048xf32>
    %sub3A_20 = vector.broadcast %div3A_18 : vector<1x2048xf32> to vector<256x2048xf32>
    %sub3A_21 = arith.subf %get3A_14, %sub3A_20 : vector<256x2048xf32>
    %mul3A = arith.mulf %sub3A_19, %sub3A_21 : vector<256x2048xf32>
    %reduce_sum3A_22 = arith.constant dense<0.000000e+00> : vector<2048xf32>
    %reduce_sum3A_23 = vector.multi_reduction <add>, %mul3A, %reduce_sum3A_22 [0] : vector<256x2048xf32> to vector<2048xf32>
    %broadcast_in_dim3A_24 = vector.shape_cast %reduce_sum3A_23 : vector<2048xf32> to vector<1x2048xf32>
    %div3A_25 = arith.constant 2.560000e+02 : f32
    %div3A_26 = vector.broadcast %div3A_25 : f32 to vector<1x2048xf32>
    %div3A_27 = arith.divf %broadcast_in_dim3A_24, %div3A_26 : vector<1x2048xf32>
    %sub3A_28 = vector.broadcast %div3A_18 : vector<1x2048xf32> to vector<256x2048xf32>
    %sub3A_29 = arith.subf %get3A_14, %sub3A_28 : vector<256x2048xf32>
    %add3A = arith.constant 9.99999997E-7 : f32
    %add3A_30 = vector.broadcast %add3A : f32 to vector<1x2048xf32>
    %add3A_31 = arith.addf %div3A_27, %add3A_30 : vector<1x2048xf32>
    %sqrt3A = math.sqrt %add3A_31 : vector<1x2048xf32>
    %div3A_32 = vector.broadcast %sqrt3A : vector<1x2048xf32> to vector<256x2048xf32>
    %div3A_33 = arith.divf %sub3A_29, %div3A_32 : vector<256x2048xf32>
    %get3A_34 = arith.constant 0 : index
    %get3A_35 = arith.constant 0 : index
    %get3A_36 = vector.load %arg3[%get3A_34, %get3A_35] : memref<256x1xf32, #tpu.memory_space<vmem>>, vector<256x1xf32>
    %mul3A_37 = vector.broadcast %get3A_36 : vector<256x1xf32> to vector<256x2048xf32>
    %mul3A_38 = arith.mulf %div3A_33, %mul3A_37 : vector<256x2048xf32>
    %get3A_39 = arith.constant 0 : index
    %get3A_40 = arith.constant 0 : index
    %get3A_41 = vector.load %arg4[%get3A_39, %get3A_40] : memref<256x1xf32, #tpu.memory_space<vmem>>, vector<256x1xf32>
    %add3A_42 = vector.broadcast %get3A_41 : vector<256x1xf32> to vector<256x2048xf32>
    %add3A_43 = arith.addf %mul3A_38, %add3A_42 : vector<256x2048xf32>
    %get3A_44 = arith.constant 0 : index
    %get3A_45 = arith.constant 0 : index
    %get3A_46 = vector.load %arg5[%get3A_44, %get3A_45] : memref<256x256xf32, #tpu.memory_space<vmem>>, vector<256x256xf32>
    %dot_general3A = arith.constant dense<0.000000e+00> : vector<256x2048xf32>
    %dot_general3A_47 = tpu.matmul %get3A_46, %add3A_43, %dot_general3A {dimension_numbers = #tpu.dot_dimension_numbers<[0], [0], [1], [1], [0, 1, 1, 1], [], []>, transpose_lhs_hint = false} : vector<256x256xf32>, vector<256x2048xf32>, vector<256x2048xf32> -> vector<256x2048xf32>
    %get3A_48 = arith.constant 0 : index
    %get3A_49 = arith.constant 0 : index
    %get3A_50 = vector.load %arg6[%get3A_48, %get3A_49] : memref<256x1xf32, #tpu.memory_space<vmem>>, vector<256x1xf32>
    %add3A_51 = vector.broadcast %get3A_50 : vector<256x1xf32> to vector<256x2048xf32>
    %add3A_52 = arith.addf %dot_general3A_47, %add3A_51 : vector<256x2048xf32>
    %max3A = arith.constant 0.000000e+00 : f32
    %max3A_53 = vector.broadcast %max3A : f32 to vector<256x2048xf32>
    %max3A_54 = arith.maximumf %add3A_52, %max3A_53 : vector<256x2048xf32>
    %get3A_55 = arith.constant 0 : index
    %get3A_56 = arith.constant 0 : index
    %get3A_57 = vector.load %arg7[%get3A_55, %get3A_56] : memref<256x256xf32, #tpu.memory_space<vmem>>, vector<256x256xf32>
    %dot_general3A_58 = arith.constant dense<0.000000e+00> : vector<2048x256xf32>
    %dot_general3A_59 = tpu.matmul %max3A_54, %get3A_57, %dot_general3A_58 {dimension_numbers = #tpu.dot_dimension_numbers<[0], [0], [1], [1], [0, 1, 1, 1], [], []>, transpose_lhs_hint = false} : vector<256x2048xf32>, vector<256x256xf32>, vector<2048x256xf32> -> vector<2048x256xf32>
    %get3A_60 = arith.constant 0 : index
    %get3A_61 = arith.constant 0 : index
    %get3A_62 = vector.load %arg8[%get3A_60, %get3A_61] : memref<1x256xf32, #tpu.memory_space<vmem>>, vector<1x256xf32>
    %add3A_63 = vector.broadcast %get3A_62 : vector<1x256xf32> to vector<2048x256xf32>
    %add3A_64 = arith.addf %dot_general3A_59, %add3A_63 : vector<2048x256xf32>
    %swap3A_65 = arith.constant 0 : index
    %swap3A_66 = arith.constant 0 : index
    %swap3A_67 = arith.constant 0 : index
    %swap3A_68 = vector.load %arg9[%swap3A_65, %swap3A_66, %swap3A_67] : memref<1x2048x256xf32, #tpu.memory_space<vmem>>, vector<1x2048x256xf32>
    %swap3A_69 = vector.shape_cast %swap3A_68 : vector<1x2048x256xf32> to vector<2048x256xf32>
    %swap3A_70 = vector.shape_cast %add3A_64 : vector<2048x256xf32> to vector<1x2048x256xf32>
    tpu.vector_store %arg9[%swap3A_65, %swap3A_66, %swap3A_67], %swap3A_70 {strides = array<i32>} : memref<1x2048x256xf32, #tpu.memory_space<vmem>>, vector<1x2048x256xf32>,
    return
  }
  func.func @transform_0(%arg0: i32) -> (i32, i32, i32) {
    %c0_i32 = arith.constant 0 : i32
    %c0_i32_0 = arith.constant 0 : i32
    %c0_i32_1 = arith.constant 0 : i32
    return %arg0, %c0_i32, %c0_i32_0 : i32, i32, i32
  }
  func.func @transform_1(%arg0: i32) -> (i32, i32, i32) {
    %c0_i32 = arith.constant 0 : i32
    %c0_i32_0 = arith.constant 0 : i32
    %c0_i32_1 = arith.constant 0 : i32
    return %arg0, %c0_i32, %c0_i32_0 : i32, i32, i32
  }
  func.func @transform_2(%arg0: i32) -> (i32, i32) {
    %c0_i32 = arith.constant 0 : i32
    %c0_i32_0 = arith.constant 0 : i32
    %c0_i32_1 = arith.constant 0 : i32
    return %c0_i32, %c0_i32_0 : i32, i32
  }
  func.func @transform_3(%arg0: i32) -> (i32, i32) {
    %c0_i32 = arith.constant 0 : i32
    %c0_i32_0 = arith.constant 0 : i32
    %c0_i32_1 = arith.constant 0 : i32
    return %c0_i32, %c0_i32_0 : i32, i32
  }
  func.func @transform_4(%arg0: i32) -> (i32, i32) {
    %c0_i32 = arith.constant 0 : i32
    %c0_i32_0 = arith.constant 0 : i32
    %c0_i32_1 = arith.constant 0 : i32
    return %c0_i32, %c0_i32_0 : i32, i32
  }
  func.func @transform_5(%arg0: i32) -> (i32, i32) {
    %c0_i32 = arith.constant 0 : i32
    %c0_i32_0 = arith.constant 0 : i32
    %c0_i32_1 = arith.constant 0 : i32
    return %c0_i32, %c0_i32_0 : i32, i32
  }
  func.func @transform_6(%arg0: i32) -> (i32, i32) {
    %c0_i32 = arith.constant 0 : i32
    %c0_i32_0 = arith.constant 0 : i32
    %c0_i32_1 = arith.constant 0 : i32
    return %c0_i32, %c0_i32_0 : i32, i32
  }
  func.func @transform_7(%arg0: i32) -> (i32, i32) {
    %c0_i32 = arith.constant 0 : i32
    %c0_i32_0 = arith.constant 0 : i32
    %c0_i32_1 = arith.constant 0 : i32
    return %c0_i32, %c0_i32_0 : i32, i32
  }
  func.func @transform_8(%arg0: i32) -> (i32, i32, i32) {
    %c0_i32 = arith.constant 0 : i32
    %c0_i32_0 = arith.constant 0 : i32
    %c0_i32_1 = arith.constant 0 : i32
    return %arg0, %c0_i32, %c0_i32_0 : i32, i32, i32
  }
  func.func @transform_9(%arg0: i32) -> (i32, i32, i32) {
    %c0_i32 = arith.constant 0 : i32
    %c0_i32_0 = arith.constant 0 : i32
    %c0_i32_1 = arith.constant 0 : i32
    return %arg0, %c0_i32, %c0_i32_0 : i32, i32, i32
  }
}

</mosaic_0001>

<sc_bundles>
// kernel: gather_offload_async_start
scs
__scs_entry_jumppad:
0x0: {  	(pc) =	sbr.rel $0x88, $3  }
0x1: {  	(tag) =	ssettag $0x0;
	lr =	simm.s32 $0x1  }
0x2: {  	[smem:$0x3F95] =	sst lr;
	_ =	strace $0xD0000000  }
0x3: {  	_ = 	snop  }
0x4: {  	_ = 	snop  }
0x5: {  	_ = 	snop  }
0x6: {  	_ = 	snop  }
0x7: {  	_ = 	snop  }
__scs_overlays_trampoline_lowered:
0x8: {  	[smem:$0x3FA4] =	sst s0  }
0x9: {  	[smem:$0x3FA5] =	sst s1  }
0xa: {  	[smem:$0x3FA6] =	sst s2  }
0xb: {  	[smem:$0x3FA7] =	sst s3  }
0xc: {  	[smem:$0x3FA8] =	sst s4  }
0xd: {  	[smem:$0x3FA9] =	sst s5  }
0xe: {  	[smem:$0x3FAA] =	sst s6  }
0xf: {  	[smem:$0x3FAB] =	sst s7  }
0x10: {  	[smem:$0x3FAC] =	sst s8  }
0x11: {  	[smem:$0x3FAD] =	sst s9;
	s0 =	simm.s32 @!p0 $0x0  }
0x12: {  	s1 =	sld [smem:$0x3F93];
	s0 =	simm.s32 @p0 $0x1  }
0x13: {  	[smem:$0x3FAE] =	sst s0;
	s0 =	simm.s32 @!p1 $0x0  }
0x14: {  	s2 =	sld [smem:$0x3F92];
	s0 =	simm.s32 @p1 $0x1  }
0x15: {  	[smem:$0x3FAF] =	sst s0;
	s0 =	simm.s32 @!p2 $0x0  }
0x16: {  	s3 =	sld [smem:$0x3FDB];
	s0 =	simm.s32 @p2 $0x1  }
0x17: {  	s4 =	simm.s32 $0x1BF5;
	[smem:$0x3FB1] =	sst s0  }
0x18: {  	s0 =	sld [smem:$0x3F94];
	_ =	swait.ge [sflag:s4], $0x0  }
0x19: {  	s7 =	sld [smem:$0x3F95]  }
0x1a: {  	s8 =	sadd.s32 $0xFFFFE003, lr  }
0x1b: {  	s9 =	sadd.s32 $0xFFFFFEF7, lr;
	s5 =	simm.s32 $0xFFFFFFFF;
	p2 =	slt.u32 s8, $0xFFFFF086  }
0x1c: {  	p1 =	slt.u32 s9, $0xF7A;
	s5 =	simm.s32 @!p2 $0x0  }
0x1d: {  	s5 =	simm.s32 @p1 $0x1;
	p0 =	seq.s32 s7, s2  }
0x1e: {  	s7 =	smul.u32 @!p0 $0xF7A, s2;
	p2 =	seq.s32 @!p0 s5, $0x0  }
0x1f: {  	s9 =	smul.u32 $0xF7A, s1;
	s8 =	simm.s32 @!p0 $0x1BF5;
	p2 =	por !p2, p0  }
0x20: {  	[sflag:s8] =	ssyncset.s32 @!p0 $0xFFFFF086;
	s6 =	sadd.s32 @!p0 s3, s7;
	s7 =	simm.s32 @!p0 $0x108  }
0x21: {  	s3 =	sadd.s32 s3, s9;
	s6 =	sadd.s32 @!p0 $0x88, s6;
	s7 =	simm.s32 @p2 $0x1082  }
0x22: {  	[simem:s7], [sflag:s8] =	dma.local @!p0 [hbm:s6], $0xF7A  }
0x23: {  	s9 =	sor.u32 $0xD0000000, s2;
	s6 =	simm.s32 $0x108;
	_ =	swait.ge @!p0 [sflag:s8], $0x0  }
0x24: {  	s3 =	sadd.s32 $0x88, s3;
	s6 =	simm.s32 @!p1 $0x1082;
	[sflag:s4] =	ssyncset.s32 $0xFFFFF086  }
0x25: {  	[simem:s6], [sflag:s4] =	dma.local [hbm:s3], $0xF7A  }
0x26: {  	[smem:$0x3F95] =	sst s1;
	(tag) =	ssettag s2;
	_ =	strace s9  }
0x27: {  	s1 =	sld [smem:$0x3FA5]  }
0x28: {  	s2 =	sld [smem:$0x3FA6]  }
0x29: {  	s4 =	sld [smem:$0x3FA8]  }
0x2a: {  	p0 =	seq.s32 s5, $0x0;
	s5 =	sld [smem:$0x3FA9]  }
0x2b: {  	s6 =	sld [smem:$0x3FAA]  }
0x2c: {  	s7 =	sld [smem:$0x3FAB]  }
0x2d: {  	s3 =	simm.s32 $0x108;
	s8 =	sld [smem:$0x3FAC]  }
0x2e: {  	s3 =	simm.s32 @!p0 $0x1082;
	s9 =	sld [smem:$0x3FAD]  }
0x2f: {  	lr =	sadd.s32 s0, s3;
	s0 =	sld [smem:$0x3FA4]  }
0x30: {  	s3 =	sld [smem:$0x3FA7]  }
0x31: {  	[smem:$0x3FB0] =	sst s10  }
0x32: {  	s10 =	sld [smem:$0x3FAE];
	_ =	sdelay $0x3  }
0x33: {  	p0 =	seq.s32 s10, $0x1;
	s10 =	sld [smem:$0x3FB0];
	_ =	sdelay $0x3  }
0x34: {  	[smem:$0x3FB0] =	sst s10  }
0x35: {  	s10 =	sld [smem:$0x3FAF];
	_ =	sdelay $0x3  }
0x36: {  	p1 =	seq.s32 s10, $0x1;
	s10 =	sld [smem:$0x3FB0];
	_ =	sdelay $0x3  }
0x37: {  	[smem:$0x3FB0] =	sst s10  }
0x38: {  	s10 =	sld [smem:$0x3FB1]  }
0x39: {  	_ = 	snop;
	(pc) =	sbr.ind lr, $3  }
0x3a: {  	_ = 	snop  }
0x3b: {  	_ = 	snop  }
0x3c: {  	p2 =	seq.s32 s10, $0x1;
	s10 =	sld [smem:$0x3FB0]  }
0x3d: {  	_ =	shalt  }
0x3e: {  	_ =	shalt  }
0x3f: {  	_ =	shalt  }
0x40: {  	_ =	shalt  }
0x41: {  	_ =	shalt  }
0x42: {  	_ =	shalt  }
0x43: {  	_ =	shalt  }
0x44: {  	_ =	shalt  }
0x45: {  	_ =	shalt  }
0x46: {  	_ =	shalt  }
0x47: {  	_ =	shalt  }
0x48: {  	_ =	shalt  }
0x49: {  	_ =	shalt  }
0x4a: {  	_ =	shalt  }
0x4b: {  	_ =	shalt  }
0x4c: {  	_ =	shalt  }
0x4d: {  	_ =	shalt  }
0x4e: {  	_ =	shalt  }
0x4f: {  	_ =	shalt  }
0x50: {  	_ =	shalt  }
0x51: {  	_ =	shalt  }
0x52: {  	_ =	shalt  }
0x53: {  	_ =	shalt  }
0x54: {  	_ =	shalt  }
0x55: {  	_ =	shalt  }
0x56: {  	_ =	shalt  }
0x57: {  	_ =	shalt  }
0x58: {  	_ =	shalt  }
0x59: {  	_ =	shalt  }
0x5a: {  	_ =	shalt  }
0x5b: {  	_ =	shalt  }
0x5c: {  	_ =	shalt  }
0x5d: {  	_ =	shalt  }
0x5e: {  	_ =	shalt  }
0x5f: {  	_ =	shalt  }
0x60: {  	_ =	shalt  }
0x61: {  	_ =	shalt  }
0x62: {  	_ =	shalt  }
0x63: {  	_ =	shalt  }
0x64: {  	_ =	shalt  }
0x65: {  	_ =	shalt  }
0x66: {  	_ =	shalt  }
0x67: {  	_ =	shalt  }
0x68: {  	_ =	shalt  }
0x69: {  	_ =	shalt  }
0x6a: {  	_ =	shalt  }
0x6b: {  	_ =	shalt  }
0x6c: {  	_ =	shalt  }
0x6d: {  	_ =	shalt  }
0x6e: {  	_ =	shalt  }
0x6f: {  	_ =	shalt  }
0x70: {  	_ =	shalt  }
0x71: {  	_ =	shalt  }
0x72: {  	_ =	shalt  }
0x73: {  	_ =	shalt  }
0x74: {  	_ =	shalt  }
0x75: {  	_ =	shalt  }
0x76: {  	_ =	shalt  }
0x77: {  	_ =	shalt  }
0x78: {  	_ =	shalt  }
0x79: {  	_ =	shalt  }
0x7a: {  	_ =	shalt  }
0x7b: {  	_ =	shalt  }
0x7c: {  	_ =	shalt  }
0x7d: {  	_ =	shalt  }
0x7e: {  	_ =	shalt  }
0x7f: {  	_ =	shalt  }
0x80: {  	_ =	shalt  }
0x81: {  	_ =	shalt  }
0x82: {  	_ =	shalt  }
0x83: {  	_ =	shalt  }
0x84: {  	_ =	shalt  }
0x85: {  	_ =	shalt  }
0x86: {  	_ =	shalt  }
0x87: {  	_ =	shalt  }
.Lfunc_end0:
.L_simem_size_0:
called_computation_lowered:
.L_overlay_start_0:
0x88: {  	s2 =	sld [smem:$0x3FD9]  }
0x89: {  	s3 =	sld [smem:$0x3FFE];
	_ =	sdelay $0x1  }
0x8a: {  	s1 =	srdreg.scid  }
0x8b: {  	s0 =	sand.u32 $0x1, s1  }
0x8c: {  	s14 =	sshll.u32 s0, $0xA;
	s2 =	sadd.s32 s3, s2  }
0x8d: {  	s2 =	sadd.s32 s2, s14  }
0x8e: {  	[smem:$0x3FBC] =	sst s2  }
0x8f: {  	_ = 	snop  }
0x90: {  	s2 =	sld [smem:$0x3FD0];
	_ =	sdelay $0x2  }
0x91: {  	s15 =	simm.s32 $0xA;
	s4 =	simm.s32 $0x10  }
0x92: {  	[smem:s4], [sflag:s15] =	dma.local [hbm:s2], $0x1  }
0x93: {  	_ =	swait.eq [sflag:s15], $0x1  }
0x94: {  	[sflag:s15] =	ssyncset.done $0x0  }
0x95: {  	[sflag:s15] =	ssyncadd.s32 $0xFFFFFFFF  }
0x96: {  	s16 =	sld [smem:$0x10];
	(tm) =	ssettm $0x1  }
0x97: {  	s17 =	sld [smem:$0x3FFB];
	_ =	sdelay $0x3  }
0x98: {  	_ =	strace s17  }
0x99: {  	s3 =	sld [smem:$0x3FFC];
	_ =	sdelay $0x3  }
0x9a: {  	_ =	strace s3  }
0x9b: {  	s3 =	sld [smem:$0x3FFD];
	_ =	sdelay $0x3  }
0x9c: {  	_ =	strace s3  }
0x9d: {  	_ =	strace $0x8FFFFFFF  }
0x9e: {  	s18 =	sld [smem:$0x3FDB];
	_ =	sdelay $0x1  }
0x9f: {  	s19 =	simm.s32 $_scs_section_size  }
0xa0: {  	s5 =	simm.s32 $_size__tile_overlayer_lowered;
	s6 =	simm.s32 $_tile_overlayer_lowered  }
0xa1: {  	s22 =	simm.s32 $0x1BFF;
	s21 =	sshll.u32 s6, $0x1;
	s3 =	sadd.s32 s19, s18  }
0xa2: {  	s7 =	simm.s32 $0x0;
	s20 =	sshll.u32 s5, $0x1;
	s5 =	sadd.s32 s21, s3  }
0xa3: {  	[timem:s7], [sflag:s22] =	dma.local [hbm:s5], s20  }
0xa4: {  	_ =	swait.ge [sflag:s22], s20  }
0xa5: {  	s4 =	ssub.s32 $0x0, s20;
	[sflag:s22] =	ssyncset.done $0x0  }
0xa6: {  	[sflag:s22] =	ssyncadd.s32 s4;
	_ =	sdelay $0x1  }
0xa7: {  	s23 =	simm.s32 $0x1B8B  }
0xa8: {  	_ =	swait.ge [sflag:s23], $0x1  }
0xa9: {  	[sflag:s23] =	ssyncset.done $0x0  }
0xaa: {  	s25 =	simm.s32 $0x1B8E;
	s24 =	sld [smem:$0x3FFE];
	[sflag:s23] =	ssyncadd.s32 $0xFFFFFFFF  }
0xab: {  	s26 =	simm.s32 $execute0_lowered;
	[smem:$0x3FD2] =	sst s25  }
0xac: {  	s5 =	sshll.u32 s26, $0x1;
	_ =	strace $0x80000046;
	[dreg:$0x1] =	wrdreg $0xFFFFFFFF  }
0xad: {  	s28 =	simm.s32 $_size_execute0_lowered;
	s3 =	sadd.s32 s3, s5;
	[dreg:$0x0] =	wrdreg $0x0  }
0xae: {  	s5 =	sshll.u32 s28, $0x1;
	[dreg:$0x2] =	wrdreg s3  }
0xaf: {  	[dreg:$0x3] =	wrdreg s5  }
0xb0: {  	[dreg:$0x4] =	wrdreg $0xC0  }
0xb1: {  	_ =	task [dreg:s7], $0x5FFFF  }
0xb2: {  	[dreg:$0x1] =	wrdreg $0xFFFFFFFF  }
0xb3: {  	[dreg:$0x0] =	wrdreg $0x60  }
0xb4: {  	[dreg:$0x2] =	wrdreg s16  }
0xb5: {  	[dreg:$0x3] =	wrdreg s24  }
0xb6: {  	[dreg:$0x4] =	wrdreg $0x9  }
0xb7: {  	_ =	task.clear_ibuf [dreg:s7], $0x5FFFF;
	_ =	strace $0x90000046  }
0xb8: {  	s29 =	simm.s32 $0x9;
	_ =	strace $0x80000048  }
0xb9: {  	_ =	swait.ge [sflag:s29], $0x1  }
0xba: {  	[sflag:s29] =	ssyncadd.s32 $0xFFFFFFFF  }
0xbb: {  	_ =	strace $0x90000048  }
0xbc: {  	_ =	sfence  }
0xbd: {  	s30 =	sld [smem:$0x0];
	_ =	sdelay $0x2  }
0xbe: {  	s31 =	sshll.u32 s1, $0xD;
	s1 =	sshrl.u32 s1, $0x2  }
0xbf: {  	s3 =	sand.u32 $0x4000, s31;
	s1 =	sadd.s32 s1, s30  }
0xc0: {  	s0 =	sor.u32 s3, s0;
	s1 =	sshll.u32 s1, $0x11  }
0xc1: {  	s0 =	sor.u32 s1, s0  }
0xc2: {  	s0 =	sadd.s32 $0x8F2B, s0  }
0xc3: {  	[sflag:s0] =	ssyncadd.remote.s32 $0x1  }
0xc4: {  	_ =	sfence.sel $0xFFFF  }
0xc5: {  	[dreg:$0x0] =	wrdreg $0xFFFFFFFF;
	(pc) =	sbr.abs _section_cstart, $3  }
0xc6: {  	[dreg:$0x1] =	wrdreg $0xFFFFFFFF  }
0xc7: {  	_ =	task.clear_ibuf [dreg:s7], $0x2FFFF;
	_ =	strace $0x9FFFFFFF  }
0xc8: {  	(tm) =	ssettm $0x7FFFFFFF  }
0xc9: {  	_ =	shalt  }
tec
execute0_lowered:
.L_overlay_start_1:
0x0: {  	(tag) =	ssettag $0x1  }
0x1: {  	s1 =	srdreg.scid;
	s2 =	rddreg [dreg:$0x0]  }
0x2: {  	s0 =	stileid.u32;
	s3 =	rddreg [dreg:$0x1]  }
0x3: {  	s6 =	simm.s32 $0x1;
	s9 =	simm.s32 $0x1;
	s1 =	sshll.u32 s1, $0x8  }
0x4: {  	s10 =	simm.s32 $0x3;
	s4 =	sshll.u32 s0, $0x9;
	s5 =	sand.u32 $0x100, s1  }
0x5: {  	s13 =	simm.s32 $0x0;
	s12 =	simm.s32 $0x0;
	s4 =	sor.u32 s4, s5  }
0x6: {  	s1 =	rddreg [dreg:$0x2];
	_ =	strace $0x80000047;
	s8 =	ssub.s32 $0x4000, s4  }
.Ltmp0:
0x7: {  	s5 =	sadd.s32 $0x800, s3;
	s7 =	sand.u32 $0x1F00, s8;
	(pc) =	sbr.rel .LBB2_1-.Ltmp0, $4  }
0x8: {  	[sflag:s6] =	ssyncpa.u1 $0x0;
	s11 =	smov.u32 s4;
	p0 =	sne.s32 s7, $0x0  }
0x9: {  	s8 =	sshrl.u32 s8, $0xD;
	s7 =	simm.s32 $0x2;
	s9 =	simm.s32 @!p0 $0x0  }
0xa: {  	[sflag:s7] =	ssyncpa.u1 $0x0;
	p0 =	por $0x0, $0x0;
	s8 =	sadd.s32 s9, s8  }
0xb: {  	vm0 =	vmmov $0xffff;
	[sflag:s10] =	ssyncpa.u1 $0x0;
	s10 =	simm.s32 $0x0;
	s9 =	sadd.s32 $0x1, s8  }
.LBB2_4:
0xc: {  	v5 =	vld.msk [tilespmem:s18+$0x0 ss:$0x1], $0xffff  }
0xd: {  	v6 =	vand.u32 $0x7, v1;
	v7 =	vshrl.u32 v1, $0x3  }
0xe: {  	v3 =	vor.u32 v4, v3;
	vm1 =	veq.s32 v1, $0x80000000;
	v53 =	vand.u32 $0x7FF, v7  }
0xf: {  	v2 =	vor.u32 v2, v3;
	v54 =	vsel vm1, $0xFFFFFFFF, v6;
	v1 =	vsel vm1, $0xFFFFFFFF, v53  }
0x10: {  	v6 =	vshll.u32 v54, $0x7;
	v3 =	vand.u32 $0xFFFFC000, v54;
	v55 =	vand.u32 $0x7F, v1  }
0x11: {  	v1 =	vshll.u32 v1, $0x3;
	v6 =	vand.u32 $0x380, v6;
	v56 =	vshrl.u32 v5, $0x3  }
0x12: {  	v1 =	vand.u32 $0xFFFFFC00, v1;
	vm1 =	veq.s32 v5, $0x80000000;
	v57 =	vand.u32 $0x7FF, v56  }
0x13: {  	v1 =	vadd.s32 v3, v1;
	v5 =	vand.u32 $0x7, v5;
	v3 =	vsel vm1, $0xFFFFFFFF, v57  }
0x14: {  	v1 =	vor.u32 v6, v1;
	v5 =	vsel vm1, $0xFFFFFFFF, v5;
	v58 =	vshll.u32 v3, $0x3  }
0x15: {  	v59 =	vshll.u32 v5, $0x7;
	v5 =	vand.u32 $0xFFFFC000, v5;
	v6 =	vand.u32 $0xFFFFFC00, v58  }
0x16: {  	v1 =	vor.u32 v55, v1;
	v61 =	vand.u32 $0x380, v59;
	v60 =	vadd.s32 v5, v6  }
0x17: {  	[tilespmem:s16], [sflag:$0x1] =	stream.indirect_vreg.gather [hbm4b:s2+s10], $0x1, v0, vm0, $0x4038;
	v62 =	vand.u32 $0x7F, v3;
	v63 =	vor.u32 v61, v60;
	[tilespmem:$0x400] =	vst v63  }
0x18: {  	(ifvalue) =	ssetifvalue $0x7FFFFFFF;
	v0 =	vor.u32 v62, v63  }
0x19: {  	[tilespmem:s15], [sflag:$0x1] =	stream.indirect_vreg.gather [hbm4b:s2+s10], $0x1, v2, vm0, $0x4038;
	[tilespmem:$0x400] =	vst v63  }
0x1a: {  	s29 =	sadd.s32 $0x10, s15;
	(ifvalue) =	ssetifvalue $0x7FFFFFFF  }
0x1b: {  	[tilespmem:s29], [sflag:$0x1] =	stream.indirect_vreg.gather [hbm4b:s2+s10], $0x1, v1, vm0, $0x4038;
	[tilespmem:$0x400] =	vst v63  }
0x1c: {  	s15 =	sadd.s32 $0x10, s29;
	(ifvalue) =	ssetifvalue $0x7FFFFFFF  }
0x1d: {  	[tilespmem:s15], [sflag:$0x1] =	stream.indirect_vreg.gather [hbm4b:s2+s10], $0x1, v0, vm0, $0x4038;
	[tilespmem:$0x400] =	vst v63  }
0x1e: {  	_ =	swait.ge [sflag:s6], $0x100  }
0x1f: {  	s30 =	sshrl.u32 s13, $0x3;
	[sflag:s6] =	ssyncset.done $0x0  }
0x20: {  	s31 =	sand.u32 $0x7, s13;
	s15 =	sadd.s32 s5, s30;
	[sflag:s6] =	ssyncadd.s32 $0xFFFFFF00  }
0x21: {  	[hbm4b:s15+s31] =	stream.linear.scatter [tilespmem:s14], [sflag:$0x3], $0x100, $0x38;
	[tilespmem:$0x400] =	vst v63  }
.LBB2_5:
0x22: {  	s15 =	sadd.s32 $0x2000, s11  }
0x23: {  	p2 =	sgt.s32 s15, $0x3FFF  }
0x24: {  	s15 =	smov.u32 @p2 s4;
	p2 =	sne.s32 s12, s9  }
.Ltmp1:
0x25: {  	p1 =	slt.u32 s12, $0x2;
	(pc) =	sbr.rel @!p2 .LBB2_6-.Ltmp1, $4  }
0x26: {  	s14 =	simm.s32 @!p1 $0x3  }
0x27: {  	s16 =	sadd.s32 $0x1, s12;
	_ =	swait.ge @!p1 [sflag:s14], $0x100  }
0x28: {  	s13 =	smov.u32 s11;
	p0 =	por !p0, !p0;
	[sflag:s14] =	ssyncset.done @!p1 $0x0  }
0x29: {  	s12 =	smov.u32 s16;
	s11 =	smov.u32 s15;
	[sflag:s14] =	ssyncadd.s32 @!p1 $0xFFFFFF00  }
.LBB2_1:
0x2a: {  	p1 =	sge.u32 s12, s8  }
0x2b: {  	s14 =	sxor.u32 @!p1 $0xFFFFFFFF, s12  }
0x2c: {  	s31 =	sadd.s32 $0xFFFFFFFF, s12;
	s15 =	sshrl.u32 @!p1 s11, $0x3;
	s14 =	sshll.u32 @!p1 s14, $0x8  }
0x2d: {  	s16 =	sand.u32 @!p1 $0x7, s11;
	s15 =	sadd.s32 @!p1 s3, s15;
	s14 =	sand.u32 @!p1 $0x100, s14  }
0x2e: {  	[tilespmem:s14], [sflag:$0x2] =	stream.linear.gather @!p1 [hbm4b:s15+s16], $0x100, $0x38;
	[tilespmem:$0x400] =	vst v63  }
0x2f: {  	p1 =	sge.u32 s31, s8  }
.Ltmp2:
0x30: {  	_ = 	snop;
	(pc) =	sbr.rel @p1 .LBB2_5-.Ltmp2, $1  }
0x31: {  	_ =	sdelay $0x3  }
0x32: {  	s14 =	simm.s32 $0x1  }
0x33: {  	_ =	swait.ge [sflag:s7], $0x100;
	s14 =	simm.s32 @!p0 $0x0  }
0x34: {  	[sflag:s7] =	ssyncset.done $0x0;
	s14 =	sshll.u32 s14, $0x8  }
0x35: {  	[sflag:s7] =	ssyncadd.s32 $0xFFFFFF00;
	(ifvalue) =	ssetifvalue $0x7FFFFFFF;
	v0 =	vld.msk [tilespmem:s14+$0x0 ss:$0x1], $0xffff;
	_ =	sdelay $0x4  }
0x36: {  	s15 =	sadd.s32 $0x10, s14;
	v2 =	vshrl.u32 v0, $0x3  }
0x37: {  	v1 =	vld.msk [tilespmem:s15+$0x0 ss:$0x1], $0xffff;
	vm1 =	veq.s32 v0, $0x80000000;
	v2 =	vand.u32 $0x7FF, v2  }
0x38: {  	v0 =	vand.u32 $0x7, v0;
	v2 =	vsel vm1, $0xFFFFFFFF, v2  }
0x39: {  	v0 =	vsel vm1, $0xFFFFFFFF, v0;
	v3 =	vshll.u32 v2, $0x3  }
0x3a: {  	v4 =	vand.u32 $0xFFFFC000, v0;
	v0 =	vshll.u32 v0, $0x7;
	v3 =	vand.u32 $0xFFFFFC00, v3  }
0x3b: {  	v0 =	vand.u32 $0x380, v0;
	v3 =	vadd.s32 v4, v3  }
0x3c: {  	v2 =	vand.u32 $0x7F, v2;
	v4 =	vshrl.u32 v1, $0x3;
	v0 =	vor.u32 v0, v3  }
0x3d: {  	vm1 =	veq.s32 v1, $0x80000000;
	v4 =	vand.u32 $0x7FF, v4;
	v0 =	vor.u32 v2, v0  }
0x3e: {  	s16 =	sshll.u32 s12, $0x8;
	s15 =	sadd.s32 $0x10, s15;
	v1 =	vand.u32 $0x7, v1;
	v3 =	vsel vm1, $0xFFFFFFFF, v4  }
0x3f: {  	s17 =	sand.u32 $0x100, s16;
	v2 =	vsel vm1, $0xFFFFFFFF, v1;
	v1 =	vld.msk [tilespmem:s15+$0x0 ss:$0x1], $0xffff;
	v4 =	vshll.u32 v3, $0x3  }
0x40: {  	s16 =	sor.u32 $0x200, s14;
	s14 =	sor.u32 $0x200, s17;
	s17 =	simm.s32 $0x30;
	v5 =	vshll.u32 v2, $0x7;
	v6 =	vand.u32 $0xFFFFC000, v2;
	v4 =	vand.u32 $0xFFFFFC00, v4  }
0x41: {  	s18 =	sadd.s32 $0x10, s15;
	(ifvalue) =	ssetifvalue $0x7FFFFFFF;
	s15 =	sadd.s32 $0x10, s16;
	v2 =	vand.u32 $0x7F, v3;
	v3 =	vadd.s32 v6, v4;
	v4 =	vand.u32 $0x380, v5  }
.LBB2_3:
0x42: {  	[tilespmem:s16], [sflag:$0x1] =	stream.indirect_vreg.gather [hbm4b:s2+s10], $0x1, v0, vm0, $0x4038;
	[tilespmem:$0x400] =	vst v63  }
0x43: {  	s17 =	sadd.s32 $0x10, s17  }
0x44: {  	v5 =	vand.u32 $0x7, v1;
	v6 =	vshrl.u32 v1, $0x3;
	v3 =	vor.u32 v4, v3;
	v0 =	vmovc v1;
	v1 =	vld.msk [tilespmem:s18+$0x0 ss:$0x1], $0xffff;
	p1 =	slt.u32 s17, $0xF0  }
.Ltmp3:
0x45: {  	s16 =	smov.u32 s15;
	vm1 =	veq.s32 v0, $0x80000000;
	v4 =	vand.u32 $0x7FF, v6;
	v0 =	vor.u32 v2, v3;
	(pc) =	sbr.rel @p1 .LBB2_3-.Ltmp3, $4  }
0x46: {  	v3 =	vsel vm1, $0xFFFFFFFF, v5;
	v4 =	vsel vm1, $0xFFFFFFFF, v4  }
0x47: {  	v2 =	vand.u32 $0x7F, v4;
	v4 =	vshll.u32 v4, $0x3;
	v5 =	vshll.u32 v3, $0x7  }
0x48: {  	v3 =	vand.u32 $0xFFFFC000, v3;
	v4 =	vand.u32 $0xFFFFFC00, v4  }
0x49: {  	s18 =	sadd.s32 $0x10, s18;
	s15 =	sadd.s32 $0x10, s15;
	v3 =	vadd.s32 v3, v4;
	v4 =	vand.u32 $0x380, v5;
	(ifvalue) =	ssetifvalue $0x7FFFFFFF  }
.Ltmp4:
0x4a: {  	_ = 	snop;
	(pc) =	sbr.rel .LBB2_4-.Ltmp4, $1  }
0x4b: {  	_ =	sdelay $0x3  }
.LBB2_6:
0x4c: {  	_ =	sfence.sel $0x180000  }
0x4d: {  	s2 =	simm.s32 $0x2;
	[bflag:$0x0] =	sbarrier.arrive $0xFFFF  }
0x4e: {  	s30 =	simm.s32 $0x3;
	[sflag:s2] =	ssyncpa.u1 $0x1  }
0x4f: {  	s31 =	simm.s32 $0x1;
	[sflag:s30] =	ssyncpa.u1 $0x1  }
0x50: {  	[sflag:s31] =	ssyncpa.u1 $0x1  }
0x51: {  	p0 =	sne.s32 s0, $0x0;
	_ =	strace $0x90000047  }
0x52: {  	s0 =	sadd.s32 @!p0 $0x100000, s1;
	[bflag:$0x2] =	sbarrier.arrive $0xFFFF  }
0x53: {  	[sflag:s0] =	ssyncadd.tile.s32 @!p0 $0x1;
	_ =	shalt  }
.Lfunc_end2:
_tile_overlayer_lowered:
.L_overlay_start_2:
0x54: {  	(tag) =	ssettag $0x2  }
0x55: {  	s0 =	rddreg [dreg:$0x0];
	s2 =	stileid.u32  }
0x56: {  	s1 =	rddreg [dreg:$0x1];
	p0 =	sne.s32 s2, $0x0  }
0x57: {  	s3 =	rddreg [dreg:$0x2];
	[bflag:$0x3] =	sbarrier.arrive $0xFFFF;
	s2 =	simm.s32 @!p0 $0x1C01  }
0x58: {  	[timem:s3], [sflag:s2] =	dma.local @!p0 [hbm:s0], s1  }
0x59: {  	s0 =	simm.s32 @!p0 $0x1  }
0x5a: {  	_ =	swait.ge @!p0 [sflag:s0], s1  }
0x5b: {  	s1 =	ssub.s32 @!p0 $0x0, s1;
	[sflag:s0] =	ssyncset.done @!p0 $0x0  }
0x5c: {  	[sflag:s0] =	ssyncadd.s32 @!p0 s1  }
0x5d: {  	[bflag:$0x3] =	sbarrier.arrive $0xFFFF  }
0x5e: {  	_ =	shalt  }

// kernel: kernel.5.cloned.1.call-start
scs
__scs_entry_jumppad:
0x0: {  	(pc) =	sbr.rel $0x88, $3  }
0x1: {  	(tag) =	ssettag $0x0;
	lr =	simm.s32 $0x1  }
0x2: {  	[smem:$0x3F95] =	sst lr;
	_ =	strace $0xD0000000  }
0x3: {  	_ = 	snop  }
0x4: {  	_ = 	snop  }
0x5: {  	_ = 	snop  }
0x6: {  	_ = 	snop  }
0x7: {  	_ = 	snop  }
__scs_overlays_trampoline_lowered:
0x8: {  	[smem:$0x3FA4] =	sst s0  }
0x9: {  	[smem:$0x3FA5] =	sst s1  }
0xa: {  	[smem:$0x3FA6] =	sst s2  }
0xb: {  	[smem:$0x3FA7] =	sst s3  }
0xc: {  	[smem:$0x3FA8] =	sst s4  }
0xd: {  	[smem:$0x3FA9] =	sst s5  }
0xe: {  	[smem:$0x3FAA] =	sst s6  }
0xf: {  	[smem:$0x3FAB] =	sst s7  }
0x10: {  	[smem:$0x3FAC] =	sst s8  }
0x11: {  	[smem:$0x3FAD] =	sst s9;
	s0 =	simm.s32 @!p0 $0x0  }
0x12: {  	s1 =	sld [smem:$0x3F93];
	s0 =	simm.s32 @p0 $0x1  }
0x13: {  	[smem:$0x3FAE] =	sst s0;
	s0 =	simm.s32 @!p1 $0x0  }
0x14: {  	s2 =	sld [smem:$0x3F92];
	s0 =	simm.s32 @p1 $0x1  }
0x15: {  	[smem:$0x3FAF] =	sst s0;
	s0 =	simm.s32 @!p2 $0x0  }
0x16: {  	s3 =	sld [smem:$0x3FDB];
	s0 =	simm.s32 @p2 $0x1  }
0x17: {  	s4 =	simm.s32 $0x1BF5;
	[smem:$0x3FB1] =	sst s0  }
0x18: {  	s0 =	sld [smem:$0x3F94];
	_ =	swait.ge [sflag:s4], $0x0  }
0x19: {  	s7 =	sld [smem:$0x3F95]  }
0x1a: {  	s8 =	sadd.s32 $0xFFFFE003, lr  }
0x1b: {  	s9 =	sadd.s32 $0xFFFFFEF7, lr;
	s5 =	simm.s32 $0xFFFFFFFF;
	p2 =	slt.u32 s8, $0xFFFFF086  }
0x1c: {  	p1 =	slt.u32 s9, $0xF7A;
	s5 =	simm.s32 @!p2 $0x0  }
0x1d: {  	s5 =	simm.s32 @p1 $0x1;
	p0 =	seq.s32 s7, s2  }
0x1e: {  	s7 =	smul.u32 @!p0 $0xF7A, s2;
	p2 =	seq.s32 @!p0 s5, $0x0  }
0x1f: {  	s9 =	smul.u32 $0xF7A, s1;
	s8 =	simm.s32 @!p0 $0x1BF5;
	p2 =	por !p2, p0  }
0x20: {  	[sflag:s8] =	ssyncset.s32 @!p0 $0xFFFFF086;
	s6 =	sadd.s32 @!p0 s3, s7;
	s7 =	simm.s32 @!p0 $0x108  }
0x21: {  	s3 =	sadd.s32 s3, s9;
	s6 =	sadd.s32 @!p0 $0x88, s6;
	s7 =	simm.s32 @p2 $0x1082  }
0x22: {  	[simem:s7], [sflag:s8] =	dma.local @!p0 [hbm:s6], $0xF7A  }
0x23: {  	s9 =	sor.u32 $0xD0000000, s2;
	s6 =	simm.s32 $0x108;
	_ =	swait.ge @!p0 [sflag:s8], $0x0  }
0x24: {  	s3 =	sadd.s32 $0x88, s3;
	s6 =	simm.s32 @!p1 $0x1082;
	[sflag:s4] =	ssyncset.s32 $0xFFFFF086  }
0x25: {  	[simem:s6], [sflag:s4] =	dma.local [hbm:s3], $0xF7A  }
0x26: {  	[smem:$0x3F95] =	sst s1;
	(tag) =	ssettag s2;
	_ =	strace s9  }
0x27: {  	s1 =	sld [smem:$0x3FA5]  }
0x28: {  	s2 =	sld [smem:$0x3FA6]  }
0x29: {  	s4 =	sld [smem:$0x3FA8]  }
0x2a: {  	p0 =	seq.s32 s5, $0x0;
	s5 =	sld [smem:$0x3FA9]  }
0x2b: {  	s6 =	sld [smem:$0x3FAA]  }
0x2c: {  	s7 =	sld [smem:$0x3FAB]  }
0x2d: {  	s3 =	simm.s32 $0x108;
	s8 =	sld [smem:$0x3FAC]  }
0x2e: {  	s3 =	simm.s32 @!p0 $0x1082;
	s9 =	sld [smem:$0x3FAD]  }
0x2f: {  	lr =	sadd.s32 s0, s3;
	s0 =	sld [smem:$0x3FA4]  }
0x30: {  	s3 =	sld [smem:$0x3FA7]  }
0x31: {  	[smem:$0x3FB0] =	sst s10  }
0x32: {  	s10 =	sld [smem:$0x3FAE];
	_ =	sdelay $0x3  }
0x33: {  	p0 =	seq.s32 s10, $0x1;
	s10 =	sld [smem:$0x3FB0];
	_ =	sdelay $0x3  }
0x34: {  	[smem:$0x3FB0] =	sst s10  }
0x35: {  	s10 =	sld [smem:$0x3FAF];
	_ =	sdelay $0x3  }
0x36: {  	p1 =	seq.s32 s10, $0x1;
	s10 =	sld [smem:$0x3FB0];
	_ =	sdelay $0x3  }
0x37: {  	[smem:$0x3FB0] =	sst s10  }
0x38: {  	s10 =	sld [smem:$0x3FB1]  }
0x39: {  	_ = 	snop;
	(pc) =	sbr.ind lr, $3  }
0x3a: {  	_ = 	snop  }
0x3b: {  	_ = 	snop  }
0x3c: {  	p2 =	seq.s32 s10, $0x1;
	s10 =	sld [smem:$0x3FB0]  }
0x3d: {  	_ =	shalt  }
0x3e: {  	_ =	shalt  }
0x3f: {  	_ =	shalt  }
0x40: {  	_ =	shalt  }
0x41: {  	_ =	shalt  }
0x42: {  	_ =	shalt  }
0x43: {  	_ =	shalt  }
0x44: {  	_ =	shalt  }
0x45: {  	_ =	shalt  }
0x46: {  	_ =	shalt  }
0x47: {  	_ =	shalt  }
0x48: {  	_ =	shalt  }
0x49: {  	_ =	shalt  }
0x4a: {  	_ =	shalt  }
0x4b: {  	_ =	shalt  }
0x4c: {  	_ =	shalt  }
0x4d: {  	_ =	shalt  }
0x4e: {  	_ =	shalt  }
0x4f: {  	_ =	shalt  }
0x50: {  	_ =	shalt  }
0x51: {  	_ =	shalt  }
0x52: {  	_ =	shalt  }
0x53: {  	_ =	shalt  }
0x54: {  	_ =	shalt  }
0x55: {  	_ =	shalt  }
0x56: {  	_ =	shalt  }
0x57: {  	_ =	shalt  }
0x58: {  	_ =	shalt  }
0x59: {  	_ =	shalt  }
0x5a: {  	_ =	shalt  }
0x5b: {  	_ =	shalt  }
0x5c: {  	_ =	shalt  }
0x5d: {  	_ =	shalt  }
0x5e: {  	_ =	shalt  }
0x5f: {  	_ =	shalt  }
0x60: {  	_ =	shalt  }
0x61: {  	_ =	shalt  }
0x62: {  	_ =	shalt  }
0x63: {  	_ =	shalt  }
0x64: {  	_ =	shalt  }
0x65: {  	_ =	shalt  }
0x66: {  	_ =	shalt  }
0x67: {  	_ =	shalt  }
0x68: {  	_ =	shalt  }
0x69: {  	_ =	shalt  }
0x6a: {  	_ =	shalt  }
0x6b: {  	_ =	shalt  }
0x6c: {  	_ =	shalt  }
0x6d: {  	_ =	shalt  }
0x6e: {  	_ =	shalt  }
0x6f: {  	_ =	shalt  }
0x70: {  	_ =	shalt  }
0x71: {  	_ =	shalt  }
0x72: {  	_ =	shalt  }
0x73: {  	_ =	shalt  }
0x74: {  	_ =	shalt  }
0x75: {  	_ =	shalt  }
0x76: {  	_ =	shalt  }
0x77: {  	_ =	shalt  }
0x78: {  	_ =	shalt  }
0x79: {  	_ =	shalt  }
0x7a: {  	_ =	shalt  }
0x7b: {  	_ =	shalt  }
0x7c: {  	_ =	shalt  }
0x7d: {  	_ =	shalt  }
0x7e: {  	_ =	shalt  }
0x7f: {  	_ =	shalt  }
0x80: {  	_ =	shalt  }
0x81: {  	_ =	shalt  }
0x82: {  	_ =	shalt  }
0x83: {  	_ =	shalt  }
0x84: {  	_ =	shalt  }
0x85: {  	_ =	shalt  }
0x86: {  	_ =	shalt  }
0x87: {  	_ =	shalt  }
.Lfunc_end0:
.L_simem_size_0:
called_computation.1_lowered:
.L_overlay_start_0:
0x88: {  	s2 =	sld [smem:$0x3FD9]  }
0x89: {  	s3 =	sld [smem:$0x3FFE];
	_ =	sdelay $0x1  }
0x8a: {  	s1 =	srdreg.scid  }
0x8b: {  	s0 =	sand.u32 $0x1, s1  }
0x8c: {  	s14 =	sshll.u32 s0, $0xA;
	s2 =	sadd.s32 s3, s2  }
0x8d: {  	s2 =	sadd.s32 s2, s14  }
0x8e: {  	[smem:$0x3FBC] =	sst s2  }
0x8f: {  	_ = 	snop  }
0x90: {  	s2 =	sld [smem:$0x3FD0];
	_ =	sdelay $0x2  }
0x91: {  	s15 =	simm.s32 $0xA;
	s4 =	simm.s32 $0x10  }
0x92: {  	[smem:s4], [sflag:s15] =	dma.local [hbm:s2], $0x1  }
0x93: {  	_ =	swait.eq [sflag:s15], $0x1  }
0x94: {  	[sflag:s15] =	ssyncset.done $0x0  }
0x95: {  	s16 =	sld [smem:$0x10];
	[sflag:s15] =	ssyncadd.s32 $0xFFFFFFFF  }
0x96: {  	s17 =	sld [smem:$0x11];
	(tm) =	ssettm $0x1  }
0x97: {  	s18 =	sld [smem:$0x3FFB];
	_ =	sdelay $0x3  }
0x98: {  	_ =	strace s18  }
0x99: {  	s4 =	sld [smem:$0x3FFC];
	_ =	sdelay $0x3  }
0x9a: {  	_ =	strace s4  }
0x9b: {  	s4 =	sld [smem:$0x3FFD];
	_ =	sdelay $0x3  }
0x9c: {  	_ =	strace s4  }
0x9d: {  	_ =	strace $0x8FFFFFFF  }
0x9e: {  	s19 =	sld [smem:$0x3FDB];
	_ =	sdelay $0x1  }
0x9f: {  	s5 =	simm.s32 $_scs_section_size  }
0xa0: {  	s6 =	simm.s32 $_size__tile_overlayer_lowered;
	s7 =	simm.s32 $_tile_overlayer_lowered  }
0xa1: {  	s22 =	simm.s32 $0x1BFF;
	s21 =	sshll.u32 s7, $0x1;
	s4 =	sadd.s32 s5, s19  }
0xa2: {  	s8 =	simm.s32 $0x0;
	s20 =	sshll.u32 s6, $0x1;
	s6 =	sadd.s32 s21, s4  }
0xa3: {  	[timem:s8], [sflag:s22] =	dma.local [hbm:s6], s20  }
0xa4: {  	_ =	swait.ge [sflag:s22], s20  }
0xa5: {  	s5 =	ssub.s32 $0x0, s20;
	[sflag:s22] =	ssyncset.done $0x0  }
0xa6: {  	[sflag:s22] =	ssyncadd.s32 s5;
	_ =	sdelay $0x1  }
0xa7: {  	s23 =	simm.s32 $0x1B8B  }
0xa8: {  	_ =	swait.ge [sflag:s23], $0x1  }
0xa9: {  	[sflag:s23] =	ssyncset.done $0x0  }
0xaa: {  	s25 =	simm.s32 $0x1B8E;
	s24 =	sld [smem:$0x3FFE];
	[sflag:s23] =	ssyncadd.s32 $0xFFFFFFFF  }
0xab: {  	s26 =	simm.s32 $execute0_lowered;
	[smem:$0x3FD2] =	sst s25  }
0xac: {  	s6 =	sshll.u32 s26, $0x1;
	_ =	strace $0x80000049;
	[dreg:$0x1] =	wrdreg $0xFFFFFFFF  }
0xad: {  	s28 =	simm.s32 $_size_execute0_lowered;
	s4 =	sadd.s32 s4, s6;
	[dreg:$0x0] =	wrdreg $0x0  }
0xae: {  	s6 =	sshll.u32 s28, $0x1;
	[dreg:$0x2] =	wrdreg s4  }
0xaf: {  	[dreg:$0x3] =	wrdreg s6  }
0xb0: {  	[dreg:$0x4] =	wrdreg $0xC0  }
0xb1: {  	_ =	task [dreg:s8], $0x5FFFF  }
0xb2: {  	[dreg:$0x1] =	wrdreg $0xFFFFFFFF  }
0xb3: {  	[dreg:$0x0] =	wrdreg $0x60  }
0xb4: {  	[dreg:$0x2] =	wrdreg s24  }
0xb5: {  	[dreg:$0x3] =	wrdreg s17  }
0xb6: {  	[dreg:$0x4] =	wrdreg s16  }
0xb7: {  	[dreg:$0x5] =	wrdreg $0x9  }
0xb8: {  	_ =	task.clear_ibuf [dreg:s8], $0x6FFFF;
	_ =	strace $0x90000049  }
0xb9: {  	s29 =	simm.s32 $0x9;
	_ =	strace $0x8000004B  }
0xba: {  	_ =	swait.ge [sflag:s29], $0x1  }
0xbb: {  	[sflag:s29] =	ssyncadd.s32 $0xFFFFFFFF  }
0xbc: {  	_ =	strace $0x9000004B  }
0xbd: {  	_ =	sfence  }
0xbe: {  	s30 =	sld [smem:$0x0];
	_ =	sdelay $0x2  }
0xbf: {  	s31 =	sshll.u32 s1, $0xD;
	s1 =	sshrl.u32 s1, $0x2  }
0xc0: {  	s3 =	sand.u32 $0x4000, s31;
	s1 =	sadd.s32 s1, s30  }
0xc1: {  	s0 =	sor.u32 s3, s0;
	s1 =	sshll.u32 s1, $0x11  }
0xc2: {  	s0 =	sor.u32 s1, s0  }
0xc3: {  	s0 =	sadd.s32 $0x8F2B, s0  }
0xc4: {  	[sflag:s0] =	ssyncadd.remote.s32 $0x1  }
0xc5: {  	_ =	sfence.sel $0xFFFF  }
0xc6: {  	[dreg:$0x0] =	wrdreg $0xFFFFFFFF;
	(pc) =	sbr.abs _section_cstart, $3  }
0xc7: {  	[dreg:$0x1] =	wrdreg $0xFFFFFFFF  }
0xc8: {  	_ =	task.clear_ibuf [dreg:s8], $0x2FFFF;
	_ =	strace $0x9FFFFFFF  }
0xc9: {  	(tm) =	ssettm $0x7FFFFFFF  }
tec
execute0_lowered:
.L_overlay_start_1:
0x0: {  	(tag) =	ssettag $0x1  }
0x1: {  	s0 =	rddreg [dreg:$0x0]  }
0x2: {  	s2 =	rddreg [dreg:$0x1]  }
0x3: {  	s4 =	rddreg [dreg:$0x2]  }
0x4: {  	s3 =	srdreg.scid;
	s1 =	stileid.u32;
	s15 =	simm.s32 $0x900  }
0x5: {  	s16 =	simm.s32 $0x1100;
	s5 =	sand.u32 $0x1, s3;
	s3 =	simm.s32 $0x0  }
0x6: {  	s17 =	simm.s32 $0x1900;
	s18 =	simm.s32 $0x2100;
	[smem:$0x7FF] =	sst s3  }
0x7: {  	s19 =	simm.s32 $0x2900;
	_ =	strace $0x8000004A;
	[dreg:$0x7] =	wrdreg s15  }
0x8: {  	s20 =	simm.s32 $0x3100;
	s21 =	simm.s32 $0x3900;
	[dreg:$0x8] =	wrdreg s16  }
0x9: {  	s22 =	simm.s32 $0x4100;
	s24 =	simm.s32 $0x4900;
	[dreg:$0x9] =	wrdreg s17  }
0xa: {  	s25 =	simm.s32 $0x5100;
	s26 =	simm.s32 $0x5900;
	[dreg:$0xa] =	wrdreg s18  }
0xb: {  	s9 =	simm.s32 $0x6900;
	s10 =	simm.s32 $0x7100;
	[dreg:$0xb] =	wrdreg s19  }
0xc: {  	s11 =	simm.s32 $0x7900;
	s12 =	simm.s32 $0x80;
	[dreg:$0xc] =	wrdreg s20  }
0xd: {  	s28 =	simm.s32 $0xE900;
	s29 =	simm.s32 $0xF100;
	[dreg:$0xd] =	wrdreg s21  }
0xe: {  	s30 =	simm.s32 $0xF900;
	s31 =	simm.s32 $0x14100;
	[dreg:$0xe] =	wrdreg s22  }
0xf: {  	s6 =	sshll.u32 s1, $0x9;
	s7 =	sshll.u32 s5, $0x8;
	[dreg:$0xf] =	wrdreg s24  }
0x10: {  	s5 =	ssub.s32 $0x2, s5;
	s6 =	sor.u32 s7, s6;
	[dreg:$0x10] =	wrdreg s25  }
0x11: {  	s23 =	sshrl.u32 s5, $0x1;
	[dreg:$0x11] =	wrdreg s26;
	s15 =	simm.s32 $0x8900  }
0x12: {  	s16 =	simm.s32 $0x9100;
	s17 =	simm.s32 $0x9900;
	s18 =	simm.s32 $0xA100  }
0x13: {  	s19 =	simm.s32 $0xA900;
	s20 =	simm.s32 $0xB100;
	s21 =	simm.s32 $0xB900  }
0x14: {  	s22 =	simm.s32 $0xC100;
	s24 =	simm.s32 $0xD100;
	s25 =	simm.s32 $0xD900  }
0x15: {  	s26 =	simm.s32 $0xE100;
	s7 =	sshll.u32 s6, $0x5;
	s8 =	sshrl.u32 s6, $0x3  }
0x16: {  	s6 =	sshll.u32 s6, $0x4;
	s5 =	ssub.s32 s5, s23;
	s23 =	simm.s32 $0xC900  }
0x17: {  	s7 =	sadd.s32 s7, s0;
	s4 =	sadd.s32 s4, s8;
	s6 =	sadd.s32 s6, s0  }
0x18: {  	s5 =	smax.u32 s5, $0x1;
	[dreg:$0x4] =	wrdreg s4;
	s13 =	sadd.s32 $0xA1000, s7  }
0x19: {  	v2 =	vlaneseq.u32;
	s14 =	sadd.s32 $0x81000, s6;
	s4 =	sadd.s32 $0x1000, s0;
	s6 =	simm.s32 $0x2  }
0x1a: {  	vm0 =	vmmov $0xffff;
	v1 =	vshrl.u32 v2, $0x3;
	s7 =	simm.s32 $0x100;
	s0 =	simm.s32 $0x1;
	[dreg:$0x5] =	wrdreg s13  }
0x1b: {  	v0 =	vand.u32 $0x7, v2;
	v2 =	vor.u32 $0x8, v2;
	v1 =	vmul.u32 $0x8, v1;
	[dreg:$0x6] =	wrdreg s14;
	s13 =	simm.s32 $0x10100;
	s14 =	simm.s32 $0x8100  }
.LBB2_1:
0x1c: {  	s1 =	rddreg [dreg:$0x4]  }
0x1d: {  	[tilespmem:s3], [sflag:$0x2] =	stream.linear.gather [hbm4b:s1+s3], $0x100, $0x38;
	[tilespmem:$0x18100] =	vst v63  }
0x1e: {  	_ =	swait.ge [sflag:s6], $0x100  }
0x1f: {  	[sflag:s6] =	ssyncset.done $0x0  }
0x20: {  	[sflag:s6] =	ssyncadd.s32 $0xFFFFFF00  }
0x21: {  	v3 =	vld [tilespmem:$0x0];
	_ =	sdelay $0x4  }
0x22: {  	v4 =	vshll.u32 v3, $0x1  }
0x23: {  	v3 =	vand.u32 $0x7, v3;
	v4 =	vand.u32 $0xFFFFFFF0, v4  }
0x24: {  	v3 =	vor.u32 v3, v4  }
0x25: {  	v4 =	vperm.xlane v3, v0;
	_ =	sdelay $0x1  }
0x26: {  	v3 =	vperm.xlane v3, v2;
	v4 =	vadd.s32 v1, v4;
	_ =	sdelay $0x1  }
0x27: {  	v3 =	vadd.s32 v1, v3;
	_ =	sdelay $0x2  }
0x28: {  	[tilespmem:s7], [sflag:$0x1] =	stream.indirect_vreg.gather [hbm4b:s4+s3], $0x80, v4, vm0, $0xb8;
	[tilespmem:$0x18100] =	vst v63  }
0x29: {  	s8 =	rddreg [dreg:$0x7]  }
0x2a: {  	[tilespmem:s8], [sflag:$0x1] =	stream.indirect_vreg.gather [hbm4b:s4+s3], $0x80, v3, vm0, $0xb8;
	[tilespmem:$0x18100] =	vst v63  }
0x2b: {  	v3 =	vld [tilespmem:$0x10];
	_ =	sdelay $0x4  }
0x2c: {  	v49 =	vshll.u32 v3, $0x1  }
0x2d: {  	v3 =	vand.u32 $0x7, v3;
	v4 =	vand.u32 $0xFFFFFFF0, v49  }
0x2e: {  	v3 =	vor.u32 v3, v4  }
0x2f: {  	v4 =	vperm.xlane v3, v0;
	_ =	sdelay $0x1  }
0x30: {  	v3 =	vperm.xlane v3, v2;
	v4 =	vadd.s32 v1, v4;
	_ =	sdelay $0x1  }
0x31: {  	v3 =	vadd.s32 v1, v3;
	_ =	sdelay $0x1  }
0x32: {  	s1 =	rddreg [dreg:$0x8]  }
0x33: {  	[tilespmem:s1], [sflag:$0x1] =	stream.indirect_vreg.gather [hbm4b:s4+s3], $0x80, v4, vm0, $0xb8;
	[tilespmem:$0x18100] =	vst v63  }
0x34: {  	s8 =	rddreg [dreg:$0x9]  }
0x35: {  	[tilespmem:s8], [sflag:$0x1] =	stream.indirect_vreg.gather [hbm4b:s4+s3], $0x80, v3, vm0, $0xb8;
	[tilespmem:$0x18100] =	vst v63  }
0x36: {  	v3 =	vld [tilespmem:$0x20];
	_ =	sdelay $0x4  }
0x37: {  	v50 =	vshll.u32 v3, $0x1  }
0x38: {  	v3 =	vand.u32 $0x7, v3;
	v4 =	vand.u32 $0xFFFFFFF0, v50  }
0x39: {  	v3 =	vor.u32 v3, v4  }
0x3a: {  	v4 =	vperm.xlane v3, v0;
	_ =	sdelay $0x1  }
0x3b: {  	v3 =	vperm.xlane v3, v2;
	v4 =	vadd.s32 v1, v4;
	_ =	sdelay $0x1  }
0x3c: {  	v3 =	vadd.s32 v1, v3;
	_ =	sdelay $0x1  }
0x3d: {  	s1 =	rddreg [dreg:$0xa]  }
0x3e: {  	[tilespmem:s1], [sflag:$0x1] =	stream.indirect_vreg.gather [hbm4b:s4+s3], $0x80, v4, vm0, $0xb8;
	[tilespmem:$0x18100] =	vst v63  }
0x3f: {  	s8 =	rddreg [dreg:$0xb]  }
0x40: {  	[tilespmem:s8], [sflag:$0x1] =	stream.indirect_vreg.gather [hbm4b:s4+s3], $0x80, v3, vm0, $0xb8;
	[tilespmem:$0x18100] =	vst v63  }
0x41: {  	v3 =	vld [tilespmem:$0x30];
	_ =	sdelay $0x4  }
0x42: {  	v51 =	vshll.u32 v3, $0x1  }
0x43: {  	v3 =	vand.u32 $0x7, v3;
	v4 =	vand.u32 $0xFFFFFFF0, v51  }
0x44: {  	v3 =	vor.u32 v3, v4  }
0x45: {  	v4 =	vperm.xlane v3, v0;
	_ =	sdelay $0x1  }
0x46: {  	v3 =	vperm.xlane v3, v2;
	v4 =	vadd.s32 v1, v4;
	_ =	sdelay $0x1  }
0x47: {  	v3 =	vadd.s32 v1, v3;
	_ =	sdelay $0x1  }
0x48: {  	s1 =	rddreg [dreg:$0xc]  }
0x49: {  	[tilespmem:s1], [sflag:$0x1] =	stream.indirect_vreg.gather [hbm4b:s4+s3], $0x80, v4, vm0, $0xb8;
	[tilespmem:$0x18100] =	vst v63  }
0x4a: {  	s8 =	rddreg [dreg:$0xd]  }
0x4b: {  	[tilespmem:s8], [sflag:$0x1] =	stream.indirect_vreg.gather [hbm4b:s4+s3], $0x80, v3, vm0, $0xb8;
	[tilespmem:$0x18100] =	vst v63  }
0x4c: {  	v3 =	vld [tilespmem:$0x40];
	_ =	sdelay $0x4  }
0x4d: {  	v52 =	vshll.u32 v3, $0x1  }
0x4e: {  	v3 =	vand.u32 $0x7, v3;
	v4 =	vand.u32 $0xFFFFFFF0, v52  }
0x4f: {  	v3 =	vor.u32 v3, v4  }
0x50: {  	v4 =	vperm.xlane v3, v0;
	_ =	sdelay $0x1  }
0x51: {  	v3 =	vperm.xlane v3, v2;
	v4 =	vadd.s32 v1, v4;
	_ =	sdelay $0x1  }
0x52: {  	v3 =	vadd.s32 v1, v3;
	_ =	sdelay $0x1  }
0x53: {  	s1 =	rddreg [dreg:$0xe]  }
0x54: {  	[tilespmem:s1], [sflag:$0x1] =	stream.indirect_vreg.gather [hbm4b:s4+s3], $0x80, v4, vm0, $0xb8;
	[tilespmem:$0x18100] =	vst v63  }
0x55: {  	s8 =	rddreg [dreg:$0xf]  }
0x56: {  	[tilespmem:s8], [sflag:$0x1] =	stream.indirect_vreg.gather [hbm4b:s4+s3], $0x80, v3, vm0, $0xb8;
	[tilespmem:$0x18100] =	vst v63  }
0x57: {  	v3 =	vld [tilespmem:$0x50];
	_ =	sdelay $0x4  }
0x58: {  	v53 =	vshll.u32 v3, $0x1  }
0x59: {  	v3 =	vand.u32 $0x7, v3;
	v4 =	vand.u32 $0xFFFFFFF0, v53  }
0x5a: {  	v3 =	vor.u32 v3, v4  }
0x5b: {  	v4 =	vperm.xlane v3, v0;
	_ =	sdelay $0x1  }
0x5c: {  	v3 =	vperm.xlane v3, v2;
	v4 =	vadd.s32 v1, v4;
	_ =	sdelay $0x1  }
0x5d: {  	v3 =	vadd.s32 v1, v3;
	_ =	sdelay $0x1  }
0x5e: {  	s1 =	rddreg [dreg:$0x10]  }
0x5f: {  	[tilespmem:s1], [sflag:$0x1] =	stream.indirect_vreg.gather [hbm4b:s4+s3], $0x80, v4, vm0, $0xb8;
	[tilespmem:$0x18100] =	vst v63  }
0x60: {  	s8 =	rddreg [dreg:$0x11]  }
0x61: {  	[tilespmem:s8], [sflag:$0x1] =	stream.indirect_vreg.gather [hbm4b:s4+s3], $0x80, v3, vm0, $0xb8;
	[tilespmem:$0x18100] =	vst v63  }
0x62: {  	v3 =	vld [tilespmem:$0x60];
	_ =	sdelay $0x4  }
0x63: {  	v54 =	vshll.u32 v3, $0x1  }
0x64: {  	v3 =	vand.u32 $0x7, v3;
	v4 =	vand.u32 $0xFFFFFFF0, v54  }
0x65: {  	v3 =	vor.u32 v3, v4  }
0x66: {  	v4 =	vperm.xlane v3, v0;
	_ =	sdelay $0x1  }
0x67: {  	v3 =	vperm.xlane v3, v2;
	v4 =	vadd.s32 v1, v4;
	_ =	sdelay $0x1  }
0x68: {  	v3 =	vadd.s32 v1, v3;
	_ =	sdelay $0x1  }
0x69: {  	s8 =	simm.s32 $0x6100  }
0x6a: {  	[tilespmem:s8], [sflag:$0x1] =	stream.indirect_vreg.gather [hbm4b:s4+s3], $0x80, v4, vm0, $0xb8;
	[tilespmem:$0x18100] =	vst v63  }
0x6b: {  	_ = 	snop  }
0x6c: {  	[tilespmem:s9], [sflag:$0x1] =	stream.indirect_vreg.gather [hbm4b:s4+s3], $0x80, v3, vm0, $0xb8;
	[tilespmem:$0x18100] =	vst v63  }
0x6d: {  	v3 =	vld [tilespmem:$0x70];
	_ =	sdelay $0x4  }
0x6e: {  	v55 =	vshll.u32 v3, $0x1  }
0x6f: {  	v3 =	vand.u32 $0x7, v3;
	v4 =	vand.u32 $0xFFFFFFF0, v55  }
0x70: {  	v3 =	vor.u32 v3, v4  }
0x71: {  	v4 =	vperm.xlane v3, v0;
	_ =	sdelay $0x1  }
0x72: {  	v3 =	vperm.xlane v3, v2;
	v4 =	vadd.s32 v1, v4;
	_ =	sdelay $0x1  }
0x73: {  	v3 =	vadd.s32 v1, v3;
	_ =	sdelay $0x2  }
0x74: {  	[tilespmem:s10], [sflag:$0x1] =	stream.indirect_vreg.gather [hbm4b:s4+s3], $0x80, v4, vm0, $0xb8;
	[tilespmem:$0x18100] =	vst v63  }
0x75: {  	_ = 	snop  }
0x76: {  	[tilespmem:s11], [sflag:$0x1] =	stream.indirect_vreg.gather [hbm4b:s4+s3], $0x80, v3, vm0, $0xb8;
	[tilespmem:$0x18100] =	vst v63  }
0x77: {  	_ = 	snop  }
0x78: {  	[tilespmem:s13], [sflag:$0x1] =	stream.indirect.gather [hbm4b:s2+s12], $0x80, s3, s12, $0xb8;
	[tilespmem:$0x18100] =	vst v63  }
0x79: {  	v3 =	vld [tilespmem:$0x80];
	_ =	sdelay $0x4  }
0x7a: {  	v56 =	vshll.u32 v3, $0x1  }
0x7b: {  	v3 =	vand.u32 $0x7, v3;
	v4 =	vand.u32 $0xFFFFFFF0, v56  }
0x7c: {  	v3 =	vor.u32 v3, v4  }
0x7d: {  	v4 =	vperm.xlane v3, v0;
	_ =	sdelay $0x1  }
0x7e: {  	v3 =	vperm.xlane v3, v2;
	v4 =	vadd.s32 v1, v4;
	_ =	sdelay $0x1  }
0x7f: {  	v3 =	vadd.s32 v1, v3;
	_ =	sdelay $0x2  }
0x80: {  	[tilespmem:s14], [sflag:$0x1] =	stream.indirect_vreg.gather [hbm4b:s4+s3], $0x80, v4, vm0, $0xb8;
	[tilespmem:$0x18100] =	vst v63  }
0x81: {  	_ = 	snop  }
0x82: {  	[tilespmem:s15], [sflag:$0x1] =	stream.indirect_vreg.gather [hbm4b:s4+s3], $0x80, v3, vm0, $0xb8;
	[tilespmem:$0x18100] =	vst v63  }
0x83: {  	v3 =	vld [tilespmem:$0x90];
	_ =	sdelay $0x4  }
0x84: {  	v57 =	vshll.u32 v3, $0x1  }
0x85: {  	v3 =	vand.u32 $0x7, v3;
	v4 =	vand.u32 $0xFFFFFFF0, v57  }
0x86: {  	v3 =	vor.u32 v3, v4  }
0x87: {  	v4 =	vperm.xlane v3, v0;
	_ =	sdelay $0x1  }
0x88: {  	v3 =	vperm.xlane v3, v2;
	v4 =	vadd.s32 v1, v4;
	_ =	sdelay $0x1  }
0x89: {  	v3 =	vadd.s32 v1, v3;
	_ =	sdelay $0x2  }
0x8a: {  	[tilespmem:s16], [sflag:$0x1] =	stream.indirect_vreg.gather [hbm4b:s4+s3], $0x80, v4, vm0, $0xb8;
	[tilespmem:$0x18100] =	vst v63  }
0x8b: {  	_ = 	snop  }
0x8c: {  	[tilespmem:s17], [sflag:$0x1] =	stream.indirect_vreg.gather [hbm4b:s4+s3], $0x80, v3, vm0, $0xb8;
	[tilespmem:$0x18100] =	vst v63  }
0x8d: {  	v3 =	vld [tilespmem:$0xA0];
	_ =	sdelay $0x4  }
0x8e: {  	v58 =	vshll.u32 v3, $0x1  }
0x8f: {  	v3 =	vand.u32 $0x7, v3;
	v4 =	vand.u32 $0xFFFFFFF0, v58  }
0x90: {  	v3 =	vor.u32 v3, v4  }
0x91: {  	v4 =	vperm.xlane v3, v0;
	_ =	sdelay $0x1  }
0x92: {  	v3 =	vperm.xlane v3, v2;
	v4 =	vadd.s32 v1, v4;
	_ =	sdelay $0x1  }
0x93: {  	v3 =	vadd.s32 v1, v3;
	_ =	sdelay $0x2  }
0x94: {  	[tilespmem:s18], [sflag:$0x1] =	stream.indirect_vreg.gather [hbm4b:s4+s3], $0x80, v4, vm0, $0xb8;
	[tilespmem:$0x18100] =	vst v63  }
0x95: {  	_ = 	snop  }
0x96: {  	[tilespmem:s19], [sflag:$0x1] =	stream.indirect_vreg.gather [hbm4b:s4+s3], $0x80, v3, vm0, $0xb8;
	[tilespmem:$0x18100] =	vst v63  }
0x97: {  	v3 =	vld [tilespmem:$0xB0];
	_ =	sdelay $0x4  }
0x98: {  	v59 =	vshll.u32 v3, $0x1  }
0x99: {  	v3 =	vand.u32 $0x7, v3;
	v4 =	vand.u32 $0xFFFFFFF0, v59  }
0x9a: {  	v3 =	vor.u32 v3, v4  }
0x9b: {  	v4 =	vperm.xlane v3, v0;
	_ =	sdelay $0x1  }
0x9c: {  	v3 =	vperm.xlane v3, v2;
	v4 =	vadd.s32 v1, v4;
	_ =	sdelay $0x1  }
0x9d: {  	v3 =	vadd.s32 v1, v3;
	_ =	sdelay $0x2  }
0x9e: {  	[tilespmem:s20], [sflag:$0x1] =	stream.indirect_vreg.gather [hbm4b:s4+s3], $0x80, v4, vm0, $0xb8;
	[tilespmem:$0x18100] =	vst v63  }
0x9f: {  	_ = 	snop  }
0xa0: {  	[tilespmem:s21], [sflag:$0x1] =	stream.indirect_vreg.gather [hbm4b:s4+s3], $0x80, v3, vm0, $0xb8;
	[tilespmem:$0x18100] =	vst v63  }
0xa1: {  	v3 =	vld [tilespmem:$0xC0];
	_ =	sdelay $0x4  }
0xa2: {  	v60 =	vshll.u32 v3, $0x1  }
0xa3: {  	v3 =	vand.u32 $0x7, v3;
	v4 =	vand.u32 $0xFFFFFFF0, v60  }
0xa4: {  	v3 =	vor.u32 v3, v4  }
0xa5: {  	v4 =	vperm.xlane v3, v0;
	_ =	sdelay $0x1  }
0xa6: {  	v3 =	vperm.xlane v3, v2;
	v4 =	vadd.s32 v1, v4;
	_ =	sdelay $0x1  }
0xa7: {  	v3 =	vadd.s32 v1, v3;
	_ =	sdelay $0x2  }
0xa8: {  	[tilespmem:s22], [sflag:$0x1] =	stream.indirect_vreg.gather [hbm4b:s4+s3], $0x80, v4, vm0, $0xb8;
	[tilespmem:$0x18100] =	vst v63  }
0xa9: {  	_ = 	snop  }
0xaa: {  	[tilespmem:s23], [sflag:$0x1] =	stream.indirect_vreg.gather [hbm4b:s4+s3], $0x80, v3, vm0, $0xb8;
	[tilespmem:$0x18100] =	vst v63  }
0xab: {  	v3 =	vld [tilespmem:$0xD0];
	_ =	sdelay $0x4  }
0xac: {  	v61 =	vshll.u32 v3, $0x1  }
0xad: {  	v3 =	vand.u32 $0x7, v3;
	v4 =	vand.u32 $0xFFFFFFF0, v61  }
0xae: {  	v3 =	vor.u32 v3, v4  }
0xaf: {  	v4 =	vperm.xlane v3, v0;
	_ =	sdelay $0x1  }
0xb0: {  	v3 =	vperm.xlane v3, v2;
	v4 =	vadd.s32 v1, v4;
	_ =	sdelay $0x1  }
0xb1: {  	v3 =	vadd.s32 v1, v3;
	_ =	sdelay $0x2  }
0xb2: {  	[tilespmem:s24], [sflag:$0x1] =	stream.indirect_vreg.gather [hbm4b:s4+s3], $0x80, v4, vm0, $0xb8;
	[tilespmem:$0x18100] =	vst v63  }
0xb3: {  	_ = 	snop  }
0xb4: {  	[tilespmem:s25], [sflag:$0x1] =	stream.indirect_vreg.gather [hbm4b:s4+s3], $0x80, v3, vm0, $0xb8;
	[tilespmem:$0x18100] =	vst v63  }
0xb5: {  	v3 =	vld [tilespmem:$0xE0];
	_ =	sdelay $0x4  }
0xb6: {  	v62 =	vshll.u32 v3, $0x1  }
0xb7: {  	v3 =	vand.u32 $0x7, v3;
	v4 =	vand.u32 $0xFFFFFFF0, v62  }
0xb8: {  	v3 =	vor.u32 v3, v4  }
0xb9: {  	v4 =	vperm.xlane v3, v0;
	_ =	sdelay $0x1  }
0xba: {  	v3 =	vperm.xlane v3, v2;
	v4 =	vadd.s32 v1, v4;
	_ =	sdelay $0x1  }
0xbb: {  	v3 =	vadd.s32 v1, v3;
	_ =	sdelay $0x2  }
0xbc: {  	[tilespmem:s26], [sflag:$0x1] =	stream.indirect_vreg.gather [hbm4b:s4+s3], $0x80, v4, vm0, $0xb8;
	[tilespmem:$0x18100] =	vst v63  }
0xbd: {  	_ = 	snop  }
0xbe: {  	[tilespmem:s28], [sflag:$0x1] =	stream.indirect_vreg.gather [hbm4b:s4+s3], $0x80, v3, vm0, $0xb8;
	[tilespmem:$0x18100] =	vst v63  }
0xbf: {  	v3 =	vld [tilespmem:$0xF0];
	_ =	sdelay $0x4  }
0xc0: {  	v63 =	vshll.u32 v3, $0x1  }
0xc1: {  	v3 =	vand.u32 $0x7, v3;
	v4 =	vand.u32 $0xFFFFFFF0, v63  }
0xc2: {  	v3 =	vor.u32 v3, v4  }
0xc3: {  	v4 =	vperm.xlane v3, v0;
	_ =	sdelay $0x1  }
0xc4: {  	v3 =	vperm.xlane v3, v2;
	v4 =	vadd.s32 v1, v4;
	_ =	sdelay $0x1  }
0xc5: {  	v3 =	vadd.s32 v1, v3;
	_ =	sdelay $0x2  }
0xc6: {  	[tilespmem:s29], [sflag:$0x1] =	stream.indirect_vreg.gather [hbm4b:s4+s3], $0x80, v4, vm0, $0xb8;
	[tilespmem:$0x18100] =	vst v63  }
0xc7: {  	_ = 	snop  }
0xc8: {  	[tilespmem:s30], [sflag:$0x1] =	stream.indirect_vreg.gather [hbm4b:s4+s3], $0x80, v3, vm0, $0xb8;
	[tilespmem:$0x18100] =	vst v63  }
0xc9: {  	_ = 	snop  }
0xca: {  	[tilespmem:s31], [sflag:$0x1] =	stream.indirect.gather [hbm4b:s2+s12], $0x80, s12, s12, $0xb8;
	[tilespmem:$0x18100] =	vst v63  }
0xcb: {  	_ =	swait.ge [sflag:s0], $0x8000  }
0xcc: {  	[sflag:s0] =	ssyncset.done $0x0  }
0xcd: {  	[sflag:s0] =	ssyncadd.s32 $0xFFFF8000  }
0xce: {  	_ =	swait.ge [sflag:s0], $0x4000  }
0xcf: {  	[sflag:s0] =	ssyncset.done $0x0  }
0xd0: {  	[sflag:s0] =	ssyncadd.s32 $0xFFFFC000  }
0xd1: {  	_ =	swait.ge [sflag:s0], $0x8000  }
0xd2: {  	[sflag:s0] =	ssyncset.done $0x0  }
0xd3: {  	[sflag:s0] =	ssyncadd.s32 $0xFFFF8000  }
0xd4: {  	_ =	swait.ge [sflag:s0], $0x4000  }
0xd5: {  	[sflag:s0] =	ssyncset.done $0x0  }
0xd6: {  	s8 =	rddreg [dreg:$0x5];
	[sflag:s0] =	ssyncadd.s32 $0xFFFFC000  }
0xd7: {  	[hbm4b:s8+s3] =	stream.linear.scatter [tilespmem:s7], [sflag:$0x2], $0x10000, $0x38;
	[tilespmem:$0x18100] =	vst v63  }
0xd8: {  	_ =	swait.ge [sflag:s6], $0x10000  }
0xd9: {  	p0 =	sne.s32 s5, $0x1;
	[sflag:s6] =	ssyncset.done $0x0  }
.Ltmp0:
0xda: {  	s8 =	rddreg [dreg:$0x6];
	[sflag:s6] =	ssyncadd.s32 $0xFFFF0000;
	(pc) =	sbr.rel @p0 .LBB2_1-.Ltmp0, $4  }
0xdb: {  	[hbm4b:s8+s3] =	stream.linear.scatter [tilespmem:s13], [sflag:$0x2], $0x8000, $0x38;
	[tilespmem:$0x18100] =	vst v63  }
0xdc: {  	_ =	swait.ge [sflag:s6], $0x8000  }
0xdd: {  	[sflag:s6] =	ssyncset.done $0x0  }
0xde: {  	s5 =	sadd.s32 $0xFFFFFFFF, s5;
	[sflag:s6] =	ssyncadd.s32 $0xFFFF8000  }
0xdf: {  	_ =	sfence.sel $0x180000  }
0xe0: {  	[bflag:$0x0] =	sbarrier.arrive $0xFFFF  }
0xe1: {  	_ =	strace $0x9000004A  }
0xe2: {  	s0 =	stileid.u32;
	[bflag:$0x2] =	sbarrier.arrive $0xFFFF  }
0xe3: {  	p0 =	sne.s32 s0, $0x0;
	s0 =	rddreg [dreg:$0x3]  }
0xe4: {  	s0 =	sadd.s32 @!p0 $0x100000, s0  }
0xe5: {  	[sflag:s0] =	ssyncadd.tile.s32 @!p0 $0x1;
	_ =	shalt  }
.Lfunc_end2:
_tile_overlayer_lowered:
.L_overlay_start_2:
0xe6: {  	(tag) =	ssettag $0x2  }
0xe7: {  	s0 =	rddreg [dreg:$0x0];
	s2 =	stileid.u32  }
0xe8: {  	s1 =	rddreg [dreg:$0x1];
	p0 =	sne.s32 s2, $0x0  }
0xe9: {  	s3 =	rddreg [dreg:$0x2];
	[bflag:$0x3] =	sbarrier.arrive $0xFFFF;
	s2 =	simm.s32 @!p0 $0x1C02  }
0xea: {  	[timem:s3], [sflag:s2] =	dma.local @!p0 [hbm:s0], s1  }
0xeb: {  	s0 =	simm.s32 @!p0 $0x2  }
0xec: {  	_ =	swait.ge @!p0 [sflag:s0], s1  }
0xed: {  	s1 =	ssub.s32 @!p0 $0x0, s1;
	[sflag:s0] =	ssyncset.done @!p0 $0x0  }
0xee: {  	[sflag:s0] =	ssyncadd.s32 @!p0 s1  }
0xef: {  	[bflag:$0x3] =	sbarrier.arrive $0xFFFF  }
0xf0: {  	_ =	shalt  }

</sc_bundles>
